<compile_context>
chip_gen: v7x
topology: tpu7x:2x2x1
jax: 0.10.2.dev20260603
libtpu: 0.0.44.dev20260713+nightly
codegen_flags: <defaults>
</compile_context>

<pallas_src>
import functools

import jax
import jax.numpy as jnp
from jax import lax
from jax.experimental import pallas as pl
from jax.experimental.pallas import tpu as pltpu
from jax.experimental.pallas import tpu_sc as plsc

N_NODES = 10000
N_EDGES = 320000
D = 128
H = 64

_NODE_BLK = 1000


def _k1_body(z_ref, w1_ref, zv_ref, b1_ref, t_ref):
    z = z_ref[...]
    c = jnp.dot(zv_ref[...], w1_ref[2 * D:3 * D, :],
                preferred_element_type=jnp.float32) + b1_ref[...]
    a = jnp.dot(z, w1_ref[0:D, :], preferred_element_type=jnp.float32) + c
    b = jnp.dot(z, w1_ref[D:2 * D, :], preferred_element_type=jnp.float32)
    t_ref[...] = jnp.concatenate([a, b], axis=1)


def _build_table(Z, W1, zv, b1):
    n_blocks = N_NODES // _NODE_BLK
    return pl.pallas_call(
        _k1_body,
        grid=(n_blocks,),
        in_specs=[
            pl.BlockSpec((_NODE_BLK, D), lambda i: (i, 0)),
            pl.BlockSpec((3 * D, H), lambda i: (0, 0)),
            pl.BlockSpec((1, D), lambda i: (0, 0)),
            pl.BlockSpec((1, H), lambda i: (0, 0)),
        ],
        out_specs=pl.BlockSpec((_NODE_BLK, 2 * H), lambda i: (i, 0)),
        out_shape=jax.ShapeDtypeStruct((N_NODES, 2 * H), jnp.float32),
    )(Z, W1, zv, b1)


_NW = 32
_NSEG = 2
_ESEG = N_EDGES // _NSEG
_EPW = _ESEG // _NW
_CHUNK = 40
_NCHF = _EPW // _CHUNK
_TAIL = _EPW - _NCHF * _CHUNK


def _fuse_relu(ra_v, rb_v, ho_v, n):
    def fuse(e, c2):
        for j in range(H // 16):
            ho_v[e, pl.ds(j * 16, 16)] = jnp.maximum(
                ra_v[e, pl.ds(j * 16, 16)]
                + rb_v[e, pl.ds(H + j * 16, 16)], 0.0)
        return c2

    lax.fori_loop(0, n, fuse, 0, unroll=4)


def _make_k2_body(seg):
    def _k2_body(t_hbm, ei_hbm, out_hbm,
                 ia_v, ib_v, ra0_v, rb0_v, ra1_v, rb1_v, ra2_v, rb2_v,
                 ho0_v, ho1_v, ho2_v, sg0, sg1, sg2, so0, so1, so2):
        wid = lax.axis_index("s") * 2 + lax.axis_index("c")
        ebase = seg * _ESEG + wid * _EPW
        obase = wid * _EPW
        ra = [ra0_v, ra1_v, ra2_v]
        rb = [rb0_v, rb1_v, rb2_v]
        ho = [ho0_v, ho1_v, ho2_v]
        sg = [sg0, sg1, sg2]
        so = [so0, so1, so2]

        pltpu.sync_copy(ei_hbm.at[pl.ds(ebase, _EPW)], ia_v)
        pltpu.sync_copy(ei_hbm.at[pl.ds(N_EDGES + ebase, _EPW)], ib_v)

        def start_gather(c, s, n=_CHUNK):
            pltpu.async_copy(
                t_hbm.at[ia_v.at[pl.ds(c * _CHUNK, n)]],
                ra[s].at[pl.ds(0, n), :], sg[s])
            pltpu.async_copy(
                t_hbm.at[ib_v.at[pl.ds(c * _CHUNK, n)]],
                rb[s].at[pl.ds(0, n), :], sg[s])

        def wait_gather(s, n=_CHUNK):
            pltpu.make_async_copy(t_hbm.at[ia_v.at[pl.ds(0, n)]],
                                  ra[s].at[pl.ds(0, n), :], sg[s]).wait()
            pltpu.make_async_copy(t_hbm.at[ib_v.at[pl.ds(0, n)]],
                                  rb[s].at[pl.ds(0, n), :], sg[s]).wait()

        def start_out(c, s):
            pltpu.async_copy(
                ho[s], out_hbm.at[pl.ds(obase + c * _CHUNK, _CHUNK)], so[s])

        def wait_out(s):
            pltpu.make_async_copy(ho[s], out_hbm.at[pl.ds(0, _CHUNK)],
                                  so[s]).wait()

        start_gather(0, 0)
        start_gather(1, 1)

        def triple(i, carry):
            c0 = 3 * i
            for k in range(3):
                start_gather(c0 + k + 2, (k + 2) % 3)
                wait_gather(k)

                @pl.when(i > 0)
                def _():
                    wait_out(k)

                _fuse_relu(ra[k], rb[k], ho[k], _CHUNK)
                start_out(c0 + k, k)
            return carry

        n3 = (_NCHF - 2) // 3
        lax.fori_loop(0, n3, triple, 0)

        for c in range(3 * n3, _NCHF):
            s = c % 3
            if c >= 3 * n3 + 2:
                start_gather(c, s)
            wait_gather(s)
            wait_out(s)
            _fuse_relu(ra[s], rb[s], ho[s], _CHUNK)
            start_out(c, s)

        if _TAIL:
            s = _NCHF % 3
            start_gather(_NCHF, s, _TAIL)
            wait_gather(s, _TAIL)
            wait_out(s)
            _fuse_relu(ra[s], rb[s], ho[s], _TAIL)
            pltpu.sync_copy(
                ho[s].at[pl.ds(0, _TAIL), :],
                out_hbm.at[pl.ds(obase + _NCHF * _CHUNK, _TAIL)])
            rest = [k for k in range(3) if k != s]
        else:
            rest = range(3)
        for k in rest:
            wait_out(k)

    return _k2_body


def _gather_relu(T, edge_index, seg):
    mesh = plsc.VectorSubcoreMesh(core_axis_name="c", subcore_axis_name="s")
    k = functools.partial(
        pl.kernel,
        mesh=mesh,
        out_type=jax.ShapeDtypeStruct((_ESEG, H), jnp.float32),
        scratch_types=(
            [pltpu.VMEM((_EPW,), jnp.int32)] * 2
            + [pltpu.VMEM((_CHUNK, 2 * H), jnp.float32)] * 6
            + [pltpu.VMEM((_CHUNK, H), jnp.float32)] * 3
            + [pltpu.SemaphoreType.DMA] * 6
        ),
    )(_make_k2_body(seg))
    return k(T, edge_index)


_EDGE_BLK = 16000


def _k3_body(h_ref, w2_ref, b2_ref, w3_ref, b3_ref, o_ref):
    h2t = lax.dot_general(w2_ref[...], h_ref[...], (((0,), (1,)), ((), ())),
                          preferred_element_type=jnp.float32)
    h2t = jnp.maximum(h2t + b2_ref[...], 0.0)
    o_ref[...] = lax.dot_general(w3_ref[...], h2t, (((0,), (0,)), ((), ())),
                                 preferred_element_type=jnp.float32) + b3_ref[0]


def _k3_body_seg(h_ref, w2_ref, b2_ref, w3_ref, b3_ref, prev_ref, o_ref):
    del prev_ref
    _k3_body(h_ref, w2_ref, b2_ref, w3_ref, b3_ref, o_ref)


def _mlp_tail(H1, W2, b2, W3, b3, seg, prev):
    n_edges = H1.shape[0]
    n_blocks = n_edges // _EDGE_BLK
    nh = W2.shape[1]
    base = seg * n_blocks
    if prev is None:
        body, extra, aliases = _k3_body, (), {}
    else:
        body, extra = _k3_body_seg, (prev,)
        aliases = {5: 0}
    return pl.pallas_call(
        body,
        grid=(n_blocks,),
        in_specs=[
            pl.BlockSpec((_EDGE_BLK, H), lambda i: (i, 0)),
            pl.BlockSpec((H, nh), lambda i: (0, 0)),
            pl.BlockSpec((nh, 1), lambda i: (0, 0)),
            pl.BlockSpec((nh, 1), lambda i: (0, 0)),
            pl.BlockSpec(memory_space=pltpu.SMEM),
        ] + ([pl.BlockSpec(memory_space=pl.ANY)] if prev is not None
             else []),
        out_specs=pl.BlockSpec((1, _EDGE_BLK), lambda i, base=base: (0, base + i)),
        out_shape=jax.ShapeDtypeStruct((1, N_EDGES), jnp.float32),
        input_output_aliases=aliases,
    )(H1, W2, b2.reshape(nh, 1), W3, b3, *extra)


def kernel(Z, edge_index, node_idx, W1, b1, W2, b2, W3, b3):
    zv = lax.dynamic_slice(Z, (node_idx, 0), (1, D))
    T = _build_table(Z, W1, zv, b1.reshape(1, H))
    ei = edge_index.astype(jnp.int32).reshape(2 * N_EDGES)
    out = None
    for seg in range(_NSEG):
        H1 = _gather_relu(T, ei, seg)
        out = _mlp_tail(H1, W2, b2, W3, b3, seg, out)
    return out.reshape(N_EDGES)

# --- scband reference (transcript-rebuilt; emitter-appended) ---
"""Pipeline reference for scband-pgexplainer-4595615006955 (READ-ONLY COPY).

The authoritative reference and input builder live on the scoring server;
editing this copy changes nothing except your own understanding.
"""

import jax, jax.numpy as jnp
import numpy as np

N_NODES = 10000
N_EDGES = 320000
D = 128

def setup_inputs(seed: int = 0) -> dict:
    key = jax.random.key(seed)
    ks = jax.random.split(key, 8)
    Z = jax.random.normal(ks[0], (N_NODES, D), dtype=jnp.float32)
    edge_index = jax.random.randint(ks[1], (2, N_EDGES), 0, N_NODES, dtype=jnp.int64 if jax.config.jax_enable_x64 else jnp.int32)
    node_idx = 0
    # Explainer MLP params: Linear(3*D -> 64) -> ReLU -> Linear(64 -> 20) -> ReLU -> Linear(20 -> 1)
    W1 = jax.random.normal(ks[2], (3 * D, 64), dtype=jnp.float32) * (1.0 / np.sqrt(3 * D))
    b1 = jnp.zeros((64,), dtype=jnp.float32)
    W2 = jax.random.normal(ks[3], (64, 20), dtype=jnp.float32) * (1.0 / np.sqrt(64))
    b2 = jnp.zeros((20,), dtype=jnp.float32)
    W3 = jax.random.normal(ks[4], (20, 1), dtype=jnp.float32) * (1.0 / np.sqrt(20))
    b3 = jnp.zeros((1,), dtype=jnp.float32)
    return {"Z": Z, "edge_index": edge_index, "node_idx": node_idx,
            "W1": W1, "b1": b1, "W2": W2, "b2": b2, "W3": W3, "b3": b3}

def reference(Z, edge_index, node_idx, W1, b1, W2, b2, W3, b3):
    # PGExplainer.__get_params__: gather endpoint embeddings per edge,
    # tile target-node embedding across edges, concat, run explainer MLP.
    src = edge_index[0, :]
    dst = edge_index[1, :]
    z_i = jnp.take(Z, src, axis=0)            # [E, D] gather
    z_j = jnp.take(Z, dst, axis=0)            # [E, D] gather
    z_v = jnp.broadcast_to(Z[node_idx, :][None, :], z_i.shape)  # [E, D]
    h = jnp.concatenate([z_i, z_j, z_v], axis=1)  # [E, 3D]
    h = jax.nn.relu(h @ W1 + b1)
    h = jax.nn.relu(h @ W2 + b2)
    omega = (h @ W3 + b3).reshape(-1)         # [E] edge importance logits
    return omega

if __name__ == "__main__":
    import jax
    _d = setup_inputs()
    print(jax.jit(kernel)(*tuple(_d.values())))

</pallas_src>

<mosaic_0001>
#map = affine_map<(d0, d1) -> (0, 0)>
#map1 = affine_map<(d0, d1) -> (0)>
module attributes {stable_mosaic.version = 14 : i64} {
  func.func @_k2_body(%arg0: i32, %arg1: i32, %arg2: memref<10000x128xf32, #tpu.memory_space<hbm>>, %arg3: memref<640000xi32, #tpu.memory_space<hbm>>, %arg4: memref<160000x64xf32, #tpu.memory_space<hbm>>, %arg5: memref<5000xi32, #tpu.memory_space<vmem>>, %arg6: memref<5000xi32, #tpu.memory_space<vmem>>, %arg7: memref<40x128xf32, #tpu.memory_space<vmem>>, %arg8: memref<40x128xf32, #tpu.memory_space<vmem>>, %arg9: memref<40x128xf32, #tpu.memory_space<vmem>>, %arg10: memref<40x128xf32, #tpu.memory_space<vmem>>, %arg11: memref<40x128xf32, #tpu.memory_space<vmem>>, %arg12: memref<40x128xf32, #tpu.memory_space<vmem>>, %arg13: memref<40x64xf32, #tpu.memory_space<vmem>>, %arg14: memref<40x64xf32, #tpu.memory_space<vmem>>, %arg15: memref<40x64xf32, #tpu.memory_space<vmem>>, %arg16: memref<!tpu.dma_semaphore, #tpu.memory_space<semaphore_mem>>, %arg17: memref<!tpu.dma_semaphore, #tpu.memory_space<semaphore_mem>>, %arg18: memref<!tpu.dma_semaphore, #tpu.memory_space<semaphore_mem>>, %arg19: memref<!tpu.dma_semaphore, #tpu.memory_space<semaphore_mem>>, %arg20: memref<!tpu.dma_semaphore, #tpu.memory_space<semaphore_mem>>, %arg21: memref<!tpu.dma_semaphore, #tpu.memory_space<semaphore_mem>>) attributes {dimension_semantics = [#tpu.dimension_semantics<core_parallel>, #tpu.dimension_semantics<subcore_parallel>], iteration_bounds = array<i64: 2, 16>, scalar_prefetch = 0 : i64, scratch_operands = 17 : i64, tpu.core_type = #tpu.core_type<sc_vector_subcore>, window_params = [{transform_indices = #map}, {transform_indices = #map1}, {transform_indices = #map}]} {
    %mul3A = arith.constant 2 : i32
    %mul3A_0 = arith.muli %arg1, %mul3A : i32
    %add3A = arith.addi %mul3A_0, %arg0 : i32
    %mul3A_1 = arith.constant 5000 : i32
    %mul3A_2 = arith.muli %add3A, %mul3A_1 : i32
    %add3A_3 = arith.constant 0 : i32
    %add3A_4 = arith.addi %add3A_3, %mul3A_2 : i32
    %mul3A_5 = arith.constant 5000 : i32
    %mul3A_6 = arith.muli %add3A, %mul3A_5 : i32
    "tpu.region"() ({
      %run_scoped3A = tpu.sem_alloc : memref<!tpu.dma_semaphore, #tpu.memory_space<semaphore_mem>>
      %dma_start3A_130 = tpu.memref_slice %arg3[%add3A_4] : memref<640000xi32, #tpu.memory_space<hbm>> -> memref<5000xi32, #tpu.memory_space<hbm>>
      %dma_start3A_131 = tpu.memref_slice %arg3[%add3A_4] : memref<640000xi32, #tpu.memory_space<hbm>> -> memref<5000xi32, #tpu.memory_space<hbm>>
      tpu.enqueue_dma source(%dma_start3A_131 : memref<5000xi32, #tpu.memory_space<hbm>>) target(%arg5 : memref<5000xi32, #tpu.memory_space<vmem>>) target_semaphore(%run_scoped3A : memref<!tpu.dma_semaphore, #tpu.memory_space<semaphore_mem>>)
      %dma_wait3A_132 = tpu.memref_slice %arg3[%add3A_4] : memref<640000xi32, #tpu.memory_space<hbm>> -> memref<5000xi32, #tpu.memory_space<hbm>>
      %dma_wait3A_133 = tpu.memref_slice %arg3[%add3A_4] : memref<640000xi32, #tpu.memory_space<hbm>> -> memref<5000xi32, #tpu.memory_space<hbm>>
      tpu.wait_dma2 semaphore(%run_scoped3A : memref<!tpu.dma_semaphore, #tpu.memory_space<semaphore_mem>>) src(%dma_wait3A_133 : memref<5000xi32, #tpu.memory_space<hbm>>) dst(%arg5 : memref<5000xi32, #tpu.memory_space<vmem>>)
      tpu.yield
    }) : () -> ()
    %add3A_7 = arith.constant 320000 : i32
    %add3A_8 = arith.addi %add3A_7, %add3A_4 : i32
    "tpu.region"() ({
      %run_scoped3A = tpu.sem_alloc : memref<!tpu.dma_semaphore, #tpu.memory_space<semaphore_mem>>
      %dma_start3A_130 = tpu.memref_slice %arg3[%add3A_8] : memref<640000xi32, #tpu.memory_space<hbm>> -> memref<5000xi32, #tpu.memory_space<hbm>>
      %dma_start3A_131 = tpu.memref_slice %arg3[%add3A_8] : memref<640000xi32, #tpu.memory_space<hbm>> -> memref<5000xi32, #tpu.memory_space<hbm>>
      tpu.enqueue_dma source(%dma_start3A_131 : memref<5000xi32, #tpu.memory_space<hbm>>) target(%arg6 : memref<5000xi32, #tpu.memory_space<vmem>>) target_semaphore(%run_scoped3A : memref<!tpu.dma_semaphore, #tpu.memory_space<semaphore_mem>>)
      %dma_wait3A_132 = tpu.memref_slice %arg3[%add3A_8] : memref<640000xi32, #tpu.memory_space<hbm>> -> memref<5000xi32, #tpu.memory_space<hbm>>
      %dma_wait3A_133 = tpu.memref_slice %arg3[%add3A_8] : memref<640000xi32, #tpu.memory_space<hbm>> -> memref<5000xi32, #tpu.memory_space<hbm>>
      tpu.wait_dma2 semaphore(%run_scoped3A : memref<!tpu.dma_semaphore, #tpu.memory_space<semaphore_mem>>) src(%dma_wait3A_133 : memref<5000xi32, #tpu.memory_space<hbm>>) dst(%arg6 : memref<5000xi32, #tpu.memory_space<vmem>>)
      tpu.yield
    }) : () -> ()
    %dma_start3A = arith.constant 0 : i32
    %dma_start3A_9 = arith.constant 0 : i32
    %dma_start3A_10 = tpu.memref_slice %arg7[%dma_start3A, %dma_start3A_9] : memref<40x128xf32, #tpu.memory_space<vmem>> -> memref<40x128xf32, #tpu.memory_space<vmem>>
    %dma_start3A_11 = arith.constant 0 : i32
    %dma_start3A_12 = tpu.memref_slice %arg5[%dma_start3A_11] : memref<5000xi32, #tpu.memory_space<vmem>> -> memref<40xi32, #tpu.memory_space<vmem>>
    %dma_start3A_13 = arith.constant 0 : i32
    %dma_start3A_14 = arith.constant 0 : i32
    %dma_start3A_15 = tpu.memref_slice %arg2[%dma_start3A_13, %dma_start3A_14] : memref<10000x128xf32, #tpu.memory_space<hbm>> -> memref<10000x128xf32, #tpu.memory_space<hbm>>
    tpu.enqueue_indirect_dma source(%dma_start3A_15 : memref<10000x128xf32, #tpu.memory_space<hbm>>) target(%dma_start3A_10 : memref<40x128xf32, #tpu.memory_space<vmem>>) offsets(%dma_start3A_12 : memref<40xi32, #tpu.memory_space<vmem>>) semaphore(%arg16 : memref<!tpu.dma_semaphore, #tpu.memory_space<semaphore_mem>>)
    %dma_start3A_16 = arith.constant 0 : i32
    %dma_start3A_17 = arith.constant 0 : i32
    %dma_start3A_18 = tpu.memref_slice %arg8[%dma_start3A_16, %dma_start3A_17] : memref<40x128xf32, #tpu.memory_space<vmem>> -> memref<40x128xf32, #tpu.memory_space<vmem>>
    %dma_start3A_19 = arith.constant 0 : i32
    %dma_start3A_20 = tpu.memref_slice %arg6[%dma_start3A_19] : memref<5000xi32, #tpu.memory_space<vmem>> -> memref<40xi32, #tpu.memory_space<vmem>>
    %dma_start3A_21 = arith.constant 0 : i32
    %dma_start3A_22 = arith.constant 0 : i32
    %dma_start3A_23 = tpu.memref_slice %arg2[%dma_start3A_21, %dma_start3A_22] : memref<10000x128xf32, #tpu.memory_space<hbm>> -> memref<10000x128xf32, #tpu.memory_space<hbm>>
    tpu.enqueue_indirect_dma source(%dma_start3A_23 : memref<10000x128xf32, #tpu.memory_space<hbm>>) target(%dma_start3A_18 : memref<40x128xf32, #tpu.memory_space<vmem>>) offsets(%dma_start3A_20 : memref<40xi32, #tpu.memory_space<vmem>>) semaphore(%arg16 : memref<!tpu.dma_semaphore, #tpu.memory_space<semaphore_mem>>)
    %dma_start3A_24 = arith.constant 0 : i32
    %dma_start3A_25 = arith.constant 0 : i32
    %dma_start3A_26 = tpu.memref_slice %arg9[%dma_start3A_24, %dma_start3A_25] : memref<40x128xf32, #tpu.memory_space<vmem>> -> memref<40x128xf32, #tpu.memory_space<vmem>>
    %dma_start3A_27 = arith.constant 40 : i32
    %dma_start3A_28 = tpu.memref_slice %arg5[%dma_start3A_27] : memref<5000xi32, #tpu.memory_space<vmem>> -> memref<40xi32, #tpu.memory_space<vmem>>
    %dma_start3A_29 = arith.constant 0 : i32
    %dma_start3A_30 = arith.constant 0 : i32
    %dma_start3A_31 = tpu.memref_slice %arg2[%dma_start3A_29, %dma_start3A_30] : memref<10000x128xf32, #tpu.memory_space<hbm>> -> memref<10000x128xf32, #tpu.memory_space<hbm>>
    tpu.enqueue_indirect_dma source(%dma_start3A_31 : memref<10000x128xf32, #tpu.memory_space<hbm>>) target(%dma_start3A_26 : memref<40x128xf32, #tpu.memory_space<vmem>>) offsets(%dma_start3A_28 : memref<40xi32, #tpu.memory_space<vmem>>) semaphore(%arg17 : memref<!tpu.dma_semaphore, #tpu.memory_space<semaphore_mem>>)
    %dma_start3A_32 = arith.constant 0 : i32
    %dma_start3A_33 = arith.constant 0 : i32
    %dma_start3A_34 = tpu.memref_slice %arg10[%dma_start3A_32, %dma_start3A_33] : memref<40x128xf32, #tpu.memory_space<vmem>> -> memref<40x128xf32, #tpu.memory_space<vmem>>
    %dma_start3A_35 = arith.constant 40 : i32
    %dma_start3A_36 = tpu.memref_slice %arg6[%dma_start3A_35] : memref<5000xi32, #tpu.memory_space<vmem>> -> memref<40xi32, #tpu.memory_space<vmem>>
    %dma_start3A_37 = arith.constant 0 : i32
    %dma_start3A_38 = arith.constant 0 : i32
    %dma_start3A_39 = tpu.memref_slice %arg2[%dma_start3A_37, %dma_start3A_38] : memref<10000x128xf32, #tpu.memory_space<hbm>> -> memref<10000x128xf32, #tpu.memory_space<hbm>>
    tpu.enqueue_indirect_dma source(%dma_start3A_39 : memref<10000x128xf32, #tpu.memory_space<hbm>>) target(%dma_start3A_34 : memref<40x128xf32, #tpu.memory_space<vmem>>) offsets(%dma_start3A_36 : memref<40xi32, #tpu.memory_space<vmem>>) semaphore(%arg17 : memref<!tpu.dma_semaphore, #tpu.memory_space<semaphore_mem>>)
    %scan3A = arith.constant 0 : i32
    %scan3A_40 = arith.constant 0 : i32
    %scan3A_41 = arith.constant 41 : i32
    %scan3A_42 = arith.addi %scan3A_40, %scan3A_41 : i32
    %scan3A_43 = arith.constant 1 : i32
    scf.for %scan3A_130 = %scan3A_40 to %scan3A_42 step %scan3A_43  : i32 {
      %mul3A_131 = arith.constant 3 : i32
      %mul3A_132 = arith.muli %mul3A_131, %scan3A_130 : i32
      %add3A_133 = arith.constant 0 : i32
      %add3A_134 = arith.addi %mul3A_132, %add3A_133 : i32
      %add3A_135 = arith.constant 2 : i32
      %add3A_136 = arith.addi %add3A_134, %add3A_135 : i32
      %mul3A_137 = arith.constant 40 : i32
      %mul3A_138 = arith.muli %add3A_136, %mul3A_137 : i32
      %dma_start3A_139 = arith.constant 0 : i32
      %dma_start3A_140 = arith.constant 0 : i32
      %dma_start3A_141 = tpu.memref_slice %arg11[%dma_start3A_139, %dma_start3A_140] : memref<40x128xf32, #tpu.memory_space<vmem>> -> memref<40x128xf32, #tpu.memory_space<vmem>>
      %dma_start3A_142 = tpu.memref_slice %arg5[%mul3A_138] : memref<5000xi32, #tpu.memory_space<vmem>> -> memref<40xi32, #tpu.memory_space<vmem>>
      %dma_start3A_143 = arith.constant 0 : i32
      %dma_start3A_144 = arith.constant 0 : i32
      %dma_start3A_145 = tpu.memref_slice %arg2[%dma_start3A_143, %dma_start3A_144] : memref<10000x128xf32, #tpu.memory_space<hbm>> -> memref<10000x128xf32, #tpu.memory_space<hbm>>
      tpu.enqueue_indirect_dma source(%dma_start3A_145 : memref<10000x128xf32, #tpu.memory_space<hbm>>) target(%dma_start3A_141 : memref<40x128xf32, #tpu.memory_space<vmem>>) offsets(%dma_start3A_142 : memref<40xi32, #tpu.memory_space<vmem>>) semaphore(%arg18 : memref<!tpu.dma_semaphore, #tpu.memory_space<semaphore_mem>>)
      %mul3A_146 = arith.constant 40 : i32
      %mul3A_147 = arith.muli %add3A_136, %mul3A_146 : i32
      %dma_start3A_148 = arith.constant 0 : i32
      %dma_start3A_149 = arith.constant 0 : i32
      %dma_start3A_150 = tpu.memref_slice %arg12[%dma_start3A_148, %dma_start3A_149] : memref<40x128xf32, #tpu.memory_space<vmem>> -> memref<40x128xf32, #tpu.memory_space<vmem>>
      %dma_start3A_151 = tpu.memref_slice %arg6[%mul3A_147] : memref<5000xi32, #tpu.memory_space<vmem>> -> memref<40xi32, #tpu.memory_space<vmem>>
      %dma_start3A_152 = arith.constant 0 : i32
      %dma_start3A_153 = arith.constant 0 : i32
      %dma_start3A_154 = tpu.memref_slice %arg2[%dma_start3A_152, %dma_start3A_153] : memref<10000x128xf32, #tpu.memory_space<hbm>> -> memref<10000x128xf32, #tpu.memory_space<hbm>>
      tpu.enqueue_indirect_dma source(%dma_start3A_154 : memref<10000x128xf32, #tpu.memory_space<hbm>>) target(%dma_start3A_150 : memref<40x128xf32, #tpu.memory_space<vmem>>) offsets(%dma_start3A_151 : memref<40xi32, #tpu.memory_space<vmem>>) semaphore(%arg18 : memref<!tpu.dma_semaphore, #tpu.memory_space<semaphore_mem>>)
      %dma_wait3A_155 = arith.constant 0 : i32
      %dma_wait3A_156 = arith.constant 0 : i32
      %dma_wait3A_157 = tpu.memref_slice %arg7[%dma_wait3A_155, %dma_wait3A_156] : memref<40x128xf32, #tpu.memory_space<vmem>> -> memref<40x128xf32, #tpu.memory_space<vmem>>
      %dma_wait3A_158 = arith.constant 0 : i32
      %dma_wait3A_159 = tpu.memref_slice %arg5[%dma_wait3A_158] : memref<5000xi32, #tpu.memory_space<vmem>> -> memref<40xi32, #tpu.memory_space<vmem>>
      %dma_wait3A_160 = arith.constant 0 : i32
      %dma_wait3A_161 = arith.constant 0 : i32
      %dma_wait3A_162 = tpu.memref_slice %arg2[%dma_wait3A_160, %dma_wait3A_161] : memref<10000x128xf32, #tpu.memory_space<hbm>> -> memref<10000x128xf32, #tpu.memory_space<hbm>>
      tpu.wait_indirect_dma semaphore(%arg16 : memref<!tpu.dma_semaphore, #tpu.memory_space<semaphore_mem>>) src(%dma_wait3A_162 : memref<10000x128xf32, #tpu.memory_space<hbm>>) dst(%dma_wait3A_157 : memref<40x128xf32, #tpu.memory_space<vmem>>)
      %dma_wait3A_163 = arith.constant 0 : i32
      %dma_wait3A_164 = arith.constant 0 : i32
      %dma_wait3A_165 = tpu.memref_slice %arg8[%dma_wait3A_163, %dma_wait3A_164] : memref<40x128xf32, #tpu.memory_space<vmem>> -> memref<40x128xf32, #tpu.memory_space<vmem>>
      %dma_wait3A_166 = arith.constant 0 : i32
      %dma_wait3A_167 = tpu.memref_slice %arg6[%dma_wait3A_166] : memref<5000xi32, #tpu.memory_space<vmem>> -> memref<40xi32, #tpu.memory_space<vmem>>
      %dma_wait3A_168 = arith.constant 0 : i32
      %dma_wait3A_169 = arith.constant 0 : i32
      %dma_wait3A_170 = tpu.memref_slice %arg2[%dma_wait3A_168, %dma_wait3A_169] : memref<10000x128xf32, #tpu.memory_space<hbm>> -> memref<10000x128xf32, #tpu.memory_space<hbm>>
      tpu.wait_indirect_dma semaphore(%arg16 : memref<!tpu.dma_semaphore, #tpu.memory_space<semaphore_mem>>) src(%dma_wait3A_170 : memref<10000x128xf32, #tpu.memory_space<hbm>>) dst(%dma_wait3A_165 : memref<40x128xf32, #tpu.memory_space<vmem>>)
      %gt3A = arith.constant 0 : i32
      %gt3A_171 = arith.cmpi sgt, %scan3A_130, %gt3A : i32
      %convert_element_type3A = arith.extui %gt3A_171 : i1 to i32
      %cond3A = arith.constant 0 : i32
      %cond3A_172 = arith.cmpi ne, %convert_element_type3A, %cond3A : i32
      scf.if %cond3A_172 {
        %dma_wait3A_304 = arith.constant 0 : i32
        %dma_wait3A_305 = arith.constant 0 : i32
        %dma_wait3A_306 = tpu.memref_slice %arg4[%dma_wait3A_304, %dma_wait3A_305] : memref<160000x64xf32, #tpu.memory_space<hbm>> -> memref<40x64xf32, #tpu.memory_space<hbm>>
        %dma_wait3A_307 = arith.constant 0 : i32
        %dma_wait3A_308 = arith.constant 0 : i32
        %dma_wait3A_309 = tpu.memref_slice %arg4[%dma_wait3A_307, %dma_wait3A_308] : memref<160000x64xf32, #tpu.memory_space<hbm>> -> memref<40x64xf32, #tpu.memory_space<hbm>>
        tpu.wait_dma2 semaphore(%arg19 : memref<!tpu.dma_semaphore, #tpu.memory_space<semaphore_mem>>) src(%arg13 : memref<40x64xf32, #tpu.memory_space<vmem>>) dst(%dma_wait3A_309 : memref<40x64xf32, #tpu.memory_space<hbm>>)
      } else {
      }
      %scan3A_173 = arith.constant 0 : i32
      %scan3A_174 = arith.constant 0 : i32
      %scan3A_175 = arith.constant 40 : i32
      %scan3A_176 = arith.addi %scan3A_174, %scan3A_175 : i32
      %scan3A_177 = arith.constant 4 : i32
      scf.for %scan3A_304 = %scan3A_174 to %scan3A_176 step %scan3A_177  : i32 {
        %get3A = arith.index_cast %scan3A_304 : i32 to index
        %get3A_305 = arith.constant 0 : index
        %get3A_306 = tpu.vector_load %arg7[%get3A, %get3A_305] {strides = array<i32>} : memref<40x128xf32, #tpu.memory_space<vmem>>, vector<1x16xf32>,
        %get3A_307 = vector.shape_cast %get3A_306 : vector<1x16xf32> to vector<16xf32>
        %get3A_308 = arith.index_cast %scan3A_304 : i32 to index
        %get3A_309 = arith.constant 64 : index
        %get3A_310 = tpu.vector_load %arg8[%get3A_308, %get3A_309] {strides = array<i32>} : memref<40x128xf32, #tpu.memory_space<vmem>>, vector<1x16xf32>,
        %get3A_311 = vector.shape_cast %get3A_310 : vector<1x16xf32> to vector<16xf32>
        %add3A_312 = arith.addf %get3A_307, %get3A_311 : vector<16xf32>
        %max3A = arith.constant 0.000000e+00 : f32
        %max3A_313 = vector.broadcast %max3A : f32 to vector<16xf32>
        %max3A_314 = arith.maximumf %add3A_312, %max3A_313 : vector<16xf32>
        %swap3A = arith.index_cast %scan3A_304 : i32 to index
        %swap3A_315 = arith.constant 0 : index
        %swap3A_316 = tpu.vector_load %arg13[%swap3A, %swap3A_315] {strides = array<i32>} : memref<40x64xf32, #tpu.memory_space<vmem>>, vector<1x16xf32>,
        %swap3A_317 = vector.shape_cast %swap3A_316 : vector<1x16xf32> to vector<16xf32>
        %swap3A_318 = vector.shape_cast %max3A_314 : vector<16xf32> to vector<1x16xf32>
        tpu.vector_store %arg13[%swap3A, %swap3A_315], %swap3A_318 {strides = array<i32>} : memref<40x64xf32, #tpu.memory_space<vmem>>, vector<1x16xf32>,
        %get3A_319 = arith.index_cast %scan3A_304 : i32 to index
        %get3A_320 = arith.constant 16 : index
        %get3A_321 = tpu.vector_load %arg7[%get3A_319, %get3A_320] {strides = array<i32>} : memref<40x128xf32, #tpu.memory_space<vmem>>, vector<1x16xf32>,
        %get3A_322 = vector.shape_cast %get3A_321 : vector<1x16xf32> to vector<16xf32>
        %get3A_323 = arith.index_cast %scan3A_304 : i32 to index
        %get3A_324 = arith.constant 80 : index
        %get3A_325 = tpu.vector_load %arg8[%get3A_323, %get3A_324] {strides = array<i32>} : memref<40x128xf32, #tpu.memory_space<vmem>>, vector<1x16xf32>,
        %get3A_326 = vector.shape_cast %get3A_325 : vector<1x16xf32> to vector<16xf32>
        %add3A_327 = arith.addf %get3A_322, %get3A_326 : vector<16xf32>
        %max3A_328 = arith.constant 0.000000e+00 : f32
        %max3A_329 = vector.broadcast %max3A_328 : f32 to vector<16xf32>
        %max3A_330 = arith.maximumf %add3A_327, %max3A_329 : vector<16xf32>
        %swap3A_331 = arith.index_cast %scan3A_304 : i32 to index
        %swap3A_332 = arith.constant 16 : index
        %swap3A_333 = tpu.vector_load %arg13[%swap3A_331, %swap3A_332] {strides = array<i32>} : memref<40x64xf32, #tpu.memory_space<vmem>>, vector<1x16xf32>,
        %swap3A_334 = vector.shape_cast %swap3A_333 : vector<1x16xf32> to vector<16xf32>
        %swap3A_335 = vector.shape_cast %max3A_330 : vector<16xf32> to vector<1x16xf32>
        tpu.vector_store %arg13[%swap3A_331, %swap3A_332], %swap3A_335 {strides = array<i32>} : memref<40x64xf32, #tpu.memory_space<vmem>>, vector<1x16xf32>,
        %get3A_336 = arith.index_cast %scan3A_304 : i32 to index
        %get3A_337 = arith.constant 32 : index
        %get3A_338 = tpu.vector_load %arg7[%get3A_336, %get3A_337] {strides = array<i32>} : memref<40x128xf32, #tpu.memory_space<vmem>>, vector<1x16xf32>,
        %get3A_339 = vector.shape_cast %get3A_338 : vector<1x16xf32> to vector<16xf32>
        %get3A_340 = arith.index_cast %scan3A_304 : i32 to index
        %get3A_341 = arith.constant 96 : index
        %get3A_342 = tpu.vector_load %arg8[%get3A_340, %get3A_341] {strides = array<i32>} : memref<40x128xf32, #tpu.memory_space<vmem>>, vector<1x16xf32>,
        %get3A_343 = vector.shape_cast %get3A_342 : vector<1x16xf32> to vector<16xf32>
        %add3A_344 = arith.addf %get3A_339, %get3A_343 : vector<16xf32>
        %max3A_345 = arith.constant 0.000000e+00 : f32
        %max3A_346 = vector.broadcast %max3A_345 : f32 to vector<16xf32>
        %max3A_347 = arith.maximumf %add3A_344, %max3A_346 : vector<16xf32>
        %swap3A_348 = arith.index_cast %scan3A_304 : i32 to index
        %swap3A_349 = arith.constant 32 : index
        %swap3A_350 = tpu.vector_load %arg13[%swap3A_348, %swap3A_349] {strides = array<i32>} : memref<40x64xf32, #tpu.memory_space<vmem>>, vector<1x16xf32>,
        %swap3A_351 = vector.shape_cast %swap3A_350 : vector<1x16xf32> to vector<16xf32>
        %swap3A_352 = vector.shape_cast %max3A_347 : vector<16xf32> to vector<1x16xf32>
        tpu.vector_store %arg13[%swap3A_348, %swap3A_349], %swap3A_352 {strides = array<i32>} : memref<40x64xf32, #tpu.memory_space<vmem>>, vector<1x16xf32>,
        %get3A_353 = arith.index_cast %scan3A_304 : i32 to index
        %get3A_354 = arith.constant 48 : index
        %get3A_355 = tpu.vector_load %arg7[%get3A_353, %get3A_354] {strides = array<i32>} : memref<40x128xf32, #tpu.memory_space<vmem>>, vector<1x16xf32>,
        %get3A_356 = vector.shape_cast %get3A_355 : vector<1x16xf32> to vector<16xf32>
        %get3A_357 = arith.index_cast %scan3A_304 : i32 to index
        %get3A_358 = arith.constant 112 : index
        %get3A_359 = tpu.vector_load %arg8[%get3A_357, %get3A_358] {strides = array<i32>} : memref<40x128xf32, #tpu.memory_space<vmem>>, vector<1x16xf32>,
        %get3A_360 = vector.shape_cast %get3A_359 : vector<1x16xf32> to vector<16xf32>
        %add3A_361 = arith.addf %get3A_356, %get3A_360 : vector<16xf32>
        %max3A_362 = arith.constant 0.000000e+00 : f32
        %max3A_363 = vector.broadcast %max3A_362 : f32 to vector<16xf32>
        %max3A_364 = arith.maximumf %add3A_361, %max3A_363 : vector<16xf32>
        %swap3A_365 = arith.index_cast %scan3A_304 : i32 to index
        %swap3A_366 = arith.constant 48 : index
        %swap3A_367 = tpu.vector_load %arg13[%swap3A_365, %swap3A_366] {strides = array<i32>} : memref<40x64xf32, #tpu.memory_space<vmem>>, vector<1x16xf32>,
        %swap3A_368 = vector.shape_cast %swap3A_367 : vector<1x16xf32> to vector<16xf32>
        %swap3A_369 = vector.shape_cast %max3A_364 : vector<16xf32> to vector<1x16xf32>
        tpu.vector_store %arg13[%swap3A_365, %swap3A_366], %swap3A_369 {strides = array<i32>} : memref<40x64xf32, #tpu.memory_space<vmem>>, vector<1x16xf32>,
        %scan3A_370 = arith.constant 1 : i32
        %scan3A_371 = arith.addi %scan3A_304, %scan3A_370 : i32
        %get3A_372 = arith.index_cast %scan3A_371 : i32 to index
        %get3A_373 = arith.constant 0 : index
        %get3A_374 = tpu.vector_load %arg7[%get3A_372, %get3A_373] {strides = array<i32>} : memref<40x128xf32, #tpu.memory_space<vmem>>, vector<1x16xf32>,
        %get3A_375 = vector.shape_cast %get3A_374 : vector<1x16xf32> to vector<16xf32>
        %get3A_376 = arith.index_cast %scan3A_371 : i32 to index
        %get3A_377 = arith.constant 64 : index
        %get3A_378 = tpu.vector_load %arg8[%get3A_376, %get3A_377] {strides = array<i32>} : memref<40x128xf32, #tpu.memory_space<vmem>>, vector<1x16xf32>,
        %get3A_379 = vector.shape_cast %get3A_378 : vector<1x16xf32> to vector<16xf32>
        %add3A_380 = arith.addf %get3A_375, %get3A_379 : vector<16xf32>
        %max3A_381 = arith.constant 0.000000e+00 : f32
        %max3A_382 = vector.broadcast %max3A_381 : f32 to vector<16xf32>
        %max3A_383 = arith.maximumf %add3A_380, %max3A_382 : vector<16xf32>
        %swap3A_384 = arith.index_cast %scan3A_371 : i32 to index
        %swap3A_385 = arith.constant 0 : index
        %swap3A_386 = tpu.vector_load %arg13[%swap3A_384, %swap3A_385] {strides = array<i32>} : memref<40x64xf32, #tpu.memory_space<vmem>>, vector<1x16xf32>,
        %swap3A_387 = vector.shape_cast %swap3A_386 : vector<1x16xf32> to vector<16xf32>
        %swap3A_388 = vector.shape_cast %max3A_383 : vector<16xf32> to vector<1x16xf32>
        tpu.vector_store %arg13[%swap3A_384, %swap3A_385], %swap3A_388 {strides = array<i32>} : memref<40x64xf32, #tpu.memory_space<vmem>>, vector<1x16xf32>,
        %get3A_389 = arith.index_cast %scan3A_371 : i32 to index
        %get3A_390 = arith.constant 16 : index
        %get3A_391 = tpu.vector_load %arg7[%get3A_389, %get3A_390] {strides = array<i32>} : memref<40x128xf32, #tpu.memory_space<vmem>>, vector<1x16xf32>,
        %get3A_392 = vector.shape_cast %get3A_391 : vector<1x16xf32> to vector<16xf32>
        %get3A_393 = arith.index_cast %scan3A_371 : i32 to index
        %get3A_394 = arith.constant 80 : index
        %get3A_395 = tpu.vector_load %arg8[%get3A_393, %get3A_394] {strides = array<i32>} : memref<40x128xf32, #tpu.memory_space<vmem>>, vector<1x16xf32>,
        %get3A_396 = vector.shape_cast %get3A_395 : vector<1x16xf32> to vector<16xf32>
        %add3A_397 = arith.addf %get3A_392, %get3A_396 : vector<16xf32>
        %max3A_398 = arith.constant 0.000000e+00 : f32
        %max3A_399 = vector.broadcast %max3A_398 : f32 to vector<16xf32>
        %max3A_400 = arith.maximumf %add3A_397, %max3A_399 : vector<16xf32>
        %swap3A_401 = arith.index_cast %scan3A_371 : i32 to index
        %swap3A_402 = arith.constant 16 : index
        %swap3A_403 = tpu.vector_load %arg13[%swap3A_401, %swap3A_402] {strides = array<i32>} : memref<40x64xf32, #tpu.memory_space<vmem>>, vector<1x16xf32>,
        %swap3A_404 = vector.shape_cast %swap3A_403 : vector<1x16xf32> to vector<16xf32>
        %swap3A_405 = vector.shape_cast %max3A_400 : vector<16xf32> to vector<1x16xf32>
        tpu.vector_store %arg13[%swap3A_401, %swap3A_402], %swap3A_405 {strides = array<i32>} : memref<40x64xf32, #tpu.memory_space<vmem>>, vector<1x16xf32>,
        %get3A_406 = arith.index_cast %scan3A_371 : i32 to index
        %get3A_407 = arith.constant 32 : index
        %get3A_408 = tpu.vector_load %arg7[%get3A_406, %get3A_407] {strides = array<i32>} : memref<40x128xf32, #tpu.memory_space<vmem>>, vector<1x16xf32>,
        %get3A_409 = vector.shape_cast %get3A_408 : vector<1x16xf32> to vector<16xf32>
        %get3A_410 = arith.index_cast %scan3A_371 : i32 to index
        %get3A_411 = arith.constant 96 : index
        %get3A_412 = tpu.vector_load %arg8[%get3A_410, %get3A_411] {strides = array<i32>} : memref<40x128xf32, #tpu.memory_space<vmem>>, vector<1x16xf32>,
        %get3A_413 = vector.shape_cast %get3A_412 : vector<1x16xf32> to vector<16xf32>
        %add3A_414 = arith.addf %get3A_409, %get3A_413 : vector<16xf32>
        %max3A_415 = arith.constant 0.000000e+00 : f32
        %max3A_416 = vector.broadcast %max3A_415 : f32 to vector<16xf32>
        %max3A_417 = arith.maximumf %add3A_414, %max3A_416 : vector<16xf32>
        %swap3A_418 = arith.index_cast %scan3A_371 : i32 to index
        %swap3A_419 = arith.constant 32 : index
        %swap3A_420 = tpu.vector_load %arg13[%swap3A_418, %swap3A_419] {strides = array<i32>} : memref<40x64xf32, #tpu.memory_space<vmem>>, vector<1x16xf32>,
        %swap3A_421 = vector.shape_cast %swap3A_420 : vector<1x16xf32> to vector<16xf32>
        %swap3A_422 = vector.shape_cast %max3A_417 : vector<16xf32> to vector<1x16xf32>
        tpu.vector_store %arg13[%swap3A_418, %swap3A_419], %swap3A_422 {strides = array<i32>} : memref<40x64xf32, #tpu.memory_space<vmem>>, vector<1x16xf32>,
        %get3A_423 = arith.index_cast %scan3A_371 : i32 to index
        %get3A_424 = arith.constant 48 : index
        %get3A_425 = tpu.vector_load %arg7[%get3A_423, %get3A_424] {strides = array<i32>} : memref<40x128xf32, #tpu.memory_space<vmem>>, vector<1x16xf32>,
        %get3A_426 = vector.shape_cast %get3A_425 : vector<1x16xf32> to vector<16xf32>
        %get3A_427 = arith.index_cast %scan3A_371 : i32 to index
        %get3A_428 = arith.constant 112 : index
        %get3A_429 = tpu.vector_load %arg8[%get3A_427, %get3A_428] {strides = array<i32>} : memref<40x128xf32, #tpu.memory_space<vmem>>, vector<1x16xf32>,
        %get3A_430 = vector.shape_cast %get3A_429 : vector<1x16xf32> to vector<16xf32>
        %add3A_431 = arith.addf %get3A_426, %get3A_430 : vector<16xf32>
        %max3A_432 = arith.constant 0.000000e+00 : f32
        %max3A_433 = vector.broadcast %max3A_432 : f32 to vector<16xf32>
        %max3A_434 = arith.maximumf %add3A_431, %max3A_433 : vector<16xf32>
        %swap3A_435 = arith.index_cast %scan3A_371 : i32 to index
        %swap3A_436 = arith.constant 48 : index
        %swap3A_437 = tpu.vector_load %arg13[%swap3A_435, %swap3A_436] {strides = array<i32>} : memref<40x64xf32, #tpu.memory_space<vmem>>, vector<1x16xf32>,
        %swap3A_438 = vector.shape_cast %swap3A_437 : vector<1x16xf32> to vector<16xf32>
        %swap3A_439 = vector.shape_cast %max3A_434 : vector<16xf32> to vector<1x16xf32>
        tpu.vector_store %arg13[%swap3A_435, %swap3A_436], %swap3A_439 {strides = array<i32>} : memref<40x64xf32, #tpu.memory_space<vmem>>, vector<1x16xf32>,
        %scan3A_440 = arith.constant 2 : i32
        %scan3A_441 = arith.addi %scan3A_304, %scan3A_440 : i32
        %get3A_442 = arith.index_cast %scan3A_441 : i32 to index
        %get3A_443 = arith.constant 0 : index
        %get3A_444 = tpu.vector_load %arg7[%get3A_442, %get3A_443] {strides = array<i32>} : memref<40x128xf32, #tpu.memory_space<vmem>>, vector<1x16xf32>,
        %get3A_445 = vector.shape_cast %get3A_444 : vector<1x16xf32> to vector<16xf32>
        %get3A_446 = arith.index_cast %scan3A_441 : i32 to index
        %get3A_447 = arith.constant 64 : index
        %get3A_448 = tpu.vector_load %arg8[%get3A_446, %get3A_447] {strides = array<i32>} : memref<40x128xf32, #tpu.memory_space<vmem>>, vector<1x16xf32>,
        %get3A_449 = vector.shape_cast %get3A_448 : vector<1x16xf32> to vector<16xf32>
        %add3A_450 = arith.addf %get3A_445, %get3A_449 : vector<16xf32>
        %max3A_451 = arith.constant 0.000000e+00 : f32
        %max3A_452 = vector.broadcast %max3A_451 : f32 to vector<16xf32>
        %max3A_453 = arith.maximumf %add3A_450, %max3A_452 : vector<16xf32>
        %swap3A_454 = arith.index_cast %scan3A_441 : i32 to index
        %swap3A_455 = arith.constant 0 : index
        %swap3A_456 = tpu.vector_load %arg13[%swap3A_454, %swap3A_455] {strides = array<i32>} : memref<40x64xf32, #tpu.memory_space<vmem>>, vector<1x16xf32>,
        %swap3A_457 = vector.shape_cast %swap3A_456 : vector<1x16xf32> to vector<16xf32>
        %swap3A_458 = vector.shape_cast %max3A_453 : vector<16xf32> to vector<1x16xf32>
        tpu.vector_store %arg13[%swap3A_454, %swap3A_455], %swap3A_458 {strides = array<i32>} : memref<40x64xf32, #tpu.memory_space<vmem>>, vector<1x16xf32>,
        %get3A_459 = arith.index_cast %scan3A_441 : i32 to index
        %get3A_460 = arith.constant 16 : index
        %get3A_461 = tpu.vector_load %arg7[%get3A_459, %get3A_460] {strides = array<i32>} : memref<40x128xf32, #tpu.memory_space<vmem>>, vector<1x16xf32>,
        %get3A_462 = vector.shape_cast %get3A_461 : vector<1x16xf32> to vector<16xf32>
        %get3A_463 = arith.index_cast %scan3A_441 : i32 to index
        %get3A_464 = arith.constant 80 : index
        %get3A_465 = tpu.vector_load %arg8[%get3A_463, %get3A_464] {strides = array<i32>} : memref<40x128xf32, #tpu.memory_space<vmem>>, vector<1x16xf32>,
        %get3A_466 = vector.shape_cast %get3A_465 : vector<1x16xf32> to vector<16xf32>
        %add3A_467 = arith.addf %get3A_462, %get3A_466 : vector<16xf32>
        %max3A_468 = arith.constant 0.000000e+00 : f32
        %max3A_469 = vector.broadcast %max3A_468 : f32 to vector<16xf32>
        %max3A_470 = arith.maximumf %add3A_467, %max3A_469 : vector<16xf32>
        %swap3A_471 = arith.index_cast %scan3A_441 : i32 to index
        %swap3A_472 = arith.constant 16 : index
        %swap3A_473 = tpu.vector_load %arg13[%swap3A_471, %swap3A_472] {strides = array<i32>} : memref<40x64xf32, #tpu.memory_space<vmem>>, vector<1x16xf32>,
        %swap3A_474 = vector.shape_cast %swap3A_473 : vector<1x16xf32> to vector<16xf32>
        %swap3A_475 = vector.shape_cast %max3A_470 : vector<16xf32> to vector<1x16xf32>
        tpu.vector_store %arg13[%swap3A_471, %swap3A_472], %swap3A_475 {strides = array<i32>} : memref<40x64xf32, #tpu.memory_space<vmem>>, vector<1x16xf32>,
        %get3A_476 = arith.index_cast %scan3A_441 : i32 to index
        %get3A_477 = arith.constant 32 : index
        %get3A_478 = tpu.vector_load %arg7[%get3A_476, %get3A_477] {strides = array<i32>} : memref<40x128xf32, #tpu.memory_space<vmem>>, vector<1x16xf32>,
        %get3A_479 = vector.shape_cast %get3A_478 : vector<1x16xf32> to vector<16xf32>
        %get3A_480 = arith.index_cast %scan3A_441 : i32 to index
        %get3A_481 = arith.constant 96 : index
        %get3A_482 = tpu.vector_load %arg8[%get3A_480, %get3A_481] {strides = array<i32>} : memref<40x128xf32, #tpu.memory_space<vmem>>, vector<1x16xf32>,
        %get3A_483 = vector.shape_cast %get3A_482 : vector<1x16xf32> to vector<16xf32>
        %add3A_484 = arith.addf %get3A_479, %get3A_483 : vector<16xf32>
        %max3A_485 = arith.constant 0.000000e+00 : f32
        %max3A_486 = vector.broadcast %max3A_485 : f32 to vector<16xf32>
        %max3A_487 = arith.maximumf %add3A_484, %max3A_486 : vector<16xf32>
        %swap3A_488 = arith.index_cast %scan3A_441 : i32 to index
        %swap3A_489 = arith.constant 32 : index
        %swap3A_490 = tpu.vector_load %arg13[%swap3A_488, %swap3A_489] {strides = array<i32>} : memref<40x64xf32, #tpu.memory_space<vmem>>, vector<1x16xf32>,
        %swap3A_491 = vector.shape_cast %swap3A_490 : vector<1x16xf32> to vector<16xf32>
        %swap3A_492 = vector.shape_cast %max3A_487 : vector<16xf32> to vector<1x16xf32>
        tpu.vector_store %arg13[%swap3A_488, %swap3A_489], %swap3A_492 {strides = array<i32>} : memref<40x64xf32, #tpu.memory_space<vmem>>, vector<1x16xf32>,
        %get3A_493 = arith.index_cast %scan3A_441 : i32 to index
        %get3A_494 = arith.constant 48 : index
        %get3A_495 = tpu.vector_load %arg7[%get3A_493, %get3A_494] {strides = array<i32>} : memref<40x128xf32, #tpu.memory_space<vmem>>, vector<1x16xf32>,
        %get3A_496 = vector.shape_cast %get3A_495 : vector<1x16xf32> to vector<16xf32>
        %get3A_497 = arith.index_cast %scan3A_441 : i32 to index
        %get3A_498 = arith.constant 112 : index
        %get3A_499 = tpu.vector_load %arg8[%get3A_497, %get3A_498] {strides = array<i32>} : memref<40x128xf32, #tpu.memory_space<vmem>>, vector<1x16xf32>,
        %get3A_500 = vector.shape_cast %get3A_499 : vector<1x16xf32> to vector<16xf32>
        %add3A_501 = arith.addf %get3A_496, %get3A_500 : vector<16xf32>
        %max3A_502 = arith.constant 0.000000e+00 : f32
        %max3A_503 = vector.broadcast %max3A_502 : f32 to vector<16xf32>
        %max3A_504 = arith.maximumf %add3A_501, %max3A_503 : vector<16xf32>
        %swap3A_505 = arith.index_cast %scan3A_441 : i32 to index
        %swap3A_506 = arith.constant 48 : index
        %swap3A_507 = tpu.vector_load %arg13[%swap3A_505, %swap3A_506] {strides = array<i32>} : memref<40x64xf32, #tpu.memory_space<vmem>>, vector<1x16xf32>,
        %swap3A_508 = vector.shape_cast %swap3A_507 : vector<1x16xf32> to vector<16xf32>
        %swap3A_509 = vector.shape_cast %max3A_504 : vector<16xf32> to vector<1x16xf32>
        tpu.vector_store %arg13[%swap3A_505, %swap3A_506], %swap3A_509 {strides = array<i32>} : memref<40x64xf32, #tpu.memory_space<vmem>>, vector<1x16xf32>,
        %scan3A_510 = arith.constant 3 : i32
        %scan3A_511 = arith.addi %scan3A_304, %scan3A_510 : i32
        %get3A_512 = arith.index_cast %scan3A_511 : i32 to index
        %get3A_513 = arith.constant 0 : index
        %get3A_514 = tpu.vector_load %arg7[%get3A_512, %get3A_513] {strides = array<i32>} : memref<40x128xf32, #tpu.memory_space<vmem>>, vector<1x16xf32>,
        %get3A_515 = vector.shape_cast %get3A_514 : vector<1x16xf32> to vector<16xf32>
        %get3A_516 = arith.index_cast %scan3A_511 : i32 to index
        %get3A_517 = arith.constant 64 : index
        %get3A_518 = tpu.vector_load %arg8[%get3A_516, %get3A_517] {strides = array<i32>} : memref<40x128xf32, #tpu.memory_space<vmem>>, vector<1x16xf32>,
        %get3A_519 = vector.shape_cast %get3A_518 : vector<1x16xf32> to vector<16xf32>
        %add3A_520 = arith.addf %get3A_515, %get3A_519 : vector<16xf32>
        %max3A_521 = arith.constant 0.000000e+00 : f32
        %max3A_522 = vector.broadcast %max3A_521 : f32 to vector<16xf32>
        %max3A_523 = arith.maximumf %add3A_520, %max3A_522 : vector<16xf32>
        %swap3A_524 = arith.index_cast %scan3A_511 : i32 to index
        %swap3A_525 = arith.constant 0 : index
        %swap3A_526 = tpu.vector_load %arg13[%swap3A_524, %swap3A_525] {strides = array<i32>} : memref<40x64xf32, #tpu.memory_space<vmem>>, vector<1x16xf32>,
        %swap3A_527 = vector.shape_cast %swap3A_526 : vector<1x16xf32> to vector<16xf32>
        %swap3A_528 = vector.shape_cast %max3A_523 : vector<16xf32> to vector<1x16xf32>
        tpu.vector_store %arg13[%swap3A_524, %swap3A_525], %swap3A_528 {strides = array<i32>} : memref<40x64xf32, #tpu.memory_space<vmem>>, vector<1x16xf32>,
        %get3A_529 = arith.index_cast %scan3A_511 : i32 to index
        %get3A_530 = arith.constant 16 : index
        %get3A_531 = tpu.vector_load %arg7[%get3A_529, %get3A_530] {strides = array<i32>} : memref<40x128xf32, #tpu.memory_space<vmem>>, vector<1x16xf32>,
        %get3A_532 = vector.shape_cast %get3A_531 : vector<1x16xf32> to vector<16xf32>
        %get3A_533 = arith.index_cast %scan3A_511 : i32 to index
        %get3A_534 = arith.constant 80 : index
        %get3A_535 = tpu.vector_load %arg8[%get3A_533, %get3A_534] {strides = array<i32>} : memref<40x128xf32, #tpu.memory_space<vmem>>, vector<1x16xf32>,
        %get3A_536 = vector.shape_cast %get3A_535 : vector<1x16xf32> to vector<16xf32>
        %add3A_537 = arith.addf %get3A_532, %get3A_536 : vector<16xf32>
        %max3A_538 = arith.constant 0.000000e+00 : f32
        %max3A_539 = vector.broadcast %max3A_538 : f32 to vector<16xf32>
        %max3A_540 = arith.maximumf %add3A_537, %max3A_539 : vector<16xf32>
        %swap3A_541 = arith.index_cast %scan3A_511 : i32 to index
        %swap3A_542 = arith.constant 16 : index
        %swap3A_543 = tpu.vector_load %arg13[%swap3A_541, %swap3A_542] {strides = array<i32>} : memref<40x64xf32, #tpu.memory_space<vmem>>, vector<1x16xf32>,
        %swap3A_544 = vector.shape_cast %swap3A_543 : vector<1x16xf32> to vector<16xf32>
        %swap3A_545 = vector.shape_cast %max3A_540 : vector<16xf32> to vector<1x16xf32>
        tpu.vector_store %arg13[%swap3A_541, %swap3A_542], %swap3A_545 {strides = array<i32>} : memref<40x64xf32, #tpu.memory_space<vmem>>, vector<1x16xf32>,
        %get3A_546 = arith.index_cast %scan3A_511 : i32 to index
        %get3A_547 = arith.constant 32 : index
        %get3A_548 = tpu.vector_load %arg7[%get3A_546, %get3A_547] {strides = array<i32>} : memref<40x128xf32, #tpu.memory_space<vmem>>, vector<1x16xf32>,
        %get3A_549 = vector.shape_cast %get3A_548 : vector<1x16xf32> to vector<16xf32>
        %get3A_550 = arith.index_cast %scan3A_511 : i32 to index
        %get3A_551 = arith.constant 96 : index
        %get3A_552 = tpu.vector_load %arg8[%get3A_550, %get3A_551] {strides = array<i32>} : memref<40x128xf32, #tpu.memory_space<vmem>>, vector<1x16xf32>,
        %get3A_553 = vector.shape_cast %get3A_552 : vector<1x16xf32> to vector<16xf32>
        %add3A_554 = arith.addf %get3A_549, %get3A_553 : vector<16xf32>
        %max3A_555 = arith.constant 0.000000e+00 : f32
        %max3A_556 = vector.broadcast %max3A_555 : f32 to vector<16xf32>
        %max3A_557 = arith.maximumf %add3A_554, %max3A_556 : vector<16xf32>
        %swap3A_558 = arith.index_cast %scan3A_511 : i32 to index
        %swap3A_559 = arith.constant 32 : index
        %swap3A_560 = tpu.vector_load %arg13[%swap3A_558, %swap3A_559] {strides = array<i32>} : memref<40x64xf32, #tpu.memory_space<vmem>>, vector<1x16xf32>,
        %swap3A_561 = vector.shape_cast %swap3A_560 : vector<1x16xf32> to vector<16xf32>
        %swap3A_562 = vector.shape_cast %max3A_557 : vector<16xf32> to vector<1x16xf32>
        tpu.vector_store %arg13[%swap3A_558, %swap3A_559], %swap3A_562 {strides = array<i32>} : memref<40x64xf32, #tpu.memory_space<vmem>>, vector<1x16xf32>,
        %get3A_563 = arith.index_cast %scan3A_511 : i32 to index
        %get3A_564 = arith.constant 48 : index
        %get3A_565 = tpu.vector_load %arg7[%get3A_563, %get3A_564] {strides = array<i32>} : memref<40x128xf32, #tpu.memory_space<vmem>>, vector<1x16xf32>,
        %get3A_566 = vector.shape_cast %get3A_565 : vector<1x16xf32> to vector<16xf32>
        %get3A_567 = arith.index_cast %scan3A_511 : i32 to index
        %get3A_568 = arith.constant 112 : index
        %get3A_569 = tpu.vector_load %arg8[%get3A_567, %get3A_568] {strides = array<i32>} : memref<40x128xf32, #tpu.memory_space<vmem>>, vector<1x16xf32>,
        %get3A_570 = vector.shape_cast %get3A_569 : vector<1x16xf32> to vector<16xf32>
        %add3A_571 = arith.addf %get3A_566, %get3A_570 : vector<16xf32>
        %max3A_572 = arith.constant 0.000000e+00 : f32
        %max3A_573 = vector.broadcast %max3A_572 : f32 to vector<16xf32>
        %max3A_574 = arith.maximumf %add3A_571, %max3A_573 : vector<16xf32>
        %swap3A_575 = arith.index_cast %scan3A_511 : i32 to index
        %swap3A_576 = arith.constant 48 : index
        %swap3A_577 = tpu.vector_load %arg13[%swap3A_575, %swap3A_576] {strides = array<i32>} : memref<40x64xf32, #tpu.memory_space<vmem>>, vector<1x16xf32>,
        %swap3A_578 = vector.shape_cast %swap3A_577 : vector<1x16xf32> to vector<16xf32>
        %swap3A_579 = vector.shape_cast %max3A_574 : vector<16xf32> to vector<1x16xf32>
        tpu.vector_store %arg13[%swap3A_575, %swap3A_576], %swap3A_579 {strides = array<i32>} : memref<40x64xf32, #tpu.memory_space<vmem>>, vector<1x16xf32>,
      }
      %scan3A_178 = arith.constant 40 : i32
      %add3A_179 = arith.constant 0 : i32
      %add3A_180 = arith.addi %mul3A_132, %add3A_179 : i32
      %mul3A_181 = arith.constant 40 : i32
      %mul3A_182 = arith.muli %add3A_180, %mul3A_181 : i32
      %add3A_183 = arith.addi %mul3A_6, %mul3A_182 : i32
      %dma_start3A_184 = arith.constant 0 : i32
      %dma_start3A_185 = tpu.memref_slice %arg4[%add3A_183, %dma_start3A_184] : memref<160000x64xf32, #tpu.memory_space<hbm>> -> memref<40x64xf32, #tpu.memory_space<hbm>>
      %dma_start3A_186 = arith.constant 0 : i32
      %dma_start3A_187 = tpu.memref_slice %arg4[%add3A_183, %dma_start3A_186] : memref<160000x64xf32, #tpu.memory_space<hbm>> -> memref<40x64xf32, #tpu.memory_space<hbm>>
      tpu.enqueue_dma source(%arg13 : memref<40x64xf32, #tpu.memory_space<vmem>>) target(%dma_start3A_187 : memref<40x64xf32, #tpu.memory_space<hbm>>) target_semaphore(%arg19 : memref<!tpu.dma_semaphore, #tpu.memory_space<semaphore_mem>>)
      %add3A_188 = arith.constant 1 : i32
      %add3A_189 = arith.addi %mul3A_132, %add3A_188 : i32
      %add3A_190 = arith.constant 2 : i32
      %add3A_191 = arith.addi %add3A_189, %add3A_190 : i32
      %mul3A_192 = arith.constant 40 : i32
      %mul3A_193 = arith.muli %add3A_191, %mul3A_192 : i32
      %dma_start3A_194 = arith.constant 0 : i32
      %dma_start3A_195 = arith.constant 0 : i32
      %dma_start3A_196 = tpu.memref_slice %arg7[%dma_start3A_194, %dma_start3A_195] : memref<40x128xf32, #tpu.memory_space<vmem>> -> memref<40x128xf32, #tpu.memory_space<vmem>>
      %dma_start3A_197 = tpu.memref_slice %arg5[%mul3A_193] : memref<5000xi32, #tpu.memory_space<vmem>> -> memref<40xi32, #tpu.memory_space<vmem>>
      %dma_start3A_198 = arith.constant 0 : i32
      %dma_start3A_199 = arith.constant 0 : i32
      %dma_start3A_200 = tpu.memref_slice %arg2[%dma_start3A_198, %dma_start3A_199] : memref<10000x128xf32, #tpu.memory_space<hbm>> -> memref<10000x128xf32, #tpu.memory_space<hbm>>
      tpu.enqueue_indirect_dma source(%dma_start3A_200 : memref<10000x128xf32, #tpu.memory_space<hbm>>) target(%dma_start3A_196 : memref<40x128xf32, #tpu.memory_space<vmem>>) offsets(%dma_start3A_197 : memref<40xi32, #tpu.memory_space<vmem>>) semaphore(%arg16 : memref<!tpu.dma_semaphore, #tpu.memory_space<semaphore_mem>>)
      %mul3A_201 = arith.constant 40 : i32
      %mul3A_202 = arith.muli %add3A_191, %mul3A_201 : i32
      %dma_start3A_203 = arith.constant 0 : i32
      %dma_start3A_204 = arith.constant 0 : i32
      %dma_start3A_205 = tpu.memref_slice %arg8[%dma_start3A_203, %dma_start3A_204] : memref<40x128xf32, #tpu.memory_space<vmem>> -> memref<40x128xf32, #tpu.memory_space<vmem>>
      %dma_start3A_206 = tpu.memref_slice %arg6[%mul3A_202] : memref<5000xi32, #tpu.memory_space<vmem>> -> memref<40xi32, #tpu.memory_space<vmem>>
      %dma_start3A_207 = arith.constant 0 : i32
      %dma_start3A_208 = arith.constant 0 : i32
      %dma_start3A_209 = tpu.memref_slice %arg2[%dma_start3A_207, %dma_start3A_208] : memref<10000x128xf32, #tpu.memory_space<hbm>> -> memref<10000x128xf32, #tpu.memory_space<hbm>>
      tpu.enqueue_indirect_dma source(%dma_start3A_209 : memref<10000x128xf32, #tpu.memory_space<hbm>>) target(%dma_start3A_205 : memref<40x128xf32, #tpu.memory_space<vmem>>) offsets(%dma_start3A_206 : memref<40xi32, #tpu.memory_space<vmem>>) semaphore(%arg16 : memref<!tpu.dma_semaphore, #tpu.memory_space<semaphore_mem>>)
      %dma_wait3A_210 = arith.constant 0 : i32
      %dma_wait3A_211 = arith.constant 0 : i32
      %dma_wait3A_212 = tpu.memref_slice %arg9[%dma_wait3A_210, %dma_wait3A_211] : memref<40x128xf32, #tpu.memory_space<vmem>> -> memref<40x128xf32, #tpu.memory_space<vmem>>
      %dma_wait3A_213 = arith.constant 0 : i32
      %dma_wait3A_214 = tpu.memref_slice %arg5[%dma_wait3A_213] : memref<5000xi32, #tpu.memory_space<vmem>> -> memref<40xi32, #tpu.memory_space<vmem>>
      %dma_wait3A_215 = arith.constant 0 : i32
      %dma_wait3A_216 = arith.constant 0 : i32
      %dma_wait3A_217 = tpu.memref_slice %arg2[%dma_wait3A_215, %dma_wait3A_216] : memref<10000x128xf32, #tpu.memory_space<hbm>> -> memref<10000x128xf32, #tpu.memory_space<hbm>>
      tpu.wait_indirect_dma semaphore(%arg17 : memref<!tpu.dma_semaphore, #tpu.memory_space<semaphore_mem>>) src(%dma_wait3A_217 : memref<10000x128xf32, #tpu.memory_space<hbm>>) dst(%dma_wait3A_212 : memref<40x128xf32, #tpu.memory_space<vmem>>)
      %dma_wait3A_218 = arith.constant 0 : i32
      %dma_wait3A_219 = arith.constant 0 : i32
      %dma_wait3A_220 = tpu.memref_slice %arg10[%dma_wait3A_218, %dma_wait3A_219] : memref<40x128xf32, #tpu.memory_space<vmem>> -> memref<40x128xf32, #tpu.memory_space<vmem>>
      %dma_wait3A_221 = arith.constant 0 : i32
      %dma_wait3A_222 = tpu.memref_slice %arg6[%dma_wait3A_221] : memref<5000xi32, #tpu.memory_space<vmem>> -> memref<40xi32, #tpu.memory_space<vmem>>
      %dma_wait3A_223 = arith.constant 0 : i32
      %dma_wait3A_224 = arith.constant 0 : i32
      %dma_wait3A_225 = tpu.memref_slice %arg2[%dma_wait3A_223, %dma_wait3A_224] : memref<10000x128xf32, #tpu.memory_space<hbm>> -> memref<10000x128xf32, #tpu.memory_space<hbm>>
      tpu.wait_indirect_dma semaphore(%arg17 : memref<!tpu.dma_semaphore, #tpu.memory_space<semaphore_mem>>) src(%dma_wait3A_225 : memref<10000x128xf32, #tpu.memory_space<hbm>>) dst(%dma_wait3A_220 : memref<40x128xf32, #tpu.memory_space<vmem>>)
      %gt3A_226 = arith.constant 0 : i32
      %gt3A_227 = arith.cmpi sgt, %scan3A_130, %gt3A_226 : i32
      %convert_element_type3A_228 = arith.extui %gt3A_227 : i1 to i32
      %cond3A_229 = arith.constant 0 : i32
      %cond3A_230 = arith.cmpi ne, %convert_element_type3A_228, %cond3A_229 : i32
      scf.if %cond3A_230 {
        %dma_wait3A_304 = arith.constant 0 : i32
        %dma_wait3A_305 = arith.constant 0 : i32
        %dma_wait3A_306 = tpu.memref_slice %arg4[%dma_wait3A_304, %dma_wait3A_305] : memref<160000x64xf32, #tpu.memory_space<hbm>> -> memref<40x64xf32, #tpu.memory_space<hbm>>
        %dma_wait3A_307 = arith.constant 0 : i32
        %dma_wait3A_308 = arith.constant 0 : i32
        %dma_wait3A_309 = tpu.memref_slice %arg4[%dma_wait3A_307, %dma_wait3A_308] : memref<160000x64xf32, #tpu.memory_space<hbm>> -> memref<40x64xf32, #tpu.memory_space<hbm>>
        tpu.wait_dma2 semaphore(%arg20 : memref<!tpu.dma_semaphore, #tpu.memory_space<semaphore_mem>>) src(%arg14 : memref<40x64xf32, #tpu.memory_space<vmem>>) dst(%dma_wait3A_309 : memref<40x64xf32, #tpu.memory_space<hbm>>)
      } else {
      }
      %scan3A_231 = arith.constant 0 : i32
      %scan3A_232 = arith.constant 0 : i32
      %scan3A_233 = arith.constant 40 : i32
      %scan3A_234 = arith.addi %scan3A_232, %scan3A_233 : i32
      %scan3A_235 = arith.constant 4 : i32
      scf.for %scan3A_304 = %scan3A_232 to %scan3A_234 step %scan3A_235  : i32 {
        %get3A = arith.index_cast %scan3A_304 : i32 to index
        %get3A_305 = arith.constant 0 : index
        %get3A_306 = tpu.vector_load %arg9[%get3A, %get3A_305] {strides = array<i32>} : memref<40x128xf32, #tpu.memory_space<vmem>>, vector<1x16xf32>,
        %get3A_307 = vector.shape_cast %get3A_306 : vector<1x16xf32> to vector<16xf32>
        %get3A_308 = arith.index_cast %scan3A_304 : i32 to index
        %get3A_309 = arith.constant 64 : index
        %get3A_310 = tpu.vector_load %arg10[%get3A_308, %get3A_309] {strides = array<i32>} : memref<40x128xf32, #tpu.memory_space<vmem>>, vector<1x16xf32>,
        %get3A_311 = vector.shape_cast %get3A_310 : vector<1x16xf32> to vector<16xf32>
        %add3A_312 = arith.addf %get3A_307, %get3A_311 : vector<16xf32>
        %max3A = arith.constant 0.000000e+00 : f32
        %max3A_313 = vector.broadcast %max3A : f32 to vector<16xf32>
        %max3A_314 = arith.maximumf %add3A_312, %max3A_313 : vector<16xf32>
        %swap3A = arith.index_cast %scan3A_304 : i32 to index
        %swap3A_315 = arith.constant 0 : index
        %swap3A_316 = tpu.vector_load %arg14[%swap3A, %swap3A_315] {strides = array<i32>} : memref<40x64xf32, #tpu.memory_space<vmem>>, vector<1x16xf32>,
        %swap3A_317 = vector.shape_cast %swap3A_316 : vector<1x16xf32> to vector<16xf32>
        %swap3A_318 = vector.shape_cast %max3A_314 : vector<16xf32> to vector<1x16xf32>
        tpu.vector_store %arg14[%swap3A, %swap3A_315], %swap3A_318 {strides = array<i32>} : memref<40x64xf32, #tpu.memory_space<vmem>>, vector<1x16xf32>,
        %get3A_319 = arith.index_cast %scan3A_304 : i32 to index
        %get3A_320 = arith.constant 16 : index
        %get3A_321 = tpu.vector_load %arg9[%get3A_319, %get3A_320] {strides = array<i32>} : memref<40x128xf32, #tpu.memory_space<vmem>>, vector<1x16xf32>,
        %get3A_322 = vector.shape_cast %get3A_321 : vector<1x16xf32> to vector<16xf32>
        %get3A_323 = arith.index_cast %scan3A_304 : i32 to index
        %get3A_324 = arith.constant 80 : index
        %get3A_325 = tpu.vector_load %arg10[%get3A_323, %get3A_324] {strides = array<i32>} : memref<40x128xf32, #tpu.memory_space<vmem>>, vector<1x16xf32>,
        %get3A_326 = vector.shape_cast %get3A_325 : vector<1x16xf32> to vector<16xf32>
        %add3A_327 = arith.addf %get3A_322, %get3A_326 : vector<16xf32>
        %max3A_328 = arith.constant 0.000000e+00 : f32
        %max3A_329 = vector.broadcast %max3A_328 : f32 to vector<16xf32>
        %max3A_330 = arith.maximumf %add3A_327, %max3A_329 : vector<16xf32>
        %swap3A_331 = arith.index_cast %scan3A_304 : i32 to index
        %swap3A_332 = arith.constant 16 : index
        %swap3A_333 = tpu.vector_load %arg14[%swap3A_331, %swap3A_332] {strides = array<i32>} : memref<40x64xf32, #tpu.memory_space<vmem>>, vector<1x16xf32>,
        %swap3A_334 = vector.shape_cast %swap3A_333 : vector<1x16xf32> to vector<16xf32>
        %swap3A_335 = vector.shape_cast %max3A_330 : vector<16xf32> to vector<1x16xf32>
        tpu.vector_store %arg14[%swap3A_331, %swap3A_332], %swap3A_335 {strides = array<i32>} : memref<40x64xf32, #tpu.memory_space<vmem>>, vector<1x16xf32>,
        %get3A_336 = arith.index_cast %scan3A_304 : i32 to index
        %get3A_337 = arith.constant 32 : index
        %get3A_338 = tpu.vector_load %arg9[%get3A_336, %get3A_337] {strides = array<i32>} : memref<40x128xf32, #tpu.memory_space<vmem>>, vector<1x16xf32>,
        %get3A_339 = vector.shape_cast %get3A_338 : vector<1x16xf32> to vector<16xf32>
        %get3A_340 = arith.index_cast %scan3A_304 : i32 to index
        %get3A_341 = arith.constant 96 : index
        %get3A_342 = tpu.vector_load %arg10[%get3A_340, %get3A_341] {strides = array<i32>} : memref<40x128xf32, #tpu.memory_space<vmem>>, vector<1x16xf32>,
        %get3A_343 = vector.shape_cast %get3A_342 : vector<1x16xf32> to vector<16xf32>
        %add3A_344 = arith.addf %get3A_339, %get3A_343 : vector<16xf32>
        %max3A_345 = arith.constant 0.000000e+00 : f32
        %max3A_346 = vector.broadcast %max3A_345 : f32 to vector<16xf32>
        %max3A_347 = arith.maximumf %add3A_344, %max3A_346 : vector<16xf32>
        %swap3A_348 = arith.index_cast %scan3A_304 : i32 to index
        %swap3A_349 = arith.constant 32 : index
        %swap3A_350 = tpu.vector_load %arg14[%swap3A_348, %swap3A_349] {strides = array<i32>} : memref<40x64xf32, #tpu.memory_space<vmem>>, vector<1x16xf32>,
        %swap3A_351 = vector.shape_cast %swap3A_350 : vector<1x16xf32> to vector<16xf32>
        %swap3A_352 = vector.shape_cast %max3A_347 : vector<16xf32> to vector<1x16xf32>
        tpu.vector_store %arg14[%swap3A_348, %swap3A_349], %swap3A_352 {strides = array<i32>} : memref<40x64xf32, #tpu.memory_space<vmem>>, vector<1x16xf32>,
        %get3A_353 = arith.index_cast %scan3A_304 : i32 to index
        %get3A_354 = arith.constant 48 : index
        %get3A_355 = tpu.vector_load %arg9[%get3A_353, %get3A_354] {strides = array<i32>} : memref<40x128xf32, #tpu.memory_space<vmem>>, vector<1x16xf32>,
        %get3A_356 = vector.shape_cast %get3A_355 : vector<1x16xf32> to vector<16xf32>
        %get3A_357 = arith.index_cast %scan3A_304 : i32 to index
        %get3A_358 = arith.constant 112 : index
        %get3A_359 = tpu.vector_load %arg10[%get3A_357, %get3A_358] {strides = array<i32>} : memref<40x128xf32, #tpu.memory_space<vmem>>, vector<1x16xf32>,
        %get3A_360 = vector.shape_cast %get3A_359 : vector<1x16xf32> to vector<16xf32>
        %add3A_361 = arith.addf %get3A_356, %get3A_360 : vector<16xf32>
        %max3A_362 = arith.constant 0.000000e+00 : f32
        %max3A_363 = vector.broadcast %max3A_362 : f32 to vector<16xf32>
        %max3A_364 = arith.maximumf %add3A_361, %max3A_363 : vector<16xf32>
        %swap3A_365 = arith.index_cast %scan3A_304 : i32 to index
        %swap3A_366 = arith.constant 48 : index
        %swap3A_367 = tpu.vector_load %arg14[%swap3A_365, %swap3A_366] {strides = array<i32>} : memref<40x64xf32, #tpu.memory_space<vmem>>, vector<1x16xf32>,
        %swap3A_368 = vector.shape_cast %swap3A_367 : vector<1x16xf32> to vector<16xf32>
        %swap3A_369 = vector.shape_cast %max3A_364 : vector<16xf32> to vector<1x16xf32>
        tpu.vector_store %arg14[%swap3A_365, %swap3A_366], %swap3A_369 {strides = array<i32>} : memref<40x64xf32, #tpu.memory_space<vmem>>, vector<1x16xf32>,
        %scan3A_370 = arith.constant 1 : i32
        %scan3A_371 = arith.addi %scan3A_304, %scan3A_370 : i32
        %get3A_372 = arith.index_cast %scan3A_371 : i32 to index
        %get3A_373 = arith.constant 0 : index
        %get3A_374 = tpu.vector_load %arg9[%get3A_372, %get3A_373] {strides = array<i32>} : memref<40x128xf32, #tpu.memory_space<vmem>>, vector<1x16xf32>,
        %get3A_375 = vector.shape_cast %get3A_374 : vector<1x16xf32> to vector<16xf32>
        %get3A_376 = arith.index_cast %scan3A_371 : i32 to index
        %get3A_377 = arith.constant 64 : index
        %get3A_378 = tpu.vector_load %arg10[%get3A_376, %get3A_377] {strides = array<i32>} : memref<40x128xf32, #tpu.memory_space<vmem>>, vector<1x16xf32>,
        %get3A_379 = vector.shape_cast %get3A_378 : vector<1x16xf32> to vector<16xf32>
        %add3A_380 = arith.addf %get3A_375, %get3A_379 : vector<16xf32>
        %max3A_381 = arith.constant 0.000000e+00 : f32
        %max3A_382 = vector.broadcast %max3A_381 : f32 to vector<16xf32>
        %max3A_383 = arith.maximumf %add3A_380, %max3A_382 : vector<16xf32>
        %swap3A_384 = arith.index_cast %scan3A_371 : i32 to index
        %swap3A_385 = arith.constant 0 : index
        %swap3A_386 = tpu.vector_load %arg14[%swap3A_384, %swap3A_385] {strides = array<i32>} : memref<40x64xf32, #tpu.memory_space<vmem>>, vector<1x16xf32>,
        %swap3A_387 = vector.shape_cast %swap3A_386 : vector<1x16xf32> to vector<16xf32>
        %swap3A_388 = vector.shape_cast %max3A_383 : vector<16xf32> to vector<1x16xf32>
        tpu.vector_store %arg14[%swap3A_384, %swap3A_385], %swap3A_388 {strides = array<i32>} : memref<40x64xf32, #tpu.memory_space<vmem>>, vector<1x16xf32>,
        %get3A_389 = arith.index_cast %scan3A_371 : i32 to index
        %get3A_390 = arith.constant 16 : index
        %get3A_391 = tpu.vector_load %arg9[%get3A_389, %get3A_390] {strides = array<i32>} : memref<40x128xf32, #tpu.memory_space<vmem>>, vector<1x16xf32>,
        %get3A_392 = vector.shape_cast %get3A_391 : vector<1x16xf32> to vector<16xf32>
        %get3A_393 = arith.index_cast %scan3A_371 : i32 to index
        %get3A_394 = arith.constant 80 : index
        %get3A_395 = tpu.vector_load %arg10[%get3A_393, %get3A_394] {strides = array<i32>} : memref<40x128xf32, #tpu.memory_space<vmem>>, vector<1x16xf32>,
        %get3A_396 = vector.shape_cast %get3A_395 : vector<1x16xf32> to vector<16xf32>
        %add3A_397 = arith.addf %get3A_392, %get3A_396 : vector<16xf32>
        %max3A_398 = arith.constant 0.000000e+00 : f32
        %max3A_399 = vector.broadcast %max3A_398 : f32 to vector<16xf32>
        %max3A_400 = arith.maximumf %add3A_397, %max3A_399 : vector<16xf32>
        %swap3A_401 = arith.index_cast %scan3A_371 : i32 to index
        %swap3A_402 = arith.constant 16 : index
        %swap3A_403 = tpu.vector_load %arg14[%swap3A_401, %swap3A_402] {strides = array<i32>} : memref<40x64xf32, #tpu.memory_space<vmem>>, vector<1x16xf32>,
        %swap3A_404 = vector.shape_cast %swap3A_403 : vector<1x16xf32> to vector<16xf32>
        %swap3A_405 = vector.shape_cast %max3A_400 : vector<16xf32> to vector<1x16xf32>
        tpu.vector_store %arg14[%swap3A_401, %swap3A_402], %swap3A_405 {strides = array<i32>} : memref<40x64xf32, #tpu.memory_space<vmem>>, vector<1x16xf32>,
        %get3A_406 = arith.index_cast %scan3A_371 : i32 to index
        %get3A_407 = arith.constant 32 : index
        %get3A_408 = tpu.vector_load %arg9[%get3A_406, %get3A_407] {strides = array<i32>} : memref<40x128xf32, #tpu.memory_space<vmem>>, vector<1x16xf32>,
        %get3A_409 = vector.shape_cast %get3A_408 : vector<1x16xf32> to vector<16xf32>
        %get3A_410 = arith.index_cast %scan3A_371 : i32 to index
        %get3A_411 = arith.constant 96 : index
        %get3A_412 = tpu.vector_load %arg10[%get3A_410, %get3A_411] {strides = array<i32>} : memref<40x128xf32, #tpu.memory_space<vmem>>, vector<1x16xf32>,
        %get3A_413 = vector.shape_cast %get3A_412 : vector<1x16xf32> to vector<16xf32>
        %add3A_414 = arith.addf %get3A_409, %get3A_413 : vector<16xf32>
        %max3A_415 = arith.constant 0.000000e+00 : f32
        %max3A_416 = vector.broadcast %max3A_415 : f32 to vector<16xf32>
        %max3A_417 = arith.maximumf %add3A_414, %max3A_416 : vector<16xf32>
        %swap3A_418 = arith.index_cast %scan3A_371 : i32 to index
        %swap3A_419 = arith.constant 32 : index
        %swap3A_420 = tpu.vector_load %arg14[%swap3A_418, %swap3A_419] {strides = array<i32>} : memref<40x64xf32, #tpu.memory_space<vmem>>, vector<1x16xf32>,
        %swap3A_421 = vector.shape_cast %swap3A_420 : vector<1x16xf32> to vector<16xf32>
        %swap3A_422 = vector.shape_cast %max3A_417 : vector<16xf32> to vector<1x16xf32>
        tpu.vector_store %arg14[%swap3A_418, %swap3A_419], %swap3A_422 {strides = array<i32>} : memref<40x64xf32, #tpu.memory_space<vmem>>, vector<1x16xf32>,
        %get3A_423 = arith.index_cast %scan3A_371 : i32 to index
        %get3A_424 = arith.constant 48 : index
        %get3A_425 = tpu.vector_load %arg9[%get3A_423, %get3A_424] {strides = array<i32>} : memref<40x128xf32, #tpu.memory_space<vmem>>, vector<1x16xf32>,
        %get3A_426 = vector.shape_cast %get3A_425 : vector<1x16xf32> to vector<16xf32>
        %get3A_427 = arith.index_cast %scan3A_371 : i32 to index
        %get3A_428 = arith.constant 112 : index
        %get3A_429 = tpu.vector_load %arg10[%get3A_427, %get3A_428] {strides = array<i32>} : memref<40x128xf32, #tpu.memory_space<vmem>>, vector<1x16xf32>,
        %get3A_430 = vector.shape_cast %get3A_429 : vector<1x16xf32> to vector<16xf32>
        %add3A_431 = arith.addf %get3A_426, %get3A_430 : vector<16xf32>
        %max3A_432 = arith.constant 0.000000e+00 : f32
        %max3A_433 = vector.broadcast %max3A_432 : f32 to vector<16xf32>
        %max3A_434 = arith.maximumf %add3A_431, %max3A_433 : vector<16xf32>
        %swap3A_435 = arith.index_cast %scan3A_371 : i32 to index
        %swap3A_436 = arith.constant 48 : index
        %swap3A_437 = tpu.vector_load %arg14[%swap3A_435, %swap3A_436] {strides = array<i32>} : memref<40x64xf32, #tpu.memory_space<vmem>>, vector<1x16xf32>,
        %swap3A_438 = vector.shape_cast %swap3A_437 : vector<1x16xf32> to vector<16xf32>
        %swap3A_439 = vector.shape_cast %max3A_434 : vector<16xf32> to vector<1x16xf32>
        tpu.vector_store %arg14[%swap3A_435, %swap3A_436], %swap3A_439 {strides = array<i32>} : memref<40x64xf32, #tpu.memory_space<vmem>>, vector<1x16xf32>,
        %scan3A_440 = arith.constant 2 : i32
        %scan3A_441 = arith.addi %scan3A_304, %scan3A_440 : i32
        %get3A_442 = arith.index_cast %scan3A_441 : i32 to index
        %get3A_443 = arith.constant 0 : index
        %get3A_444 = tpu.vector_load %arg9[%get3A_442, %get3A_443] {strides = array<i32>} : memref<40x128xf32, #tpu.memory_space<vmem>>, vector<1x16xf32>,
        %get3A_445 = vector.shape_cast %get3A_444 : vector<1x16xf32> to vector<16xf32>
        %get3A_446 = arith.index_cast %scan3A_441 : i32 to index
        %get3A_447 = arith.constant 64 : index
        %get3A_448 = tpu.vector_load %arg10[%get3A_446, %get3A_447] {strides = array<i32>} : memref<40x128xf32, #tpu.memory_space<vmem>>, vector<1x16xf32>,
        %get3A_449 = vector.shape_cast %get3A_448 : vector<1x16xf32> to vector<16xf32>
        %add3A_450 = arith.addf %get3A_445, %get3A_449 : vector<16xf32>
        %max3A_451 = arith.constant 0.000000e+00 : f32
        %max3A_452 = vector.broadcast %max3A_451 : f32 to vector<16xf32>
        %max3A_453 = arith.maximumf %add3A_450, %max3A_452 : vector<16xf32>
        %swap3A_454 = arith.index_cast %scan3A_441 : i32 to index
        %swap3A_455 = arith.constant 0 : index
        %swap3A_456 = tpu.vector_load %arg14[%swap3A_454, %swap3A_455] {strides = array<i32>} : memref<40x64xf32, #tpu.memory_space<vmem>>, vector<1x16xf32>,
        %swap3A_457 = vector.shape_cast %swap3A_456 : vector<1x16xf32> to vector<16xf32>
        %swap3A_458 = vector.shape_cast %max3A_453 : vector<16xf32> to vector<1x16xf32>
        tpu.vector_store %arg14[%swap3A_454, %swap3A_455], %swap3A_458 {strides = array<i32>} : memref<40x64xf32, #tpu.memory_space<vmem>>, vector<1x16xf32>,
        %get3A_459 = arith.index_cast %scan3A_441 : i32 to index
        %get3A_460 = arith.constant 16 : index
        %get3A_461 = tpu.vector_load %arg9[%get3A_459, %get3A_460] {strides = array<i32>} : memref<40x128xf32, #tpu.memory_space<vmem>>, vector<1x16xf32>,
        %get3A_462 = vector.shape_cast %get3A_461 : vector<1x16xf32> to vector<16xf32>
        %get3A_463 = arith.index_cast %scan3A_441 : i32 to index
        %get3A_464 = arith.constant 80 : index
        %get3A_465 = tpu.vector_load %arg10[%get3A_463, %get3A_464] {strides = array<i32>} : memref<40x128xf32, #tpu.memory_space<vmem>>, vector<1x16xf32>,
        %get3A_466 = vector.shape_cast %get3A_465 : vector<1x16xf32> to vector<16xf32>
        %add3A_467 = arith.addf %get3A_462, %get3A_466 : vector<16xf32>
        %max3A_468 = arith.constant 0.000000e+00 : f32
        %max3A_469 = vector.broadcast %max3A_468 : f32 to vector<16xf32>
        %max3A_470 = arith.maximumf %add3A_467, %max3A_469 : vector<16xf32>
        %swap3A_471 = arith.index_cast %scan3A_441 : i32 to index
        %swap3A_472 = arith.constant 16 : index
        %swap3A_473 = tpu.vector_load %arg14[%swap3A_471, %swap3A_472] {strides = array<i32>} : memref<40x64xf32, #tpu.memory_space<vmem>>, vector<1x16xf32>,
        %swap3A_474 = vector.shape_cast %swap3A_473 : vector<1x16xf32> to vector<16xf32>
        %swap3A_475 = vector.shape_cast %max3A_470 : vector<16xf32> to vector<1x16xf32>
        tpu.vector_store %arg14[%swap3A_471, %swap3A_472], %swap3A_475 {strides = array<i32>} : memref<40x64xf32, #tpu.memory_space<vmem>>, vector<1x16xf32>,
        %get3A_476 = arith.index_cast %scan3A_441 : i32 to index
        %get3A_477 = arith.constant 32 : index
        %get3A_478 = tpu.vector_load %arg9[%get3A_476, %get3A_477] {strides = array<i32>} : memref<40x128xf32, #tpu.memory_space<vmem>>, vector<1x16xf32>,
        %get3A_479 = vector.shape_cast %get3A_478 : vector<1x16xf32> to vector<16xf32>
        %get3A_480 = arith.index_cast %scan3A_441 : i32 to index
        %get3A_481 = arith.constant 96 : index
        %get3A_482 = tpu.vector_load %arg10[%get3A_480, %get3A_481] {strides = array<i32>} : memref<40x128xf32, #tpu.memory_space<vmem>>, vector<1x16xf32>,
        %get3A_483 = vector.shape_cast %get3A_482 : vector<1x16xf32> to vector<16xf32>
        %add3A_484 = arith.addf %get3A_479, %get3A_483 : vector<16xf32>
        %max3A_485 = arith.constant 0.000000e+00 : f32
        %max3A_486 = vector.broadcast %max3A_485 : f32 to vector<16xf32>
        %max3A_487 = arith.maximumf %add3A_484, %max3A_486 : vector<16xf32>
        %swap3A_488 = arith.index_cast %scan3A_441 : i32 to index
        %swap3A_489 = arith.constant 32 : index
        %swap3A_490 = tpu.vector_load %arg14[%swap3A_488, %swap3A_489] {strides = array<i32>} : memref<40x64xf32, #tpu.memory_space<vmem>>, vector<1x16xf32>,
        %swap3A_491 = vector.shape_cast %swap3A_490 : vector<1x16xf32> to vector<16xf32>
        %swap3A_492 = vector.shape_cast %max3A_487 : vector<16xf32> to vector<1x16xf32>
        tpu.vector_store %arg14[%swap3A_488, %swap3A_489], %swap3A_492 {strides = array<i32>} : memref<40x64xf32, #tpu.memory_space<vmem>>, vector<1x16xf32>,
        %get3A_493 = arith.index_cast %scan3A_441 : i32 to index
        %get3A_494 = arith.constant 48 : index
        %get3A_495 = tpu.vector_load %arg9[%get3A_493, %get3A_494] {strides = array<i32>} : memref<40x128xf32, #tpu.memory_space<vmem>>, vector<1x16xf32>,
        %get3A_496 = vector.shape_cast %get3A_495 : vector<1x16xf32> to vector<16xf32>
        %get3A_497 = arith.index_cast %scan3A_441 : i32 to index
        %get3A_498 = arith.constant 112 : index
        %get3A_499 = tpu.vector_load %arg10[%get3A_497, %get3A_498] {strides = array<i32>} : memref<40x128xf32, #tpu.memory_space<vmem>>, vector<1x16xf32>,
        %get3A_500 = vector.shape_cast %get3A_499 : vector<1x16xf32> to vector<16xf32>
        %add3A_501 = arith.addf %get3A_496, %get3A_500 : vector<16xf32>
        %max3A_502 = arith.constant 0.000000e+00 : f32
        %max3A_503 = vector.broadcast %max3A_502 : f32 to vector<16xf32>
        %max3A_504 = arith.maximumf %add3A_501, %max3A_503 : vector<16xf32>
        %swap3A_505 = arith.index_cast %scan3A_441 : i32 to index
        %swap3A_506 = arith.constant 48 : index
        %swap3A_507 = tpu.vector_load %arg14[%swap3A_505, %swap3A_506] {strides = array<i32>} : memref<40x64xf32, #tpu.memory_space<vmem>>, vector<1x16xf32>,
        %swap3A_508 = vector.shape_cast %swap3A_507 : vector<1x16xf32> to vector<16xf32>
        %swap3A_509 = vector.shape_cast %max3A_504 : vector<16xf32> to vector<1x16xf32>
        tpu.vector_store %arg14[%swap3A_505, %swap3A_506], %swap3A_509 {strides = array<i32>} : memref<40x64xf32, #tpu.memory_space<vmem>>, vector<1x16xf32>,
        %scan3A_510 = arith.constant 3 : i32
        %scan3A_511 = arith.addi %scan3A_304, %scan3A_510 : i32
        %get3A_512 = arith.index_cast %scan3A_511 : i32 to index
        %get3A_513 = arith.constant 0 : index
        %get3A_514 = tpu.vector_load %arg9[%get3A_512, %get3A_513] {strides = array<i32>} : memref<40x128xf32, #tpu.memory_space<vmem>>, vector<1x16xf32>,
        %get3A_515 = vector.shape_cast %get3A_514 : vector<1x16xf32> to vector<16xf32>
        %get3A_516 = arith.index_cast %scan3A_511 : i32 to index
        %get3A_517 = arith.constant 64 : index
        %get3A_518 = tpu.vector_load %arg10[%get3A_516, %get3A_517] {strides = array<i32>} : memref<40x128xf32, #tpu.memory_space<vmem>>, vector<1x16xf32>,
        %get3A_519 = vector.shape_cast %get3A_518 : vector<1x16xf32> to vector<16xf32>
        %add3A_520 = arith.addf %get3A_515, %get3A_519 : vector<16xf32>
        %max3A_521 = arith.constant 0.000000e+00 : f32
        %max3A_522 = vector.broadcast %max3A_521 : f32 to vector<16xf32>
        %max3A_523 = arith.maximumf %add3A_520, %max3A_522 : vector<16xf32>
        %swap3A_524 = arith.index_cast %scan3A_511 : i32 to index
        %swap3A_525 = arith.constant 0 : index
        %swap3A_526 = tpu.vector_load %arg14[%swap3A_524, %swap3A_525] {strides = array<i32>} : memref<40x64xf32, #tpu.memory_space<vmem>>, vector<1x16xf32>,
        %swap3A_527 = vector.shape_cast %swap3A_526 : vector<1x16xf32> to vector<16xf32>
        %swap3A_528 = vector.shape_cast %max3A_523 : vector<16xf32> to vector<1x16xf32>
        tpu.vector_store %arg14[%swap3A_524, %swap3A_525], %swap3A_528 {strides = array<i32>} : memref<40x64xf32, #tpu.memory_space<vmem>>, vector<1x16xf32>,
        %get3A_529 = arith.index_cast %scan3A_511 : i32 to index
        %get3A_530 = arith.constant 16 : index
        %get3A_531 = tpu.vector_load %arg9[%get3A_529, %get3A_530] {strides = array<i32>} : memref<40x128xf32, #tpu.memory_space<vmem>>, vector<1x16xf32>,
        %get3A_532 = vector.shape_cast %get3A_531 : vector<1x16xf32> to vector<16xf32>
        %get3A_533 = arith.index_cast %scan3A_511 : i32 to index
        %get3A_534 = arith.constant 80 : index
        %get3A_535 = tpu.vector_load %arg10[%get3A_533, %get3A_534] {strides = array<i32>} : memref<40x128xf32, #tpu.memory_space<vmem>>, vector<1x16xf32>,
        %get3A_536 = vector.shape_cast %get3A_535 : vector<1x16xf32> to vector<16xf32>
        %add3A_537 = arith.addf %get3A_532, %get3A_536 : vector<16xf32>
        %max3A_538 = arith.constant 0.000000e+00 : f32
        %max3A_539 = vector.broadcast %max3A_538 : f32 to vector<16xf32>
        %max3A_540 = arith.maximumf %add3A_537, %max3A_539 : vector<16xf32>
        %swap3A_541 = arith.index_cast %scan3A_511 : i32 to index
        %swap3A_542 = arith.constant 16 : index
        %swap3A_543 = tpu.vector_load %arg14[%swap3A_541, %swap3A_542] {strides = array<i32>} : memref<40x64xf32, #tpu.memory_space<vmem>>, vector<1x16xf32>,
        %swap3A_544 = vector.shape_cast %swap3A_543 : vector<1x16xf32> to vector<16xf32>
        %swap3A_545 = vector.shape_cast %max3A_540 : vector<16xf32> to vector<1x16xf32>
        tpu.vector_store %arg14[%swap3A_541, %swap3A_542], %swap3A_545 {strides = array<i32>} : memref<40x64xf32, #tpu.memory_space<vmem>>, vector<1x16xf32>,
        %get3A_546 = arith.index_cast %scan3A_511 : i32 to index
        %get3A_547 = arith.constant 32 : index
        %get3A_548 = tpu.vector_load %arg9[%get3A_546, %get3A_547] {strides = array<i32>} : memref<40x128xf32, #tpu.memory_space<vmem>>, vector<1x16xf32>,
        %get3A_549 = vector.shape_cast %get3A_548 : vector<1x16xf32> to vector<16xf32>
        %get3A_550 = arith.index_cast %scan3A_511 : i32 to index
        %get3A_551 = arith.constant 96 : index
        %get3A_552 = tpu.vector_load %arg10[%get3A_550, %get3A_551] {strides = array<i32>} : memref<40x128xf32, #tpu.memory_space<vmem>>, vector<1x16xf32>,
        %get3A_553 = vector.shape_cast %get3A_552 : vector<1x16xf32> to vector<16xf32>
        %add3A_554 = arith.addf %get3A_549, %get3A_553 : vector<16xf32>
        %max3A_555 = arith.constant 0.000000e+00 : f32
        %max3A_556 = vector.broadcast %max3A_555 : f32 to vector<16xf32>
        %max3A_557 = arith.maximumf %add3A_554, %max3A_556 : vector<16xf32>
        %swap3A_558 = arith.index_cast %scan3A_511 : i32 to index
        %swap3A_559 = arith.constant 32 : index
        %swap3A_560 = tpu.vector_load %arg14[%swap3A_558, %swap3A_559] {strides = array<i32>} : memref<40x64xf32, #tpu.memory_space<vmem>>, vector<1x16xf32>,
        %swap3A_561 = vector.shape_cast %swap3A_560 : vector<1x16xf32> to vector<16xf32>
        %swap3A_562 = vector.shape_cast %max3A_557 : vector<16xf32> to vector<1x16xf32>
        tpu.vector_store %arg14[%swap3A_558, %swap3A_559], %swap3A_562 {strides = array<i32>} : memref<40x64xf32, #tpu.memory_space<vmem>>, vector<1x16xf32>,
        %get3A_563 = arith.index_cast %scan3A_511 : i32 to index
        %get3A_564 = arith.constant 48 : index
        %get3A_565 = tpu.vector_load %arg9[%get3A_563, %get3A_564] {strides = array<i32>} : memref<40x128xf32, #tpu.memory_space<vmem>>, vector<1x16xf32>,
        %get3A_566 = vector.shape_cast %get3A_565 : vector<1x16xf32> to vector<16xf32>
        %get3A_567 = arith.index_cast %scan3A_511 : i32 to index
        %get3A_568 = arith.constant 112 : index
        %get3A_569 = tpu.vector_load %arg10[%get3A_567, %get3A_568] {strides = array<i32>} : memref<40x128xf32, #tpu.memory_space<vmem>>, vector<1x16xf32>,
        %get3A_570 = vector.shape_cast %get3A_569 : vector<1x16xf32> to vector<16xf32>
        %add3A_571 = arith.addf %get3A_566, %get3A_570 : vector<16xf32>
        %max3A_572 = arith.constant 0.000000e+00 : f32
        %max3A_573 = vector.broadcast %max3A_572 : f32 to vector<16xf32>
        %max3A_574 = arith.maximumf %add3A_571, %max3A_573 : vector<16xf32>
        %swap3A_575 = arith.index_cast %scan3A_511 : i32 to index
        %swap3A_576 = arith.constant 48 : index
        %swap3A_577 = tpu.vector_load %arg14[%swap3A_575, %swap3A_576] {strides = array<i32>} : memref<40x64xf32, #tpu.memory_space<vmem>>, vector<1x16xf32>,
        %swap3A_578 = vector.shape_cast %swap3A_577 : vector<1x16xf32> to vector<16xf32>
        %swap3A_579 = vector.shape_cast %max3A_574 : vector<16xf32> to vector<1x16xf32>
        tpu.vector_store %arg14[%swap3A_575, %swap3A_576], %swap3A_579 {strides = array<i32>} : memref<40x64xf32, #tpu.memory_space<vmem>>, vector<1x16xf32>,
      }
      %scan3A_236 = arith.constant 40 : i32
      %add3A_237 = arith.constant 1 : i32
      %add3A_238 = arith.addi %mul3A_132, %add3A_237 : i32
      %mul3A_239 = arith.constant 40 : i32
      %mul3A_240 = arith.muli %add3A_238, %mul3A_239 : i32
      %add3A_241 = arith.addi %mul3A_6, %mul3A_240 : i32
      %dma_start3A_242 = arith.constant 0 : i32
      %dma_start3A_243 = tpu.memref_slice %arg4[%add3A_241, %dma_start3A_242] : memref<160000x64xf32, #tpu.memory_space<hbm>> -> memref<40x64xf32, #tpu.memory_space<hbm>>
      %dma_start3A_244 = arith.constant 0 : i32
      %dma_start3A_245 = tpu.memref_slice %arg4[%add3A_241, %dma_start3A_244] : memref<160000x64xf32, #tpu.memory_space<hbm>> -> memref<40x64xf32, #tpu.memory_space<hbm>>
      tpu.enqueue_dma source(%arg14 : memref<40x64xf32, #tpu.memory_space<vmem>>) target(%dma_start3A_245 : memref<40x64xf32, #tpu.memory_space<hbm>>) target_semaphore(%arg20 : memref<!tpu.dma_semaphore, #tpu.memory_space<semaphore_mem>>)
      %add3A_246 = arith.constant 2 : i32
      %add3A_247 = arith.addi %mul3A_132, %add3A_246 : i32
      %add3A_248 = arith.constant 2 : i32
      %add3A_249 = arith.addi %add3A_247, %add3A_248 : i32
      %mul3A_250 = arith.constant 40 : i32
      %mul3A_251 = arith.muli %add3A_249, %mul3A_250 : i32
      %dma_start3A_252 = arith.constant 0 : i32
      %dma_start3A_253 = arith.constant 0 : i32
      %dma_start3A_254 = tpu.memref_slice %arg9[%dma_start3A_252, %dma_start3A_253] : memref<40x128xf32, #tpu.memory_space<vmem>> -> memref<40x128xf32, #tpu.memory_space<vmem>>
      %dma_start3A_255 = tpu.memref_slice %arg5[%mul3A_251] : memref<5000xi32, #tpu.memory_space<vmem>> -> memref<40xi32, #tpu.memory_space<vmem>>
      %dma_start3A_256 = arith.constant 0 : i32
      %dma_start3A_257 = arith.constant 0 : i32
      %dma_start3A_258 = tpu.memref_slice %arg2[%dma_start3A_256, %dma_start3A_257] : memref<10000x128xf32, #tpu.memory_space<hbm>> -> memref<10000x128xf32, #tpu.memory_space<hbm>>
      tpu.enqueue_indirect_dma source(%dma_start3A_258 : memref<10000x128xf32, #tpu.memory_space<hbm>>) target(%dma_start3A_254 : memref<40x128xf32, #tpu.memory_space<vmem>>) offsets(%dma_start3A_255 : memref<40xi32, #tpu.memory_space<vmem>>) semaphore(%arg17 : memref<!tpu.dma_semaphore, #tpu.memory_space<semaphore_mem>>)
      %mul3A_259 = arith.constant 40 : i32
      %mul3A_260 = arith.muli %add3A_249, %mul3A_259 : i32
      %dma_start3A_261 = arith.constant 0 : i32
      %dma_start3A_262 = arith.constant 0 : i32
      %dma_start3A_263 = tpu.memref_slice %arg10[%dma_start3A_261, %dma_start3A_262] : memref<40x128xf32, #tpu.memory_space<vmem>> -> memref<40x128xf32, #tpu.memory_space<vmem>>
      %dma_start3A_264 = tpu.memref_slice %arg6[%mul3A_260] : memref<5000xi32, #tpu.memory_space<vmem>> -> memref<40xi32, #tpu.memory_space<vmem>>
      %dma_start3A_265 = arith.constant 0 : i32
      %dma_start3A_266 = arith.constant 0 : i32
      %dma_start3A_267 = tpu.memref_slice %arg2[%dma_start3A_265, %dma_start3A_266] : memref<10000x128xf32, #tpu.memory_space<hbm>> -> memref<10000x128xf32, #tpu.memory_space<hbm>>
      tpu.enqueue_indirect_dma source(%dma_start3A_267 : memref<10000x128xf32, #tpu.memory_space<hbm>>) target(%dma_start3A_263 : memref<40x128xf32, #tpu.memory_space<vmem>>) offsets(%dma_start3A_264 : memref<40xi32, #tpu.memory_space<vmem>>) semaphore(%arg17 : memref<!tpu.dma_semaphore, #tpu.memory_space<semaphore_mem>>)
      %dma_wait3A_268 = arith.constant 0 : i32
      %dma_wait3A_269 = arith.constant 0 : i32
      %dma_wait3A_270 = tpu.memref_slice %arg11[%dma_wait3A_268, %dma_wait3A_269] : memref<40x128xf32, #tpu.memory_space<vmem>> -> memref<40x128xf32, #tpu.memory_space<vmem>>
      %dma_wait3A_271 = arith.constant 0 : i32
      %dma_wait3A_272 = tpu.memref_slice %arg5[%dma_wait3A_271] : memref<5000xi32, #tpu.memory_space<vmem>> -> memref<40xi32, #tpu.memory_space<vmem>>
      %dma_wait3A_273 = arith.constant 0 : i32
      %dma_wait3A_274 = arith.constant 0 : i32
      %dma_wait3A_275 = tpu.memref_slice %arg2[%dma_wait3A_273, %dma_wait3A_274] : memref<10000x128xf32, #tpu.memory_space<hbm>> -> memref<10000x128xf32, #tpu.memory_space<hbm>>
      tpu.wait_indirect_dma semaphore(%arg18 : memref<!tpu.dma_semaphore, #tpu.memory_space<semaphore_mem>>) src(%dma_wait3A_275 : memref<10000x128xf32, #tpu.memory_space<hbm>>) dst(%dma_wait3A_270 : memref<40x128xf32, #tpu.memory_space<vmem>>)
      %dma_wait3A_276 = arith.constant 0 : i32
      %dma_wait3A_277 = arith.constant 0 : i32
      %dma_wait3A_278 = tpu.memref_slice %arg12[%dma_wait3A_276, %dma_wait3A_277] : memref<40x128xf32, #tpu.memory_space<vmem>> -> memref<40x128xf32, #tpu.memory_space<vmem>>
      %dma_wait3A_279 = arith.constant 0 : i32
      %dma_wait3A_280 = tpu.memref_slice %arg6[%dma_wait3A_279] : memref<5000xi32, #tpu.memory_space<vmem>> -> memref<40xi32, #tpu.memory_space<vmem>>
      %dma_wait3A_281 = arith.constant 0 : i32
      %dma_wait3A_282 = arith.constant 0 : i32
      %dma_wait3A_283 = tpu.memref_slice %arg2[%dma_wait3A_281, %dma_wait3A_282] : memref<10000x128xf32, #tpu.memory_space<hbm>> -> memref<10000x128xf32, #tpu.memory_space<hbm>>
      tpu.wait_indirect_dma semaphore(%arg18 : memref<!tpu.dma_semaphore, #tpu.memory_space<semaphore_mem>>) src(%dma_wait3A_283 : memref<10000x128xf32, #tpu.memory_space<hbm>>) dst(%dma_wait3A_278 : memref<40x128xf32, #tpu.memory_space<vmem>>)
      %gt3A_284 = arith.constant 0 : i32
      %gt3A_285 = arith.cmpi sgt, %scan3A_130, %gt3A_284 : i32
      %convert_element_type3A_286 = arith.extui %gt3A_285 : i1 to i32
      %cond3A_287 = arith.constant 0 : i32
      %cond3A_288 = arith.cmpi ne, %convert_element_type3A_286, %cond3A_287 : i32
      scf.if %cond3A_288 {
        %dma_wait3A_304 = arith.constant 0 : i32
        %dma_wait3A_305 = arith.constant 0 : i32
        %dma_wait3A_306 = tpu.memref_slice %arg4[%dma_wait3A_304, %dma_wait3A_305] : memref<160000x64xf32, #tpu.memory_space<hbm>> -> memref<40x64xf32, #tpu.memory_space<hbm>>
        %dma_wait3A_307 = arith.constant 0 : i32
        %dma_wait3A_308 = arith.constant 0 : i32
        %dma_wait3A_309 = tpu.memref_slice %arg4[%dma_wait3A_307, %dma_wait3A_308] : memref<160000x64xf32, #tpu.memory_space<hbm>> -> memref<40x64xf32, #tpu.memory_space<hbm>>
        tpu.wait_dma2 semaphore(%arg21 : memref<!tpu.dma_semaphore, #tpu.memory_space<semaphore_mem>>) src(%arg15 : memref<40x64xf32, #tpu.memory_space<vmem>>) dst(%dma_wait3A_309 : memref<40x64xf32, #tpu.memory_space<hbm>>)
      } else {
      }
      %scan3A_289 = arith.constant 0 : i32
      %scan3A_290 = arith.constant 0 : i32
      %scan3A_291 = arith.constant 40 : i32
      %scan3A_292 = arith.addi %scan3A_290, %scan3A_291 : i32
      %scan3A_293 = arith.constant 4 : i32
      scf.for %scan3A_304 = %scan3A_290 to %scan3A_292 step %scan3A_293  : i32 {
        %get3A = arith.index_cast %scan3A_304 : i32 to index
        %get3A_305 = arith.constant 0 : index
        %get3A_306 = tpu.vector_load %arg11[%get3A, %get3A_305] {strides = array<i32>} : memref<40x128xf32, #tpu.memory_space<vmem>>, vector<1x16xf32>,
        %get3A_307 = vector.shape_cast %get3A_306 : vector<1x16xf32> to vector<16xf32>
        %get3A_308 = arith.index_cast %scan3A_304 : i32 to index
        %get3A_309 = arith.constant 64 : index
        %get3A_310 = tpu.vector_load %arg12[%get3A_308, %get3A_309] {strides = array<i32>} : memref<40x128xf32, #tpu.memory_space<vmem>>, vector<1x16xf32>,
        %get3A_311 = vector.shape_cast %get3A_310 : vector<1x16xf32> to vector<16xf32>
        %add3A_312 = arith.addf %get3A_307, %get3A_311 : vector<16xf32>
        %max3A = arith.constant 0.000000e+00 : f32
        %max3A_313 = vector.broadcast %max3A : f32 to vector<16xf32>
        %max3A_314 = arith.maximumf %add3A_312, %max3A_313 : vector<16xf32>
        %swap3A = arith.index_cast %scan3A_304 : i32 to index
        %swap3A_315 = arith.constant 0 : index
        %swap3A_316 = tpu.vector_load %arg15[%swap3A, %swap3A_315] {strides = array<i32>} : memref<40x64xf32, #tpu.memory_space<vmem>>, vector<1x16xf32>,
        %swap3A_317 = vector.shape_cast %swap3A_316 : vector<1x16xf32> to vector<16xf32>
        %swap3A_318 = vector.shape_cast %max3A_314 : vector<16xf32> to vector<1x16xf32>
        tpu.vector_store %arg15[%swap3A, %swap3A_315], %swap3A_318 {strides = array<i32>} : memref<40x64xf32, #tpu.memory_space<vmem>>, vector<1x16xf32>,
        %get3A_319 = arith.index_cast %scan3A_304 : i32 to index
        %get3A_320 = arith.constant 16 : index
        %get3A_321 = tpu.vector_load %arg11[%get3A_319, %get3A_320] {strides = array<i32>} : memref<40x128xf32, #tpu.memory_space<vmem>>, vector<1x16xf32>,
        %get3A_322 = vector.shape_cast %get3A_321 : vector<1x16xf32> to vector<16xf32>
        %get3A_323 = arith.index_cast %scan3A_304 : i32 to index
        %get3A_324 = arith.constant 80 : index
        %get3A_325 = tpu.vector_load %arg12[%get3A_323, %get3A_324] {strides = array<i32>} : memref<40x128xf32, #tpu.memory_space<vmem>>, vector<1x16xf32>,
        %get3A_326 = vector.shape_cast %get3A_325 : vector<1x16xf32> to vector<16xf32>
        %add3A_327 = arith.addf %get3A_322, %get3A_326 : vector<16xf32>
        %max3A_328 = arith.constant 0.000000e+00 : f32
        %max3A_329 = vector.broadcast %max3A_328 : f32 to vector<16xf32>
        %max3A_330 = arith.maximumf %add3A_327, %max3A_329 : vector<16xf32>
        %swap3A_331 = arith.index_cast %scan3A_304 : i32 to index
        %swap3A_332 = arith.constant 16 : index
        %swap3A_333 = tpu.vector_load %arg15[%swap3A_331, %swap3A_332] {strides = array<i32>} : memref<40x64xf32, #tpu.memory_space<vmem>>, vector<1x16xf32>,
        %swap3A_334 = vector.shape_cast %swap3A_333 : vector<1x16xf32> to vector<16xf32>
        %swap3A_335 = vector.shape_cast %max3A_330 : vector<16xf32> to vector<1x16xf32>
        tpu.vector_store %arg15[%swap3A_331, %swap3A_332], %swap3A_335 {strides = array<i32>} : memref<40x64xf32, #tpu.memory_space<vmem>>, vector<1x16xf32>,
        %get3A_336 = arith.index_cast %scan3A_304 : i32 to index
        %get3A_337 = arith.constant 32 : index
        %get3A_338 = tpu.vector_load %arg11[%get3A_336, %get3A_337] {strides = array<i32>} : memref<40x128xf32, #tpu.memory_space<vmem>>, vector<1x16xf32>,
        %get3A_339 = vector.shape_cast %get3A_338 : vector<1x16xf32> to vector<16xf32>
        %get3A_340 = arith.index_cast %scan3A_304 : i32 to index
        %get3A_341 = arith.constant 96 : index
        %get3A_342 = tpu.vector_load %arg12[%get3A_340, %get3A_341] {strides = array<i32>} : memref<40x128xf32, #tpu.memory_space<vmem>>, vector<1x16xf32>,
        %get3A_343 = vector.shape_cast %get3A_342 : vector<1x16xf32> to vector<16xf32>
        %add3A_344 = arith.addf %get3A_339, %get3A_343 : vector<16xf32>
        %max3A_345 = arith.constant 0.000000e+00 : f32
        %max3A_346 = vector.broadcast %max3A_345 : f32 to vector<16xf32>
        %max3A_347 = arith.maximumf %add3A_344, %max3A_346 : vector<16xf32>
        %swap3A_348 = arith.index_cast %scan3A_304 : i32 to index
        %swap3A_349 = arith.constant 32 : index
        %swap3A_350 = tpu.vector_load %arg15[%swap3A_348, %swap3A_349] {strides = array<i32>} : memref<40x64xf32, #tpu.memory_space<vmem>>, vector<1x16xf32>,
        %swap3A_351 = vector.shape_cast %swap3A_350 : vector<1x16xf32> to vector<16xf32>
        %swap3A_352 = vector.shape_cast %max3A_347 : vector<16xf32> to vector<1x16xf32>
        tpu.vector_store %arg15[%swap3A_348, %swap3A_349], %swap3A_352 {strides = array<i32>} : memref<40x64xf32, #tpu.memory_space<vmem>>, vector<1x16xf32>,
        %get3A_353 = arith.index_cast %scan3A_304 : i32 to index
        %get3A_354 = arith.constant 48 : index
        %get3A_355 = tpu.vector_load %arg11[%get3A_353, %get3A_354] {strides = array<i32>} : memref<40x128xf32, #tpu.memory_space<vmem>>, vector<1x16xf32>,
        %get3A_356 = vector.shape_cast %get3A_355 : vector<1x16xf32> to vector<16xf32>
        %get3A_357 = arith.index_cast %scan3A_304 : i32 to index
        %get3A_358 = arith.constant 112 : index
        %get3A_359 = tpu.vector_load %arg12[%get3A_357, %get3A_358] {strides = array<i32>} : memref<40x128xf32, #tpu.memory_space<vmem>>, vector<1x16xf32>,
        %get3A_360 = vector.shape_cast %get3A_359 : vector<1x16xf32> to vector<16xf32>
        %add3A_361 = arith.addf %get3A_356, %get3A_360 : vector<16xf32>
        %max3A_362 = arith.constant 0.000000e+00 : f32
        %max3A_363 = vector.broadcast %max3A_362 : f32 to vector<16xf32>
        %max3A_364 = arith.maximumf %add3A_361, %max3A_363 : vector<16xf32>
        %swap3A_365 = arith.index_cast %scan3A_304 : i32 to index
        %swap3A_366 = arith.constant 48 : index
        %swap3A_367 = tpu.vector_load %arg15[%swap3A_365, %swap3A_366] {strides = array<i32>} : memref<40x64xf32, #tpu.memory_space<vmem>>, vector<1x16xf32>,
        %swap3A_368 = vector.shape_cast %swap3A_367 : vector<1x16xf32> to vector<16xf32>
        %swap3A_369 = vector.shape_cast %max3A_364 : vector<16xf32> to vector<1x16xf32>
        tpu.vector_store %arg15[%swap3A_365, %swap3A_366], %swap3A_369 {strides = array<i32>} : memref<40x64xf32, #tpu.memory_space<vmem>>, vector<1x16xf32>,
        %scan3A_370 = arith.constant 1 : i32
        %scan3A_371 = arith.addi %scan3A_304, %scan3A_370 : i32
        %get3A_372 = arith.index_cast %scan3A_371 : i32 to index
        %get3A_373 = arith.constant 0 : index
        %get3A_374 = tpu.vector_load %arg11[%get3A_372, %get3A_373] {strides = array<i32>} : memref<40x128xf32, #tpu.memory_space<vmem>>, vector<1x16xf32>,
        %get3A_375 = vector.shape_cast %get3A_374 : vector<1x16xf32> to vector<16xf32>
        %get3A_376 = arith.index_cast %scan3A_371 : i32 to index
        %get3A_377 = arith.constant 64 : index
        %get3A_378 = tpu.vector_load %arg12[%get3A_376, %get3A_377] {strides = array<i32>} : memref<40x128xf32, #tpu.memory_space<vmem>>, vector<1x16xf32>,
        %get3A_379 = vector.shape_cast %get3A_378 : vector<1x16xf32> to vector<16xf32>
        %add3A_380 = arith.addf %get3A_375, %get3A_379 : vector<16xf32>
        %max3A_381 = arith.constant 0.000000e+00 : f32
        %max3A_382 = vector.broadcast %max3A_381 : f32 to vector<16xf32>
        %max3A_383 = arith.maximumf %add3A_380, %max3A_382 : vector<16xf32>
        %swap3A_384 = arith.index_cast %scan3A_371 : i32 to index
        %swap3A_385 = arith.constant 0 : index
        %swap3A_386 = tpu.vector_load %arg15[%swap3A_384, %swap3A_385] {strides = array<i32>} : memref<40x64xf32, #tpu.memory_space<vmem>>, vector<1x16xf32>,
        %swap3A_387 = vector.shape_cast %swap3A_386 : vector<1x16xf32> to vector<16xf32>
        %swap3A_388 = vector.shape_cast %max3A_383 : vector<16xf32> to vector<1x16xf32>
        tpu.vector_store %arg15[%swap3A_384, %swap3A_385], %swap3A_388 {strides = array<i32>} : memref<40x64xf32, #tpu.memory_space<vmem>>, vector<1x16xf32>,
        %get3A_389 = arith.index_cast %scan3A_371 : i32 to index
        %get3A_390 = arith.constant 16 : index
        %get3A_391 = tpu.vector_load %arg11[%get3A_389, %get3A_390] {strides = array<i32>} : memref<40x128xf32, #tpu.memory_space<vmem>>, vector<1x16xf32>,
        %get3A_392 = vector.shape_cast %get3A_391 : vector<1x16xf32> to vector<16xf32>
        %get3A_393 = arith.index_cast %scan3A_371 : i32 to index
        %get3A_394 = arith.constant 80 : index
        %get3A_395 = tpu.vector_load %arg12[%get3A_393, %get3A_394] {strides = array<i32>} : memref<40x128xf32, #tpu.memory_space<vmem>>, vector<1x16xf32>,
        %get3A_396 = vector.shape_cast %get3A_395 : vector<1x16xf32> to vector<16xf32>
        %add3A_397 = arith.addf %get3A_392, %get3A_396 : vector<16xf32>
        %max3A_398 = arith.constant 0.000000e+00 : f32
        %max3A_399 = vector.broadcast %max3A_398 : f32 to vector<16xf32>
        %max3A_400 = arith.maximumf %add3A_397, %max3A_399 : vector<16xf32>
        %swap3A_401 = arith.index_cast %scan3A_371 : i32 to index
        %swap3A_402 = arith.constant 16 : index
        %swap3A_403 = tpu.vector_load %arg15[%swap3A_401, %swap3A_402] {strides = array<i32>} : memref<40x64xf32, #tpu.memory_space<vmem>>, vector<1x16xf32>,
        %swap3A_404 = vector.shape_cast %swap3A_403 : vector<1x16xf32> to vector<16xf32>
        %swap3A_405 = vector.shape_cast %max3A_400 : vector<16xf32> to vector<1x16xf32>
        tpu.vector_store %arg15[%swap3A_401, %swap3A_402], %swap3A_405 {strides = array<i32>} : memref<40x64xf32, #tpu.memory_space<vmem>>, vector<1x16xf32>,
        %get3A_406 = arith.index_cast %scan3A_371 : i32 to index
        %get3A_407 = arith.constant 32 : index
        %get3A_408 = tpu.vector_load %arg11[%get3A_406, %get3A_407] {strides = array<i32>} : memref<40x128xf32, #tpu.memory_space<vmem>>, vector<1x16xf32>,
        %get3A_409 = vector.shape_cast %get3A_408 : vector<1x16xf32> to vector<16xf32>
        %get3A_410 = arith.index_cast %scan3A_371 : i32 to index
        %get3A_411 = arith.constant 96 : index
        %get3A_412 = tpu.vector_load %arg12[%get3A_410, %get3A_411] {strides = array<i32>} : memref<40x128xf32, #tpu.memory_space<vmem>>, vector<1x16xf32>,
        %get3A_413 = vector.shape_cast %get3A_412 : vector<1x16xf32> to vector<16xf32>
        %add3A_414 = arith.addf %get3A_409, %get3A_413 : vector<16xf32>
        %max3A_415 = arith.constant 0.000000e+00 : f32
        %max3A_416 = vector.broadcast %max3A_415 : f32 to vector<16xf32>
        %max3A_417 = arith.maximumf %add3A_414, %max3A_416 : vector<16xf32>
        %swap3A_418 = arith.index_cast %scan3A_371 : i32 to index
        %swap3A_419 = arith.constant 32 : index
        %swap3A_420 = tpu.vector_load %arg15[%swap3A_418, %swap3A_419] {strides = array<i32>} : memref<40x64xf32, #tpu.memory_space<vmem>>, vector<1x16xf32>,
        %swap3A_421 = vector.shape_cast %swap3A_420 : vector<1x16xf32> to vector<16xf32>
        %swap3A_422 = vector.shape_cast %max3A_417 : vector<16xf32> to vector<1x16xf32>
        tpu.vector_store %arg15[%swap3A_418, %swap3A_419], %swap3A_422 {strides = array<i32>} : memref<40x64xf32, #tpu.memory_space<vmem>>, vector<1x16xf32>,
        %get3A_423 = arith.index_cast %scan3A_371 : i32 to index
        %get3A_424 = arith.constant 48 : index
        %get3A_425 = tpu.vector_load %arg11[%get3A_423, %get3A_424] {strides = array<i32>} : memref<40x128xf32, #tpu.memory_space<vmem>>, vector<1x16xf32>,
        %get3A_426 = vector.shape_cast %get3A_425 : vector<1x16xf32> to vector<16xf32>
        %get3A_427 = arith.index_cast %scan3A_371 : i32 to index
        %get3A_428 = arith.constant 112 : index
        %get3A_429 = tpu.vector_load %arg12[%get3A_427, %get3A_428] {strides = array<i32>} : memref<40x128xf32, #tpu.memory_space<vmem>>, vector<1x16xf32>,
        %get3A_430 = vector.shape_cast %get3A_429 : vector<1x16xf32> to vector<16xf32>
        %add3A_431 = arith.addf %get3A_426, %get3A_430 : vector<16xf32>
        %max3A_432 = arith.constant 0.000000e+00 : f32
        %max3A_433 = vector.broadcast %max3A_432 : f32 to vector<16xf32>
        %max3A_434 = arith.maximumf %add3A_431, %max3A_433 : vector<16xf32>
        %swap3A_435 = arith.index_cast %scan3A_371 : i32 to index
        %swap3A_436 = arith.constant 48 : index
        %swap3A_437 = tpu.vector_load %arg15[%swap3A_435, %swap3A_436] {strides = array<i32>} : memref<40x64xf32, #tpu.memory_space<vmem>>, vector<1x16xf32>,
        %swap3A_438 = vector.shape_cast %swap3A_437 : vector<1x16xf32> to vector<16xf32>
        %swap3A_439 = vector.shape_cast %max3A_434 : vector<16xf32> to vector<1x16xf32>
        tpu.vector_store %arg15[%swap3A_435, %swap3A_436], %swap3A_439 {strides = array<i32>} : memref<40x64xf32, #tpu.memory_space<vmem>>, vector<1x16xf32>,
        %scan3A_440 = arith.constant 2 : i32
        %scan3A_441 = arith.addi %scan3A_304, %scan3A_440 : i32
        %get3A_442 = arith.index_cast %scan3A_441 : i32 to index
        %get3A_443 = arith.constant 0 : index
        %get3A_444 = tpu.vector_load %arg11[%get3A_442, %get3A_443] {strides = array<i32>} : memref<40x128xf32, #tpu.memory_space<vmem>>, vector<1x16xf32>,
        %get3A_445 = vector.shape_cast %get3A_444 : vector<1x16xf32> to vector<16xf32>
        %get3A_446 = arith.index_cast %scan3A_441 : i32 to index
        %get3A_447 = arith.constant 64 : index
        %get3A_448 = tpu.vector_load %arg12[%get3A_446, %get3A_447] {strides = array<i32>} : memref<40x128xf32, #tpu.memory_space<vmem>>, vector<1x16xf32>,
        %get3A_449 = vector.shape_cast %get3A_448 : vector<1x16xf32> to vector<16xf32>
        %add3A_450 = arith.addf %get3A_445, %get3A_449 : vector<16xf32>
        %max3A_451 = arith.constant 0.000000e+00 : f32
        %max3A_452 = vector.broadcast %max3A_451 : f32 to vector<16xf32>
        %max3A_453 = arith.maximumf %add3A_450, %max3A_452 : vector<16xf32>
        %swap3A_454 = arith.index_cast %scan3A_441 : i32 to index
        %swap3A_455 = arith.constant 0 : index
        %swap3A_456 = tpu.vector_load %arg15[%swap3A_454, %swap3A_455] {strides = array<i32>} : memref<40x64xf32, #tpu.memory_space<vmem>>, vector<1x16xf32>,
        %swap3A_457 = vector.shape_cast %swap3A_456 : vector<1x16xf32> to vector<16xf32>
        %swap3A_458 = vector.shape_cast %max3A_453 : vector<16xf32> to vector<1x16xf32>
        tpu.vector_store %arg15[%swap3A_454, %swap3A_455], %swap3A_458 {strides = array<i32>} : memref<40x64xf32, #tpu.memory_space<vmem>>, vector<1x16xf32>,
        %get3A_459 = arith.index_cast %scan3A_441 : i32 to index
        %get3A_460 = arith.constant 16 : index
        %get3A_461 = tpu.vector_load %arg11[%get3A_459, %get3A_460] {strides = array<i32>} : memref<40x128xf32, #tpu.memory_space<vmem>>, vector<1x16xf32>,
        %get3A_462 = vector.shape_cast %get3A_461 : vector<1x16xf32> to vector<16xf32>
        %get3A_463 = arith.index_cast %scan3A_441 : i32 to index
        %get3A_464 = arith.constant 80 : index
        %get3A_465 = tpu.vector_load %arg12[%get3A_463, %get3A_464] {strides = array<i32>} : memref<40x128xf32, #tpu.memory_space<vmem>>, vector<1x16xf32>,
        %get3A_466 = vector.shape_cast %get3A_465 : vector<1x16xf32> to vector<16xf32>
        %add3A_467 = arith.addf %get3A_462, %get3A_466 : vector<16xf32>
        %max3A_468 = arith.constant 0.000000e+00 : f32
        %max3A_469 = vector.broadcast %max3A_468 : f32 to vector<16xf32>
        %max3A_470 = arith.maximumf %add3A_467, %max3A_469 : vector<16xf32>
        %swap3A_471 = arith.index_cast %scan3A_441 : i32 to index
        %swap3A_472 = arith.constant 16 : index
        %swap3A_473 = tpu.vector_load %arg15[%swap3A_471, %swap3A_472] {strides = array<i32>} : memref<40x64xf32, #tpu.memory_space<vmem>>, vector<1x16xf32>,
        %swap3A_474 = vector.shape_cast %swap3A_473 : vector<1x16xf32> to vector<16xf32>
        %swap3A_475 = vector.shape_cast %max3A_470 : vector<16xf32> to vector<1x16xf32>
        tpu.vector_store %arg15[%swap3A_471, %swap3A_472], %swap3A_475 {strides = array<i32>} : memref<40x64xf32, #tpu.memory_space<vmem>>, vector<1x16xf32>,
        %get3A_476 = arith.index_cast %scan3A_441 : i32 to index
        %get3A_477 = arith.constant 32 : index
        %get3A_478 = tpu.vector_load %arg11[%get3A_476, %get3A_477] {strides = array<i32>} : memref<40x128xf32, #tpu.memory_space<vmem>>, vector<1x16xf32>,
        %get3A_479 = vector.shape_cast %get3A_478 : vector<1x16xf32> to vector<16xf32>
        %get3A_480 = arith.index_cast %scan3A_441 : i32 to index
        %get3A_481 = arith.constant 96 : index
        %get3A_482 = tpu.vector_load %arg12[%get3A_480, %get3A_481] {strides = array<i32>} : memref<40x128xf32, #tpu.memory_space<vmem>>, vector<1x16xf32>,
        %get3A_483 = vector.shape_cast %get3A_482 : vector<1x16xf32> to vector<16xf32>
        %add3A_484 = arith.addf %get3A_479, %get3A_483 : vector<16xf32>
        %max3A_485 = arith.constant 0.000000e+00 : f32
        %max3A_486 = vector.broadcast %max3A_485 : f32 to vector<16xf32>
        %max3A_487 = arith.maximumf %add3A_484, %max3A_486 : vector<16xf32>
        %swap3A_488 = arith.index_cast %scan3A_441 : i32 to index
        %swap3A_489 = arith.constant 32 : index
        %swap3A_490 = tpu.vector_load %arg15[%swap3A_488, %swap3A_489] {strides = array<i32>} : memref<40x64xf32, #tpu.memory_space<vmem>>, vector<1x16xf32>,
        %swap3A_491 = vector.shape_cast %swap3A_490 : vector<1x16xf32> to vector<16xf32>
        %swap3A_492 = vector.shape_cast %max3A_487 : vector<16xf32> to vector<1x16xf32>
        tpu.vector_store %arg15[%swap3A_488, %swap3A_489], %swap3A_492 {strides = array<i32>} : memref<40x64xf32, #tpu.memory_space<vmem>>, vector<1x16xf32>,
        %get3A_493 = arith.index_cast %scan3A_441 : i32 to index
        %get3A_494 = arith.constant 48 : index
        %get3A_495 = tpu.vector_load %arg11[%get3A_493, %get3A_494] {strides = array<i32>} : memref<40x128xf32, #tpu.memory_space<vmem>>, vector<1x16xf32>,
        %get3A_496 = vector.shape_cast %get3A_495 : vector<1x16xf32> to vector<16xf32>
        %get3A_497 = arith.index_cast %scan3A_441 : i32 to index
        %get3A_498 = arith.constant 112 : index
        %get3A_499 = tpu.vector_load %arg12[%get3A_497, %get3A_498] {strides = array<i32>} : memref<40x128xf32, #tpu.memory_space<vmem>>, vector<1x16xf32>,
        %get3A_500 = vector.shape_cast %get3A_499 : vector<1x16xf32> to vector<16xf32>
        %add3A_501 = arith.addf %get3A_496, %get3A_500 : vector<16xf32>
        %max3A_502 = arith.constant 0.000000e+00 : f32
        %max3A_503 = vector.broadcast %max3A_502 : f32 to vector<16xf32>
        %max3A_504 = arith.maximumf %add3A_501, %max3A_503 : vector<16xf32>
        %swap3A_505 = arith.index_cast %scan3A_441 : i32 to index
        %swap3A_506 = arith.constant 48 : index
        %swap3A_507 = tpu.vector_load %arg15[%swap3A_505, %swap3A_506] {strides = array<i32>} : memref<40x64xf32, #tpu.memory_space<vmem>>, vector<1x16xf32>,
        %swap3A_508 = vector.shape_cast %swap3A_507 : vector<1x16xf32> to vector<16xf32>
        %swap3A_509 = vector.shape_cast %max3A_504 : vector<16xf32> to vector<1x16xf32>
        tpu.vector_store %arg15[%swap3A_505, %swap3A_506], %swap3A_509 {strides = array<i32>} : memref<40x64xf32, #tpu.memory_space<vmem>>, vector<1x16xf32>,
        %scan3A_510 = arith.constant 3 : i32
        %scan3A_511 = arith.addi %scan3A_304, %scan3A_510 : i32
        %get3A_512 = arith.index_cast %scan3A_511 : i32 to index
        %get3A_513 = arith.constant 0 : index
        %get3A_514 = tpu.vector_load %arg11[%get3A_512, %get3A_513] {strides = array<i32>} : memref<40x128xf32, #tpu.memory_space<vmem>>, vector<1x16xf32>,
        %get3A_515 = vector.shape_cast %get3A_514 : vector<1x16xf32> to vector<16xf32>
        %get3A_516 = arith.index_cast %scan3A_511 : i32 to index
        %get3A_517 = arith.constant 64 : index
        %get3A_518 = tpu.vector_load %arg12[%get3A_516, %get3A_517] {strides = array<i32>} : memref<40x128xf32, #tpu.memory_space<vmem>>, vector<1x16xf32>,
        %get3A_519 = vector.shape_cast %get3A_518 : vector<1x16xf32> to vector<16xf32>
        %add3A_520 = arith.addf %get3A_515, %get3A_519 : vector<16xf32>
        %max3A_521 = arith.constant 0.000000e+00 : f32
        %max3A_522 = vector.broadcast %max3A_521 : f32 to vector<16xf32>
        %max3A_523 = arith.maximumf %add3A_520, %max3A_522 : vector<16xf32>
        %swap3A_524 = arith.index_cast %scan3A_511 : i32 to index
        %swap3A_525 = arith.constant 0 : index
        %swap3A_526 = tpu.vector_load %arg15[%swap3A_524, %swap3A_525] {strides = array<i32>} : memref<40x64xf32, #tpu.memory_space<vmem>>, vector<1x16xf32>,
        %swap3A_527 = vector.shape_cast %swap3A_526 : vector<1x16xf32> to vector<16xf32>
        %swap3A_528 = vector.shape_cast %max3A_523 : vector<16xf32> to vector<1x16xf32>
        tpu.vector_store %arg15[%swap3A_524, %swap3A_525], %swap3A_528 {strides = array<i32>} : memref<40x64xf32, #tpu.memory_space<vmem>>, vector<1x16xf32>,
        %get3A_529 = arith.index_cast %scan3A_511 : i32 to index
        %get3A_530 = arith.constant 16 : index
        %get3A_531 = tpu.vector_load %arg11[%get3A_529, %get3A_530] {strides = array<i32>} : memref<40x128xf32, #tpu.memory_space<vmem>>, vector<1x16xf32>,
        %get3A_532 = vector.shape_cast %get3A_531 : vector<1x16xf32> to vector<16xf32>
        %get3A_533 = arith.index_cast %scan3A_511 : i32 to index
        %get3A_534 = arith.constant 80 : index
        %get3A_535 = tpu.vector_load %arg12[%get3A_533, %get3A_534] {strides = array<i32>} : memref<40x128xf32, #tpu.memory_space<vmem>>, vector<1x16xf32>,
        %get3A_536 = vector.shape_cast %get3A_535 : vector<1x16xf32> to vector<16xf32>
        %add3A_537 = arith.addf %get3A_532, %get3A_536 : vector<16xf32>
        %max3A_538 = arith.constant 0.000000e+00 : f32
        %max3A_539 = vector.broadcast %max3A_538 : f32 to vector<16xf32>
        %max3A_540 = arith.maximumf %add3A_537, %max3A_539 : vector<16xf32>
        %swap3A_541 = arith.index_cast %scan3A_511 : i32 to index
        %swap3A_542 = arith.constant 16 : index
        %swap3A_543 = tpu.vector_load %arg15[%swap3A_541, %swap3A_542] {strides = array<i32>} : memref<40x64xf32, #tpu.memory_space<vmem>>, vector<1x16xf32>,
        %swap3A_544 = vector.shape_cast %swap3A_543 : vector<1x16xf32> to vector<16xf32>
        %swap3A_545 = vector.shape_cast %max3A_540 : vector<16xf32> to vector<1x16xf32>
        tpu.vector_store %arg15[%swap3A_541, %swap3A_542], %swap3A_545 {strides = array<i32>} : memref<40x64xf32, #tpu.memory_space<vmem>>, vector<1x16xf32>,
        %get3A_546 = arith.index_cast %scan3A_511 : i32 to index
        %get3A_547 = arith.constant 32 : index
        %get3A_548 = tpu.vector_load %arg11[%get3A_546, %get3A_547] {strides = array<i32>} : memref<40x128xf32, #tpu.memory_space<vmem>>, vector<1x16xf32>,
        %get3A_549 = vector.shape_cast %get3A_548 : vector<1x16xf32> to vector<16xf32>
        %get3A_550 = arith.index_cast %scan3A_511 : i32 to index
        %get3A_551 = arith.constant 96 : index
        %get3A_552 = tpu.vector_load %arg12[%get3A_550, %get3A_551] {strides = array<i32>} : memref<40x128xf32, #tpu.memory_space<vmem>>, vector<1x16xf32>,
        %get3A_553 = vector.shape_cast %get3A_552 : vector<1x16xf32> to vector<16xf32>
        %add3A_554 = arith.addf %get3A_549, %get3A_553 : vector<16xf32>
        %max3A_555 = arith.constant 0.000000e+00 : f32
        %max3A_556 = vector.broadcast %max3A_555 : f32 to vector<16xf32>
        %max3A_557 = arith.maximumf %add3A_554, %max3A_556 : vector<16xf32>
        %swap3A_558 = arith.index_cast %scan3A_511 : i32 to index
        %swap3A_559 = arith.constant 32 : index
        %swap3A_560 = tpu.vector_load %arg15[%swap3A_558, %swap3A_559] {strides = array<i32>} : memref<40x64xf32, #tpu.memory_space<vmem>>, vector<1x16xf32>,
        %swap3A_561 = vector.shape_cast %swap3A_560 : vector<1x16xf32> to vector<16xf32>
        %swap3A_562 = vector.shape_cast %max3A_557 : vector<16xf32> to vector<1x16xf32>
        tpu.vector_store %arg15[%swap3A_558, %swap3A_559], %swap3A_562 {strides = array<i32>} : memref<40x64xf32, #tpu.memory_space<vmem>>, vector<1x16xf32>,
        %get3A_563 = arith.index_cast %scan3A_511 : i32 to index
        %get3A_564 = arith.constant 48 : index
        %get3A_565 = tpu.vector_load %arg11[%get3A_563, %get3A_564] {strides = array<i32>} : memref<40x128xf32, #tpu.memory_space<vmem>>, vector<1x16xf32>,
        %get3A_566 = vector.shape_cast %get3A_565 : vector<1x16xf32> to vector<16xf32>
        %get3A_567 = arith.index_cast %scan3A_511 : i32 to index
        %get3A_568 = arith.constant 112 : index
        %get3A_569 = tpu.vector_load %arg12[%get3A_567, %get3A_568] {strides = array<i32>} : memref<40x128xf32, #tpu.memory_space<vmem>>, vector<1x16xf32>,
        %get3A_570 = vector.shape_cast %get3A_569 : vector<1x16xf32> to vector<16xf32>
        %add3A_571 = arith.addf %get3A_566, %get3A_570 : vector<16xf32>
        %max3A_572 = arith.constant 0.000000e+00 : f32
        %max3A_573 = vector.broadcast %max3A_572 : f32 to vector<16xf32>
        %max3A_574 = arith.maximumf %add3A_571, %max3A_573 : vector<16xf32>
        %swap3A_575 = arith.index_cast %scan3A_511 : i32 to index
        %swap3A_576 = arith.constant 48 : index
        %swap3A_577 = tpu.vector_load %arg15[%swap3A_575, %swap3A_576] {strides = array<i32>} : memref<40x64xf32, #tpu.memory_space<vmem>>, vector<1x16xf32>,
        %swap3A_578 = vector.shape_cast %swap3A_577 : vector<1x16xf32> to vector<16xf32>
        %swap3A_579 = vector.shape_cast %max3A_574 : vector<16xf32> to vector<1x16xf32>
        tpu.vector_store %arg15[%swap3A_575, %swap3A_576], %swap3A_579 {strides = array<i32>} : memref<40x64xf32, #tpu.memory_space<vmem>>, vector<1x16xf32>,
      }
      %scan3A_294 = arith.constant 40 : i32
      %add3A_295 = arith.constant 2 : i32
      %add3A_296 = arith.addi %mul3A_132, %add3A_295 : i32
      %mul3A_297 = arith.constant 40 : i32
      %mul3A_298 = arith.muli %add3A_296, %mul3A_297 : i32
      %add3A_299 = arith.addi %mul3A_6, %mul3A_298 : i32
      %dma_start3A_300 = arith.constant 0 : i32
      %dma_start3A_301 = tpu.memref_slice %arg4[%add3A_299, %dma_start3A_300] : memref<160000x64xf32, #tpu.memory_space<hbm>> -> memref<40x64xf32, #tpu.memory_space<hbm>>
      %dma_start3A_302 = arith.constant 0 : i32
      %dma_start3A_303 = tpu.memref_slice %arg4[%add3A_299, %dma_start3A_302] : memref<160000x64xf32, #tpu.memory_space<hbm>> -> memref<40x64xf32, #tpu.memory_space<hbm>>
      tpu.enqueue_dma source(%arg15 : memref<40x64xf32, #tpu.memory_space<vmem>>) target(%dma_start3A_303 : memref<40x64xf32, #tpu.memory_space<hbm>>) target_semaphore(%arg21 : memref<!tpu.dma_semaphore, #tpu.memory_space<semaphore_mem>>)
    }
    %scan3A_44 = arith.constant 41 : i32
    %dma_wait3A = arith.constant 0 : i32
    %dma_wait3A_45 = arith.constant 0 : i32
    %dma_wait3A_46 = tpu.memref_slice %arg7[%dma_wait3A, %dma_wait3A_45] : memref<40x128xf32, #tpu.memory_space<vmem>> -> memref<40x128xf32, #tpu.memory_space<vmem>>
    %dma_wait3A_47 = arith.constant 0 : i32
    %dma_wait3A_48 = tpu.memref_slice %arg5[%dma_wait3A_47] : memref<5000xi32, #tpu.memory_space<vmem>> -> memref<40xi32, #tpu.memory_space<vmem>>
    %dma_wait3A_49 = arith.constant 0 : i32
    %dma_wait3A_50 = arith.constant 0 : i32
    %dma_wait3A_51 = tpu.memref_slice %arg2[%dma_wait3A_49, %dma_wait3A_50] : memref<10000x128xf32, #tpu.memory_space<hbm>> -> memref<10000x128xf32, #tpu.memory_space<hbm>>
    tpu.wait_indirect_dma semaphore(%arg16 : memref<!tpu.dma_semaphore, #tpu.memory_space<semaphore_mem>>) src(%dma_wait3A_51 : memref<10000x128xf32, #tpu.memory_space<hbm>>) dst(%dma_wait3A_46 : memref<40x128xf32, #tpu.memory_space<vmem>>)
    %dma_wait3A_52 = arith.constant 0 : i32
    %dma_wait3A_53 = arith.constant 0 : i32
    %dma_wait3A_54 = tpu.memref_slice %arg8[%dma_wait3A_52, %dma_wait3A_53] : memref<40x128xf32, #tpu.memory_space<vmem>> -> memref<40x128xf32, #tpu.memory_space<vmem>>
    %dma_wait3A_55 = arith.constant 0 : i32
    %dma_wait3A_56 = tpu.memref_slice %arg6[%dma_wait3A_55] : memref<5000xi32, #tpu.memory_space<vmem>> -> memref<40xi32, #tpu.memory_space<vmem>>
    %dma_wait3A_57 = arith.constant 0 : i32
    %dma_wait3A_58 = arith.constant 0 : i32
    %dma_wait3A_59 = tpu.memref_slice %arg2[%dma_wait3A_57, %dma_wait3A_58] : memref<10000x128xf32, #tpu.memory_space<hbm>> -> memref<10000x128xf32, #tpu.memory_space<hbm>>
    tpu.wait_indirect_dma semaphore(%arg16 : memref<!tpu.dma_semaphore, #tpu.memory_space<semaphore_mem>>) src(%dma_wait3A_59 : memref<10000x128xf32, #tpu.memory_space<hbm>>) dst(%dma_wait3A_54 : memref<40x128xf32, #tpu.memory_space<vmem>>)
    %dma_wait3A_60 = arith.constant 0 : i32
    %dma_wait3A_61 = arith.constant 0 : i32
    %dma_wait3A_62 = tpu.memref_slice %arg4[%dma_wait3A_60, %dma_wait3A_61] : memref<160000x64xf32, #tpu.memory_space<hbm>> -> memref<40x64xf32, #tpu.memory_space<hbm>>
    %dma_wait3A_63 = arith.constant 0 : i32
    %dma_wait3A_64 = arith.constant 0 : i32
    %dma_wait3A_65 = tpu.memref_slice %arg4[%dma_wait3A_63, %dma_wait3A_64] : memref<160000x64xf32, #tpu.memory_space<hbm>> -> memref<40x64xf32, #tpu.memory_space<hbm>>
    tpu.wait_dma2 semaphore(%arg19 : memref<!tpu.dma_semaphore, #tpu.memory_space<semaphore_mem>>) src(%arg13 : memref<40x64xf32, #tpu.memory_space<vmem>>) dst(%dma_wait3A_65 : memref<40x64xf32, #tpu.memory_space<hbm>>)
    %scan3A_66 = arith.constant 0 : i32
    %scan3A_67 = arith.constant 0 : i32
    %scan3A_68 = arith.constant 40 : i32
    %scan3A_69 = arith.addi %scan3A_67, %scan3A_68 : i32
    %scan3A_70 = arith.constant 4 : i32
    scf.for %scan3A_130 = %scan3A_67 to %scan3A_69 step %scan3A_70  : i32 {
      %get3A = arith.index_cast %scan3A_130 : i32 to index
      %get3A_131 = arith.constant 0 : index
      %get3A_132 = tpu.vector_load %arg7[%get3A, %get3A_131] {strides = array<i32>} : memref<40x128xf32, #tpu.memory_space<vmem>>, vector<1x16xf32>,
      %get3A_133 = vector.shape_cast %get3A_132 : vector<1x16xf32> to vector<16xf32>
      %get3A_134 = arith.index_cast %scan3A_130 : i32 to index
      %get3A_135 = arith.constant 64 : index
      %get3A_136 = tpu.vector_load %arg8[%get3A_134, %get3A_135] {strides = array<i32>} : memref<40x128xf32, #tpu.memory_space<vmem>>, vector<1x16xf32>,
      %get3A_137 = vector.shape_cast %get3A_136 : vector<1x16xf32> to vector<16xf32>
      %add3A_138 = arith.addf %get3A_133, %get3A_137 : vector<16xf32>
      %max3A = arith.constant 0.000000e+00 : f32
      %max3A_139 = vector.broadcast %max3A : f32 to vector<16xf32>
      %max3A_140 = arith.maximumf %add3A_138, %max3A_139 : vector<16xf32>
      %swap3A = arith.index_cast %scan3A_130 : i32 to index
      %swap3A_141 = arith.constant 0 : index
      %swap3A_142 = tpu.vector_load %arg13[%swap3A, %swap3A_141] {strides = array<i32>} : memref<40x64xf32, #tpu.memory_space<vmem>>, vector<1x16xf32>,
      %swap3A_143 = vector.shape_cast %swap3A_142 : vector<1x16xf32> to vector<16xf32>
      %swap3A_144 = vector.shape_cast %max3A_140 : vector<16xf32> to vector<1x16xf32>
      tpu.vector_store %arg13[%swap3A, %swap3A_141], %swap3A_144 {strides = array<i32>} : memref<40x64xf32, #tpu.memory_space<vmem>>, vector<1x16xf32>,
      %get3A_145 = arith.index_cast %scan3A_130 : i32 to index
      %get3A_146 = arith.constant 16 : index
      %get3A_147 = tpu.vector_load %arg7[%get3A_145, %get3A_146] {strides = array<i32>} : memref<40x128xf32, #tpu.memory_space<vmem>>, vector<1x16xf32>,
      %get3A_148 = vector.shape_cast %get3A_147 : vector<1x16xf32> to vector<16xf32>
      %get3A_149 = arith.index_cast %scan3A_130 : i32 to index
      %get3A_150 = arith.constant 80 : index
      %get3A_151 = tpu.vector_load %arg8[%get3A_149, %get3A_150] {strides = array<i32>} : memref<40x128xf32, #tpu.memory_space<vmem>>, vector<1x16xf32>,
      %get3A_152 = vector.shape_cast %get3A_151 : vector<1x16xf32> to vector<16xf32>
      %add3A_153 = arith.addf %get3A_148, %get3A_152 : vector<16xf32>
      %max3A_154 = arith.constant 0.000000e+00 : f32
      %max3A_155 = vector.broadcast %max3A_154 : f32 to vector<16xf32>
      %max3A_156 = arith.maximumf %add3A_153, %max3A_155 : vector<16xf32>
      %swap3A_157 = arith.index_cast %scan3A_130 : i32 to index
      %swap3A_158 = arith.constant 16 : index
      %swap3A_159 = tpu.vector_load %arg13[%swap3A_157, %swap3A_158] {strides = array<i32>} : memref<40x64xf32, #tpu.memory_space<vmem>>, vector<1x16xf32>,
      %swap3A_160 = vector.shape_cast %swap3A_159 : vector<1x16xf32> to vector<16xf32>
      %swap3A_161 = vector.shape_cast %max3A_156 : vector<16xf32> to vector<1x16xf32>
      tpu.vector_store %arg13[%swap3A_157, %swap3A_158], %swap3A_161 {strides = array<i32>} : memref<40x64xf32, #tpu.memory_space<vmem>>, vector<1x16xf32>,
      %get3A_162 = arith.index_cast %scan3A_130 : i32 to index
      %get3A_163 = arith.constant 32 : index
      %get3A_164 = tpu.vector_load %arg7[%get3A_162, %get3A_163] {strides = array<i32>} : memref<40x128xf32, #tpu.memory_space<vmem>>, vector<1x16xf32>,
      %get3A_165 = vector.shape_cast %get3A_164 : vector<1x16xf32> to vector<16xf32>
      %get3A_166 = arith.index_cast %scan3A_130 : i32 to index
      %get3A_167 = arith.constant 96 : index
      %get3A_168 = tpu.vector_load %arg8[%get3A_166, %get3A_167] {strides = array<i32>} : memref<40x128xf32, #tpu.memory_space<vmem>>, vector<1x16xf32>,
      %get3A_169 = vector.shape_cast %get3A_168 : vector<1x16xf32> to vector<16xf32>
      %add3A_170 = arith.addf %get3A_165, %get3A_169 : vector<16xf32>
      %max3A_171 = arith.constant 0.000000e+00 : f32
      %max3A_172 = vector.broadcast %max3A_171 : f32 to vector<16xf32>
      %max3A_173 = arith.maximumf %add3A_170, %max3A_172 : vector<16xf32>
      %swap3A_174 = arith.index_cast %scan3A_130 : i32 to index
      %swap3A_175 = arith.constant 32 : index
      %swap3A_176 = tpu.vector_load %arg13[%swap3A_174, %swap3A_175] {strides = array<i32>} : memref<40x64xf32, #tpu.memory_space<vmem>>, vector<1x16xf32>,
      %swap3A_177 = vector.shape_cast %swap3A_176 : vector<1x16xf32> to vector<16xf32>
      %swap3A_178 = vector.shape_cast %max3A_173 : vector<16xf32> to vector<1x16xf32>
      tpu.vector_store %arg13[%swap3A_174, %swap3A_175], %swap3A_178 {strides = array<i32>} : memref<40x64xf32, #tpu.memory_space<vmem>>, vector<1x16xf32>,
      %get3A_179 = arith.index_cast %scan3A_130 : i32 to index
      %get3A_180 = arith.constant 48 : index
      %get3A_181 = tpu.vector_load %arg7[%get3A_179, %get3A_180] {strides = array<i32>} : memref<40x128xf32, #tpu.memory_space<vmem>>, vector<1x16xf32>,
      %get3A_182 = vector.shape_cast %get3A_181 : vector<1x16xf32> to vector<16xf32>
      %get3A_183 = arith.index_cast %scan3A_130 : i32 to index
      %get3A_184 = arith.constant 112 : index
      %get3A_185 = tpu.vector_load %arg8[%get3A_183, %get3A_184] {strides = array<i32>} : memref<40x128xf32, #tpu.memory_space<vmem>>, vector<1x16xf32>,
      %get3A_186 = vector.shape_cast %get3A_185 : vector<1x16xf32> to vector<16xf32>
      %add3A_187 = arith.addf %get3A_182, %get3A_186 : vector<16xf32>
      %max3A_188 = arith.constant 0.000000e+00 : f32
      %max3A_189 = vector.broadcast %max3A_188 : f32 to vector<16xf32>
      %max3A_190 = arith.maximumf %add3A_187, %max3A_189 : vector<16xf32>
      %swap3A_191 = arith.index_cast %scan3A_130 : i32 to index
      %swap3A_192 = arith.constant 48 : index
      %swap3A_193 = tpu.vector_load %arg13[%swap3A_191, %swap3A_192] {strides = array<i32>} : memref<40x64xf32, #tpu.memory_space<vmem>>, vector<1x16xf32>,
      %swap3A_194 = vector.shape_cast %swap3A_193 : vector<1x16xf32> to vector<16xf32>
      %swap3A_195 = vector.shape_cast %max3A_190 : vector<16xf32> to vector<1x16xf32>
      tpu.vector_store %arg13[%swap3A_191, %swap3A_192], %swap3A_195 {strides = array<i32>} : memref<40x64xf32, #tpu.memory_space<vmem>>, vector<1x16xf32>,
      %scan3A_196 = arith.constant 1 : i32
      %scan3A_197 = arith.addi %scan3A_130, %scan3A_196 : i32
      %get3A_198 = arith.index_cast %scan3A_197 : i32 to index
      %get3A_199 = arith.constant 0 : index
      %get3A_200 = tpu.vector_load %arg7[%get3A_198, %get3A_199] {strides = array<i32>} : memref<40x128xf32, #tpu.memory_space<vmem>>, vector<1x16xf32>,
      %get3A_201 = vector.shape_cast %get3A_200 : vector<1x16xf32> to vector<16xf32>
      %get3A_202 = arith.index_cast %scan3A_197 : i32 to index
      %get3A_203 = arith.constant 64 : index
      %get3A_204 = tpu.vector_load %arg8[%get3A_202, %get3A_203] {strides = array<i32>} : memref<40x128xf32, #tpu.memory_space<vmem>>, vector<1x16xf32>,
      %get3A_205 = vector.shape_cast %get3A_204 : vector<1x16xf32> to vector<16xf32>
      %add3A_206 = arith.addf %get3A_201, %get3A_205 : vector<16xf32>
      %max3A_207 = arith.constant 0.000000e+00 : f32
      %max3A_208 = vector.broadcast %max3A_207 : f32 to vector<16xf32>
      %max3A_209 = arith.maximumf %add3A_206, %max3A_208 : vector<16xf32>
      %swap3A_210 = arith.index_cast %scan3A_197 : i32 to index
      %swap3A_211 = arith.constant 0 : index
      %swap3A_212 = tpu.vector_load %arg13[%swap3A_210, %swap3A_211] {strides = array<i32>} : memref<40x64xf32, #tpu.memory_space<vmem>>, vector<1x16xf32>,
      %swap3A_213 = vector.shape_cast %swap3A_212 : vector<1x16xf32> to vector<16xf32>
      %swap3A_214 = vector.shape_cast %max3A_209 : vector<16xf32> to vector<1x16xf32>
      tpu.vector_store %arg13[%swap3A_210, %swap3A_211], %swap3A_214 {strides = array<i32>} : memref<40x64xf32, #tpu.memory_space<vmem>>, vector<1x16xf32>,
      %get3A_215 = arith.index_cast %scan3A_197 : i32 to index
      %get3A_216 = arith.constant 16 : index
      %get3A_217 = tpu.vector_load %arg7[%get3A_215, %get3A_216] {strides = array<i32>} : memref<40x128xf32, #tpu.memory_space<vmem>>, vector<1x16xf32>,
      %get3A_218 = vector.shape_cast %get3A_217 : vector<1x16xf32> to vector<16xf32>
      %get3A_219 = arith.index_cast %scan3A_197 : i32 to index
      %get3A_220 = arith.constant 80 : index
      %get3A_221 = tpu.vector_load %arg8[%get3A_219, %get3A_220] {strides = array<i32>} : memref<40x128xf32, #tpu.memory_space<vmem>>, vector<1x16xf32>,
      %get3A_222 = vector.shape_cast %get3A_221 : vector<1x16xf32> to vector<16xf32>
      %add3A_223 = arith.addf %get3A_218, %get3A_222 : vector<16xf32>
      %max3A_224 = arith.constant 0.000000e+00 : f32
      %max3A_225 = vector.broadcast %max3A_224 : f32 to vector<16xf32>
      %max3A_226 = arith.maximumf %add3A_223, %max3A_225 : vector<16xf32>
      %swap3A_227 = arith.index_cast %scan3A_197 : i32 to index
      %swap3A_228 = arith.constant 16 : index
      %swap3A_229 = tpu.vector_load %arg13[%swap3A_227, %swap3A_228] {strides = array<i32>} : memref<40x64xf32, #tpu.memory_space<vmem>>, vector<1x16xf32>,
      %swap3A_230 = vector.shape_cast %swap3A_229 : vector<1x16xf32> to vector<16xf32>
      %swap3A_231 = vector.shape_cast %max3A_226 : vector<16xf32> to vector<1x16xf32>
      tpu.vector_store %arg13[%swap3A_227, %swap3A_228], %swap3A_231 {strides = array<i32>} : memref<40x64xf32, #tpu.memory_space<vmem>>, vector<1x16xf32>,
      %get3A_232 = arith.index_cast %scan3A_197 : i32 to index
      %get3A_233 = arith.constant 32 : index
      %get3A_234 = tpu.vector_load %arg7[%get3A_232, %get3A_233] {strides = array<i32>} : memref<40x128xf32, #tpu.memory_space<vmem>>, vector<1x16xf32>,
      %get3A_235 = vector.shape_cast %get3A_234 : vector<1x16xf32> to vector<16xf32>
      %get3A_236 = arith.index_cast %scan3A_197 : i32 to index
      %get3A_237 = arith.constant 96 : index
      %get3A_238 = tpu.vector_load %arg8[%get3A_236, %get3A_237] {strides = array<i32>} : memref<40x128xf32, #tpu.memory_space<vmem>>, vector<1x16xf32>,
      %get3A_239 = vector.shape_cast %get3A_238 : vector<1x16xf32> to vector<16xf32>
      %add3A_240 = arith.addf %get3A_235, %get3A_239 : vector<16xf32>
      %max3A_241 = arith.constant 0.000000e+00 : f32
      %max3A_242 = vector.broadcast %max3A_241 : f32 to vector<16xf32>
      %max3A_243 = arith.maximumf %add3A_240, %max3A_242 : vector<16xf32>
      %swap3A_244 = arith.index_cast %scan3A_197 : i32 to index
      %swap3A_245 = arith.constant 32 : index
      %swap3A_246 = tpu.vector_load %arg13[%swap3A_244, %swap3A_245] {strides = array<i32>} : memref<40x64xf32, #tpu.memory_space<vmem>>, vector<1x16xf32>,
      %swap3A_247 = vector.shape_cast %swap3A_246 : vector<1x16xf32> to vector<16xf32>
      %swap3A_248 = vector.shape_cast %max3A_243 : vector<16xf32> to vector<1x16xf32>
      tpu.vector_store %arg13[%swap3A_244, %swap3A_245], %swap3A_248 {strides = array<i32>} : memref<40x64xf32, #tpu.memory_space<vmem>>, vector<1x16xf32>,
      %get3A_249 = arith.index_cast %scan3A_197 : i32 to index
      %get3A_250 = arith.constant 48 : index
      %get3A_251 = tpu.vector_load %arg7[%get3A_249, %get3A_250] {strides = array<i32>} : memref<40x128xf32, #tpu.memory_space<vmem>>, vector<1x16xf32>,
      %get3A_252 = vector.shape_cast %get3A_251 : vector<1x16xf32> to vector<16xf32>
      %get3A_253 = arith.index_cast %scan3A_197 : i32 to index
      %get3A_254 = arith.constant 112 : index
      %get3A_255 = tpu.vector_load %arg8[%get3A_253, %get3A_254] {strides = array<i32>} : memref<40x128xf32, #tpu.memory_space<vmem>>, vector<1x16xf32>,
      %get3A_256 = vector.shape_cast %get3A_255 : vector<1x16xf32> to vector<16xf32>
      %add3A_257 = arith.addf %get3A_252, %get3A_256 : vector<16xf32>
      %max3A_258 = arith.constant 0.000000e+00 : f32
      %max3A_259 = vector.broadcast %max3A_258 : f32 to vector<16xf32>
      %max3A_260 = arith.maximumf %add3A_257, %max3A_259 : vector<16xf32>
      %swap3A_261 = arith.index_cast %scan3A_197 : i32 to index
      %swap3A_262 = arith.constant 48 : index
      %swap3A_263 = tpu.vector_load %arg13[%swap3A_261, %swap3A_262] {strides = array<i32>} : memref<40x64xf32, #tpu.memory_space<vmem>>, vector<1x16xf32>,
      %swap3A_264 = vector.shape_cast %swap3A_263 : vector<1x16xf32> to vector<16xf32>
      %swap3A_265 = vector.shape_cast %max3A_260 : vector<16xf32> to vector<1x16xf32>
      tpu.vector_store %arg13[%swap3A_261, %swap3A_262], %swap3A_265 {strides = array<i32>} : memref<40x64xf32, #tpu.memory_space<vmem>>, vector<1x16xf32>,
      %scan3A_266 = arith.constant 2 : i32
      %scan3A_267 = arith.addi %scan3A_130, %scan3A_266 : i32
      %get3A_268 = arith.index_cast %scan3A_267 : i32 to index
      %get3A_269 = arith.constant 0 : index
      %get3A_270 = tpu.vector_load %arg7[%get3A_268, %get3A_269] {strides = array<i32>} : memref<40x128xf32, #tpu.memory_space<vmem>>, vector<1x16xf32>,
      %get3A_271 = vector.shape_cast %get3A_270 : vector<1x16xf32> to vector<16xf32>
      %get3A_272 = arith.index_cast %scan3A_267 : i32 to index
      %get3A_273 = arith.constant 64 : index
      %get3A_274 = tpu.vector_load %arg8[%get3A_272, %get3A_273] {strides = array<i32>} : memref<40x128xf32, #tpu.memory_space<vmem>>, vector<1x16xf32>,
      %get3A_275 = vector.shape_cast %get3A_274 : vector<1x16xf32> to vector<16xf32>
      %add3A_276 = arith.addf %get3A_271, %get3A_275 : vector<16xf32>
      %max3A_277 = arith.constant 0.000000e+00 : f32
      %max3A_278 = vector.broadcast %max3A_277 : f32 to vector<16xf32>
      %max3A_279 = arith.maximumf %add3A_276, %max3A_278 : vector<16xf32>
      %swap3A_280 = arith.index_cast %scan3A_267 : i32 to index
      %swap3A_281 = arith.constant 0 : index
      %swap3A_282 = tpu.vector_load %arg13[%swap3A_280, %swap3A_281] {strides = array<i32>} : memref<40x64xf32, #tpu.memory_space<vmem>>, vector<1x16xf32>,
      %swap3A_283 = vector.shape_cast %swap3A_282 : vector<1x16xf32> to vector<16xf32>
      %swap3A_284 = vector.shape_cast %max3A_279 : vector<16xf32> to vector<1x16xf32>
      tpu.vector_store %arg13[%swap3A_280, %swap3A_281], %swap3A_284 {strides = array<i32>} : memref<40x64xf32, #tpu.memory_space<vmem>>, vector<1x16xf32>,
      %get3A_285 = arith.index_cast %scan3A_267 : i32 to index
      %get3A_286 = arith.constant 16 : index
      %get3A_287 = tpu.vector_load %arg7[%get3A_285, %get3A_286] {strides = array<i32>} : memref<40x128xf32, #tpu.memory_space<vmem>>, vector<1x16xf32>,
      %get3A_288 = vector.shape_cast %get3A_287 : vector<1x16xf32> to vector<16xf32>
      %get3A_289 = arith.index_cast %scan3A_267 : i32 to index
      %get3A_290 = arith.constant 80 : index
      %get3A_291 = tpu.vector_load %arg8[%get3A_289, %get3A_290] {strides = array<i32>} : memref<40x128xf32, #tpu.memory_space<vmem>>, vector<1x16xf32>,
      %get3A_292 = vector.shape_cast %get3A_291 : vector<1x16xf32> to vector<16xf32>
      %add3A_293 = arith.addf %get3A_288, %get3A_292 : vector<16xf32>
      %max3A_294 = arith.constant 0.000000e+00 : f32
      %max3A_295 = vector.broadcast %max3A_294 : f32 to vector<16xf32>
      %max3A_296 = arith.maximumf %add3A_293, %max3A_295 : vector<16xf32>
      %swap3A_297 = arith.index_cast %scan3A_267 : i32 to index
      %swap3A_298 = arith.constant 16 : index
      %swap3A_299 = tpu.vector_load %arg13[%swap3A_297, %swap3A_298] {strides = array<i32>} : memref<40x64xf32, #tpu.memory_space<vmem>>, vector<1x16xf32>,
      %swap3A_300 = vector.shape_cast %swap3A_299 : vector<1x16xf32> to vector<16xf32>
      %swap3A_301 = vector.shape_cast %max3A_296 : vector<16xf32> to vector<1x16xf32>
      tpu.vector_store %arg13[%swap3A_297, %swap3A_298], %swap3A_301 {strides = array<i32>} : memref<40x64xf32, #tpu.memory_space<vmem>>, vector<1x16xf32>,
      %get3A_302 = arith.index_cast %scan3A_267 : i32 to index
      %get3A_303 = arith.constant 32 : index
      %get3A_304 = tpu.vector_load %arg7[%get3A_302, %get3A_303] {strides = array<i32>} : memref<40x128xf32, #tpu.memory_space<vmem>>, vector<1x16xf32>,
      %get3A_305 = vector.shape_cast %get3A_304 : vector<1x16xf32> to vector<16xf32>
      %get3A_306 = arith.index_cast %scan3A_267 : i32 to index
      %get3A_307 = arith.constant 96 : index
      %get3A_308 = tpu.vector_load %arg8[%get3A_306, %get3A_307] {strides = array<i32>} : memref<40x128xf32, #tpu.memory_space<vmem>>, vector<1x16xf32>,
      %get3A_309 = vector.shape_cast %get3A_308 : vector<1x16xf32> to vector<16xf32>
      %add3A_310 = arith.addf %get3A_305, %get3A_309 : vector<16xf32>
      %max3A_311 = arith.constant 0.000000e+00 : f32
      %max3A_312 = vector.broadcast %max3A_311 : f32 to vector<16xf32>
      %max3A_313 = arith.maximumf %add3A_310, %max3A_312 : vector<16xf32>
      %swap3A_314 = arith.index_cast %scan3A_267 : i32 to index
      %swap3A_315 = arith.constant 32 : index
      %swap3A_316 = tpu.vector_load %arg13[%swap3A_314, %swap3A_315] {strides = array<i32>} : memref<40x64xf32, #tpu.memory_space<vmem>>, vector<1x16xf32>,
      %swap3A_317 = vector.shape_cast %swap3A_316 : vector<1x16xf32> to vector<16xf32>
      %swap3A_318 = vector.shape_cast %max3A_313 : vector<16xf32> to vector<1x16xf32>
      tpu.vector_store %arg13[%swap3A_314, %swap3A_315], %swap3A_318 {strides = array<i32>} : memref<40x64xf32, #tpu.memory_space<vmem>>, vector<1x16xf32>,
      %get3A_319 = arith.index_cast %scan3A_267 : i32 to index
      %get3A_320 = arith.constant 48 : index
      %get3A_321 = tpu.vector_load %arg7[%get3A_319, %get3A_320] {strides = array<i32>} : memref<40x128xf32, #tpu.memory_space<vmem>>, vector<1x16xf32>,
      %get3A_322 = vector.shape_cast %get3A_321 : vector<1x16xf32> to vector<16xf32>
      %get3A_323 = arith.index_cast %scan3A_267 : i32 to index
      %get3A_324 = arith.constant 112 : index
      %get3A_325 = tpu.vector_load %arg8[%get3A_323, %get3A_324] {strides = array<i32>} : memref<40x128xf32, #tpu.memory_space<vmem>>, vector<1x16xf32>,
      %get3A_326 = vector.shape_cast %get3A_325 : vector<1x16xf32> to vector<16xf32>
      %add3A_327 = arith.addf %get3A_322, %get3A_326 : vector<16xf32>
      %max3A_328 = arith.constant 0.000000e+00 : f32
      %max3A_329 = vector.broadcast %max3A_328 : f32 to vector<16xf32>
      %max3A_330 = arith.maximumf %add3A_327, %max3A_329 : vector<16xf32>
      %swap3A_331 = arith.index_cast %scan3A_267 : i32 to index
      %swap3A_332 = arith.constant 48 : index
      %swap3A_333 = tpu.vector_load %arg13[%swap3A_331, %swap3A_332] {strides = array<i32>} : memref<40x64xf32, #tpu.memory_space<vmem>>, vector<1x16xf32>,
      %swap3A_334 = vector.shape_cast %swap3A_333 : vector<1x16xf32> to vector<16xf32>
      %swap3A_335 = vector.shape_cast %max3A_330 : vector<16xf32> to vector<1x16xf32>
      tpu.vector_store %arg13[%swap3A_331, %swap3A_332], %swap3A_335 {strides = array<i32>} : memref<40x64xf32, #tpu.memory_space<vmem>>, vector<1x16xf32>,
      %scan3A_336 = arith.constant 3 : i32
      %scan3A_337 = arith.addi %scan3A_130, %scan3A_336 : i32
      %get3A_338 = arith.index_cast %scan3A_337 : i32 to index
      %get3A_339 = arith.constant 0 : index
      %get3A_340 = tpu.vector_load %arg7[%get3A_338, %get3A_339] {strides = array<i32>} : memref<40x128xf32, #tpu.memory_space<vmem>>, vector<1x16xf32>,
      %get3A_341 = vector.shape_cast %get3A_340 : vector<1x16xf32> to vector<16xf32>
      %get3A_342 = arith.index_cast %scan3A_337 : i32 to index
      %get3A_343 = arith.constant 64 : index
      %get3A_344 = tpu.vector_load %arg8[%get3A_342, %get3A_343] {strides = array<i32>} : memref<40x128xf32, #tpu.memory_space<vmem>>, vector<1x16xf32>,
      %get3A_345 = vector.shape_cast %get3A_344 : vector<1x16xf32> to vector<16xf32>
      %add3A_346 = arith.addf %get3A_341, %get3A_345 : vector<16xf32>
      %max3A_347 = arith.constant 0.000000e+00 : f32
      %max3A_348 = vector.broadcast %max3A_347 : f32 to vector<16xf32>
      %max3A_349 = arith.maximumf %add3A_346, %max3A_348 : vector<16xf32>
      %swap3A_350 = arith.index_cast %scan3A_337 : i32 to index
      %swap3A_351 = arith.constant 0 : index
      %swap3A_352 = tpu.vector_load %arg13[%swap3A_350, %swap3A_351] {strides = array<i32>} : memref<40x64xf32, #tpu.memory_space<vmem>>, vector<1x16xf32>,
      %swap3A_353 = vector.shape_cast %swap3A_352 : vector<1x16xf32> to vector<16xf32>
      %swap3A_354 = vector.shape_cast %max3A_349 : vector<16xf32> to vector<1x16xf32>
      tpu.vector_store %arg13[%swap3A_350, %swap3A_351], %swap3A_354 {strides = array<i32>} : memref<40x64xf32, #tpu.memory_space<vmem>>, vector<1x16xf32>,
      %get3A_355 = arith.index_cast %scan3A_337 : i32 to index
      %get3A_356 = arith.constant 16 : index
      %get3A_357 = tpu.vector_load %arg7[%get3A_355, %get3A_356] {strides = array<i32>} : memref<40x128xf32, #tpu.memory_space<vmem>>, vector<1x16xf32>,
      %get3A_358 = vector.shape_cast %get3A_357 : vector<1x16xf32> to vector<16xf32>
      %get3A_359 = arith.index_cast %scan3A_337 : i32 to index
      %get3A_360 = arith.constant 80 : index
      %get3A_361 = tpu.vector_load %arg8[%get3A_359, %get3A_360] {strides = array<i32>} : memref<40x128xf32, #tpu.memory_space<vmem>>, vector<1x16xf32>,
      %get3A_362 = vector.shape_cast %get3A_361 : vector<1x16xf32> to vector<16xf32>
      %add3A_363 = arith.addf %get3A_358, %get3A_362 : vector<16xf32>
      %max3A_364 = arith.constant 0.000000e+00 : f32
      %max3A_365 = vector.broadcast %max3A_364 : f32 to vector<16xf32>
      %max3A_366 = arith.maximumf %add3A_363, %max3A_365 : vector<16xf32>
      %swap3A_367 = arith.index_cast %scan3A_337 : i32 to index
      %swap3A_368 = arith.constant 16 : index
      %swap3A_369 = tpu.vector_load %arg13[%swap3A_367, %swap3A_368] {strides = array<i32>} : memref<40x64xf32, #tpu.memory_space<vmem>>, vector<1x16xf32>,
      %swap3A_370 = vector.shape_cast %swap3A_369 : vector<1x16xf32> to vector<16xf32>
      %swap3A_371 = vector.shape_cast %max3A_366 : vector<16xf32> to vector<1x16xf32>
      tpu.vector_store %arg13[%swap3A_367, %swap3A_368], %swap3A_371 {strides = array<i32>} : memref<40x64xf32, #tpu.memory_space<vmem>>, vector<1x16xf32>,
      %get3A_372 = arith.index_cast %scan3A_337 : i32 to index
      %get3A_373 = arith.constant 32 : index
      %get3A_374 = tpu.vector_load %arg7[%get3A_372, %get3A_373] {strides = array<i32>} : memref<40x128xf32, #tpu.memory_space<vmem>>, vector<1x16xf32>,
      %get3A_375 = vector.shape_cast %get3A_374 : vector<1x16xf32> to vector<16xf32>
      %get3A_376 = arith.index_cast %scan3A_337 : i32 to index
      %get3A_377 = arith.constant 96 : index
      %get3A_378 = tpu.vector_load %arg8[%get3A_376, %get3A_377] {strides = array<i32>} : memref<40x128xf32, #tpu.memory_space<vmem>>, vector<1x16xf32>,
      %get3A_379 = vector.shape_cast %get3A_378 : vector<1x16xf32> to vector<16xf32>
      %add3A_380 = arith.addf %get3A_375, %get3A_379 : vector<16xf32>
      %max3A_381 = arith.constant 0.000000e+00 : f32
      %max3A_382 = vector.broadcast %max3A_381 : f32 to vector<16xf32>
      %max3A_383 = arith.maximumf %add3A_380, %max3A_382 : vector<16xf32>
      %swap3A_384 = arith.index_cast %scan3A_337 : i32 to index
      %swap3A_385 = arith.constant 32 : index
      %swap3A_386 = tpu.vector_load %arg13[%swap3A_384, %swap3A_385] {strides = array<i32>} : memref<40x64xf32, #tpu.memory_space<vmem>>, vector<1x16xf32>,
      %swap3A_387 = vector.shape_cast %swap3A_386 : vector<1x16xf32> to vector<16xf32>
      %swap3A_388 = vector.shape_cast %max3A_383 : vector<16xf32> to vector<1x16xf32>
      tpu.vector_store %arg13[%swap3A_384, %swap3A_385], %swap3A_388 {strides = array<i32>} : memref<40x64xf32, #tpu.memory_space<vmem>>, vector<1x16xf32>,
      %get3A_389 = arith.index_cast %scan3A_337 : i32 to index
      %get3A_390 = arith.constant 48 : index
      %get3A_391 = tpu.vector_load %arg7[%get3A_389, %get3A_390] {strides = array<i32>} : memref<40x128xf32, #tpu.memory_space<vmem>>, vector<1x16xf32>,
      %get3A_392 = vector.shape_cast %get3A_391 : vector<1x16xf32> to vector<16xf32>
      %get3A_393 = arith.index_cast %scan3A_337 : i32 to index
      %get3A_394 = arith.constant 112 : index
      %get3A_395 = tpu.vector_load %arg8[%get3A_393, %get3A_394] {strides = array<i32>} : memref<40x128xf32, #tpu.memory_space<vmem>>, vector<1x16xf32>,
      %get3A_396 = vector.shape_cast %get3A_395 : vector<1x16xf32> to vector<16xf32>
      %add3A_397 = arith.addf %get3A_392, %get3A_396 : vector<16xf32>
      %max3A_398 = arith.constant 0.000000e+00 : f32
      %max3A_399 = vector.broadcast %max3A_398 : f32 to vector<16xf32>
      %max3A_400 = arith.maximumf %add3A_397, %max3A_399 : vector<16xf32>
      %swap3A_401 = arith.index_cast %scan3A_337 : i32 to index
      %swap3A_402 = arith.constant 48 : index
      %swap3A_403 = tpu.vector_load %arg13[%swap3A_401, %swap3A_402] {strides = array<i32>} : memref<40x64xf32, #tpu.memory_space<vmem>>, vector<1x16xf32>,
      %swap3A_404 = vector.shape_cast %swap3A_403 : vector<1x16xf32> to vector<16xf32>
      %swap3A_405 = vector.shape_cast %max3A_400 : vector<16xf32> to vector<1x16xf32>
      tpu.vector_store %arg13[%swap3A_401, %swap3A_402], %swap3A_405 {strides = array<i32>} : memref<40x64xf32, #tpu.memory_space<vmem>>, vector<1x16xf32>,
    }
    %scan3A_71 = arith.constant 40 : i32
    %add3A_72 = arith.constant 4920 : i32
    %add3A_73 = arith.addi %mul3A_6, %add3A_72 : i32
    %dma_start3A_74 = arith.constant 0 : i32
    %dma_start3A_75 = tpu.memref_slice %arg4[%add3A_73, %dma_start3A_74] : memref<160000x64xf32, #tpu.memory_space<hbm>> -> memref<40x64xf32, #tpu.memory_space<hbm>>
    %dma_start3A_76 = arith.constant 0 : i32
    %dma_start3A_77 = tpu.memref_slice %arg4[%add3A_73, %dma_start3A_76] : memref<160000x64xf32, #tpu.memory_space<hbm>> -> memref<40x64xf32, #tpu.memory_space<hbm>>
    tpu.enqueue_dma source(%arg13 : memref<40x64xf32, #tpu.memory_space<vmem>>) target(%dma_start3A_77 : memref<40x64xf32, #tpu.memory_space<hbm>>) target_semaphore(%arg19 : memref<!tpu.dma_semaphore, #tpu.memory_space<semaphore_mem>>)
    %dma_wait3A_78 = arith.constant 0 : i32
    %dma_wait3A_79 = arith.constant 0 : i32
    %dma_wait3A_80 = tpu.memref_slice %arg9[%dma_wait3A_78, %dma_wait3A_79] : memref<40x128xf32, #tpu.memory_space<vmem>> -> memref<40x128xf32, #tpu.memory_space<vmem>>
    %dma_wait3A_81 = arith.constant 0 : i32
    %dma_wait3A_82 = tpu.memref_slice %arg5[%dma_wait3A_81] : memref<5000xi32, #tpu.memory_space<vmem>> -> memref<40xi32, #tpu.memory_space<vmem>>
    %dma_wait3A_83 = arith.constant 0 : i32
    %dma_wait3A_84 = arith.constant 0 : i32
    %dma_wait3A_85 = tpu.memref_slice %arg2[%dma_wait3A_83, %dma_wait3A_84] : memref<10000x128xf32, #tpu.memory_space<hbm>> -> memref<10000x128xf32, #tpu.memory_space<hbm>>
    tpu.wait_indirect_dma semaphore(%arg17 : memref<!tpu.dma_semaphore, #tpu.memory_space<semaphore_mem>>) src(%dma_wait3A_85 : memref<10000x128xf32, #tpu.memory_space<hbm>>) dst(%dma_wait3A_80 : memref<40x128xf32, #tpu.memory_space<vmem>>)
    %dma_wait3A_86 = arith.constant 0 : i32
    %dma_wait3A_87 = arith.constant 0 : i32
    %dma_wait3A_88 = tpu.memref_slice %arg10[%dma_wait3A_86, %dma_wait3A_87] : memref<40x128xf32, #tpu.memory_space<vmem>> -> memref<40x128xf32, #tpu.memory_space<vmem>>
    %dma_wait3A_89 = arith.constant 0 : i32
    %dma_wait3A_90 = tpu.memref_slice %arg6[%dma_wait3A_89] : memref<5000xi32, #tpu.memory_space<vmem>> -> memref<40xi32, #tpu.memory_space<vmem>>
    %dma_wait3A_91 = arith.constant 0 : i32
    %dma_wait3A_92 = arith.constant 0 : i32
    %dma_wait3A_93 = tpu.memref_slice %arg2[%dma_wait3A_91, %dma_wait3A_92] : memref<10000x128xf32, #tpu.memory_space<hbm>> -> memref<10000x128xf32, #tpu.memory_space<hbm>>
    tpu.wait_indirect_dma semaphore(%arg17 : memref<!tpu.dma_semaphore, #tpu.memory_space<semaphore_mem>>) src(%dma_wait3A_93 : memref<10000x128xf32, #tpu.memory_space<hbm>>) dst(%dma_wait3A_88 : memref<40x128xf32, #tpu.memory_space<vmem>>)
    %dma_wait3A_94 = arith.constant 0 : i32
    %dma_wait3A_95 = arith.constant 0 : i32
    %dma_wait3A_96 = tpu.memref_slice %arg4[%dma_wait3A_94, %dma_wait3A_95] : memref<160000x64xf32, #tpu.memory_space<hbm>> -> memref<40x64xf32, #tpu.memory_space<hbm>>
    %dma_wait3A_97 = arith.constant 0 : i32
    %dma_wait3A_98 = arith.constant 0 : i32
    %dma_wait3A_99 = tpu.memref_slice %arg4[%dma_wait3A_97, %dma_wait3A_98] : memref<160000x64xf32, #tpu.memory_space<hbm>> -> memref<40x64xf32, #tpu.memory_space<hbm>>
    tpu.wait_dma2 semaphore(%arg20 : memref<!tpu.dma_semaphore, #tpu.memory_space<semaphore_mem>>) src(%arg14 : memref<40x64xf32, #tpu.memory_space<vmem>>) dst(%dma_wait3A_99 : memref<40x64xf32, #tpu.memory_space<hbm>>)
    %scan3A_100 = arith.constant 0 : i32
    %scan3A_101 = arith.constant 0 : i32
    %scan3A_102 = arith.constant 40 : i32
    %scan3A_103 = arith.addi %scan3A_101, %scan3A_102 : i32
    %scan3A_104 = arith.constant 4 : i32
    scf.for %scan3A_130 = %scan3A_101 to %scan3A_103 step %scan3A_104  : i32 {
      %get3A = arith.index_cast %scan3A_130 : i32 to index
      %get3A_131 = arith.constant 0 : index
      %get3A_132 = tpu.vector_load %arg9[%get3A, %get3A_131] {strides = array<i32>} : memref<40x128xf32, #tpu.memory_space<vmem>>, vector<1x16xf32>,
      %get3A_133 = vector.shape_cast %get3A_132 : vector<1x16xf32> to vector<16xf32>
      %get3A_134 = arith.index_cast %scan3A_130 : i32 to index
      %get3A_135 = arith.constant 64 : index
      %get3A_136 = tpu.vector_load %arg10[%get3A_134, %get3A_135] {strides = array<i32>} : memref<40x128xf32, #tpu.memory_space<vmem>>, vector<1x16xf32>,
      %get3A_137 = vector.shape_cast %get3A_136 : vector<1x16xf32> to vector<16xf32>
      %add3A_138 = arith.addf %get3A_133, %get3A_137 : vector<16xf32>
      %max3A = arith.constant 0.000000e+00 : f32
      %max3A_139 = vector.broadcast %max3A : f32 to vector<16xf32>
      %max3A_140 = arith.maximumf %add3A_138, %max3A_139 : vector<16xf32>
      %swap3A = arith.index_cast %scan3A_130 : i32 to index
      %swap3A_141 = arith.constant 0 : index
      %swap3A_142 = tpu.vector_load %arg14[%swap3A, %swap3A_141] {strides = array<i32>} : memref<40x64xf32, #tpu.memory_space<vmem>>, vector<1x16xf32>,
      %swap3A_143 = vector.shape_cast %swap3A_142 : vector<1x16xf32> to vector<16xf32>
      %swap3A_144 = vector.shape_cast %max3A_140 : vector<16xf32> to vector<1x16xf32>
      tpu.vector_store %arg14[%swap3A, %swap3A_141], %swap3A_144 {strides = array<i32>} : memref<40x64xf32, #tpu.memory_space<vmem>>, vector<1x16xf32>,
      %get3A_145 = arith.index_cast %scan3A_130 : i32 to index
      %get3A_146 = arith.constant 16 : index
      %get3A_147 = tpu.vector_load %arg9[%get3A_145, %get3A_146] {strides = array<i32>} : memref<40x128xf32, #tpu.memory_space<vmem>>, vector<1x16xf32>,
      %get3A_148 = vector.shape_cast %get3A_147 : vector<1x16xf32> to vector<16xf32>
      %get3A_149 = arith.index_cast %scan3A_130 : i32 to index
      %get3A_150 = arith.constant 80 : index
      %get3A_151 = tpu.vector_load %arg10[%get3A_149, %get3A_150] {strides = array<i32>} : memref<40x128xf32, #tpu.memory_space<vmem>>, vector<1x16xf32>,
      %get3A_152 = vector.shape_cast %get3A_151 : vector<1x16xf32> to vector<16xf32>
      %add3A_153 = arith.addf %get3A_148, %get3A_152 : vector<16xf32>
      %max3A_154 = arith.constant 0.000000e+00 : f32
      %max3A_155 = vector.broadcast %max3A_154 : f32 to vector<16xf32>
      %max3A_156 = arith.maximumf %add3A_153, %max3A_155 : vector<16xf32>
      %swap3A_157 = arith.index_cast %scan3A_130 : i32 to index
      %swap3A_158 = arith.constant 16 : index
      %swap3A_159 = tpu.vector_load %arg14[%swap3A_157, %swap3A_158] {strides = array<i32>} : memref<40x64xf32, #tpu.memory_space<vmem>>, vector<1x16xf32>,
      %swap3A_160 = vector.shape_cast %swap3A_159 : vector<1x16xf32> to vector<16xf32>
      %swap3A_161 = vector.shape_cast %max3A_156 : vector<16xf32> to vector<1x16xf32>
      tpu.vector_store %arg14[%swap3A_157, %swap3A_158], %swap3A_161 {strides = array<i32>} : memref<40x64xf32, #tpu.memory_space<vmem>>, vector<1x16xf32>,
      %get3A_162 = arith.index_cast %scan3A_130 : i32 to index
      %get3A_163 = arith.constant 32 : index
      %get3A_164 = tpu.vector_load %arg9[%get3A_162, %get3A_163] {strides = array<i32>} : memref<40x128xf32, #tpu.memory_space<vmem>>, vector<1x16xf32>,
      %get3A_165 = vector.shape_cast %get3A_164 : vector<1x16xf32> to vector<16xf32>
      %get3A_166 = arith.index_cast %scan3A_130 : i32 to index
      %get3A_167 = arith.constant 96 : index
      %get3A_168 = tpu.vector_load %arg10[%get3A_166, %get3A_167] {strides = array<i32>} : memref<40x128xf32, #tpu.memory_space<vmem>>, vector<1x16xf32>,
      %get3A_169 = vector.shape_cast %get3A_168 : vector<1x16xf32> to vector<16xf32>
      %add3A_170 = arith.addf %get3A_165, %get3A_169 : vector<16xf32>
      %max3A_171 = arith.constant 0.000000e+00 : f32
      %max3A_172 = vector.broadcast %max3A_171 : f32 to vector<16xf32>
      %max3A_173 = arith.maximumf %add3A_170, %max3A_172 : vector<16xf32>
      %swap3A_174 = arith.index_cast %scan3A_130 : i32 to index
      %swap3A_175 = arith.constant 32 : index
      %swap3A_176 = tpu.vector_load %arg14[%swap3A_174, %swap3A_175] {strides = array<i32>} : memref<40x64xf32, #tpu.memory_space<vmem>>, vector<1x16xf32>,
      %swap3A_177 = vector.shape_cast %swap3A_176 : vector<1x16xf32> to vector<16xf32>
      %swap3A_178 = vector.shape_cast %max3A_173 : vector<16xf32> to vector<1x16xf32>
      tpu.vector_store %arg14[%swap3A_174, %swap3A_175], %swap3A_178 {strides = array<i32>} : memref<40x64xf32, #tpu.memory_space<vmem>>, vector<1x16xf32>,
      %get3A_179 = arith.index_cast %scan3A_130 : i32 to index
      %get3A_180 = arith.constant 48 : index
      %get3A_181 = tpu.vector_load %arg9[%get3A_179, %get3A_180] {strides = array<i32>} : memref<40x128xf32, #tpu.memory_space<vmem>>, vector<1x16xf32>,
      %get3A_182 = vector.shape_cast %get3A_181 : vector<1x16xf32> to vector<16xf32>
      %get3A_183 = arith.index_cast %scan3A_130 : i32 to index
      %get3A_184 = arith.constant 112 : index
      %get3A_185 = tpu.vector_load %arg10[%get3A_183, %get3A_184] {strides = array<i32>} : memref<40x128xf32, #tpu.memory_space<vmem>>, vector<1x16xf32>,
      %get3A_186 = vector.shape_cast %get3A_185 : vector<1x16xf32> to vector<16xf32>
      %add3A_187 = arith.addf %get3A_182, %get3A_186 : vector<16xf32>
      %max3A_188 = arith.constant 0.000000e+00 : f32
      %max3A_189 = vector.broadcast %max3A_188 : f32 to vector<16xf32>
      %max3A_190 = arith.maximumf %add3A_187, %max3A_189 : vector<16xf32>
      %swap3A_191 = arith.index_cast %scan3A_130 : i32 to index
      %swap3A_192 = arith.constant 48 : index
      %swap3A_193 = tpu.vector_load %arg14[%swap3A_191, %swap3A_192] {strides = array<i32>} : memref<40x64xf32, #tpu.memory_space<vmem>>, vector<1x16xf32>,
      %swap3A_194 = vector.shape_cast %swap3A_193 : vector<1x16xf32> to vector<16xf32>
      %swap3A_195 = vector.shape_cast %max3A_190 : vector<16xf32> to vector<1x16xf32>
      tpu.vector_store %arg14[%swap3A_191, %swap3A_192], %swap3A_195 {strides = array<i32>} : memref<40x64xf32, #tpu.memory_space<vmem>>, vector<1x16xf32>,
      %scan3A_196 = arith.constant 1 : i32
      %scan3A_197 = arith.addi %scan3A_130, %scan3A_196 : i32
      %get3A_198 = arith.index_cast %scan3A_197 : i32 to index
      %get3A_199 = arith.constant 0 : index
      %get3A_200 = tpu.vector_load %arg9[%get3A_198, %get3A_199] {strides = array<i32>} : memref<40x128xf32, #tpu.memory_space<vmem>>, vector<1x16xf32>,
      %get3A_201 = vector.shape_cast %get3A_200 : vector<1x16xf32> to vector<16xf32>
      %get3A_202 = arith.index_cast %scan3A_197 : i32 to index
      %get3A_203 = arith.constant 64 : index
      %get3A_204 = tpu.vector_load %arg10[%get3A_202, %get3A_203] {strides = array<i32>} : memref<40x128xf32, #tpu.memory_space<vmem>>, vector<1x16xf32>,
      %get3A_205 = vector.shape_cast %get3A_204 : vector<1x16xf32> to vector<16xf32>
      %add3A_206 = arith.addf %get3A_201, %get3A_205 : vector<16xf32>
      %max3A_207 = arith.constant 0.000000e+00 : f32
      %max3A_208 = vector.broadcast %max3A_207 : f32 to vector<16xf32>
      %max3A_209 = arith.maximumf %add3A_206, %max3A_208 : vector<16xf32>
      %swap3A_210 = arith.index_cast %scan3A_197 : i32 to index
      %swap3A_211 = arith.constant 0 : index
      %swap3A_212 = tpu.vector_load %arg14[%swap3A_210, %swap3A_211] {strides = array<i32>} : memref<40x64xf32, #tpu.memory_space<vmem>>, vector<1x16xf32>,
      %swap3A_213 = vector.shape_cast %swap3A_212 : vector<1x16xf32> to vector<16xf32>
      %swap3A_214 = vector.shape_cast %max3A_209 : vector<16xf32> to vector<1x16xf32>
      tpu.vector_store %arg14[%swap3A_210, %swap3A_211], %swap3A_214 {strides = array<i32>} : memref<40x64xf32, #tpu.memory_space<vmem>>, vector<1x16xf32>,
      %get3A_215 = arith.index_cast %scan3A_197 : i32 to index
      %get3A_216 = arith.constant 16 : index
      %get3A_217 = tpu.vector_load %arg9[%get3A_215, %get3A_216] {strides = array<i32>} : memref<40x128xf32, #tpu.memory_space<vmem>>, vector<1x16xf32>,
      %get3A_218 = vector.shape_cast %get3A_217 : vector<1x16xf32> to vector<16xf32>
      %get3A_219 = arith.index_cast %scan3A_197 : i32 to index
      %get3A_220 = arith.constant 80 : index
      %get3A_221 = tpu.vector_load %arg10[%get3A_219, %get3A_220] {strides = array<i32>} : memref<40x128xf32, #tpu.memory_space<vmem>>, vector<1x16xf32>,
      %get3A_222 = vector.shape_cast %get3A_221 : vector<1x16xf32> to vector<16xf32>
      %add3A_223 = arith.addf %get3A_218, %get3A_222 : vector<16xf32>
      %max3A_224 = arith.constant 0.000000e+00 : f32
      %max3A_225 = vector.broadcast %max3A_224 : f32 to vector<16xf32>
      %max3A_226 = arith.maximumf %add3A_223, %max3A_225 : vector<16xf32>
      %swap3A_227 = arith.index_cast %scan3A_197 : i32 to index
      %swap3A_228 = arith.constant 16 : index
      %swap3A_229 = tpu.vector_load %arg14[%swap3A_227, %swap3A_228] {strides = array<i32>} : memref<40x64xf32, #tpu.memory_space<vmem>>, vector<1x16xf32>,
      %swap3A_230 = vector.shape_cast %swap3A_229 : vector<1x16xf32> to vector<16xf32>
      %swap3A_231 = vector.shape_cast %max3A_226 : vector<16xf32> to vector<1x16xf32>
      tpu.vector_store %arg14[%swap3A_227, %swap3A_228], %swap3A_231 {strides = array<i32>} : memref<40x64xf32, #tpu.memory_space<vmem>>, vector<1x16xf32>,
      %get3A_232 = arith.index_cast %scan3A_197 : i32 to index
      %get3A_233 = arith.constant 32 : index
      %get3A_234 = tpu.vector_load %arg9[%get3A_232, %get3A_233] {strides = array<i32>} : memref<40x128xf32, #tpu.memory_space<vmem>>, vector<1x16xf32>,
      %get3A_235 = vector.shape_cast %get3A_234 : vector<1x16xf32> to vector<16xf32>
      %get3A_236 = arith.index_cast %scan3A_197 : i32 to index
      %get3A_237 = arith.constant 96 : index
      %get3A_238 = tpu.vector_load %arg10[%get3A_236, %get3A_237] {strides = array<i32>} : memref<40x128xf32, #tpu.memory_space<vmem>>, vector<1x16xf32>,
      %get3A_239 = vector.shape_cast %get3A_238 : vector<1x16xf32> to vector<16xf32>
      %add3A_240 = arith.addf %get3A_235, %get3A_239 : vector<16xf32>
      %max3A_241 = arith.constant 0.000000e+00 : f32
      %max3A_242 = vector.broadcast %max3A_241 : f32 to vector<16xf32>
      %max3A_243 = arith.maximumf %add3A_240, %max3A_242 : vector<16xf32>
      %swap3A_244 = arith.index_cast %scan3A_197 : i32 to index
      %swap3A_245 = arith.constant 32 : index
      %swap3A_246 = tpu.vector_load %arg14[%swap3A_244, %swap3A_245] {strides = array<i32>} : memref<40x64xf32, #tpu.memory_space<vmem>>, vector<1x16xf32>,
      %swap3A_247 = vector.shape_cast %swap3A_246 : vector<1x16xf32> to vector<16xf32>
      %swap3A_248 = vector.shape_cast %max3A_243 : vector<16xf32> to vector<1x16xf32>
      tpu.vector_store %arg14[%swap3A_244, %swap3A_245], %swap3A_248 {strides = array<i32>} : memref<40x64xf32, #tpu.memory_space<vmem>>, vector<1x16xf32>,
      %get3A_249 = arith.index_cast %scan3A_197 : i32 to index
      %get3A_250 = arith.constant 48 : index
      %get3A_251 = tpu.vector_load %arg9[%get3A_249, %get3A_250] {strides = array<i32>} : memref<40x128xf32, #tpu.memory_space<vmem>>, vector<1x16xf32>,
      %get3A_252 = vector.shape_cast %get3A_251 : vector<1x16xf32> to vector<16xf32>
      %get3A_253 = arith.index_cast %scan3A_197 : i32 to index
      %get3A_254 = arith.constant 112 : index
      %get3A_255 = tpu.vector_load %arg10[%get3A_253, %get3A_254] {strides = array<i32>} : memref<40x128xf32, #tpu.memory_space<vmem>>, vector<1x16xf32>,
      %get3A_256 = vector.shape_cast %get3A_255 : vector<1x16xf32> to vector<16xf32>
      %add3A_257 = arith.addf %get3A_252, %get3A_256 : vector<16xf32>
      %max3A_258 = arith.constant 0.000000e+00 : f32
      %max3A_259 = vector.broadcast %max3A_258 : f32 to vector<16xf32>
      %max3A_260 = arith.maximumf %add3A_257, %max3A_259 : vector<16xf32>
      %swap3A_261 = arith.index_cast %scan3A_197 : i32 to index
      %swap3A_262 = arith.constant 48 : index
      %swap3A_263 = tpu.vector_load %arg14[%swap3A_261, %swap3A_262] {strides = array<i32>} : memref<40x64xf32, #tpu.memory_space<vmem>>, vector<1x16xf32>,
      %swap3A_264 = vector.shape_cast %swap3A_263 : vector<1x16xf32> to vector<16xf32>
      %swap3A_265 = vector.shape_cast %max3A_260 : vector<16xf32> to vector<1x16xf32>
      tpu.vector_store %arg14[%swap3A_261, %swap3A_262], %swap3A_265 {strides = array<i32>} : memref<40x64xf32, #tpu.memory_space<vmem>>, vector<1x16xf32>,
      %scan3A_266 = arith.constant 2 : i32
      %scan3A_267 = arith.addi %scan3A_130, %scan3A_266 : i32
      %get3A_268 = arith.index_cast %scan3A_267 : i32 to index
      %get3A_269 = arith.constant 0 : index
      %get3A_270 = tpu.vector_load %arg9[%get3A_268, %get3A_269] {strides = array<i32>} : memref<40x128xf32, #tpu.memory_space<vmem>>, vector<1x16xf32>,
      %get3A_271 = vector.shape_cast %get3A_270 : vector<1x16xf32> to vector<16xf32>
      %get3A_272 = arith.index_cast %scan3A_267 : i32 to index
      %get3A_273 = arith.constant 64 : index
      %get3A_274 = tpu.vector_load %arg10[%get3A_272, %get3A_273] {strides = array<i32>} : memref<40x128xf32, #tpu.memory_space<vmem>>, vector<1x16xf32>,
      %get3A_275 = vector.shape_cast %get3A_274 : vector<1x16xf32> to vector<16xf32>
      %add3A_276 = arith.addf %get3A_271, %get3A_275 : vector<16xf32>
      %max3A_277 = arith.constant 0.000000e+00 : f32
      %max3A_278 = vector.broadcast %max3A_277 : f32 to vector<16xf32>
      %max3A_279 = arith.maximumf %add3A_276, %max3A_278 : vector<16xf32>
      %swap3A_280 = arith.index_cast %scan3A_267 : i32 to index
      %swap3A_281 = arith.constant 0 : index
      %swap3A_282 = tpu.vector_load %arg14[%swap3A_280, %swap3A_281] {strides = array<i32>} : memref<40x64xf32, #tpu.memory_space<vmem>>, vector<1x16xf32>,
      %swap3A_283 = vector.shape_cast %swap3A_282 : vector<1x16xf32> to vector<16xf32>
      %swap3A_284 = vector.shape_cast %max3A_279 : vector<16xf32> to vector<1x16xf32>
      tpu.vector_store %arg14[%swap3A_280, %swap3A_281], %swap3A_284 {strides = array<i32>} : memref<40x64xf32, #tpu.memory_space<vmem>>, vector<1x16xf32>,
      %get3A_285 = arith.index_cast %scan3A_267 : i32 to index
      %get3A_286 = arith.constant 16 : index
      %get3A_287 = tpu.vector_load %arg9[%get3A_285, %get3A_286] {strides = array<i32>} : memref<40x128xf32, #tpu.memory_space<vmem>>, vector<1x16xf32>,
      %get3A_288 = vector.shape_cast %get3A_287 : vector<1x16xf32> to vector<16xf32>
      %get3A_289 = arith.index_cast %scan3A_267 : i32 to index
      %get3A_290 = arith.constant 80 : index
      %get3A_291 = tpu.vector_load %arg10[%get3A_289, %get3A_290] {strides = array<i32>} : memref<40x128xf32, #tpu.memory_space<vmem>>, vector<1x16xf32>,
      %get3A_292 = vector.shape_cast %get3A_291 : vector<1x16xf32> to vector<16xf32>
      %add3A_293 = arith.addf %get3A_288, %get3A_292 : vector<16xf32>
      %max3A_294 = arith.constant 0.000000e+00 : f32
      %max3A_295 = vector.broadcast %max3A_294 : f32 to vector<16xf32>
      %max3A_296 = arith.maximumf %add3A_293, %max3A_295 : vector<16xf32>
      %swap3A_297 = arith.index_cast %scan3A_267 : i32 to index
      %swap3A_298 = arith.constant 16 : index
      %swap3A_299 = tpu.vector_load %arg14[%swap3A_297, %swap3A_298] {strides = array<i32>} : memref<40x64xf32, #tpu.memory_space<vmem>>, vector<1x16xf32>,
      %swap3A_300 = vector.shape_cast %swap3A_299 : vector<1x16xf32> to vector<16xf32>
      %swap3A_301 = vector.shape_cast %max3A_296 : vector<16xf32> to vector<1x16xf32>
      tpu.vector_store %arg14[%swap3A_297, %swap3A_298], %swap3A_301 {strides = array<i32>} : memref<40x64xf32, #tpu.memory_space<vmem>>, vector<1x16xf32>,
      %get3A_302 = arith.index_cast %scan3A_267 : i32 to index
      %get3A_303 = arith.constant 32 : index
      %get3A_304 = tpu.vector_load %arg9[%get3A_302, %get3A_303] {strides = array<i32>} : memref<40x128xf32, #tpu.memory_space<vmem>>, vector<1x16xf32>,
      %get3A_305 = vector.shape_cast %get3A_304 : vector<1x16xf32> to vector<16xf32>
      %get3A_306 = arith.index_cast %scan3A_267 : i32 to index
      %get3A_307 = arith.constant 96 : index
      %get3A_308 = tpu.vector_load %arg10[%get3A_306, %get3A_307] {strides = array<i32>} : memref<40x128xf32, #tpu.memory_space<vmem>>, vector<1x16xf32>,
      %get3A_309 = vector.shape_cast %get3A_308 : vector<1x16xf32> to vector<16xf32>
      %add3A_310 = arith.addf %get3A_305, %get3A_309 : vector<16xf32>
      %max3A_311 = arith.constant 0.000000e+00 : f32
      %max3A_312 = vector.broadcast %max3A_311 : f32 to vector<16xf32>
      %max3A_313 = arith.maximumf %add3A_310, %max3A_312 : vector<16xf32>
      %swap3A_314 = arith.index_cast %scan3A_267 : i32 to index
      %swap3A_315 = arith.constant 32 : index
      %swap3A_316 = tpu.vector_load %arg14[%swap3A_314, %swap3A_315] {strides = array<i32>} : memref<40x64xf32, #tpu.memory_space<vmem>>, vector<1x16xf32>,
      %swap3A_317 = vector.shape_cast %swap3A_316 : vector<1x16xf32> to vector<16xf32>
      %swap3A_318 = vector.shape_cast %max3A_313 : vector<16xf32> to vector<1x16xf32>
      tpu.vector_store %arg14[%swap3A_314, %swap3A_315], %swap3A_318 {strides = array<i32>} : memref<40x64xf32, #tpu.memory_space<vmem>>, vector<1x16xf32>,
      %get3A_319 = arith.index_cast %scan3A_267 : i32 to index
      %get3A_320 = arith.constant 48 : index
      %get3A_321 = tpu.vector_load %arg9[%get3A_319, %get3A_320] {strides = array<i32>} : memref<40x128xf32, #tpu.memory_space<vmem>>, vector<1x16xf32>,
      %get3A_322 = vector.shape_cast %get3A_321 : vector<1x16xf32> to vector<16xf32>
      %get3A_323 = arith.index_cast %scan3A_267 : i32 to index
      %get3A_324 = arith.constant 112 : index
      %get3A_325 = tpu.vector_load %arg10[%get3A_323, %get3A_324] {strides = array<i32>} : memref<40x128xf32, #tpu.memory_space<vmem>>, vector<1x16xf32>,
      %get3A_326 = vector.shape_cast %get3A_325 : vector<1x16xf32> to vector<16xf32>
      %add3A_327 = arith.addf %get3A_322, %get3A_326 : vector<16xf32>
      %max3A_328 = arith.constant 0.000000e+00 : f32
      %max3A_329 = vector.broadcast %max3A_328 : f32 to vector<16xf32>
      %max3A_330 = arith.maximumf %add3A_327, %max3A_329 : vector<16xf32>
      %swap3A_331 = arith.index_cast %scan3A_267 : i32 to index
      %swap3A_332 = arith.constant 48 : index
      %swap3A_333 = tpu.vector_load %arg14[%swap3A_331, %swap3A_332] {strides = array<i32>} : memref<40x64xf32, #tpu.memory_space<vmem>>, vector<1x16xf32>,
      %swap3A_334 = vector.shape_cast %swap3A_333 : vector<1x16xf32> to vector<16xf32>
      %swap3A_335 = vector.shape_cast %max3A_330 : vector<16xf32> to vector<1x16xf32>
      tpu.vector_store %arg14[%swap3A_331, %swap3A_332], %swap3A_335 {strides = array<i32>} : memref<40x64xf32, #tpu.memory_space<vmem>>, vector<1x16xf32>,
      %scan3A_336 = arith.constant 3 : i32
      %scan3A_337 = arith.addi %scan3A_130, %scan3A_336 : i32
      %get3A_338 = arith.index_cast %scan3A_337 : i32 to index
      %get3A_339 = arith.constant 0 : index
      %get3A_340 = tpu.vector_load %arg9[%get3A_338, %get3A_339] {strides = array<i32>} : memref<40x128xf32, #tpu.memory_space<vmem>>, vector<1x16xf32>,
      %get3A_341 = vector.shape_cast %get3A_340 : vector<1x16xf32> to vector<16xf32>
      %get3A_342 = arith.index_cast %scan3A_337 : i32 to index
      %get3A_343 = arith.constant 64 : index
      %get3A_344 = tpu.vector_load %arg10[%get3A_342, %get3A_343] {strides = array<i32>} : memref<40x128xf32, #tpu.memory_space<vmem>>, vector<1x16xf32>,
      %get3A_345 = vector.shape_cast %get3A_344 : vector<1x16xf32> to vector<16xf32>
      %add3A_346 = arith.addf %get3A_341, %get3A_345 : vector<16xf32>
      %max3A_347 = arith.constant 0.000000e+00 : f32
      %max3A_348 = vector.broadcast %max3A_347 : f32 to vector<16xf32>
      %max3A_349 = arith.maximumf %add3A_346, %max3A_348 : vector<16xf32>
      %swap3A_350 = arith.index_cast %scan3A_337 : i32 to index
      %swap3A_351 = arith.constant 0 : index
      %swap3A_352 = tpu.vector_load %arg14[%swap3A_350, %swap3A_351] {strides = array<i32>} : memref<40x64xf32, #tpu.memory_space<vmem>>, vector<1x16xf32>,
      %swap3A_353 = vector.shape_cast %swap3A_352 : vector<1x16xf32> to vector<16xf32>
      %swap3A_354 = vector.shape_cast %max3A_349 : vector<16xf32> to vector<1x16xf32>
      tpu.vector_store %arg14[%swap3A_350, %swap3A_351], %swap3A_354 {strides = array<i32>} : memref<40x64xf32, #tpu.memory_space<vmem>>, vector<1x16xf32>,
      %get3A_355 = arith.index_cast %scan3A_337 : i32 to index
      %get3A_356 = arith.constant 16 : index
      %get3A_357 = tpu.vector_load %arg9[%get3A_355, %get3A_356] {strides = array<i32>} : memref<40x128xf32, #tpu.memory_space<vmem>>, vector<1x16xf32>,
      %get3A_358 = vector.shape_cast %get3A_357 : vector<1x16xf32> to vector<16xf32>
      %get3A_359 = arith.index_cast %scan3A_337 : i32 to index
      %get3A_360 = arith.constant 80 : index
      %get3A_361 = tpu.vector_load %arg10[%get3A_359, %get3A_360] {strides = array<i32>} : memref<40x128xf32, #tpu.memory_space<vmem>>, vector<1x16xf32>,
      %get3A_362 = vector.shape_cast %get3A_361 : vector<1x16xf32> to vector<16xf32>
      %add3A_363 = arith.addf %get3A_358, %get3A_362 : vector<16xf32>
      %max3A_364 = arith.constant 0.000000e+00 : f32
      %max3A_365 = vector.broadcast %max3A_364 : f32 to vector<16xf32>
      %max3A_366 = arith.maximumf %add3A_363, %max3A_365 : vector<16xf32>
      %swap3A_367 = arith.index_cast %scan3A_337 : i32 to index
      %swap3A_368 = arith.constant 16 : index
      %swap3A_369 = tpu.vector_load %arg14[%swap3A_367, %swap3A_368] {strides = array<i32>} : memref<40x64xf32, #tpu.memory_space<vmem>>, vector<1x16xf32>,
      %swap3A_370 = vector.shape_cast %swap3A_369 : vector<1x16xf32> to vector<16xf32>
      %swap3A_371 = vector.shape_cast %max3A_366 : vector<16xf32> to vector<1x16xf32>
      tpu.vector_store %arg14[%swap3A_367, %swap3A_368], %swap3A_371 {strides = array<i32>} : memref<40x64xf32, #tpu.memory_space<vmem>>, vector<1x16xf32>,
      %get3A_372 = arith.index_cast %scan3A_337 : i32 to index
      %get3A_373 = arith.constant 32 : index
      %get3A_374 = tpu.vector_load %arg9[%get3A_372, %get3A_373] {strides = array<i32>} : memref<40x128xf32, #tpu.memory_space<vmem>>, vector<1x16xf32>,
      %get3A_375 = vector.shape_cast %get3A_374 : vector<1x16xf32> to vector<16xf32>
      %get3A_376 = arith.index_cast %scan3A_337 : i32 to index
      %get3A_377 = arith.constant 96 : index
      %get3A_378 = tpu.vector_load %arg10[%get3A_376, %get3A_377] {strides = array<i32>} : memref<40x128xf32, #tpu.memory_space<vmem>>, vector<1x16xf32>,
      %get3A_379 = vector.shape_cast %get3A_378 : vector<1x16xf32> to vector<16xf32>
      %add3A_380 = arith.addf %get3A_375, %get3A_379 : vector<16xf32>
      %max3A_381 = arith.constant 0.000000e+00 : f32
      %max3A_382 = vector.broadcast %max3A_381 : f32 to vector<16xf32>
      %max3A_383 = arith.maximumf %add3A_380, %max3A_382 : vector<16xf32>
      %swap3A_384 = arith.index_cast %scan3A_337 : i32 to index
      %swap3A_385 = arith.constant 32 : index
      %swap3A_386 = tpu.vector_load %arg14[%swap3A_384, %swap3A_385] {strides = array<i32>} : memref<40x64xf32, #tpu.memory_space<vmem>>, vector<1x16xf32>,
      %swap3A_387 = vector.shape_cast %swap3A_386 : vector<1x16xf32> to vector<16xf32>
      %swap3A_388 = vector.shape_cast %max3A_383 : vector<16xf32> to vector<1x16xf32>
      tpu.vector_store %arg14[%swap3A_384, %swap3A_385], %swap3A_388 {strides = array<i32>} : memref<40x64xf32, #tpu.memory_space<vmem>>, vector<1x16xf32>,
      %get3A_389 = arith.index_cast %scan3A_337 : i32 to index
      %get3A_390 = arith.constant 48 : index
      %get3A_391 = tpu.vector_load %arg9[%get3A_389, %get3A_390] {strides = array<i32>} : memref<40x128xf32, #tpu.memory_space<vmem>>, vector<1x16xf32>,
      %get3A_392 = vector.shape_cast %get3A_391 : vector<1x16xf32> to vector<16xf32>
      %get3A_393 = arith.index_cast %scan3A_337 : i32 to index
      %get3A_394 = arith.constant 112 : index
      %get3A_395 = tpu.vector_load %arg10[%get3A_393, %get3A_394] {strides = array<i32>} : memref<40x128xf32, #tpu.memory_space<vmem>>, vector<1x16xf32>,
      %get3A_396 = vector.shape_cast %get3A_395 : vector<1x16xf32> to vector<16xf32>
      %add3A_397 = arith.addf %get3A_392, %get3A_396 : vector<16xf32>
      %max3A_398 = arith.constant 0.000000e+00 : f32
      %max3A_399 = vector.broadcast %max3A_398 : f32 to vector<16xf32>
      %max3A_400 = arith.maximumf %add3A_397, %max3A_399 : vector<16xf32>
      %swap3A_401 = arith.index_cast %scan3A_337 : i32 to index
      %swap3A_402 = arith.constant 48 : index
      %swap3A_403 = tpu.vector_load %arg14[%swap3A_401, %swap3A_402] {strides = array<i32>} : memref<40x64xf32, #tpu.memory_space<vmem>>, vector<1x16xf32>,
      %swap3A_404 = vector.shape_cast %swap3A_403 : vector<1x16xf32> to vector<16xf32>
      %swap3A_405 = vector.shape_cast %max3A_400 : vector<16xf32> to vector<1x16xf32>
      tpu.vector_store %arg14[%swap3A_401, %swap3A_402], %swap3A_405 {strides = array<i32>} : memref<40x64xf32, #tpu.memory_space<vmem>>, vector<1x16xf32>,
    }
    %scan3A_105 = arith.constant 40 : i32
    %add3A_106 = arith.constant 4960 : i32
    %add3A_107 = arith.addi %mul3A_6, %add3A_106 : i32
    %dma_start3A_108 = arith.constant 0 : i32
    %dma_start3A_109 = tpu.memref_slice %arg4[%add3A_107, %dma_start3A_108] : memref<160000x64xf32, #tpu.memory_space<hbm>> -> memref<40x64xf32, #tpu.memory_space<hbm>>
    %dma_start3A_110 = arith.constant 0 : i32
    %dma_start3A_111 = tpu.memref_slice %arg4[%add3A_107, %dma_start3A_110] : memref<160000x64xf32, #tpu.memory_space<hbm>> -> memref<40x64xf32, #tpu.memory_space<hbm>>
    tpu.enqueue_dma source(%arg14 : memref<40x64xf32, #tpu.memory_space<vmem>>) target(%dma_start3A_111 : memref<40x64xf32, #tpu.memory_space<hbm>>) target_semaphore(%arg20 : memref<!tpu.dma_semaphore, #tpu.memory_space<semaphore_mem>>)
    %dma_wait3A_112 = arith.constant 0 : i32
    %dma_wait3A_113 = arith.constant 0 : i32
    %dma_wait3A_114 = tpu.memref_slice %arg4[%dma_wait3A_112, %dma_wait3A_113] : memref<160000x64xf32, #tpu.memory_space<hbm>> -> memref<40x64xf32, #tpu.memory_space<hbm>>
    %dma_wait3A_115 = arith.constant 0 : i32
    %dma_wait3A_116 = arith.constant 0 : i32
    %dma_wait3A_117 = tpu.memref_slice %arg4[%dma_wait3A_115, %dma_wait3A_116] : memref<160000x64xf32, #tpu.memory_space<hbm>> -> memref<40x64xf32, #tpu.memory_space<hbm>>
    tpu.wait_dma2 semaphore(%arg19 : memref<!tpu.dma_semaphore, #tpu.memory_space<semaphore_mem>>) src(%arg13 : memref<40x64xf32, #tpu.memory_space<vmem>>) dst(%dma_wait3A_117 : memref<40x64xf32, #tpu.memory_space<hbm>>)
    %dma_wait3A_118 = arith.constant 0 : i32
    %dma_wait3A_119 = arith.constant 0 : i32
    %dma_wait3A_120 = tpu.memref_slice %arg4[%dma_wait3A_118, %dma_wait3A_119] : memref<160000x64xf32, #tpu.memory_space<hbm>> -> memref<40x64xf32, #tpu.memory_space<hbm>>
    %dma_wait3A_121 = arith.constant 0 : i32
    %dma_wait3A_122 = arith.constant 0 : i32
    %dma_wait3A_123 = tpu.memref_slice %arg4[%dma_wait3A_121, %dma_wait3A_122] : memref<160000x64xf32, #tpu.memory_space<hbm>> -> memref<40x64xf32, #tpu.memory_space<hbm>>
    tpu.wait_dma2 semaphore(%arg20 : memref<!tpu.dma_semaphore, #tpu.memory_space<semaphore_mem>>) src(%arg14 : memref<40x64xf32, #tpu.memory_space<vmem>>) dst(%dma_wait3A_123 : memref<40x64xf32, #tpu.memory_space<hbm>>)
    %dma_wait3A_124 = arith.constant 0 : i32
    %dma_wait3A_125 = arith.constant 0 : i32
    %dma_wait3A_126 = tpu.memref_slice %arg4[%dma_wait3A_124, %dma_wait3A_125] : memref<160000x64xf32, #tpu.memory_space<hbm>> -> memref<40x64xf32, #tpu.memory_space<hbm>>
    %dma_wait3A_127 = arith.constant 0 : i32
    %dma_wait3A_128 = arith.constant 0 : i32
    %dma_wait3A_129 = tpu.memref_slice %arg4[%dma_wait3A_127, %dma_wait3A_128] : memref<160000x64xf32, #tpu.memory_space<hbm>> -> memref<40x64xf32, #tpu.memory_space<hbm>>
    tpu.wait_dma2 semaphore(%arg21 : memref<!tpu.dma_semaphore, #tpu.memory_space<semaphore_mem>>) src(%arg15 : memref<40x64xf32, #tpu.memory_space<vmem>>) dst(%dma_wait3A_129 : memref<40x64xf32, #tpu.memory_space<hbm>>)
    return
  }
}

#map = affine_map<(d0, d1) -> (0, 0)>
#map1 = affine_map<(d0, d1) -> (0)>
module attributes {stable_mosaic.version = 14 : i64} {
  func.func @_k2_body(%arg0: i32, %arg1: i32, %arg2: memref<10000x128xf32, #tpu.memory_space<hbm>>, %arg3: memref<640000xi32, #tpu.memory_space<hbm>>, %arg4: memref<160000x64xf32, #tpu.memory_space<hbm>>, %arg5: memref<5000xi32, #tpu.memory_space<vmem>>, %arg6: memref<5000xi32, #tpu.memory_space<vmem>>, %arg7: memref<40x128xf32, #tpu.memory_space<vmem>>, %arg8: memref<40x128xf32, #tpu.memory_space<vmem>>, %arg9: memref<40x128xf32, #tpu.memory_space<vmem>>, %arg10: memref<40x128xf32, #tpu.memory_space<vmem>>, %arg11: memref<40x128xf32, #tpu.memory_space<vmem>>, %arg12: memref<40x128xf32, #tpu.memory_space<vmem>>, %arg13: memref<40x64xf32, #tpu.memory_space<vmem>>, %arg14: memref<40x64xf32, #tpu.memory_space<vmem>>, %arg15: memref<40x64xf32, #tpu.memory_space<vmem>>, %arg16: memref<!tpu.dma_semaphore, #tpu.memory_space<semaphore_mem>>, %arg17: memref<!tpu.dma_semaphore, #tpu.memory_space<semaphore_mem>>, %arg18: memref<!tpu.dma_semaphore, #tpu.memory_space<semaphore_mem>>, %arg19: memref<!tpu.dma_semaphore, #tpu.memory_space<semaphore_mem>>, %arg20: memref<!tpu.dma_semaphore, #tpu.memory_space<semaphore_mem>>, %arg21: memref<!tpu.dma_semaphore, #tpu.memory_space<semaphore_mem>>) attributes {dimension_semantics = [#tpu.dimension_semantics<core_parallel>, #tpu.dimension_semantics<subcore_parallel>], iteration_bounds = array<i64: 2, 16>, scalar_prefetch = 0 : i64, scratch_operands = 17 : i64, tpu.core_type = #tpu.core_type<sc_vector_subcore>, window_params = [{transform_indices = #map}, {transform_indices = #map1}, {transform_indices = #map}]} {
    %mul3A = arith.constant 2 : i32
    %mul3A_0 = arith.muli %arg1, %mul3A : i32
    %add3A = arith.addi %mul3A_0, %arg0 : i32
    %mul3A_1 = arith.constant 5000 : i32
    %mul3A_2 = arith.muli %add3A, %mul3A_1 : i32
    %add3A_3 = arith.constant 160000 : i32
    %add3A_4 = arith.addi %add3A_3, %mul3A_2 : i32
    %mul3A_5 = arith.constant 5000 : i32
    %mul3A_6 = arith.muli %add3A, %mul3A_5 : i32
    "tpu.region"() ({
      %run_scoped3A = tpu.sem_alloc : memref<!tpu.dma_semaphore, #tpu.memory_space<semaphore_mem>>
      %dma_start3A_130 = tpu.memref_slice %arg3[%add3A_4] : memref<640000xi32, #tpu.memory_space<hbm>> -> memref<5000xi32, #tpu.memory_space<hbm>>
      %dma_start3A_131 = tpu.memref_slice %arg3[%add3A_4] : memref<640000xi32, #tpu.memory_space<hbm>> -> memref<5000xi32, #tpu.memory_space<hbm>>
      tpu.enqueue_dma source(%dma_start3A_131 : memref<5000xi32, #tpu.memory_space<hbm>>) target(%arg5 : memref<5000xi32, #tpu.memory_space<vmem>>) target_semaphore(%run_scoped3A : memref<!tpu.dma_semaphore, #tpu.memory_space<semaphore_mem>>)
      %dma_wait3A_132 = tpu.memref_slice %arg3[%add3A_4] : memref<640000xi32, #tpu.memory_space<hbm>> -> memref<5000xi32, #tpu.memory_space<hbm>>
      %dma_wait3A_133 = tpu.memref_slice %arg3[%add3A_4] : memref<640000xi32, #tpu.memory_space<hbm>> -> memref<5000xi32, #tpu.memory_space<hbm>>
      tpu.wait_dma2 semaphore(%run_scoped3A : memref<!tpu.dma_semaphore, #tpu.memory_space<semaphore_mem>>) src(%dma_wait3A_133 : memref<5000xi32, #tpu.memory_space<hbm>>) dst(%arg5 : memref<5000xi32, #tpu.memory_space<vmem>>)
      tpu.yield
    }) : () -> ()
    %add3A_7 = arith.constant 320000 : i32
    %add3A_8 = arith.addi %add3A_7, %add3A_4 : i32
    "tpu.region"() ({
      %run_scoped3A = tpu.sem_alloc : memref<!tpu.dma_semaphore, #tpu.memory_space<semaphore_mem>>
      %dma_start3A_130 = tpu.memref_slice %arg3[%add3A_8] : memref<640000xi32, #tpu.memory_space<hbm>> -> memref<5000xi32, #tpu.memory_space<hbm>>
      %dma_start3A_131 = tpu.memref_slice %arg3[%add3A_8] : memref<640000xi32, #tpu.memory_space<hbm>> -> memref<5000xi32, #tpu.memory_space<hbm>>
      tpu.enqueue_dma source(%dma_start3A_131 : memref<5000xi32, #tpu.memory_space<hbm>>) target(%arg6 : memref<5000xi32, #tpu.memory_space<vmem>>) target_semaphore(%run_scoped3A : memref<!tpu.dma_semaphore, #tpu.memory_space<semaphore_mem>>)
      %dma_wait3A_132 = tpu.memref_slice %arg3[%add3A_8] : memref<640000xi32, #tpu.memory_space<hbm>> -> memref<5000xi32, #tpu.memory_space<hbm>>
      %dma_wait3A_133 = tpu.memref_slice %arg3[%add3A_8] : memref<640000xi32, #tpu.memory_space<hbm>> -> memref<5000xi32, #tpu.memory_space<hbm>>
      tpu.wait_dma2 semaphore(%run_scoped3A : memref<!tpu.dma_semaphore, #tpu.memory_space<semaphore_mem>>) src(%dma_wait3A_133 : memref<5000xi32, #tpu.memory_space<hbm>>) dst(%arg6 : memref<5000xi32, #tpu.memory_space<vmem>>)
      tpu.yield
    }) : () -> ()
    %dma_start3A = arith.constant 0 : i32
    %dma_start3A_9 = arith.constant 0 : i32
    %dma_start3A_10 = tpu.memref_slice %arg7[%dma_start3A, %dma_start3A_9] : memref<40x128xf32, #tpu.memory_space<vmem>> -> memref<40x128xf32, #tpu.memory_space<vmem>>
    %dma_start3A_11 = arith.constant 0 : i32
    %dma_start3A_12 = tpu.memref_slice %arg5[%dma_start3A_11] : memref<5000xi32, #tpu.memory_space<vmem>> -> memref<40xi32, #tpu.memory_space<vmem>>
    %dma_start3A_13 = arith.constant 0 : i32
    %dma_start3A_14 = arith.constant 0 : i32
    %dma_start3A_15 = tpu.memref_slice %arg2[%dma_start3A_13, %dma_start3A_14] : memref<10000x128xf32, #tpu.memory_space<hbm>> -> memref<10000x128xf32, #tpu.memory_space<hbm>>
    tpu.enqueue_indirect_dma source(%dma_start3A_15 : memref<10000x128xf32, #tpu.memory_space<hbm>>) target(%dma_start3A_10 : memref<40x128xf32, #tpu.memory_space<vmem>>) offsets(%dma_start3A_12 : memref<40xi32, #tpu.memory_space<vmem>>) semaphore(%arg16 : memref<!tpu.dma_semaphore, #tpu.memory_space<semaphore_mem>>)
    %dma_start3A_16 = arith.constant 0 : i32
    %dma_start3A_17 = arith.constant 0 : i32
    %dma_start3A_18 = tpu.memref_slice %arg8[%dma_start3A_16, %dma_start3A_17] : memref<40x128xf32, #tpu.memory_space<vmem>> -> memref<40x128xf32, #tpu.memory_space<vmem>>
    %dma_start3A_19 = arith.constant 0 : i32
    %dma_start3A_20 = tpu.memref_slice %arg6[%dma_start3A_19] : memref<5000xi32, #tpu.memory_space<vmem>> -> memref<40xi32, #tpu.memory_space<vmem>>
    %dma_start3A_21 = arith.constant 0 : i32
    %dma_start3A_22 = arith.constant 0 : i32
    %dma_start3A_23 = tpu.memref_slice %arg2[%dma_start3A_21, %dma_start3A_22] : memref<10000x128xf32, #tpu.memory_space<hbm>> -> memref<10000x128xf32, #tpu.memory_space<hbm>>
    tpu.enqueue_indirect_dma source(%dma_start3A_23 : memref<10000x128xf32, #tpu.memory_space<hbm>>) target(%dma_start3A_18 : memref<40x128xf32, #tpu.memory_space<vmem>>) offsets(%dma_start3A_20 : memref<40xi32, #tpu.memory_space<vmem>>) semaphore(%arg16 : memref<!tpu.dma_semaphore, #tpu.memory_space<semaphore_mem>>)
    %dma_start3A_24 = arith.constant 0 : i32
    %dma_start3A_25 = arith.constant 0 : i32
    %dma_start3A_26 = tpu.memref_slice %arg9[%dma_start3A_24, %dma_start3A_25] : memref<40x128xf32, #tpu.memory_space<vmem>> -> memref<40x128xf32, #tpu.memory_space<vmem>>
    %dma_start3A_27 = arith.constant 40 : i32
    %dma_start3A_28 = tpu.memref_slice %arg5[%dma_start3A_27] : memref<5000xi32, #tpu.memory_space<vmem>> -> memref<40xi32, #tpu.memory_space<vmem>>
    %dma_start3A_29 = arith.constant 0 : i32
    %dma_start3A_30 = arith.constant 0 : i32
    %dma_start3A_31 = tpu.memref_slice %arg2[%dma_start3A_29, %dma_start3A_30] : memref<10000x128xf32, #tpu.memory_space<hbm>> -> memref<10000x128xf32, #tpu.memory_space<hbm>>
    tpu.enqueue_indirect_dma source(%dma_start3A_31 : memref<10000x128xf32, #tpu.memory_space<hbm>>) target(%dma_start3A_26 : memref<40x128xf32, #tpu.memory_space<vmem>>) offsets(%dma_start3A_28 : memref<40xi32, #tpu.memory_space<vmem>>) semaphore(%arg17 : memref<!tpu.dma_semaphore, #tpu.memory_space<semaphore_mem>>)
    %dma_start3A_32 = arith.constant 0 : i32
    %dma_start3A_33 = arith.constant 0 : i32
    %dma_start3A_34 = tpu.memref_slice %arg10[%dma_start3A_32, %dma_start3A_33] : memref<40x128xf32, #tpu.memory_space<vmem>> -> memref<40x128xf32, #tpu.memory_space<vmem>>
    %dma_start3A_35 = arith.constant 40 : i32
    %dma_start3A_36 = tpu.memref_slice %arg6[%dma_start3A_35] : memref<5000xi32, #tpu.memory_space<vmem>> -> memref<40xi32, #tpu.memory_space<vmem>>
    %dma_start3A_37 = arith.constant 0 : i32
    %dma_start3A_38 = arith.constant 0 : i32
    %dma_start3A_39 = tpu.memref_slice %arg2[%dma_start3A_37, %dma_start3A_38] : memref<10000x128xf32, #tpu.memory_space<hbm>> -> memref<10000x128xf32, #tpu.memory_space<hbm>>
    tpu.enqueue_indirect_dma source(%dma_start3A_39 : memref<10000x128xf32, #tpu.memory_space<hbm>>) target(%dma_start3A_34 : memref<40x128xf32, #tpu.memory_space<vmem>>) offsets(%dma_start3A_36 : memref<40xi32, #tpu.memory_space<vmem>>) semaphore(%arg17 : memref<!tpu.dma_semaphore, #tpu.memory_space<semaphore_mem>>)
    %scan3A = arith.constant 0 : i32
    %scan3A_40 = arith.constant 0 : i32
    %scan3A_41 = arith.constant 41 : i32
    %scan3A_42 = arith.addi %scan3A_40, %scan3A_41 : i32
    %scan3A_43 = arith.constant 1 : i32
    scf.for %scan3A_130 = %scan3A_40 to %scan3A_42 step %scan3A_43  : i32 {
      %mul3A_131 = arith.constant 3 : i32
      %mul3A_132 = arith.muli %mul3A_131, %scan3A_130 : i32
      %add3A_133 = arith.constant 0 : i32
      %add3A_134 = arith.addi %mul3A_132, %add3A_133 : i32
      %add3A_135 = arith.constant 2 : i32
      %add3A_136 = arith.addi %add3A_134, %add3A_135 : i32
      %mul3A_137 = arith.constant 40 : i32
      %mul3A_138 = arith.muli %add3A_136, %mul3A_137 : i32
      %dma_start3A_139 = arith.constant 0 : i32
      %dma_start3A_140 = arith.constant 0 : i32
      %dma_start3A_141 = tpu.memref_slice %arg11[%dma_start3A_139, %dma_start3A_140] : memref<40x128xf32, #tpu.memory_space<vmem>> -> memref<40x128xf32, #tpu.memory_space<vmem>>
      %dma_start3A_142 = tpu.memref_slice %arg5[%mul3A_138] : memref<5000xi32, #tpu.memory_space<vmem>> -> memref<40xi32, #tpu.memory_space<vmem>>
      %dma_start3A_143 = arith.constant 0 : i32
      %dma_start3A_144 = arith.constant 0 : i32
      %dma_start3A_145 = tpu.memref_slice %arg2[%dma_start3A_143, %dma_start3A_144] : memref<10000x128xf32, #tpu.memory_space<hbm>> -> memref<10000x128xf32, #tpu.memory_space<hbm>>
      tpu.enqueue_indirect_dma source(%dma_start3A_145 : memref<10000x128xf32, #tpu.memory_space<hbm>>) target(%dma_start3A_141 : memref<40x128xf32, #tpu.memory_space<vmem>>) offsets(%dma_start3A_142 : memref<40xi32, #tpu.memory_space<vmem>>) semaphore(%arg18 : memref<!tpu.dma_semaphore, #tpu.memory_space<semaphore_mem>>)
      %mul3A_146 = arith.constant 40 : i32
      %mul3A_147 = arith.muli %add3A_136, %mul3A_146 : i32
      %dma_start3A_148 = arith.constant 0 : i32
      %dma_start3A_149 = arith.constant 0 : i32
      %dma_start3A_150 = tpu.memref_slice %arg12[%dma_start3A_148, %dma_start3A_149] : memref<40x128xf32, #tpu.memory_space<vmem>> -> memref<40x128xf32, #tpu.memory_space<vmem>>
      %dma_start3A_151 = tpu.memref_slice %arg6[%mul3A_147] : memref<5000xi32, #tpu.memory_space<vmem>> -> memref<40xi32, #tpu.memory_space<vmem>>
      %dma_start3A_152 = arith.constant 0 : i32
      %dma_start3A_153 = arith.constant 0 : i32
      %dma_start3A_154 = tpu.memref_slice %arg2[%dma_start3A_152, %dma_start3A_153] : memref<10000x128xf32, #tpu.memory_space<hbm>> -> memref<10000x128xf32, #tpu.memory_space<hbm>>
      tpu.enqueue_indirect_dma source(%dma_start3A_154 : memref<10000x128xf32, #tpu.memory_space<hbm>>) target(%dma_start3A_150 : memref<40x128xf32, #tpu.memory_space<vmem>>) offsets(%dma_start3A_151 : memref<40xi32, #tpu.memory_space<vmem>>) semaphore(%arg18 : memref<!tpu.dma_semaphore, #tpu.memory_space<semaphore_mem>>)
      %dma_wait3A_155 = arith.constant 0 : i32
      %dma_wait3A_156 = arith.constant 0 : i32
      %dma_wait3A_157 = tpu.memref_slice %arg7[%dma_wait3A_155, %dma_wait3A_156] : memref<40x128xf32, #tpu.memory_space<vmem>> -> memref<40x128xf32, #tpu.memory_space<vmem>>
      %dma_wait3A_158 = arith.constant 0 : i32
      %dma_wait3A_159 = tpu.memref_slice %arg5[%dma_wait3A_158] : memref<5000xi32, #tpu.memory_space<vmem>> -> memref<40xi32, #tpu.memory_space<vmem>>
      %dma_wait3A_160 = arith.constant 0 : i32
      %dma_wait3A_161 = arith.constant 0 : i32
      %dma_wait3A_162 = tpu.memref_slice %arg2[%dma_wait3A_160, %dma_wait3A_161] : memref<10000x128xf32, #tpu.memory_space<hbm>> -> memref<10000x128xf32, #tpu.memory_space<hbm>>
      tpu.wait_indirect_dma semaphore(%arg16 : memref<!tpu.dma_semaphore, #tpu.memory_space<semaphore_mem>>) src(%dma_wait3A_162 : memref<10000x128xf32, #tpu.memory_space<hbm>>) dst(%dma_wait3A_157 : memref<40x128xf32, #tpu.memory_space<vmem>>)
      %dma_wait3A_163 = arith.constant 0 : i32
      %dma_wait3A_164 = arith.constant 0 : i32
      %dma_wait3A_165 = tpu.memref_slice %arg8[%dma_wait3A_163, %dma_wait3A_164] : memref<40x128xf32, #tpu.memory_space<vmem>> -> memref<40x128xf32, #tpu.memory_space<vmem>>
      %dma_wait3A_166 = arith.constant 0 : i32
      %dma_wait3A_167 = tpu.memref_slice %arg6[%dma_wait3A_166] : memref<5000xi32, #tpu.memory_space<vmem>> -> memref<40xi32, #tpu.memory_space<vmem>>
      %dma_wait3A_168 = arith.constant 0 : i32
      %dma_wait3A_169 = arith.constant 0 : i32
      %dma_wait3A_170 = tpu.memref_slice %arg2[%dma_wait3A_168, %dma_wait3A_169] : memref<10000x128xf32, #tpu.memory_space<hbm>> -> memref<10000x128xf32, #tpu.memory_space<hbm>>
      tpu.wait_indirect_dma semaphore(%arg16 : memref<!tpu.dma_semaphore, #tpu.memory_space<semaphore_mem>>) src(%dma_wait3A_170 : memref<10000x128xf32, #tpu.memory_space<hbm>>) dst(%dma_wait3A_165 : memref<40x128xf32, #tpu.memory_space<vmem>>)
      %gt3A = arith.constant 0 : i32
      %gt3A_171 = arith.cmpi sgt, %scan3A_130, %gt3A : i32
      %convert_element_type3A = arith.extui %gt3A_171 : i1 to i32
      %cond3A = arith.constant 0 : i32
      %cond3A_172 = arith.cmpi ne, %convert_element_type3A, %cond3A : i32
      scf.if %cond3A_172 {
        %dma_wait3A_304 = arith.constant 0 : i32
        %dma_wait3A_305 = arith.constant 0 : i32
        %dma_wait3A_306 = tpu.memref_slice %arg4[%dma_wait3A_304, %dma_wait3A_305] : memref<160000x64xf32, #tpu.memory_space<hbm>> -> memref<40x64xf32, #tpu.memory_space<hbm>>
        %dma_wait3A_307 = arith.constant 0 : i32
        %dma_wait3A_308 = arith.constant 0 : i32
        %dma_wait3A_309 = tpu.memref_slice %arg4[%dma_wait3A_307, %dma_wait3A_308] : memref<160000x64xf32, #tpu.memory_space<hbm>> -> memref<40x64xf32, #tpu.memory_space<hbm>>
        tpu.wait_dma2 semaphore(%arg19 : memref<!tpu.dma_semaphore, #tpu.memory_space<semaphore_mem>>) src(%arg13 : memref<40x64xf32, #tpu.memory_space<vmem>>) dst(%dma_wait3A_309 : memref<40x64xf32, #tpu.memory_space<hbm>>)
      } else {
      }
      %scan3A_173 = arith.constant 0 : i32
      %scan3A_174 = arith.constant 0 : i32
      %scan3A_175 = arith.constant 40 : i32
      %scan3A_176 = arith.addi %scan3A_174, %scan3A_175 : i32
      %scan3A_177 = arith.constant 4 : i32
      scf.for %scan3A_304 = %scan3A_174 to %scan3A_176 step %scan3A_177  : i32 {
        %get3A = arith.index_cast %scan3A_304 : i32 to index
        %get3A_305 = arith.constant 0 : index
        %get3A_306 = tpu.vector_load %arg7[%get3A, %get3A_305] {strides = array<i32>} : memref<40x128xf32, #tpu.memory_space<vmem>>, vector<1x16xf32>,
        %get3A_307 = vector.shape_cast %get3A_306 : vector<1x16xf32> to vector<16xf32>
        %get3A_308 = arith.index_cast %scan3A_304 : i32 to index
        %get3A_309 = arith.constant 64 : index
        %get3A_310 = tpu.vector_load %arg8[%get3A_308, %get3A_309] {strides = array<i32>} : memref<40x128xf32, #tpu.memory_space<vmem>>, vector<1x16xf32>,
        %get3A_311 = vector.shape_cast %get3A_310 : vector<1x16xf32> to vector<16xf32>
        %add3A_312 = arith.addf %get3A_307, %get3A_311 : vector<16xf32>
        %max3A = arith.constant 0.000000e+00 : f32
        %max3A_313 = vector.broadcast %max3A : f32 to vector<16xf32>
        %max3A_314 = arith.maximumf %add3A_312, %max3A_313 : vector<16xf32>
        %swap3A = arith.index_cast %scan3A_304 : i32 to index
        %swap3A_315 = arith.constant 0 : index
        %swap3A_316 = tpu.vector_load %arg13[%swap3A, %swap3A_315] {strides = array<i32>} : memref<40x64xf32, #tpu.memory_space<vmem>>, vector<1x16xf32>,
        %swap3A_317 = vector.shape_cast %swap3A_316 : vector<1x16xf32> to vector<16xf32>
        %swap3A_318 = vector.shape_cast %max3A_314 : vector<16xf32> to vector<1x16xf32>
        tpu.vector_store %arg13[%swap3A, %swap3A_315], %swap3A_318 {strides = array<i32>} : memref<40x64xf32, #tpu.memory_space<vmem>>, vector<1x16xf32>,
        %get3A_319 = arith.index_cast %scan3A_304 : i32 to index
        %get3A_320 = arith.constant 16 : index
        %get3A_321 = tpu.vector_load %arg7[%get3A_319, %get3A_320] {strides = array<i32>} : memref<40x128xf32, #tpu.memory_space<vmem>>, vector<1x16xf32>,
        %get3A_322 = vector.shape_cast %get3A_321 : vector<1x16xf32> to vector<16xf32>
        %get3A_323 = arith.index_cast %scan3A_304 : i32 to index
        %get3A_324 = arith.constant 80 : index
        %get3A_325 = tpu.vector_load %arg8[%get3A_323, %get3A_324] {strides = array<i32>} : memref<40x128xf32, #tpu.memory_space<vmem>>, vector<1x16xf32>,
        %get3A_326 = vector.shape_cast %get3A_325 : vector<1x16xf32> to vector<16xf32>
        %add3A_327 = arith.addf %get3A_322, %get3A_326 : vector<16xf32>
        %max3A_328 = arith.constant 0.000000e+00 : f32
        %max3A_329 = vector.broadcast %max3A_328 : f32 to vector<16xf32>
        %max3A_330 = arith.maximumf %add3A_327, %max3A_329 : vector<16xf32>
        %swap3A_331 = arith.index_cast %scan3A_304 : i32 to index
        %swap3A_332 = arith.constant 16 : index
        %swap3A_333 = tpu.vector_load %arg13[%swap3A_331, %swap3A_332] {strides = array<i32>} : memref<40x64xf32, #tpu.memory_space<vmem>>, vector<1x16xf32>,
        %swap3A_334 = vector.shape_cast %swap3A_333 : vector<1x16xf32> to vector<16xf32>
        %swap3A_335 = vector.shape_cast %max3A_330 : vector<16xf32> to vector<1x16xf32>
        tpu.vector_store %arg13[%swap3A_331, %swap3A_332], %swap3A_335 {strides = array<i32>} : memref<40x64xf32, #tpu.memory_space<vmem>>, vector<1x16xf32>,
        %get3A_336 = arith.index_cast %scan3A_304 : i32 to index
        %get3A_337 = arith.constant 32 : index
        %get3A_338 = tpu.vector_load %arg7[%get3A_336, %get3A_337] {strides = array<i32>} : memref<40x128xf32, #tpu.memory_space<vmem>>, vector<1x16xf32>,
        %get3A_339 = vector.shape_cast %get3A_338 : vector<1x16xf32> to vector<16xf32>
        %get3A_340 = arith.index_cast %scan3A_304 : i32 to index
        %get3A_341 = arith.constant 96 : index
        %get3A_342 = tpu.vector_load %arg8[%get3A_340, %get3A_341] {strides = array<i32>} : memref<40x128xf32, #tpu.memory_space<vmem>>, vector<1x16xf32>,
        %get3A_343 = vector.shape_cast %get3A_342 : vector<1x16xf32> to vector<16xf32>
        %add3A_344 = arith.addf %get3A_339, %get3A_343 : vector<16xf32>
        %max3A_345 = arith.constant 0.000000e+00 : f32
        %max3A_346 = vector.broadcast %max3A_345 : f32 to vector<16xf32>
        %max3A_347 = arith.maximumf %add3A_344, %max3A_346 : vector<16xf32>
        %swap3A_348 = arith.index_cast %scan3A_304 : i32 to index
        %swap3A_349 = arith.constant 32 : index
        %swap3A_350 = tpu.vector_load %arg13[%swap3A_348, %swap3A_349] {strides = array<i32>} : memref<40x64xf32, #tpu.memory_space<vmem>>, vector<1x16xf32>,
        %swap3A_351 = vector.shape_cast %swap3A_350 : vector<1x16xf32> to vector<16xf32>
        %swap3A_352 = vector.shape_cast %max3A_347 : vector<16xf32> to vector<1x16xf32>
        tpu.vector_store %arg13[%swap3A_348, %swap3A_349], %swap3A_352 {strides = array<i32>} : memref<40x64xf32, #tpu.memory_space<vmem>>, vector<1x16xf32>,
        %get3A_353 = arith.index_cast %scan3A_304 : i32 to index
        %get3A_354 = arith.constant 48 : index
        %get3A_355 = tpu.vector_load %arg7[%get3A_353, %get3A_354] {strides = array<i32>} : memref<40x128xf32, #tpu.memory_space<vmem>>, vector<1x16xf32>,
        %get3A_356 = vector.shape_cast %get3A_355 : vector<1x16xf32> to vector<16xf32>
        %get3A_357 = arith.index_cast %scan3A_304 : i32 to index
        %get3A_358 = arith.constant 112 : index
        %get3A_359 = tpu.vector_load %arg8[%get3A_357, %get3A_358] {strides = array<i32>} : memref<40x128xf32, #tpu.memory_space<vmem>>, vector<1x16xf32>,
        %get3A_360 = vector.shape_cast %get3A_359 : vector<1x16xf32> to vector<16xf32>
        %add3A_361 = arith.addf %get3A_356, %get3A_360 : vector<16xf32>
        %max3A_362 = arith.constant 0.000000e+00 : f32
        %max3A_363 = vector.broadcast %max3A_362 : f32 to vector<16xf32>
        %max3A_364 = arith.maximumf %add3A_361, %max3A_363 : vector<16xf32>
        %swap3A_365 = arith.index_cast %scan3A_304 : i32 to index
        %swap3A_366 = arith.constant 48 : index
        %swap3A_367 = tpu.vector_load %arg13[%swap3A_365, %swap3A_366] {strides = array<i32>} : memref<40x64xf32, #tpu.memory_space<vmem>>, vector<1x16xf32>,
        %swap3A_368 = vector.shape_cast %swap3A_367 : vector<1x16xf32> to vector<16xf32>
        %swap3A_369 = vector.shape_cast %max3A_364 : vector<16xf32> to vector<1x16xf32>
        tpu.vector_store %arg13[%swap3A_365, %swap3A_366], %swap3A_369 {strides = array<i32>} : memref<40x64xf32, #tpu.memory_space<vmem>>, vector<1x16xf32>,
        %scan3A_370 = arith.constant 1 : i32
        %scan3A_371 = arith.addi %scan3A_304, %scan3A_370 : i32
        %get3A_372 = arith.index_cast %scan3A_371 : i32 to index
        %get3A_373 = arith.constant 0 : index
        %get3A_374 = tpu.vector_load %arg7[%get3A_372, %get3A_373] {strides = array<i32>} : memref<40x128xf32, #tpu.memory_space<vmem>>, vector<1x16xf32>,
        %get3A_375 = vector.shape_cast %get3A_374 : vector<1x16xf32> to vector<16xf32>
        %get3A_376 = arith.index_cast %scan3A_371 : i32 to index
        %get3A_377 = arith.constant 64 : index
        %get3A_378 = tpu.vector_load %arg8[%get3A_376, %get3A_377] {strides = array<i32>} : memref<40x128xf32, #tpu.memory_space<vmem>>, vector<1x16xf32>,
        %get3A_379 = vector.shape_cast %get3A_378 : vector<1x16xf32> to vector<16xf32>
        %add3A_380 = arith.addf %get3A_375, %get3A_379 : vector<16xf32>
        %max3A_381 = arith.constant 0.000000e+00 : f32
        %max3A_382 = vector.broadcast %max3A_381 : f32 to vector<16xf32>
        %max3A_383 = arith.maximumf %add3A_380, %max3A_382 : vector<16xf32>
        %swap3A_384 = arith.index_cast %scan3A_371 : i32 to index
        %swap3A_385 = arith.constant 0 : index
        %swap3A_386 = tpu.vector_load %arg13[%swap3A_384, %swap3A_385] {strides = array<i32>} : memref<40x64xf32, #tpu.memory_space<vmem>>, vector<1x16xf32>,
        %swap3A_387 = vector.shape_cast %swap3A_386 : vector<1x16xf32> to vector<16xf32>
        %swap3A_388 = vector.shape_cast %max3A_383 : vector<16xf32> to vector<1x16xf32>
        tpu.vector_store %arg13[%swap3A_384, %swap3A_385], %swap3A_388 {strides = array<i32>} : memref<40x64xf32, #tpu.memory_space<vmem>>, vector<1x16xf32>,
        %get3A_389 = arith.index_cast %scan3A_371 : i32 to index
        %get3A_390 = arith.constant 16 : index
        %get3A_391 = tpu.vector_load %arg7[%get3A_389, %get3A_390] {strides = array<i32>} : memref<40x128xf32, #tpu.memory_space<vmem>>, vector<1x16xf32>,
        %get3A_392 = vector.shape_cast %get3A_391 : vector<1x16xf32> to vector<16xf32>
        %get3A_393 = arith.index_cast %scan3A_371 : i32 to index
        %get3A_394 = arith.constant 80 : index
        %get3A_395 = tpu.vector_load %arg8[%get3A_393, %get3A_394] {strides = array<i32>} : memref<40x128xf32, #tpu.memory_space<vmem>>, vector<1x16xf32>,
        %get3A_396 = vector.shape_cast %get3A_395 : vector<1x16xf32> to vector<16xf32>
        %add3A_397 = arith.addf %get3A_392, %get3A_396 : vector<16xf32>
        %max3A_398 = arith.constant 0.000000e+00 : f32
        %max3A_399 = vector.broadcast %max3A_398 : f32 to vector<16xf32>
        %max3A_400 = arith.maximumf %add3A_397, %max3A_399 : vector<16xf32>
        %swap3A_401 = arith.index_cast %scan3A_371 : i32 to index
        %swap3A_402 = arith.constant 16 : index
        %swap3A_403 = tpu.vector_load %arg13[%swap3A_401, %swap3A_402] {strides = array<i32>} : memref<40x64xf32, #tpu.memory_space<vmem>>, vector<1x16xf32>,
        %swap3A_404 = vector.shape_cast %swap3A_403 : vector<1x16xf32> to vector<16xf32>
        %swap3A_405 = vector.shape_cast %max3A_400 : vector<16xf32> to vector<1x16xf32>
        tpu.vector_store %arg13[%swap3A_401, %swap3A_402], %swap3A_405 {strides = array<i32>} : memref<40x64xf32, #tpu.memory_space<vmem>>, vector<1x16xf32>,
        %get3A_406 = arith.index_cast %scan3A_371 : i32 to index
        %get3A_407 = arith.constant 32 : index
        %get3A_408 = tpu.vector_load %arg7[%get3A_406, %get3A_407] {strides = array<i32>} : memref<40x128xf32, #tpu.memory_space<vmem>>, vector<1x16xf32>,
        %get3A_409 = vector.shape_cast %get3A_408 : vector<1x16xf32> to vector<16xf32>
        %get3A_410 = arith.index_cast %scan3A_371 : i32 to index
        %get3A_411 = arith.constant 96 : index
        %get3A_412 = tpu.vector_load %arg8[%get3A_410, %get3A_411] {strides = array<i32>} : memref<40x128xf32, #tpu.memory_space<vmem>>, vector<1x16xf32>,
        %get3A_413 = vector.shape_cast %get3A_412 : vector<1x16xf32> to vector<16xf32>
        %add3A_414 = arith.addf %get3A_409, %get3A_413 : vector<16xf32>
        %max3A_415 = arith.constant 0.000000e+00 : f32
        %max3A_416 = vector.broadcast %max3A_415 : f32 to vector<16xf32>
        %max3A_417 = arith.maximumf %add3A_414, %max3A_416 : vector<16xf32>
        %swap3A_418 = arith.index_cast %scan3A_371 : i32 to index
        %swap3A_419 = arith.constant 32 : index
        %swap3A_420 = tpu.vector_load %arg13[%swap3A_418, %swap3A_419] {strides = array<i32>} : memref<40x64xf32, #tpu.memory_space<vmem>>, vector<1x16xf32>,
        %swap3A_421 = vector.shape_cast %swap3A_420 : vector<1x16xf32> to vector<16xf32>
        %swap3A_422 = vector.shape_cast %max3A_417 : vector<16xf32> to vector<1x16xf32>
        tpu.vector_store %arg13[%swap3A_418, %swap3A_419], %swap3A_422 {strides = array<i32>} : memref<40x64xf32, #tpu.memory_space<vmem>>, vector<1x16xf32>,
        %get3A_423 = arith.index_cast %scan3A_371 : i32 to index
        %get3A_424 = arith.constant 48 : index
        %get3A_425 = tpu.vector_load %arg7[%get3A_423, %get3A_424] {strides = array<i32>} : memref<40x128xf32, #tpu.memory_space<vmem>>, vector<1x16xf32>,
        %get3A_426 = vector.shape_cast %get3A_425 : vector<1x16xf32> to vector<16xf32>
        %get3A_427 = arith.index_cast %scan3A_371 : i32 to index
        %get3A_428 = arith.constant 112 : index
        %get3A_429 = tpu.vector_load %arg8[%get3A_427, %get3A_428] {strides = array<i32>} : memref<40x128xf32, #tpu.memory_space<vmem>>, vector<1x16xf32>,
        %get3A_430 = vector.shape_cast %get3A_429 : vector<1x16xf32> to vector<16xf32>
        %add3A_431 = arith.addf %get3A_426, %get3A_430 : vector<16xf32>
        %max3A_432 = arith.constant 0.000000e+00 : f32
        %max3A_433 = vector.broadcast %max3A_432 : f32 to vector<16xf32>
        %max3A_434 = arith.maximumf %add3A_431, %max3A_433 : vector<16xf32>
        %swap3A_435 = arith.index_cast %scan3A_371 : i32 to index
        %swap3A_436 = arith.constant 48 : index
        %swap3A_437 = tpu.vector_load %arg13[%swap3A_435, %swap3A_436] {strides = array<i32>} : memref<40x64xf32, #tpu.memory_space<vmem>>, vector<1x16xf32>,
        %swap3A_438 = vector.shape_cast %swap3A_437 : vector<1x16xf32> to vector<16xf32>
        %swap3A_439 = vector.shape_cast %max3A_434 : vector<16xf32> to vector<1x16xf32>
        tpu.vector_store %arg13[%swap3A_435, %swap3A_436], %swap3A_439 {strides = array<i32>} : memref<40x64xf32, #tpu.memory_space<vmem>>, vector<1x16xf32>,
        %scan3A_440 = arith.constant 2 : i32
        %scan3A_441 = arith.addi %scan3A_304, %scan3A_440 : i32
        %get3A_442 = arith.index_cast %scan3A_441 : i32 to index
        %get3A_443 = arith.constant 0 : index
        %get3A_444 = tpu.vector_load %arg7[%get3A_442, %get3A_443] {strides = array<i32>} : memref<40x128xf32, #tpu.memory_space<vmem>>, vector<1x16xf32>,
        %get3A_445 = vector.shape_cast %get3A_444 : vector<1x16xf32> to vector<16xf32>
        %get3A_446 = arith.index_cast %scan3A_441 : i32 to index
        %get3A_447 = arith.constant 64 : index
        %get3A_448 = tpu.vector_load %arg8[%get3A_446, %get3A_447] {strides = array<i32>} : memref<40x128xf32, #tpu.memory_space<vmem>>, vector<1x16xf32>,
        %get3A_449 = vector.shape_cast %get3A_448 : vector<1x16xf32> to vector<16xf32>
        %add3A_450 = arith.addf %get3A_445, %get3A_449 : vector<16xf32>
        %max3A_451 = arith.constant 0.000000e+00 : f32
        %max3A_452 = vector.broadcast %max3A_451 : f32 to vector<16xf32>
        %max3A_453 = arith.maximumf %add3A_450, %max3A_452 : vector<16xf32>
        %swap3A_454 = arith.index_cast %scan3A_441 : i32 to index
        %swap3A_455 = arith.constant 0 : index
        %swap3A_456 = tpu.vector_load %arg13[%swap3A_454, %swap3A_455] {strides = array<i32>} : memref<40x64xf32, #tpu.memory_space<vmem>>, vector<1x16xf32>,
        %swap3A_457 = vector.shape_cast %swap3A_456 : vector<1x16xf32> to vector<16xf32>
        %swap3A_458 = vector.shape_cast %max3A_453 : vector<16xf32> to vector<1x16xf32>
        tpu.vector_store %arg13[%swap3A_454, %swap3A_455], %swap3A_458 {strides = array<i32>} : memref<40x64xf32, #tpu.memory_space<vmem>>, vector<1x16xf32>,
        %get3A_459 = arith.index_cast %scan3A_441 : i32 to index
        %get3A_460 = arith.constant 16 : index
        %get3A_461 = tpu.vector_load %arg7[%get3A_459, %get3A_460] {strides = array<i32>} : memref<40x128xf32, #tpu.memory_space<vmem>>, vector<1x16xf32>,
        %get3A_462 = vector.shape_cast %get3A_461 : vector<1x16xf32> to vector<16xf32>
        %get3A_463 = arith.index_cast %scan3A_441 : i32 to index
        %get3A_464 = arith.constant 80 : index
        %get3A_465 = tpu.vector_load %arg8[%get3A_463, %get3A_464] {strides = array<i32>} : memref<40x128xf32, #tpu.memory_space<vmem>>, vector<1x16xf32>,
        %get3A_466 = vector.shape_cast %get3A_465 : vector<1x16xf32> to vector<16xf32>
        %add3A_467 = arith.addf %get3A_462, %get3A_466 : vector<16xf32>
        %max3A_468 = arith.constant 0.000000e+00 : f32
        %max3A_469 = vector.broadcast %max3A_468 : f32 to vector<16xf32>
        %max3A_470 = arith.maximumf %add3A_467, %max3A_469 : vector<16xf32>
        %swap3A_471 = arith.index_cast %scan3A_441 : i32 to index
        %swap3A_472 = arith.constant 16 : index
        %swap3A_473 = tpu.vector_load %arg13[%swap3A_471, %swap3A_472] {strides = array<i32>} : memref<40x64xf32, #tpu.memory_space<vmem>>, vector<1x16xf32>,
        %swap3A_474 = vector.shape_cast %swap3A_473 : vector<1x16xf32> to vector<16xf32>
        %swap3A_475 = vector.shape_cast %max3A_470 : vector<16xf32> to vector<1x16xf32>
        tpu.vector_store %arg13[%swap3A_471, %swap3A_472], %swap3A_475 {strides = array<i32>} : memref<40x64xf32, #tpu.memory_space<vmem>>, vector<1x16xf32>,
        %get3A_476 = arith.index_cast %scan3A_441 : i32 to index
        %get3A_477 = arith.constant 32 : index
        %get3A_478 = tpu.vector_load %arg7[%get3A_476, %get3A_477] {strides = array<i32>} : memref<40x128xf32, #tpu.memory_space<vmem>>, vector<1x16xf32>,
        %get3A_479 = vector.shape_cast %get3A_478 : vector<1x16xf32> to vector<16xf32>
        %get3A_480 = arith.index_cast %scan3A_441 : i32 to index
        %get3A_481 = arith.constant 96 : index
        %get3A_482 = tpu.vector_load %arg8[%get3A_480, %get3A_481] {strides = array<i32>} : memref<40x128xf32, #tpu.memory_space<vmem>>, vector<1x16xf32>,
        %get3A_483 = vector.shape_cast %get3A_482 : vector<1x16xf32> to vector<16xf32>
        %add3A_484 = arith.addf %get3A_479, %get3A_483 : vector<16xf32>
        %max3A_485 = arith.constant 0.000000e+00 : f32
        %max3A_486 = vector.broadcast %max3A_485 : f32 to vector<16xf32>
        %max3A_487 = arith.maximumf %add3A_484, %max3A_486 : vector<16xf32>
        %swap3A_488 = arith.index_cast %scan3A_441 : i32 to index
        %swap3A_489 = arith.constant 32 : index
        %swap3A_490 = tpu.vector_load %arg13[%swap3A_488, %swap3A_489] {strides = array<i32>} : memref<40x64xf32, #tpu.memory_space<vmem>>, vector<1x16xf32>,
        %swap3A_491 = vector.shape_cast %swap3A_490 : vector<1x16xf32> to vector<16xf32>
        %swap3A_492 = vector.shape_cast %max3A_487 : vector<16xf32> to vector<1x16xf32>
        tpu.vector_store %arg13[%swap3A_488, %swap3A_489], %swap3A_492 {strides = array<i32>} : memref<40x64xf32, #tpu.memory_space<vmem>>, vector<1x16xf32>,
        %get3A_493 = arith.index_cast %scan3A_441 : i32 to index
        %get3A_494 = arith.constant 48 : index
        %get3A_495 = tpu.vector_load %arg7[%get3A_493, %get3A_494] {strides = array<i32>} : memref<40x128xf32, #tpu.memory_space<vmem>>, vector<1x16xf32>,
        %get3A_496 = vector.shape_cast %get3A_495 : vector<1x16xf32> to vector<16xf32>
        %get3A_497 = arith.index_cast %scan3A_441 : i32 to index
        %get3A_498 = arith.constant 112 : index
        %get3A_499 = tpu.vector_load %arg8[%get3A_497, %get3A_498] {strides = array<i32>} : memref<40x128xf32, #tpu.memory_space<vmem>>, vector<1x16xf32>,
        %get3A_500 = vector.shape_cast %get3A_499 : vector<1x16xf32> to vector<16xf32>
        %add3A_501 = arith.addf %get3A_496, %get3A_500 : vector<16xf32>
        %max3A_502 = arith.constant 0.000000e+00 : f32
        %max3A_503 = vector.broadcast %max3A_502 : f32 to vector<16xf32>
        %max3A_504 = arith.maximumf %add3A_501, %max3A_503 : vector<16xf32>
        %swap3A_505 = arith.index_cast %scan3A_441 : i32 to index
        %swap3A_506 = arith.constant 48 : index
        %swap3A_507 = tpu.vector_load %arg13[%swap3A_505, %swap3A_506] {strides = array<i32>} : memref<40x64xf32, #tpu.memory_space<vmem>>, vector<1x16xf32>,
        %swap3A_508 = vector.shape_cast %swap3A_507 : vector<1x16xf32> to vector<16xf32>
        %swap3A_509 = vector.shape_cast %max3A_504 : vector<16xf32> to vector<1x16xf32>
        tpu.vector_store %arg13[%swap3A_505, %swap3A_506], %swap3A_509 {strides = array<i32>} : memref<40x64xf32, #tpu.memory_space<vmem>>, vector<1x16xf32>,
        %scan3A_510 = arith.constant 3 : i32
        %scan3A_511 = arith.addi %scan3A_304, %scan3A_510 : i32
        %get3A_512 = arith.index_cast %scan3A_511 : i32 to index
        %get3A_513 = arith.constant 0 : index
        %get3A_514 = tpu.vector_load %arg7[%get3A_512, %get3A_513] {strides = array<i32>} : memref<40x128xf32, #tpu.memory_space<vmem>>, vector<1x16xf32>,
        %get3A_515 = vector.shape_cast %get3A_514 : vector<1x16xf32> to vector<16xf32>
        %get3A_516 = arith.index_cast %scan3A_511 : i32 to index
        %get3A_517 = arith.constant 64 : index
        %get3A_518 = tpu.vector_load %arg8[%get3A_516, %get3A_517] {strides = array<i32>} : memref<40x128xf32, #tpu.memory_space<vmem>>, vector<1x16xf32>,
        %get3A_519 = vector.shape_cast %get3A_518 : vector<1x16xf32> to vector<16xf32>
        %add3A_520 = arith.addf %get3A_515, %get3A_519 : vector<16xf32>
        %max3A_521 = arith.constant 0.000000e+00 : f32
        %max3A_522 = vector.broadcast %max3A_521 : f32 to vector<16xf32>
        %max3A_523 = arith.maximumf %add3A_520, %max3A_522 : vector<16xf32>
        %swap3A_524 = arith.index_cast %scan3A_511 : i32 to index
        %swap3A_525 = arith.constant 0 : index
        %swap3A_526 = tpu.vector_load %arg13[%swap3A_524, %swap3A_525] {strides = array<i32>} : memref<40x64xf32, #tpu.memory_space<vmem>>, vector<1x16xf32>,
        %swap3A_527 = vector.shape_cast %swap3A_526 : vector<1x16xf32> to vector<16xf32>
        %swap3A_528 = vector.shape_cast %max3A_523 : vector<16xf32> to vector<1x16xf32>
        tpu.vector_store %arg13[%swap3A_524, %swap3A_525], %swap3A_528 {strides = array<i32>} : memref<40x64xf32, #tpu.memory_space<vmem>>, vector<1x16xf32>,
        %get3A_529 = arith.index_cast %scan3A_511 : i32 to index
        %get3A_530 = arith.constant 16 : index
        %get3A_531 = tpu.vector_load %arg7[%get3A_529, %get3A_530] {strides = array<i32>} : memref<40x128xf32, #tpu.memory_space<vmem>>, vector<1x16xf32>,
        %get3A_532 = vector.shape_cast %get3A_531 : vector<1x16xf32> to vector<16xf32>
        %get3A_533 = arith.index_cast %scan3A_511 : i32 to index
        %get3A_534 = arith.constant 80 : index
        %get3A_535 = tpu.vector_load %arg8[%get3A_533, %get3A_534] {strides = array<i32>} : memref<40x128xf32, #tpu.memory_space<vmem>>, vector<1x16xf32>,
        %get3A_536 = vector.shape_cast %get3A_535 : vector<1x16xf32> to vector<16xf32>
        %add3A_537 = arith.addf %get3A_532, %get3A_536 : vector<16xf32>
        %max3A_538 = arith.constant 0.000000e+00 : f32
        %max3A_539 = vector.broadcast %max3A_538 : f32 to vector<16xf32>
        %max3A_540 = arith.maximumf %add3A_537, %max3A_539 : vector<16xf32>
        %swap3A_541 = arith.index_cast %scan3A_511 : i32 to index
        %swap3A_542 = arith.constant 16 : index
        %swap3A_543 = tpu.vector_load %arg13[%swap3A_541, %swap3A_542] {strides = array<i32>} : memref<40x64xf32, #tpu.memory_space<vmem>>, vector<1x16xf32>,
        %swap3A_544 = vector.shape_cast %swap3A_543 : vector<1x16xf32> to vector<16xf32>
        %swap3A_545 = vector.shape_cast %max3A_540 : vector<16xf32> to vector<1x16xf32>
        tpu.vector_store %arg13[%swap3A_541, %swap3A_542], %swap3A_545 {strides = array<i32>} : memref<40x64xf32, #tpu.memory_space<vmem>>, vector<1x16xf32>,
        %get3A_546 = arith.index_cast %scan3A_511 : i32 to index
        %get3A_547 = arith.constant 32 : index
        %get3A_548 = tpu.vector_load %arg7[%get3A_546, %get3A_547] {strides = array<i32>} : memref<40x128xf32, #tpu.memory_space<vmem>>, vector<1x16xf32>,
        %get3A_549 = vector.shape_cast %get3A_548 : vector<1x16xf32> to vector<16xf32>
        %get3A_550 = arith.index_cast %scan3A_511 : i32 to index
        %get3A_551 = arith.constant 96 : index
        %get3A_552 = tpu.vector_load %arg8[%get3A_550, %get3A_551] {strides = array<i32>} : memref<40x128xf32, #tpu.memory_space<vmem>>, vector<1x16xf32>,
        %get3A_553 = vector.shape_cast %get3A_552 : vector<1x16xf32> to vector<16xf32>
        %add3A_554 = arith.addf %get3A_549, %get3A_553 : vector<16xf32>
        %max3A_555 = arith.constant 0.000000e+00 : f32
        %max3A_556 = vector.broadcast %max3A_555 : f32 to vector<16xf32>
        %max3A_557 = arith.maximumf %add3A_554, %max3A_556 : vector<16xf32>
        %swap3A_558 = arith.index_cast %scan3A_511 : i32 to index
        %swap3A_559 = arith.constant 32 : index
        %swap3A_560 = tpu.vector_load %arg13[%swap3A_558, %swap3A_559] {strides = array<i32>} : memref<40x64xf32, #tpu.memory_space<vmem>>, vector<1x16xf32>,
        %swap3A_561 = vector.shape_cast %swap3A_560 : vector<1x16xf32> to vector<16xf32>
        %swap3A_562 = vector.shape_cast %max3A_557 : vector<16xf32> to vector<1x16xf32>
        tpu.vector_store %arg13[%swap3A_558, %swap3A_559], %swap3A_562 {strides = array<i32>} : memref<40x64xf32, #tpu.memory_space<vmem>>, vector<1x16xf32>,
        %get3A_563 = arith.index_cast %scan3A_511 : i32 to index
        %get3A_564 = arith.constant 48 : index
        %get3A_565 = tpu.vector_load %arg7[%get3A_563, %get3A_564] {strides = array<i32>} : memref<40x128xf32, #tpu.memory_space<vmem>>, vector<1x16xf32>,
        %get3A_566 = vector.shape_cast %get3A_565 : vector<1x16xf32> to vector<16xf32>
        %get3A_567 = arith.index_cast %scan3A_511 : i32 to index
        %get3A_568 = arith.constant 112 : index
        %get3A_569 = tpu.vector_load %arg8[%get3A_567, %get3A_568] {strides = array<i32>} : memref<40x128xf32, #tpu.memory_space<vmem>>, vector<1x16xf32>,
        %get3A_570 = vector.shape_cast %get3A_569 : vector<1x16xf32> to vector<16xf32>
        %add3A_571 = arith.addf %get3A_566, %get3A_570 : vector<16xf32>
        %max3A_572 = arith.constant 0.000000e+00 : f32
        %max3A_573 = vector.broadcast %max3A_572 : f32 to vector<16xf32>
        %max3A_574 = arith.maximumf %add3A_571, %max3A_573 : vector<16xf32>
        %swap3A_575 = arith.index_cast %scan3A_511 : i32 to index
        %swap3A_576 = arith.constant 48 : index
        %swap3A_577 = tpu.vector_load %arg13[%swap3A_575, %swap3A_576] {strides = array<i32>} : memref<40x64xf32, #tpu.memory_space<vmem>>, vector<1x16xf32>,
        %swap3A_578 = vector.shape_cast %swap3A_577 : vector<1x16xf32> to vector<16xf32>
        %swap3A_579 = vector.shape_cast %max3A_574 : vector<16xf32> to vector<1x16xf32>
        tpu.vector_store %arg13[%swap3A_575, %swap3A_576], %swap3A_579 {strides = array<i32>} : memref<40x64xf32, #tpu.memory_space<vmem>>, vector<1x16xf32>,
      }
      %scan3A_178 = arith.constant 40 : i32
      %add3A_179 = arith.constant 0 : i32
      %add3A_180 = arith.addi %mul3A_132, %add3A_179 : i32
      %mul3A_181 = arith.constant 40 : i32
      %mul3A_182 = arith.muli %add3A_180, %mul3A_181 : i32
      %add3A_183 = arith.addi %mul3A_6, %mul3A_182 : i32
      %dma_start3A_184 = arith.constant 0 : i32
      %dma_start3A_185 = tpu.memref_slice %arg4[%add3A_183, %dma_start3A_184] : memref<160000x64xf32, #tpu.memory_space<hbm>> -> memref<40x64xf32, #tpu.memory_space<hbm>>
      %dma_start3A_186 = arith.constant 0 : i32
      %dma_start3A_187 = tpu.memref_slice %arg4[%add3A_183, %dma_start3A_186] : memref<160000x64xf32, #tpu.memory_space<hbm>> -> memref<40x64xf32, #tpu.memory_space<hbm>>
      tpu.enqueue_dma source(%arg13 : memref<40x64xf32, #tpu.memory_space<vmem>>) target(%dma_start3A_187 : memref<40x64xf32, #tpu.memory_space<hbm>>) target_semaphore(%arg19 : memref<!tpu.dma_semaphore, #tpu.memory_space<semaphore_mem>>)
      %add3A_188 = arith.constant 1 : i32
      %add3A_189 = arith.addi %mul3A_132, %add3A_188 : i32
      %add3A_190 = arith.constant 2 : i32
      %add3A_191 = arith.addi %add3A_189, %add3A_190 : i32
      %mul3A_192 = arith.constant 40 : i32
      %mul3A_193 = arith.muli %add3A_191, %mul3A_192 : i32
      %dma_start3A_194 = arith.constant 0 : i32
      %dma_start3A_195 = arith.constant 0 : i32
      %dma_start3A_196 = tpu.memref_slice %arg7[%dma_start3A_194, %dma_start3A_195] : memref<40x128xf32, #tpu.memory_space<vmem>> -> memref<40x128xf32, #tpu.memory_space<vmem>>
      %dma_start3A_197 = tpu.memref_slice %arg5[%mul3A_193] : memref<5000xi32, #tpu.memory_space<vmem>> -> memref<40xi32, #tpu.memory_space<vmem>>
      %dma_start3A_198 = arith.constant 0 : i32
      %dma_start3A_199 = arith.constant 0 : i32
      %dma_start3A_200 = tpu.memref_slice %arg2[%dma_start3A_198, %dma_start3A_199] : memref<10000x128xf32, #tpu.memory_space<hbm>> -> memref<10000x128xf32, #tpu.memory_space<hbm>>
      tpu.enqueue_indirect_dma source(%dma_start3A_200 : memref<10000x128xf32, #tpu.memory_space<hbm>>) target(%dma_start3A_196 : memref<40x128xf32, #tpu.memory_space<vmem>>) offsets(%dma_start3A_197 : memref<40xi32, #tpu.memory_space<vmem>>) semaphore(%arg16 : memref<!tpu.dma_semaphore, #tpu.memory_space<semaphore_mem>>)
      %mul3A_201 = arith.constant 40 : i32
      %mul3A_202 = arith.muli %add3A_191, %mul3A_201 : i32
      %dma_start3A_203 = arith.constant 0 : i32
      %dma_start3A_204 = arith.constant 0 : i32
      %dma_start3A_205 = tpu.memref_slice %arg8[%dma_start3A_203, %dma_start3A_204] : memref<40x128xf32, #tpu.memory_space<vmem>> -> memref<40x128xf32, #tpu.memory_space<vmem>>
      %dma_start3A_206 = tpu.memref_slice %arg6[%mul3A_202] : memref<5000xi32, #tpu.memory_space<vmem>> -> memref<40xi32, #tpu.memory_space<vmem>>
      %dma_start3A_207 = arith.constant 0 : i32
      %dma_start3A_208 = arith.constant 0 : i32
      %dma_start3A_209 = tpu.memref_slice %arg2[%dma_start3A_207, %dma_start3A_208] : memref<10000x128xf32, #tpu.memory_space<hbm>> -> memref<10000x128xf32, #tpu.memory_space<hbm>>
      tpu.enqueue_indirect_dma source(%dma_start3A_209 : memref<10000x128xf32, #tpu.memory_space<hbm>>) target(%dma_start3A_205 : memref<40x128xf32, #tpu.memory_space<vmem>>) offsets(%dma_start3A_206 : memref<40xi32, #tpu.memory_space<vmem>>) semaphore(%arg16 : memref<!tpu.dma_semaphore, #tpu.memory_space<semaphore_mem>>)
      %dma_wait3A_210 = arith.constant 0 : i32
      %dma_wait3A_211 = arith.constant 0 : i32
      %dma_wait3A_212 = tpu.memref_slice %arg9[%dma_wait3A_210, %dma_wait3A_211] : memref<40x128xf32, #tpu.memory_space<vmem>> -> memref<40x128xf32, #tpu.memory_space<vmem>>
      %dma_wait3A_213 = arith.constant 0 : i32
      %dma_wait3A_214 = tpu.memref_slice %arg5[%dma_wait3A_213] : memref<5000xi32, #tpu.memory_space<vmem>> -> memref<40xi32, #tpu.memory_space<vmem>>
      %dma_wait3A_215 = arith.constant 0 : i32
      %dma_wait3A_216 = arith.constant 0 : i32
      %dma_wait3A_217 = tpu.memref_slice %arg2[%dma_wait3A_215, %dma_wait3A_216] : memref<10000x128xf32, #tpu.memory_space<hbm>> -> memref<10000x128xf32, #tpu.memory_space<hbm>>
      tpu.wait_indirect_dma semaphore(%arg17 : memref<!tpu.dma_semaphore, #tpu.memory_space<semaphore_mem>>) src(%dma_wait3A_217 : memref<10000x128xf32, #tpu.memory_space<hbm>>) dst(%dma_wait3A_212 : memref<40x128xf32, #tpu.memory_space<vmem>>)
      %dma_wait3A_218 = arith.constant 0 : i32
      %dma_wait3A_219 = arith.constant 0 : i32
      %dma_wait3A_220 = tpu.memref_slice %arg10[%dma_wait3A_218, %dma_wait3A_219] : memref<40x128xf32, #tpu.memory_space<vmem>> -> memref<40x128xf32, #tpu.memory_space<vmem>>
      %dma_wait3A_221 = arith.constant 0 : i32
      %dma_wait3A_222 = tpu.memref_slice %arg6[%dma_wait3A_221] : memref<5000xi32, #tpu.memory_space<vmem>> -> memref<40xi32, #tpu.memory_space<vmem>>
      %dma_wait3A_223 = arith.constant 0 : i32
      %dma_wait3A_224 = arith.constant 0 : i32
      %dma_wait3A_225 = tpu.memref_slice %arg2[%dma_wait3A_223, %dma_wait3A_224] : memref<10000x128xf32, #tpu.memory_space<hbm>> -> memref<10000x128xf32, #tpu.memory_space<hbm>>
      tpu.wait_indirect_dma semaphore(%arg17 : memref<!tpu.dma_semaphore, #tpu.memory_space<semaphore_mem>>) src(%dma_wait3A_225 : memref<10000x128xf32, #tpu.memory_space<hbm>>) dst(%dma_wait3A_220 : memref<40x128xf32, #tpu.memory_space<vmem>>)
      %gt3A_226 = arith.constant 0 : i32
      %gt3A_227 = arith.cmpi sgt, %scan3A_130, %gt3A_226 : i32
      %convert_element_type3A_228 = arith.extui %gt3A_227 : i1 to i32
      %cond3A_229 = arith.constant 0 : i32
      %cond3A_230 = arith.cmpi ne, %convert_element_type3A_228, %cond3A_229 : i32
      scf.if %cond3A_230 {
        %dma_wait3A_304 = arith.constant 0 : i32
        %dma_wait3A_305 = arith.constant 0 : i32
        %dma_wait3A_306 = tpu.memref_slice %arg4[%dma_wait3A_304, %dma_wait3A_305] : memref<160000x64xf32, #tpu.memory_space<hbm>> -> memref<40x64xf32, #tpu.memory_space<hbm>>
        %dma_wait3A_307 = arith.constant 0 : i32
        %dma_wait3A_308 = arith.constant 0 : i32
        %dma_wait3A_309 = tpu.memref_slice %arg4[%dma_wait3A_307, %dma_wait3A_308] : memref<160000x64xf32, #tpu.memory_space<hbm>> -> memref<40x64xf32, #tpu.memory_space<hbm>>
        tpu.wait_dma2 semaphore(%arg20 : memref<!tpu.dma_semaphore, #tpu.memory_space<semaphore_mem>>) src(%arg14 : memref<40x64xf32, #tpu.memory_space<vmem>>) dst(%dma_wait3A_309 : memref<40x64xf32, #tpu.memory_space<hbm>>)
      } else {
      }
      %scan3A_231 = arith.constant 0 : i32
      %scan3A_232 = arith.constant 0 : i32
      %scan3A_233 = arith.constant 40 : i32
      %scan3A_234 = arith.addi %scan3A_232, %scan3A_233 : i32
      %scan3A_235 = arith.constant 4 : i32
      scf.for %scan3A_304 = %scan3A_232 to %scan3A_234 step %scan3A_235  : i32 {
        %get3A = arith.index_cast %scan3A_304 : i32 to index
        %get3A_305 = arith.constant 0 : index
        %get3A_306 = tpu.vector_load %arg9[%get3A, %get3A_305] {strides = array<i32>} : memref<40x128xf32, #tpu.memory_space<vmem>>, vector<1x16xf32>,
        %get3A_307 = vector.shape_cast %get3A_306 : vector<1x16xf32> to vector<16xf32>
        %get3A_308 = arith.index_cast %scan3A_304 : i32 to index
        %get3A_309 = arith.constant 64 : index
        %get3A_310 = tpu.vector_load %arg10[%get3A_308, %get3A_309] {strides = array<i32>} : memref<40x128xf32, #tpu.memory_space<vmem>>, vector<1x16xf32>,
        %get3A_311 = vector.shape_cast %get3A_310 : vector<1x16xf32> to vector<16xf32>
        %add3A_312 = arith.addf %get3A_307, %get3A_311 : vector<16xf32>
        %max3A = arith.constant 0.000000e+00 : f32
        %max3A_313 = vector.broadcast %max3A : f32 to vector<16xf32>
        %max3A_314 = arith.maximumf %add3A_312, %max3A_313 : vector<16xf32>
        %swap3A = arith.index_cast %scan3A_304 : i32 to index
        %swap3A_315 = arith.constant 0 : index
        %swap3A_316 = tpu.vector_load %arg14[%swap3A, %swap3A_315] {strides = array<i32>} : memref<40x64xf32, #tpu.memory_space<vmem>>, vector<1x16xf32>,
        %swap3A_317 = vector.shape_cast %swap3A_316 : vector<1x16xf32> to vector<16xf32>
        %swap3A_318 = vector.shape_cast %max3A_314 : vector<16xf32> to vector<1x16xf32>
        tpu.vector_store %arg14[%swap3A, %swap3A_315], %swap3A_318 {strides = array<i32>} : memref<40x64xf32, #tpu.memory_space<vmem>>, vector<1x16xf32>,
        %get3A_319 = arith.index_cast %scan3A_304 : i32 to index
        %get3A_320 = arith.constant 16 : index
        %get3A_321 = tpu.vector_load %arg9[%get3A_319, %get3A_320] {strides = array<i32>} : memref<40x128xf32, #tpu.memory_space<vmem>>, vector<1x16xf32>,
        %get3A_322 = vector.shape_cast %get3A_321 : vector<1x16xf32> to vector<16xf32>
        %get3A_323 = arith.index_cast %scan3A_304 : i32 to index
        %get3A_324 = arith.constant 80 : index
        %get3A_325 = tpu.vector_load %arg10[%get3A_323, %get3A_324] {strides = array<i32>} : memref<40x128xf32, #tpu.memory_space<vmem>>, vector<1x16xf32>,
        %get3A_326 = vector.shape_cast %get3A_325 : vector<1x16xf32> to vector<16xf32>
        %add3A_327 = arith.addf %get3A_322, %get3A_326 : vector<16xf32>
        %max3A_328 = arith.constant 0.000000e+00 : f32
        %max3A_329 = vector.broadcast %max3A_328 : f32 to vector<16xf32>
        %max3A_330 = arith.maximumf %add3A_327, %max3A_329 : vector<16xf32>
        %swap3A_331 = arith.index_cast %scan3A_304 : i32 to index
        %swap3A_332 = arith.constant 16 : index
        %swap3A_333 = tpu.vector_load %arg14[%swap3A_331, %swap3A_332] {strides = array<i32>} : memref<40x64xf32, #tpu.memory_space<vmem>>, vector<1x16xf32>,
        %swap3A_334 = vector.shape_cast %swap3A_333 : vector<1x16xf32> to vector<16xf32>
        %swap3A_335 = vector.shape_cast %max3A_330 : vector<16xf32> to vector<1x16xf32>
        tpu.vector_store %arg14[%swap3A_331, %swap3A_332], %swap3A_335 {strides = array<i32>} : memref<40x64xf32, #tpu.memory_space<vmem>>, vector<1x16xf32>,
        %get3A_336 = arith.index_cast %scan3A_304 : i32 to index
        %get3A_337 = arith.constant 32 : index
        %get3A_338 = tpu.vector_load %arg9[%get3A_336, %get3A_337] {strides = array<i32>} : memref<40x128xf32, #tpu.memory_space<vmem>>, vector<1x16xf32>,
        %get3A_339 = vector.shape_cast %get3A_338 : vector<1x16xf32> to vector<16xf32>
        %get3A_340 = arith.index_cast %scan3A_304 : i32 to index
        %get3A_341 = arith.constant 96 : index
        %get3A_342 = tpu.vector_load %arg10[%get3A_340, %get3A_341] {strides = array<i32>} : memref<40x128xf32, #tpu.memory_space<vmem>>, vector<1x16xf32>,
        %get3A_343 = vector.shape_cast %get3A_342 : vector<1x16xf32> to vector<16xf32>
        %add3A_344 = arith.addf %get3A_339, %get3A_343 : vector<16xf32>
        %max3A_345 = arith.constant 0.000000e+00 : f32
        %max3A_346 = vector.broadcast %max3A_345 : f32 to vector<16xf32>
        %max3A_347 = arith.maximumf %add3A_344, %max3A_346 : vector<16xf32>
        %swap3A_348 = arith.index_cast %scan3A_304 : i32 to index
        %swap3A_349 = arith.constant 32 : index
        %swap3A_350 = tpu.vector_load %arg14[%swap3A_348, %swap3A_349] {strides = array<i32>} : memref<40x64xf32, #tpu.memory_space<vmem>>, vector<1x16xf32>,
        %swap3A_351 = vector.shape_cast %swap3A_350 : vector<1x16xf32> to vector<16xf32>
        %swap3A_352 = vector.shape_cast %max3A_347 : vector<16xf32> to vector<1x16xf32>
        tpu.vector_store %arg14[%swap3A_348, %swap3A_349], %swap3A_352 {strides = array<i32>} : memref<40x64xf32, #tpu.memory_space<vmem>>, vector<1x16xf32>,
        %get3A_353 = arith.index_cast %scan3A_304 : i32 to index
        %get3A_354 = arith.constant 48 : index
        %get3A_355 = tpu.vector_load %arg9[%get3A_353, %get3A_354] {strides = array<i32>} : memref<40x128xf32, #tpu.memory_space<vmem>>, vector<1x16xf32>,
        %get3A_356 = vector.shape_cast %get3A_355 : vector<1x16xf32> to vector<16xf32>
        %get3A_357 = arith.index_cast %scan3A_304 : i32 to index
        %get3A_358 = arith.constant 112 : index
        %get3A_359 = tpu.vector_load %arg10[%get3A_357, %get3A_358] {strides = array<i32>} : memref<40x128xf32, #tpu.memory_space<vmem>>, vector<1x16xf32>,
        %get3A_360 = vector.shape_cast %get3A_359 : vector<1x16xf32> to vector<16xf32>
        %add3A_361 = arith.addf %get3A_356, %get3A_360 : vector<16xf32>
        %max3A_362 = arith.constant 0.000000e+00 : f32
        %max3A_363 = vector.broadcast %max3A_362 : f32 to vector<16xf32>
        %max3A_364 = arith.maximumf %add3A_361, %max3A_363 : vector<16xf32>
        %swap3A_365 = arith.index_cast %scan3A_304 : i32 to index
        %swap3A_366 = arith.constant 48 : index
        %swap3A_367 = tpu.vector_load %arg14[%swap3A_365, %swap3A_366] {strides = array<i32>} : memref<40x64xf32, #tpu.memory_space<vmem>>, vector<1x16xf32>,
        %swap3A_368 = vector.shape_cast %swap3A_367 : vector<1x16xf32> to vector<16xf32>
        %swap3A_369 = vector.shape_cast %max3A_364 : vector<16xf32> to vector<1x16xf32>
        tpu.vector_store %arg14[%swap3A_365, %swap3A_366], %swap3A_369 {strides = array<i32>} : memref<40x64xf32, #tpu.memory_space<vmem>>, vector<1x16xf32>,
        %scan3A_370 = arith.constant 1 : i32
        %scan3A_371 = arith.addi %scan3A_304, %scan3A_370 : i32
        %get3A_372 = arith.index_cast %scan3A_371 : i32 to index
        %get3A_373 = arith.constant 0 : index
        %get3A_374 = tpu.vector_load %arg9[%get3A_372, %get3A_373] {strides = array<i32>} : memref<40x128xf32, #tpu.memory_space<vmem>>, vector<1x16xf32>,
        %get3A_375 = vector.shape_cast %get3A_374 : vector<1x16xf32> to vector<16xf32>
        %get3A_376 = arith.index_cast %scan3A_371 : i32 to index
        %get3A_377 = arith.constant 64 : index
        %get3A_378 = tpu.vector_load %arg10[%get3A_376, %get3A_377] {strides = array<i32>} : memref<40x128xf32, #tpu.memory_space<vmem>>, vector<1x16xf32>,
        %get3A_379 = vector.shape_cast %get3A_378 : vector<1x16xf32> to vector<16xf32>
        %add3A_380 = arith.addf %get3A_375, %get3A_379 : vector<16xf32>
        %max3A_381 = arith.constant 0.000000e+00 : f32
        %max3A_382 = vector.broadcast %max3A_381 : f32 to vector<16xf32>
        %max3A_383 = arith.maximumf %add3A_380, %max3A_382 : vector<16xf32>
        %swap3A_384 = arith.index_cast %scan3A_371 : i32 to index
        %swap3A_385 = arith.constant 0 : index
        %swap3A_386 = tpu.vector_load %arg14[%swap3A_384, %swap3A_385] {strides = array<i32>} : memref<40x64xf32, #tpu.memory_space<vmem>>, vector<1x16xf32>,
        %swap3A_387 = vector.shape_cast %swap3A_386 : vector<1x16xf32> to vector<16xf32>
        %swap3A_388 = vector.shape_cast %max3A_383 : vector<16xf32> to vector<1x16xf32>
        tpu.vector_store %arg14[%swap3A_384, %swap3A_385], %swap3A_388 {strides = array<i32>} : memref<40x64xf32, #tpu.memory_space<vmem>>, vector<1x16xf32>,
        %get3A_389 = arith.index_cast %scan3A_371 : i32 to index
        %get3A_390 = arith.constant 16 : index
        %get3A_391 = tpu.vector_load %arg9[%get3A_389, %get3A_390] {strides = array<i32>} : memref<40x128xf32, #tpu.memory_space<vmem>>, vector<1x16xf32>,
        %get3A_392 = vector.shape_cast %get3A_391 : vector<1x16xf32> to vector<16xf32>
        %get3A_393 = arith.index_cast %scan3A_371 : i32 to index
        %get3A_394 = arith.constant 80 : index
        %get3A_395 = tpu.vector_load %arg10[%get3A_393, %get3A_394] {strides = array<i32>} : memref<40x128xf32, #tpu.memory_space<vmem>>, vector<1x16xf32>,
        %get3A_396 = vector.shape_cast %get3A_395 : vector<1x16xf32> to vector<16xf32>
        %add3A_397 = arith.addf %get3A_392, %get3A_396 : vector<16xf32>
        %max3A_398 = arith.constant 0.000000e+00 : f32
        %max3A_399 = vector.broadcast %max3A_398 : f32 to vector<16xf32>
        %max3A_400 = arith.maximumf %add3A_397, %max3A_399 : vector<16xf32>
        %swap3A_401 = arith.index_cast %scan3A_371 : i32 to index
        %swap3A_402 = arith.constant 16 : index
        %swap3A_403 = tpu.vector_load %arg14[%swap3A_401, %swap3A_402] {strides = array<i32>} : memref<40x64xf32, #tpu.memory_space<vmem>>, vector<1x16xf32>,
        %swap3A_404 = vector.shape_cast %swap3A_403 : vector<1x16xf32> to vector<16xf32>
        %swap3A_405 = vector.shape_cast %max3A_400 : vector<16xf32> to vector<1x16xf32>
        tpu.vector_store %arg14[%swap3A_401, %swap3A_402], %swap3A_405 {strides = array<i32>} : memref<40x64xf32, #tpu.memory_space<vmem>>, vector<1x16xf32>,
        %get3A_406 = arith.index_cast %scan3A_371 : i32 to index
        %get3A_407 = arith.constant 32 : index
        %get3A_408 = tpu.vector_load %arg9[%get3A_406, %get3A_407] {strides = array<i32>} : memref<40x128xf32, #tpu.memory_space<vmem>>, vector<1x16xf32>,
        %get3A_409 = vector.shape_cast %get3A_408 : vector<1x16xf32> to vector<16xf32>
        %get3A_410 = arith.index_cast %scan3A_371 : i32 to index
        %get3A_411 = arith.constant 96 : index
        %get3A_412 = tpu.vector_load %arg10[%get3A_410, %get3A_411] {strides = array<i32>} : memref<40x128xf32, #tpu.memory_space<vmem>>, vector<1x16xf32>,
        %get3A_413 = vector.shape_cast %get3A_412 : vector<1x16xf32> to vector<16xf32>
        %add3A_414 = arith.addf %get3A_409, %get3A_413 : vector<16xf32>
        %max3A_415 = arith.constant 0.000000e+00 : f32
        %max3A_416 = vector.broadcast %max3A_415 : f32 to vector<16xf32>
        %max3A_417 = arith.maximumf %add3A_414, %max3A_416 : vector<16xf32>
        %swap3A_418 = arith.index_cast %scan3A_371 : i32 to index
        %swap3A_419 = arith.constant 32 : index
        %swap3A_420 = tpu.vector_load %arg14[%swap3A_418, %swap3A_419] {strides = array<i32>} : memref<40x64xf32, #tpu.memory_space<vmem>>, vector<1x16xf32>,
        %swap3A_421 = vector.shape_cast %swap3A_420 : vector<1x16xf32> to vector<16xf32>
        %swap3A_422 = vector.shape_cast %max3A_417 : vector<16xf32> to vector<1x16xf32>
        tpu.vector_store %arg14[%swap3A_418, %swap3A_419], %swap3A_422 {strides = array<i32>} : memref<40x64xf32, #tpu.memory_space<vmem>>, vector<1x16xf32>,
        %get3A_423 = arith.index_cast %scan3A_371 : i32 to index
        %get3A_424 = arith.constant 48 : index
        %get3A_425 = tpu.vector_load %arg9[%get3A_423, %get3A_424] {strides = array<i32>} : memref<40x128xf32, #tpu.memory_space<vmem>>, vector<1x16xf32>,
        %get3A_426 = vector.shape_cast %get3A_425 : vector<1x16xf32> to vector<16xf32>
        %get3A_427 = arith.index_cast %scan3A_371 : i32 to index
        %get3A_428 = arith.constant 112 : index
        %get3A_429 = tpu.vector_load %arg10[%get3A_427, %get3A_428] {strides = array<i32>} : memref<40x128xf32, #tpu.memory_space<vmem>>, vector<1x16xf32>,
        %get3A_430 = vector.shape_cast %get3A_429 : vector<1x16xf32> to vector<16xf32>
        %add3A_431 = arith.addf %get3A_426, %get3A_430 : vector<16xf32>
        %max3A_432 = arith.constant 0.000000e+00 : f32
        %max3A_433 = vector.broadcast %max3A_432 : f32 to vector<16xf32>
        %max3A_434 = arith.maximumf %add3A_431, %max3A_433 : vector<16xf32>
        %swap3A_435 = arith.index_cast %scan3A_371 : i32 to index
        %swap3A_436 = arith.constant 48 : index
        %swap3A_437 = tpu.vector_load %arg14[%swap3A_435, %swap3A_436] {strides = array<i32>} : memref<40x64xf32, #tpu.memory_space<vmem>>, vector<1x16xf32>,
        %swap3A_438 = vector.shape_cast %swap3A_437 : vector<1x16xf32> to vector<16xf32>
        %swap3A_439 = vector.shape_cast %max3A_434 : vector<16xf32> to vector<1x16xf32>
        tpu.vector_store %arg14[%swap3A_435, %swap3A_436], %swap3A_439 {strides = array<i32>} : memref<40x64xf32, #tpu.memory_space<vmem>>, vector<1x16xf32>,
        %scan3A_440 = arith.constant 2 : i32
        %scan3A_441 = arith.addi %scan3A_304, %scan3A_440 : i32
        %get3A_442 = arith.index_cast %scan3A_441 : i32 to index
        %get3A_443 = arith.constant 0 : index
        %get3A_444 = tpu.vector_load %arg9[%get3A_442, %get3A_443] {strides = array<i32>} : memref<40x128xf32, #tpu.memory_space<vmem>>, vector<1x16xf32>,
        %get3A_445 = vector.shape_cast %get3A_444 : vector<1x16xf32> to vector<16xf32>
        %get3A_446 = arith.index_cast %scan3A_441 : i32 to index
        %get3A_447 = arith.constant 64 : index
        %get3A_448 = tpu.vector_load %arg10[%get3A_446, %get3A_447] {strides = array<i32>} : memref<40x128xf32, #tpu.memory_space<vmem>>, vector<1x16xf32>,
        %get3A_449 = vector.shape_cast %get3A_448 : vector<1x16xf32> to vector<16xf32>
        %add3A_450 = arith.addf %get3A_445, %get3A_449 : vector<16xf32>
        %max3A_451 = arith.constant 0.000000e+00 : f32
        %max3A_452 = vector.broadcast %max3A_451 : f32 to vector<16xf32>
        %max3A_453 = arith.maximumf %add3A_450, %max3A_452 : vector<16xf32>
        %swap3A_454 = arith.index_cast %scan3A_441 : i32 to index
        %swap3A_455 = arith.constant 0 : index
        %swap3A_456 = tpu.vector_load %arg14[%swap3A_454, %swap3A_455] {strides = array<i32>} : memref<40x64xf32, #tpu.memory_space<vmem>>, vector<1x16xf32>,
        %swap3A_457 = vector.shape_cast %swap3A_456 : vector<1x16xf32> to vector<16xf32>
        %swap3A_458 = vector.shape_cast %max3A_453 : vector<16xf32> to vector<1x16xf32>
        tpu.vector_store %arg14[%swap3A_454, %swap3A_455], %swap3A_458 {strides = array<i32>} : memref<40x64xf32, #tpu.memory_space<vmem>>, vector<1x16xf32>,
        %get3A_459 = arith.index_cast %scan3A_441 : i32 to index
        %get3A_460 = arith.constant 16 : index
        %get3A_461 = tpu.vector_load %arg9[%get3A_459, %get3A_460] {strides = array<i32>} : memref<40x128xf32, #tpu.memory_space<vmem>>, vector<1x16xf32>,
        %get3A_462 = vector.shape_cast %get3A_461 : vector<1x16xf32> to vector<16xf32>
        %get3A_463 = arith.index_cast %scan3A_441 : i32 to index
        %get3A_464 = arith.constant 80 : index
        %get3A_465 = tpu.vector_load %arg10[%get3A_463, %get3A_464] {strides = array<i32>} : memref<40x128xf32, #tpu.memory_space<vmem>>, vector<1x16xf32>,
        %get3A_466 = vector.shape_cast %get3A_465 : vector<1x16xf32> to vector<16xf32>
        %add3A_467 = arith.addf %get3A_462, %get3A_466 : vector<16xf32>
        %max3A_468 = arith.constant 0.000000e+00 : f32
        %max3A_469 = vector.broadcast %max3A_468 : f32 to vector<16xf32>
        %max3A_470 = arith.maximumf %add3A_467, %max3A_469 : vector<16xf32>
        %swap3A_471 = arith.index_cast %scan3A_441 : i32 to index
        %swap3A_472 = arith.constant 16 : index
        %swap3A_473 = tpu.vector_load %arg14[%swap3A_471, %swap3A_472] {strides = array<i32>} : memref<40x64xf32, #tpu.memory_space<vmem>>, vector<1x16xf32>,
        %swap3A_474 = vector.shape_cast %swap3A_473 : vector<1x16xf32> to vector<16xf32>
        %swap3A_475 = vector.shape_cast %max3A_470 : vector<16xf32> to vector<1x16xf32>
        tpu.vector_store %arg14[%swap3A_471, %swap3A_472], %swap3A_475 {strides = array<i32>} : memref<40x64xf32, #tpu.memory_space<vmem>>, vector<1x16xf32>,
        %get3A_476 = arith.index_cast %scan3A_441 : i32 to index
        %get3A_477 = arith.constant 32 : index
        %get3A_478 = tpu.vector_load %arg9[%get3A_476, %get3A_477] {strides = array<i32>} : memref<40x128xf32, #tpu.memory_space<vmem>>, vector<1x16xf32>,
        %get3A_479 = vector.shape_cast %get3A_478 : vector<1x16xf32> to vector<16xf32>
        %get3A_480 = arith.index_cast %scan3A_441 : i32 to index
        %get3A_481 = arith.constant 96 : index
        %get3A_482 = tpu.vector_load %arg10[%get3A_480, %get3A_481] {strides = array<i32>} : memref<40x128xf32, #tpu.memory_space<vmem>>, vector<1x16xf32>,
        %get3A_483 = vector.shape_cast %get3A_482 : vector<1x16xf32> to vector<16xf32>
        %add3A_484 = arith.addf %get3A_479, %get3A_483 : vector<16xf32>
        %max3A_485 = arith.constant 0.000000e+00 : f32
        %max3A_486 = vector.broadcast %max3A_485 : f32 to vector<16xf32>
        %max3A_487 = arith.maximumf %add3A_484, %max3A_486 : vector<16xf32>
        %swap3A_488 = arith.index_cast %scan3A_441 : i32 to index
        %swap3A_489 = arith.constant 32 : index
        %swap3A_490 = tpu.vector_load %arg14[%swap3A_488, %swap3A_489] {strides = array<i32>} : memref<40x64xf32, #tpu.memory_space<vmem>>, vector<1x16xf32>,
        %swap3A_491 = vector.shape_cast %swap3A_490 : vector<1x16xf32> to vector<16xf32>
        %swap3A_492 = vector.shape_cast %max3A_487 : vector<16xf32> to vector<1x16xf32>
        tpu.vector_store %arg14[%swap3A_488, %swap3A_489], %swap3A_492 {strides = array<i32>} : memref<40x64xf32, #tpu.memory_space<vmem>>, vector<1x16xf32>,
        %get3A_493 = arith.index_cast %scan3A_441 : i32 to index
        %get3A_494 = arith.constant 48 : index
        %get3A_495 = tpu.vector_load %arg9[%get3A_493, %get3A_494] {strides = array<i32>} : memref<40x128xf32, #tpu.memory_space<vmem>>, vector<1x16xf32>,
        %get3A_496 = vector.shape_cast %get3A_495 : vector<1x16xf32> to vector<16xf32>
        %get3A_497 = arith.index_cast %scan3A_441 : i32 to index
        %get3A_498 = arith.constant 112 : index
        %get3A_499 = tpu.vector_load %arg10[%get3A_497, %get3A_498] {strides = array<i32>} : memref<40x128xf32, #tpu.memory_space<vmem>>, vector<1x16xf32>,
        %get3A_500 = vector.shape_cast %get3A_499 : vector<1x16xf32> to vector<16xf32>
        %add3A_501 = arith.addf %get3A_496, %get3A_500 : vector<16xf32>
        %max3A_502 = arith.constant 0.000000e+00 : f32
        %max3A_503 = vector.broadcast %max3A_502 : f32 to vector<16xf32>
        %max3A_504 = arith.maximumf %add3A_501, %max3A_503 : vector<16xf32>
        %swap3A_505 = arith.index_cast %scan3A_441 : i32 to index
        %swap3A_506 = arith.constant 48 : index
        %swap3A_507 = tpu.vector_load %arg14[%swap3A_505, %swap3A_506] {strides = array<i32>} : memref<40x64xf32, #tpu.memory_space<vmem>>, vector<1x16xf32>,
        %swap3A_508 = vector.shape_cast %swap3A_507 : vector<1x16xf32> to vector<16xf32>
        %swap3A_509 = vector.shape_cast %max3A_504 : vector<16xf32> to vector<1x16xf32>
        tpu.vector_store %arg14[%swap3A_505, %swap3A_506], %swap3A_509 {strides = array<i32>} : memref<40x64xf32, #tpu.memory_space<vmem>>, vector<1x16xf32>,
        %scan3A_510 = arith.constant 3 : i32
        %scan3A_511 = arith.addi %scan3A_304, %scan3A_510 : i32
        %get3A_512 = arith.index_cast %scan3A_511 : i32 to index
        %get3A_513 = arith.constant 0 : index
        %get3A_514 = tpu.vector_load %arg9[%get3A_512, %get3A_513] {strides = array<i32>} : memref<40x128xf32, #tpu.memory_space<vmem>>, vector<1x16xf32>,
        %get3A_515 = vector.shape_cast %get3A_514 : vector<1x16xf32> to vector<16xf32>
        %get3A_516 = arith.index_cast %scan3A_511 : i32 to index
        %get3A_517 = arith.constant 64 : index
        %get3A_518 = tpu.vector_load %arg10[%get3A_516, %get3A_517] {strides = array<i32>} : memref<40x128xf32, #tpu.memory_space<vmem>>, vector<1x16xf32>,
        %get3A_519 = vector.shape_cast %get3A_518 : vector<1x16xf32> to vector<16xf32>
        %add3A_520 = arith.addf %get3A_515, %get3A_519 : vector<16xf32>
        %max3A_521 = arith.constant 0.000000e+00 : f32
        %max3A_522 = vector.broadcast %max3A_521 : f32 to vector<16xf32>
        %max3A_523 = arith.maximumf %add3A_520, %max3A_522 : vector<16xf32>
        %swap3A_524 = arith.index_cast %scan3A_511 : i32 to index
        %swap3A_525 = arith.constant 0 : index
        %swap3A_526 = tpu.vector_load %arg14[%swap3A_524, %swap3A_525] {strides = array<i32>} : memref<40x64xf32, #tpu.memory_space<vmem>>, vector<1x16xf32>,
        %swap3A_527 = vector.shape_cast %swap3A_526 : vector<1x16xf32> to vector<16xf32>
        %swap3A_528 = vector.shape_cast %max3A_523 : vector<16xf32> to vector<1x16xf32>
        tpu.vector_store %arg14[%swap3A_524, %swap3A_525], %swap3A_528 {strides = array<i32>} : memref<40x64xf32, #tpu.memory_space<vmem>>, vector<1x16xf32>,
        %get3A_529 = arith.index_cast %scan3A_511 : i32 to index
        %get3A_530 = arith.constant 16 : index
        %get3A_531 = tpu.vector_load %arg9[%get3A_529, %get3A_530] {strides = array<i32>} : memref<40x128xf32, #tpu.memory_space<vmem>>, vector<1x16xf32>,
        %get3A_532 = vector.shape_cast %get3A_531 : vector<1x16xf32> to vector<16xf32>
        %get3A_533 = arith.index_cast %scan3A_511 : i32 to index
        %get3A_534 = arith.constant 80 : index
        %get3A_535 = tpu.vector_load %arg10[%get3A_533, %get3A_534] {strides = array<i32>} : memref<40x128xf32, #tpu.memory_space<vmem>>, vector<1x16xf32>,
        %get3A_536 = vector.shape_cast %get3A_535 : vector<1x16xf32> to vector<16xf32>
        %add3A_537 = arith.addf %get3A_532, %get3A_536 : vector<16xf32>
        %max3A_538 = arith.constant 0.000000e+00 : f32
        %max3A_539 = vector.broadcast %max3A_538 : f32 to vector<16xf32>
        %max3A_540 = arith.maximumf %add3A_537, %max3A_539 : vector<16xf32>
        %swap3A_541 = arith.index_cast %scan3A_511 : i32 to index
        %swap3A_542 = arith.constant 16 : index
        %swap3A_543 = tpu.vector_load %arg14[%swap3A_541, %swap3A_542] {strides = array<i32>} : memref<40x64xf32, #tpu.memory_space<vmem>>, vector<1x16xf32>,
        %swap3A_544 = vector.shape_cast %swap3A_543 : vector<1x16xf32> to vector<16xf32>
        %swap3A_545 = vector.shape_cast %max3A_540 : vector<16xf32> to vector<1x16xf32>
        tpu.vector_store %arg14[%swap3A_541, %swap3A_542], %swap3A_545 {strides = array<i32>} : memref<40x64xf32, #tpu.memory_space<vmem>>, vector<1x16xf32>,
        %get3A_546 = arith.index_cast %scan3A_511 : i32 to index
        %get3A_547 = arith.constant 32 : index
        %get3A_548 = tpu.vector_load %arg9[%get3A_546, %get3A_547] {strides = array<i32>} : memref<40x128xf32, #tpu.memory_space<vmem>>, vector<1x16xf32>,
        %get3A_549 = vector.shape_cast %get3A_548 : vector<1x16xf32> to vector<16xf32>
        %get3A_550 = arith.index_cast %scan3A_511 : i32 to index
        %get3A_551 = arith.constant 96 : index
        %get3A_552 = tpu.vector_load %arg10[%get3A_550, %get3A_551] {strides = array<i32>} : memref<40x128xf32, #tpu.memory_space<vmem>>, vector<1x16xf32>,
        %get3A_553 = vector.shape_cast %get3A_552 : vector<1x16xf32> to vector<16xf32>
        %add3A_554 = arith.addf %get3A_549, %get3A_553 : vector<16xf32>
        %max3A_555 = arith.constant 0.000000e+00 : f32
        %max3A_556 = vector.broadcast %max3A_555 : f32 to vector<16xf32>
        %max3A_557 = arith.maximumf %add3A_554, %max3A_556 : vector<16xf32>
        %swap3A_558 = arith.index_cast %scan3A_511 : i32 to index
        %swap3A_559 = arith.constant 32 : index
        %swap3A_560 = tpu.vector_load %arg14[%swap3A_558, %swap3A_559] {strides = array<i32>} : memref<40x64xf32, #tpu.memory_space<vmem>>, vector<1x16xf32>,
        %swap3A_561 = vector.shape_cast %swap3A_560 : vector<1x16xf32> to vector<16xf32>
        %swap3A_562 = vector.shape_cast %max3A_557 : vector<16xf32> to vector<1x16xf32>
        tpu.vector_store %arg14[%swap3A_558, %swap3A_559], %swap3A_562 {strides = array<i32>} : memref<40x64xf32, #tpu.memory_space<vmem>>, vector<1x16xf32>,
        %get3A_563 = arith.index_cast %scan3A_511 : i32 to index
        %get3A_564 = arith.constant 48 : index
        %get3A_565 = tpu.vector_load %arg9[%get3A_563, %get3A_564] {strides = array<i32>} : memref<40x128xf32, #tpu.memory_space<vmem>>, vector<1x16xf32>,
        %get3A_566 = vector.shape_cast %get3A_565 : vector<1x16xf32> to vector<16xf32>
        %get3A_567 = arith.index_cast %scan3A_511 : i32 to index
        %get3A_568 = arith.constant 112 : index
        %get3A_569 = tpu.vector_load %arg10[%get3A_567, %get3A_568] {strides = array<i32>} : memref<40x128xf32, #tpu.memory_space<vmem>>, vector<1x16xf32>,
        %get3A_570 = vector.shape_cast %get3A_569 : vector<1x16xf32> to vector<16xf32>
        %add3A_571 = arith.addf %get3A_566, %get3A_570 : vector<16xf32>
        %max3A_572 = arith.constant 0.000000e+00 : f32
        %max3A_573 = vector.broadcast %max3A_572 : f32 to vector<16xf32>
        %max3A_574 = arith.maximumf %add3A_571, %max3A_573 : vector<16xf32>
        %swap3A_575 = arith.index_cast %scan3A_511 : i32 to index
        %swap3A_576 = arith.constant 48 : index
        %swap3A_577 = tpu.vector_load %arg14[%swap3A_575, %swap3A_576] {strides = array<i32>} : memref<40x64xf32, #tpu.memory_space<vmem>>, vector<1x16xf32>,
        %swap3A_578 = vector.shape_cast %swap3A_577 : vector<1x16xf32> to vector<16xf32>
        %swap3A_579 = vector.shape_cast %max3A_574 : vector<16xf32> to vector<1x16xf32>
        tpu.vector_store %arg14[%swap3A_575, %swap3A_576], %swap3A_579 {strides = array<i32>} : memref<40x64xf32, #tpu.memory_space<vmem>>, vector<1x16xf32>,
      }
      %scan3A_236 = arith.constant 40 : i32
      %add3A_237 = arith.constant 1 : i32
      %add3A_238 = arith.addi %mul3A_132, %add3A_237 : i32
      %mul3A_239 = arith.constant 40 : i32
      %mul3A_240 = arith.muli %add3A_238, %mul3A_239 : i32
      %add3A_241 = arith.addi %mul3A_6, %mul3A_240 : i32
      %dma_start3A_242 = arith.constant 0 : i32
      %dma_start3A_243 = tpu.memref_slice %arg4[%add3A_241, %dma_start3A_242] : memref<160000x64xf32, #tpu.memory_space<hbm>> -> memref<40x64xf32, #tpu.memory_space<hbm>>
      %dma_start3A_244 = arith.constant 0 : i32
      %dma_start3A_245 = tpu.memref_slice %arg4[%add3A_241, %dma_start3A_244] : memref<160000x64xf32, #tpu.memory_space<hbm>> -> memref<40x64xf32, #tpu.memory_space<hbm>>
      tpu.enqueue_dma source(%arg14 : memref<40x64xf32, #tpu.memory_space<vmem>>) target(%dma_start3A_245 : memref<40x64xf32, #tpu.memory_space<hbm>>) target_semaphore(%arg20 : memref<!tpu.dma_semaphore, #tpu.memory_space<semaphore_mem>>)
      %add3A_246 = arith.constant 2 : i32
      %add3A_247 = arith.addi %mul3A_132, %add3A_246 : i32
      %add3A_248 = arith.constant 2 : i32
      %add3A_249 = arith.addi %add3A_247, %add3A_248 : i32
      %mul3A_250 = arith.constant 40 : i32
      %mul3A_251 = arith.muli %add3A_249, %mul3A_250 : i32
      %dma_start3A_252 = arith.constant 0 : i32
      %dma_start3A_253 = arith.constant 0 : i32
      %dma_start3A_254 = tpu.memref_slice %arg9[%dma_start3A_252, %dma_start3A_253] : memref<40x128xf32, #tpu.memory_space<vmem>> -> memref<40x128xf32, #tpu.memory_space<vmem>>
      %dma_start3A_255 = tpu.memref_slice %arg5[%mul3A_251] : memref<5000xi32, #tpu.memory_space<vmem>> -> memref<40xi32, #tpu.memory_space<vmem>>
      %dma_start3A_256 = arith.constant 0 : i32
      %dma_start3A_257 = arith.constant 0 : i32
      %dma_start3A_258 = tpu.memref_slice %arg2[%dma_start3A_256, %dma_start3A_257] : memref<10000x128xf32, #tpu.memory_space<hbm>> -> memref<10000x128xf32, #tpu.memory_space<hbm>>
      tpu.enqueue_indirect_dma source(%dma_start3A_258 : memref<10000x128xf32, #tpu.memory_space<hbm>>) target(%dma_start3A_254 : memref<40x128xf32, #tpu.memory_space<vmem>>) offsets(%dma_start3A_255 : memref<40xi32, #tpu.memory_space<vmem>>) semaphore(%arg17 : memref<!tpu.dma_semaphore, #tpu.memory_space<semaphore_mem>>)
      %mul3A_259 = arith.constant 40 : i32
      %mul3A_260 = arith.muli %add3A_249, %mul3A_259 : i32
      %dma_start3A_261 = arith.constant 0 : i32
      %dma_start3A_262 = arith.constant 0 : i32
      %dma_start3A_263 = tpu.memref_slice %arg10[%dma_start3A_261, %dma_start3A_262] : memref<40x128xf32, #tpu.memory_space<vmem>> -> memref<40x128xf32, #tpu.memory_space<vmem>>
      %dma_start3A_264 = tpu.memref_slice %arg6[%mul3A_260] : memref<5000xi32, #tpu.memory_space<vmem>> -> memref<40xi32, #tpu.memory_space<vmem>>
      %dma_start3A_265 = arith.constant 0 : i32
      %dma_start3A_266 = arith.constant 0 : i32
      %dma_start3A_267 = tpu.memref_slice %arg2[%dma_start3A_265, %dma_start3A_266] : memref<10000x128xf32, #tpu.memory_space<hbm>> -> memref<10000x128xf32, #tpu.memory_space<hbm>>
      tpu.enqueue_indirect_dma source(%dma_start3A_267 : memref<10000x128xf32, #tpu.memory_space<hbm>>) target(%dma_start3A_263 : memref<40x128xf32, #tpu.memory_space<vmem>>) offsets(%dma_start3A_264 : memref<40xi32, #tpu.memory_space<vmem>>) semaphore(%arg17 : memref<!tpu.dma_semaphore, #tpu.memory_space<semaphore_mem>>)
      %dma_wait3A_268 = arith.constant 0 : i32
      %dma_wait3A_269 = arith.constant 0 : i32
      %dma_wait3A_270 = tpu.memref_slice %arg11[%dma_wait3A_268, %dma_wait3A_269] : memref<40x128xf32, #tpu.memory_space<vmem>> -> memref<40x128xf32, #tpu.memory_space<vmem>>
      %dma_wait3A_271 = arith.constant 0 : i32
      %dma_wait3A_272 = tpu.memref_slice %arg5[%dma_wait3A_271] : memref<5000xi32, #tpu.memory_space<vmem>> -> memref<40xi32, #tpu.memory_space<vmem>>
      %dma_wait3A_273 = arith.constant 0 : i32
      %dma_wait3A_274 = arith.constant 0 : i32
      %dma_wait3A_275 = tpu.memref_slice %arg2[%dma_wait3A_273, %dma_wait3A_274] : memref<10000x128xf32, #tpu.memory_space<hbm>> -> memref<10000x128xf32, #tpu.memory_space<hbm>>
      tpu.wait_indirect_dma semaphore(%arg18 : memref<!tpu.dma_semaphore, #tpu.memory_space<semaphore_mem>>) src(%dma_wait3A_275 : memref<10000x128xf32, #tpu.memory_space<hbm>>) dst(%dma_wait3A_270 : memref<40x128xf32, #tpu.memory_space<vmem>>)
      %dma_wait3A_276 = arith.constant 0 : i32
      %dma_wait3A_277 = arith.constant 0 : i32
      %dma_wait3A_278 = tpu.memref_slice %arg12[%dma_wait3A_276, %dma_wait3A_277] : memref<40x128xf32, #tpu.memory_space<vmem>> -> memref<40x128xf32, #tpu.memory_space<vmem>>
      %dma_wait3A_279 = arith.constant 0 : i32
      %dma_wait3A_280 = tpu.memref_slice %arg6[%dma_wait3A_279] : memref<5000xi32, #tpu.memory_space<vmem>> -> memref<40xi32, #tpu.memory_space<vmem>>
      %dma_wait3A_281 = arith.constant 0 : i32
      %dma_wait3A_282 = arith.constant 0 : i32
      %dma_wait3A_283 = tpu.memref_slice %arg2[%dma_wait3A_281, %dma_wait3A_282] : memref<10000x128xf32, #tpu.memory_space<hbm>> -> memref<10000x128xf32, #tpu.memory_space<hbm>>
      tpu.wait_indirect_dma semaphore(%arg18 : memref<!tpu.dma_semaphore, #tpu.memory_space<semaphore_mem>>) src(%dma_wait3A_283 : memref<10000x128xf32, #tpu.memory_space<hbm>>) dst(%dma_wait3A_278 : memref<40x128xf32, #tpu.memory_space<vmem>>)
      %gt3A_284 = arith.constant 0 : i32
      %gt3A_285 = arith.cmpi sgt, %scan3A_130, %gt3A_284 : i32
      %convert_element_type3A_286 = arith.extui %gt3A_285 : i1 to i32
      %cond3A_287 = arith.constant 0 : i32
      %cond3A_288 = arith.cmpi ne, %convert_element_type3A_286, %cond3A_287 : i32
      scf.if %cond3A_288 {
        %dma_wait3A_304 = arith.constant 0 : i32
        %dma_wait3A_305 = arith.constant 0 : i32
        %dma_wait3A_306 = tpu.memref_slice %arg4[%dma_wait3A_304, %dma_wait3A_305] : memref<160000x64xf32, #tpu.memory_space<hbm>> -> memref<40x64xf32, #tpu.memory_space<hbm>>
        %dma_wait3A_307 = arith.constant 0 : i32
        %dma_wait3A_308 = arith.constant 0 : i32
        %dma_wait3A_309 = tpu.memref_slice %arg4[%dma_wait3A_307, %dma_wait3A_308] : memref<160000x64xf32, #tpu.memory_space<hbm>> -> memref<40x64xf32, #tpu.memory_space<hbm>>
        tpu.wait_dma2 semaphore(%arg21 : memref<!tpu.dma_semaphore, #tpu.memory_space<semaphore_mem>>) src(%arg15 : memref<40x64xf32, #tpu.memory_space<vmem>>) dst(%dma_wait3A_309 : memref<40x64xf32, #tpu.memory_space<hbm>>)
      } else {
      }
      %scan3A_289 = arith.constant 0 : i32
      %scan3A_290 = arith.constant 0 : i32
      %scan3A_291 = arith.constant 40 : i32
      %scan3A_292 = arith.addi %scan3A_290, %scan3A_291 : i32
      %scan3A_293 = arith.constant 4 : i32
      scf.for %scan3A_304 = %scan3A_290 to %scan3A_292 step %scan3A_293  : i32 {
        %get3A = arith.index_cast %scan3A_304 : i32 to index
        %get3A_305 = arith.constant 0 : index
        %get3A_306 = tpu.vector_load %arg11[%get3A, %get3A_305] {strides = array<i32>} : memref<40x128xf32, #tpu.memory_space<vmem>>, vector<1x16xf32>,
        %get3A_307 = vector.shape_cast %get3A_306 : vector<1x16xf32> to vector<16xf32>
        %get3A_308 = arith.index_cast %scan3A_304 : i32 to index
        %get3A_309 = arith.constant 64 : index
        %get3A_310 = tpu.vector_load %arg12[%get3A_308, %get3A_309] {strides = array<i32>} : memref<40x128xf32, #tpu.memory_space<vmem>>, vector<1x16xf32>,
        %get3A_311 = vector.shape_cast %get3A_310 : vector<1x16xf32> to vector<16xf32>
        %add3A_312 = arith.addf %get3A_307, %get3A_311 : vector<16xf32>
        %max3A = arith.constant 0.000000e+00 : f32
        %max3A_313 = vector.broadcast %max3A : f32 to vector<16xf32>
        %max3A_314 = arith.maximumf %add3A_312, %max3A_313 : vector<16xf32>
        %swap3A = arith.index_cast %scan3A_304 : i32 to index
        %swap3A_315 = arith.constant 0 : index
        %swap3A_316 = tpu.vector_load %arg15[%swap3A, %swap3A_315] {strides = array<i32>} : memref<40x64xf32, #tpu.memory_space<vmem>>, vector<1x16xf32>,
        %swap3A_317 = vector.shape_cast %swap3A_316 : vector<1x16xf32> to vector<16xf32>
        %swap3A_318 = vector.shape_cast %max3A_314 : vector<16xf32> to vector<1x16xf32>
        tpu.vector_store %arg15[%swap3A, %swap3A_315], %swap3A_318 {strides = array<i32>} : memref<40x64xf32, #tpu.memory_space<vmem>>, vector<1x16xf32>,
        %get3A_319 = arith.index_cast %scan3A_304 : i32 to index
        %get3A_320 = arith.constant 16 : index
        %get3A_321 = tpu.vector_load %arg11[%get3A_319, %get3A_320] {strides = array<i32>} : memref<40x128xf32, #tpu.memory_space<vmem>>, vector<1x16xf32>,
        %get3A_322 = vector.shape_cast %get3A_321 : vector<1x16xf32> to vector<16xf32>
        %get3A_323 = arith.index_cast %scan3A_304 : i32 to index
        %get3A_324 = arith.constant 80 : index
        %get3A_325 = tpu.vector_load %arg12[%get3A_323, %get3A_324] {strides = array<i32>} : memref<40x128xf32, #tpu.memory_space<vmem>>, vector<1x16xf32>,
        %get3A_326 = vector.shape_cast %get3A_325 : vector<1x16xf32> to vector<16xf32>
        %add3A_327 = arith.addf %get3A_322, %get3A_326 : vector<16xf32>
        %max3A_328 = arith.constant 0.000000e+00 : f32
        %max3A_329 = vector.broadcast %max3A_328 : f32 to vector<16xf32>
        %max3A_330 = arith.maximumf %add3A_327, %max3A_329 : vector<16xf32>
        %swap3A_331 = arith.index_cast %scan3A_304 : i32 to index
        %swap3A_332 = arith.constant 16 : index
        %swap3A_333 = tpu.vector_load %arg15[%swap3A_331, %swap3A_332] {strides = array<i32>} : memref<40x64xf32, #tpu.memory_space<vmem>>, vector<1x16xf32>,
        %swap3A_334 = vector.shape_cast %swap3A_333 : vector<1x16xf32> to vector<16xf32>
        %swap3A_335 = vector.shape_cast %max3A_330 : vector<16xf32> to vector<1x16xf32>
        tpu.vector_store %arg15[%swap3A_331, %swap3A_332], %swap3A_335 {strides = array<i32>} : memref<40x64xf32, #tpu.memory_space<vmem>>, vector<1x16xf32>,
        %get3A_336 = arith.index_cast %scan3A_304 : i32 to index
        %get3A_337 = arith.constant 32 : index
        %get3A_338 = tpu.vector_load %arg11[%get3A_336, %get3A_337] {strides = array<i32>} : memref<40x128xf32, #tpu.memory_space<vmem>>, vector<1x16xf32>,
        %get3A_339 = vector.shape_cast %get3A_338 : vector<1x16xf32> to vector<16xf32>
        %get3A_340 = arith.index_cast %scan3A_304 : i32 to index
        %get3A_341 = arith.constant 96 : index
        %get3A_342 = tpu.vector_load %arg12[%get3A_340, %get3A_341] {strides = array<i32>} : memref<40x128xf32, #tpu.memory_space<vmem>>, vector<1x16xf32>,
        %get3A_343 = vector.shape_cast %get3A_342 : vector<1x16xf32> to vector<16xf32>
        %add3A_344 = arith.addf %get3A_339, %get3A_343 : vector<16xf32>
        %max3A_345 = arith.constant 0.000000e+00 : f32
        %max3A_346 = vector.broadcast %max3A_345 : f32 to vector<16xf32>
        %max3A_347 = arith.maximumf %add3A_344, %max3A_346 : vector<16xf32>
        %swap3A_348 = arith.index_cast %scan3A_304 : i32 to index
        %swap3A_349 = arith.constant 32 : index
        %swap3A_350 = tpu.vector_load %arg15[%swap3A_348, %swap3A_349] {strides = array<i32>} : memref<40x64xf32, #tpu.memory_space<vmem>>, vector<1x16xf32>,
        %swap3A_351 = vector.shape_cast %swap3A_350 : vector<1x16xf32> to vector<16xf32>
        %swap3A_352 = vector.shape_cast %max3A_347 : vector<16xf32> to vector<1x16xf32>
        tpu.vector_store %arg15[%swap3A_348, %swap3A_349], %swap3A_352 {strides = array<i32>} : memref<40x64xf32, #tpu.memory_space<vmem>>, vector<1x16xf32>,
        %get3A_353 = arith.index_cast %scan3A_304 : i32 to index
        %get3A_354 = arith.constant 48 : index
        %get3A_355 = tpu.vector_load %arg11[%get3A_353, %get3A_354] {strides = array<i32>} : memref<40x128xf32, #tpu.memory_space<vmem>>, vector<1x16xf32>,
        %get3A_356 = vector.shape_cast %get3A_355 : vector<1x16xf32> to vector<16xf32>
        %get3A_357 = arith.index_cast %scan3A_304 : i32 to index
        %get3A_358 = arith.constant 112 : index
        %get3A_359 = tpu.vector_load %arg12[%get3A_357, %get3A_358] {strides = array<i32>} : memref<40x128xf32, #tpu.memory_space<vmem>>, vector<1x16xf32>,
        %get3A_360 = vector.shape_cast %get3A_359 : vector<1x16xf32> to vector<16xf32>
        %add3A_361 = arith.addf %get3A_356, %get3A_360 : vector<16xf32>
        %max3A_362 = arith.constant 0.000000e+00 : f32
        %max3A_363 = vector.broadcast %max3A_362 : f32 to vector<16xf32>
        %max3A_364 = arith.maximumf %add3A_361, %max3A_363 : vector<16xf32>
        %swap3A_365 = arith.index_cast %scan3A_304 : i32 to index
        %swap3A_366 = arith.constant 48 : index
        %swap3A_367 = tpu.vector_load %arg15[%swap3A_365, %swap3A_366] {strides = array<i32>} : memref<40x64xf32, #tpu.memory_space<vmem>>, vector<1x16xf32>,
        %swap3A_368 = vector.shape_cast %swap3A_367 : vector<1x16xf32> to vector<16xf32>
        %swap3A_369 = vector.shape_cast %max3A_364 : vector<16xf32> to vector<1x16xf32>
        tpu.vector_store %arg15[%swap3A_365, %swap3A_366], %swap3A_369 {strides = array<i32>} : memref<40x64xf32, #tpu.memory_space<vmem>>, vector<1x16xf32>,
        %scan3A_370 = arith.constant 1 : i32
        %scan3A_371 = arith.addi %scan3A_304, %scan3A_370 : i32
        %get3A_372 = arith.index_cast %scan3A_371 : i32 to index
        %get3A_373 = arith.constant 0 : index
        %get3A_374 = tpu.vector_load %arg11[%get3A_372, %get3A_373] {strides = array<i32>} : memref<40x128xf32, #tpu.memory_space<vmem>>, vector<1x16xf32>,
        %get3A_375 = vector.shape_cast %get3A_374 : vector<1x16xf32> to vector<16xf32>
        %get3A_376 = arith.index_cast %scan3A_371 : i32 to index
        %get3A_377 = arith.constant 64 : index
        %get3A_378 = tpu.vector_load %arg12[%get3A_376, %get3A_377] {strides = array<i32>} : memref<40x128xf32, #tpu.memory_space<vmem>>, vector<1x16xf32>,
        %get3A_379 = vector.shape_cast %get3A_378 : vector<1x16xf32> to vector<16xf32>
        %add3A_380 = arith.addf %get3A_375, %get3A_379 : vector<16xf32>
        %max3A_381 = arith.constant 0.000000e+00 : f32
        %max3A_382 = vector.broadcast %max3A_381 : f32 to vector<16xf32>
        %max3A_383 = arith.maximumf %add3A_380, %max3A_382 : vector<16xf32>
        %swap3A_384 = arith.index_cast %scan3A_371 : i32 to index
        %swap3A_385 = arith.constant 0 : index
        %swap3A_386 = tpu.vector_load %arg15[%swap3A_384, %swap3A_385] {strides = array<i32>} : memref<40x64xf32, #tpu.memory_space<vmem>>, vector<1x16xf32>,
        %swap3A_387 = vector.shape_cast %swap3A_386 : vector<1x16xf32> to vector<16xf32>
        %swap3A_388 = vector.shape_cast %max3A_383 : vector<16xf32> to vector<1x16xf32>
        tpu.vector_store %arg15[%swap3A_384, %swap3A_385], %swap3A_388 {strides = array<i32>} : memref<40x64xf32, #tpu.memory_space<vmem>>, vector<1x16xf32>,
        %get3A_389 = arith.index_cast %scan3A_371 : i32 to index
        %get3A_390 = arith.constant 16 : index
        %get3A_391 = tpu.vector_load %arg11[%get3A_389, %get3A_390] {strides = array<i32>} : memref<40x128xf32, #tpu.memory_space<vmem>>, vector<1x16xf32>,
        %get3A_392 = vector.shape_cast %get3A_391 : vector<1x16xf32> to vector<16xf32>
        %get3A_393 = arith.index_cast %scan3A_371 : i32 to index
        %get3A_394 = arith.constant 80 : index
        %get3A_395 = tpu.vector_load %arg12[%get3A_393, %get3A_394] {strides = array<i32>} : memref<40x128xf32, #tpu.memory_space<vmem>>, vector<1x16xf32>,
        %get3A_396 = vector.shape_cast %get3A_395 : vector<1x16xf32> to vector<16xf32>
        %add3A_397 = arith.addf %get3A_392, %get3A_396 : vector<16xf32>
        %max3A_398 = arith.constant 0.000000e+00 : f32
        %max3A_399 = vector.broadcast %max3A_398 : f32 to vector<16xf32>
        %max3A_400 = arith.maximumf %add3A_397, %max3A_399 : vector<16xf32>
        %swap3A_401 = arith.index_cast %scan3A_371 : i32 to index
        %swap3A_402 = arith.constant 16 : index
        %swap3A_403 = tpu.vector_load %arg15[%swap3A_401, %swap3A_402] {strides = array<i32>} : memref<40x64xf32, #tpu.memory_space<vmem>>, vector<1x16xf32>,
        %swap3A_404 = vector.shape_cast %swap3A_403 : vector<1x16xf32> to vector<16xf32>
        %swap3A_405 = vector.shape_cast %max3A_400 : vector<16xf32> to vector<1x16xf32>
        tpu.vector_store %arg15[%swap3A_401, %swap3A_402], %swap3A_405 {strides = array<i32>} : memref<40x64xf32, #tpu.memory_space<vmem>>, vector<1x16xf32>,
        %get3A_406 = arith.index_cast %scan3A_371 : i32 to index
        %get3A_407 = arith.constant 32 : index
        %get3A_408 = tpu.vector_load %arg11[%get3A_406, %get3A_407] {strides = array<i32>} : memref<40x128xf32, #tpu.memory_space<vmem>>, vector<1x16xf32>,
        %get3A_409 = vector.shape_cast %get3A_408 : vector<1x16xf32> to vector<16xf32>
        %get3A_410 = arith.index_cast %scan3A_371 : i32 to index
        %get3A_411 = arith.constant 96 : index
        %get3A_412 = tpu.vector_load %arg12[%get3A_410, %get3A_411] {strides = array<i32>} : memref<40x128xf32, #tpu.memory_space<vmem>>, vector<1x16xf32>,
        %get3A_413 = vector.shape_cast %get3A_412 : vector<1x16xf32> to vector<16xf32>
        %add3A_414 = arith.addf %get3A_409, %get3A_413 : vector<16xf32>
        %max3A_415 = arith.constant 0.000000e+00 : f32
        %max3A_416 = vector.broadcast %max3A_415 : f32 to vector<16xf32>
        %max3A_417 = arith.maximumf %add3A_414, %max3A_416 : vector<16xf32>
        %swap3A_418 = arith.index_cast %scan3A_371 : i32 to index
        %swap3A_419 = arith.constant 32 : index
        %swap3A_420 = tpu.vector_load %arg15[%swap3A_418, %swap3A_419] {strides = array<i32>} : memref<40x64xf32, #tpu.memory_space<vmem>>, vector<1x16xf32>,
        %swap3A_421 = vector.shape_cast %swap3A_420 : vector<1x16xf32> to vector<16xf32>
        %swap3A_422 = vector.shape_cast %max3A_417 : vector<16xf32> to vector<1x16xf32>
        tpu.vector_store %arg15[%swap3A_418, %swap3A_419], %swap3A_422 {strides = array<i32>} : memref<40x64xf32, #tpu.memory_space<vmem>>, vector<1x16xf32>,
        %get3A_423 = arith.index_cast %scan3A_371 : i32 to index
        %get3A_424 = arith.constant 48 : index
        %get3A_425 = tpu.vector_load %arg11[%get3A_423, %get3A_424] {strides = array<i32>} : memref<40x128xf32, #tpu.memory_space<vmem>>, vector<1x16xf32>,
        %get3A_426 = vector.shape_cast %get3A_425 : vector<1x16xf32> to vector<16xf32>
        %get3A_427 = arith.index_cast %scan3A_371 : i32 to index
        %get3A_428 = arith.constant 112 : index
        %get3A_429 = tpu.vector_load %arg12[%get3A_427, %get3A_428] {strides = array<i32>} : memref<40x128xf32, #tpu.memory_space<vmem>>, vector<1x16xf32>,
        %get3A_430 = vector.shape_cast %get3A_429 : vector<1x16xf32> to vector<16xf32>
        %add3A_431 = arith.addf %get3A_426, %get3A_430 : vector<16xf32>
        %max3A_432 = arith.constant 0.000000e+00 : f32
        %max3A_433 = vector.broadcast %max3A_432 : f32 to vector<16xf32>
        %max3A_434 = arith.maximumf %add3A_431, %max3A_433 : vector<16xf32>
        %swap3A_435 = arith.index_cast %scan3A_371 : i32 to index
        %swap3A_436 = arith.constant 48 : index
        %swap3A_437 = tpu.vector_load %arg15[%swap3A_435, %swap3A_436] {strides = array<i32>} : memref<40x64xf32, #tpu.memory_space<vmem>>, vector<1x16xf32>,
        %swap3A_438 = vector.shape_cast %swap3A_437 : vector<1x16xf32> to vector<16xf32>
        %swap3A_439 = vector.shape_cast %max3A_434 : vector<16xf32> to vector<1x16xf32>
        tpu.vector_store %arg15[%swap3A_435, %swap3A_436], %swap3A_439 {strides = array<i32>} : memref<40x64xf32, #tpu.memory_space<vmem>>, vector<1x16xf32>,
        %scan3A_440 = arith.constant 2 : i32
        %scan3A_441 = arith.addi %scan3A_304, %scan3A_440 : i32
        %get3A_442 = arith.index_cast %scan3A_441 : i32 to index
        %get3A_443 = arith.constant 0 : index
        %get3A_444 = tpu.vector_load %arg11[%get3A_442, %get3A_443] {strides = array<i32>} : memref<40x128xf32, #tpu.memory_space<vmem>>, vector<1x16xf32>,
        %get3A_445 = vector.shape_cast %get3A_444 : vector<1x16xf32> to vector<16xf32>
        %get3A_446 = arith.index_cast %scan3A_441 : i32 to index
        %get3A_447 = arith.constant 64 : index
        %get3A_448 = tpu.vector_load %arg12[%get3A_446, %get3A_447] {strides = array<i32>} : memref<40x128xf32, #tpu.memory_space<vmem>>, vector<1x16xf32>,
        %get3A_449 = vector.shape_cast %get3A_448 : vector<1x16xf32> to vector<16xf32>
        %add3A_450 = arith.addf %get3A_445, %get3A_449 : vector<16xf32>
        %max3A_451 = arith.constant 0.000000e+00 : f32
        %max3A_452 = vector.broadcast %max3A_451 : f32 to vector<16xf32>
        %max3A_453 = arith.maximumf %add3A_450, %max3A_452 : vector<16xf32>
        %swap3A_454 = arith.index_cast %scan3A_441 : i32 to index
        %swap3A_455 = arith.constant 0 : index
        %swap3A_456 = tpu.vector_load %arg15[%swap3A_454, %swap3A_455] {strides = array<i32>} : memref<40x64xf32, #tpu.memory_space<vmem>>, vector<1x16xf32>,
        %swap3A_457 = vector.shape_cast %swap3A_456 : vector<1x16xf32> to vector<16xf32>
        %swap3A_458 = vector.shape_cast %max3A_453 : vector<16xf32> to vector<1x16xf32>
        tpu.vector_store %arg15[%swap3A_454, %swap3A_455], %swap3A_458 {strides = array<i32>} : memref<40x64xf32, #tpu.memory_space<vmem>>, vector<1x16xf32>,
        %get3A_459 = arith.index_cast %scan3A_441 : i32 to index
        %get3A_460 = arith.constant 16 : index
        %get3A_461 = tpu.vector_load %arg11[%get3A_459, %get3A_460] {strides = array<i32>} : memref<40x128xf32, #tpu.memory_space<vmem>>, vector<1x16xf32>,
        %get3A_462 = vector.shape_cast %get3A_461 : vector<1x16xf32> to vector<16xf32>
        %get3A_463 = arith.index_cast %scan3A_441 : i32 to index
        %get3A_464 = arith.constant 80 : index
        %get3A_465 = tpu.vector_load %arg12[%get3A_463, %get3A_464] {strides = array<i32>} : memref<40x128xf32, #tpu.memory_space<vmem>>, vector<1x16xf32>,
        %get3A_466 = vector.shape_cast %get3A_465 : vector<1x16xf32> to vector<16xf32>
        %add3A_467 = arith.addf %get3A_462, %get3A_466 : vector<16xf32>
        %max3A_468 = arith.constant 0.000000e+00 : f32
        %max3A_469 = vector.broadcast %max3A_468 : f32 to vector<16xf32>
        %max3A_470 = arith.maximumf %add3A_467, %max3A_469 : vector<16xf32>
        %swap3A_471 = arith.index_cast %scan3A_441 : i32 to index
        %swap3A_472 = arith.constant 16 : index
        %swap3A_473 = tpu.vector_load %arg15[%swap3A_471, %swap3A_472] {strides = array<i32>} : memref<40x64xf32, #tpu.memory_space<vmem>>, vector<1x16xf32>,
        %swap3A_474 = vector.shape_cast %swap3A_473 : vector<1x16xf32> to vector<16xf32>
        %swap3A_475 = vector.shape_cast %max3A_470 : vector<16xf32> to vector<1x16xf32>
        tpu.vector_store %arg15[%swap3A_471, %swap3A_472], %swap3A_475 {strides = array<i32>} : memref<40x64xf32, #tpu.memory_space<vmem>>, vector<1x16xf32>,
        %get3A_476 = arith.index_cast %scan3A_441 : i32 to index
        %get3A_477 = arith.constant 32 : index
        %get3A_478 = tpu.vector_load %arg11[%get3A_476, %get3A_477] {strides = array<i32>} : memref<40x128xf32, #tpu.memory_space<vmem>>, vector<1x16xf32>,
        %get3A_479 = vector.shape_cast %get3A_478 : vector<1x16xf32> to vector<16xf32>
        %get3A_480 = arith.index_cast %scan3A_441 : i32 to index
        %get3A_481 = arith.constant 96 : index
        %get3A_482 = tpu.vector_load %arg12[%get3A_480, %get3A_481] {strides = array<i32>} : memref<40x128xf32, #tpu.memory_space<vmem>>, vector<1x16xf32>,
        %get3A_483 = vector.shape_cast %get3A_482 : vector<1x16xf32> to vector<16xf32>
        %add3A_484 = arith.addf %get3A_479, %get3A_483 : vector<16xf32>
        %max3A_485 = arith.constant 0.000000e+00 : f32
        %max3A_486 = vector.broadcast %max3A_485 : f32 to vector<16xf32>
        %max3A_487 = arith.maximumf %add3A_484, %max3A_486 : vector<16xf32>
        %swap3A_488 = arith.index_cast %scan3A_441 : i32 to index
        %swap3A_489 = arith.constant 32 : index
        %swap3A_490 = tpu.vector_load %arg15[%swap3A_488, %swap3A_489] {strides = array<i32>} : memref<40x64xf32, #tpu.memory_space<vmem>>, vector<1x16xf32>,
        %swap3A_491 = vector.shape_cast %swap3A_490 : vector<1x16xf32> to vector<16xf32>
        %swap3A_492 = vector.shape_cast %max3A_487 : vector<16xf32> to vector<1x16xf32>
        tpu.vector_store %arg15[%swap3A_488, %swap3A_489], %swap3A_492 {strides = array<i32>} : memref<40x64xf32, #tpu.memory_space<vmem>>, vector<1x16xf32>,
        %get3A_493 = arith.index_cast %scan3A_441 : i32 to index
        %get3A_494 = arith.constant 48 : index
        %get3A_495 = tpu.vector_load %arg11[%get3A_493, %get3A_494] {strides = array<i32>} : memref<40x128xf32, #tpu.memory_space<vmem>>, vector<1x16xf32>,
        %get3A_496 = vector.shape_cast %get3A_495 : vector<1x16xf32> to vector<16xf32>
        %get3A_497 = arith.index_cast %scan3A_441 : i32 to index
        %get3A_498 = arith.constant 112 : index
        %get3A_499 = tpu.vector_load %arg12[%get3A_497, %get3A_498] {strides = array<i32>} : memref<40x128xf32, #tpu.memory_space<vmem>>, vector<1x16xf32>,
        %get3A_500 = vector.shape_cast %get3A_499 : vector<1x16xf32> to vector<16xf32>
        %add3A_501 = arith.addf %get3A_496, %get3A_500 : vector<16xf32>
        %max3A_502 = arith.constant 0.000000e+00 : f32
        %max3A_503 = vector.broadcast %max3A_502 : f32 to vector<16xf32>
        %max3A_504 = arith.maximumf %add3A_501, %max3A_503 : vector<16xf32>
        %swap3A_505 = arith.index_cast %scan3A_441 : i32 to index
        %swap3A_506 = arith.constant 48 : index
        %swap3A_507 = tpu.vector_load %arg15[%swap3A_505, %swap3A_506] {strides = array<i32>} : memref<40x64xf32, #tpu.memory_space<vmem>>, vector<1x16xf32>,
        %swap3A_508 = vector.shape_cast %swap3A_507 : vector<1x16xf32> to vector<16xf32>
        %swap3A_509 = vector.shape_cast %max3A_504 : vector<16xf32> to vector<1x16xf32>
        tpu.vector_store %arg15[%swap3A_505, %swap3A_506], %swap3A_509 {strides = array<i32>} : memref<40x64xf32, #tpu.memory_space<vmem>>, vector<1x16xf32>,
        %scan3A_510 = arith.constant 3 : i32
        %scan3A_511 = arith.addi %scan3A_304, %scan3A_510 : i32
        %get3A_512 = arith.index_cast %scan3A_511 : i32 to index
        %get3A_513 = arith.constant 0 : index
        %get3A_514 = tpu.vector_load %arg11[%get3A_512, %get3A_513] {strides = array<i32>} : memref<40x128xf32, #tpu.memory_space<vmem>>, vector<1x16xf32>,
        %get3A_515 = vector.shape_cast %get3A_514 : vector<1x16xf32> to vector<16xf32>
        %get3A_516 = arith.index_cast %scan3A_511 : i32 to index
        %get3A_517 = arith.constant 64 : index
        %get3A_518 = tpu.vector_load %arg12[%get3A_516, %get3A_517] {strides = array<i32>} : memref<40x128xf32, #tpu.memory_space<vmem>>, vector<1x16xf32>,
        %get3A_519 = vector.shape_cast %get3A_518 : vector<1x16xf32> to vector<16xf32>
        %add3A_520 = arith.addf %get3A_515, %get3A_519 : vector<16xf32>
        %max3A_521 = arith.constant 0.000000e+00 : f32
        %max3A_522 = vector.broadcast %max3A_521 : f32 to vector<16xf32>
        %max3A_523 = arith.maximumf %add3A_520, %max3A_522 : vector<16xf32>
        %swap3A_524 = arith.index_cast %scan3A_511 : i32 to index
        %swap3A_525 = arith.constant 0 : index
        %swap3A_526 = tpu.vector_load %arg15[%swap3A_524, %swap3A_525] {strides = array<i32>} : memref<40x64xf32, #tpu.memory_space<vmem>>, vector<1x16xf32>,
        %swap3A_527 = vector.shape_cast %swap3A_526 : vector<1x16xf32> to vector<16xf32>
        %swap3A_528 = vector.shape_cast %max3A_523 : vector<16xf32> to vector<1x16xf32>
        tpu.vector_store %arg15[%swap3A_524, %swap3A_525], %swap3A_528 {strides = array<i32>} : memref<40x64xf32, #tpu.memory_space<vmem>>, vector<1x16xf32>,
        %get3A_529 = arith.index_cast %scan3A_511 : i32 to index
        %get3A_530 = arith.constant 16 : index
        %get3A_531 = tpu.vector_load %arg11[%get3A_529, %get3A_530] {strides = array<i32>} : memref<40x128xf32, #tpu.memory_space<vmem>>, vector<1x16xf32>,
        %get3A_532 = vector.shape_cast %get3A_531 : vector<1x16xf32> to vector<16xf32>
        %get3A_533 = arith.index_cast %scan3A_511 : i32 to index
        %get3A_534 = arith.constant 80 : index
        %get3A_535 = tpu.vector_load %arg12[%get3A_533, %get3A_534] {strides = array<i32>} : memref<40x128xf32, #tpu.memory_space<vmem>>, vector<1x16xf32>,
        %get3A_536 = vector.shape_cast %get3A_535 : vector<1x16xf32> to vector<16xf32>
        %add3A_537 = arith.addf %get3A_532, %get3A_536 : vector<16xf32>
        %max3A_538 = arith.constant 0.000000e+00 : f32
        %max3A_539 = vector.broadcast %max3A_538 : f32 to vector<16xf32>
        %max3A_540 = arith.maximumf %add3A_537, %max3A_539 : vector<16xf32>
        %swap3A_541 = arith.index_cast %scan3A_511 : i32 to index
        %swap3A_542 = arith.constant 16 : index
        %swap3A_543 = tpu.vector_load %arg15[%swap3A_541, %swap3A_542] {strides = array<i32>} : memref<40x64xf32, #tpu.memory_space<vmem>>, vector<1x16xf32>,
        %swap3A_544 = vector.shape_cast %swap3A_543 : vector<1x16xf32> to vector<16xf32>
        %swap3A_545 = vector.shape_cast %max3A_540 : vector<16xf32> to vector<1x16xf32>
        tpu.vector_store %arg15[%swap3A_541, %swap3A_542], %swap3A_545 {strides = array<i32>} : memref<40x64xf32, #tpu.memory_space<vmem>>, vector<1x16xf32>,
        %get3A_546 = arith.index_cast %scan3A_511 : i32 to index
        %get3A_547 = arith.constant 32 : index
        %get3A_548 = tpu.vector_load %arg11[%get3A_546, %get3A_547] {strides = array<i32>} : memref<40x128xf32, #tpu.memory_space<vmem>>, vector<1x16xf32>,
        %get3A_549 = vector.shape_cast %get3A_548 : vector<1x16xf32> to vector<16xf32>
        %get3A_550 = arith.index_cast %scan3A_511 : i32 to index
        %get3A_551 = arith.constant 96 : index
        %get3A_552 = tpu.vector_load %arg12[%get3A_550, %get3A_551] {strides = array<i32>} : memref<40x128xf32, #tpu.memory_space<vmem>>, vector<1x16xf32>,
        %get3A_553 = vector.shape_cast %get3A_552 : vector<1x16xf32> to vector<16xf32>
        %add3A_554 = arith.addf %get3A_549, %get3A_553 : vector<16xf32>
        %max3A_555 = arith.constant 0.000000e+00 : f32
        %max3A_556 = vector.broadcast %max3A_555 : f32 to vector<16xf32>
        %max3A_557 = arith.maximumf %add3A_554, %max3A_556 : vector<16xf32>
        %swap3A_558 = arith.index_cast %scan3A_511 : i32 to index
        %swap3A_559 = arith.constant 32 : index
        %swap3A_560 = tpu.vector_load %arg15[%swap3A_558, %swap3A_559] {strides = array<i32>} : memref<40x64xf32, #tpu.memory_space<vmem>>, vector<1x16xf32>,
        %swap3A_561 = vector.shape_cast %swap3A_560 : vector<1x16xf32> to vector<16xf32>
        %swap3A_562 = vector.shape_cast %max3A_557 : vector<16xf32> to vector<1x16xf32>
        tpu.vector_store %arg15[%swap3A_558, %swap3A_559], %swap3A_562 {strides = array<i32>} : memref<40x64xf32, #tpu.memory_space<vmem>>, vector<1x16xf32>,
        %get3A_563 = arith.index_cast %scan3A_511 : i32 to index
        %get3A_564 = arith.constant 48 : index
        %get3A_565 = tpu.vector_load %arg11[%get3A_563, %get3A_564] {strides = array<i32>} : memref<40x128xf32, #tpu.memory_space<vmem>>, vector<1x16xf32>,
        %get3A_566 = vector.shape_cast %get3A_565 : vector<1x16xf32> to vector<16xf32>
        %get3A_567 = arith.index_cast %scan3A_511 : i32 to index
        %get3A_568 = arith.constant 112 : index
        %get3A_569 = tpu.vector_load %arg12[%get3A_567, %get3A_568] {strides = array<i32>} : memref<40x128xf32, #tpu.memory_space<vmem>>, vector<1x16xf32>,
        %get3A_570 = vector.shape_cast %get3A_569 : vector<1x16xf32> to vector<16xf32>
        %add3A_571 = arith.addf %get3A_566, %get3A_570 : vector<16xf32>
        %max3A_572 = arith.constant 0.000000e+00 : f32
        %max3A_573 = vector.broadcast %max3A_572 : f32 to vector<16xf32>
        %max3A_574 = arith.maximumf %add3A_571, %max3A_573 : vector<16xf32>
        %swap3A_575 = arith.index_cast %scan3A_511 : i32 to index
        %swap3A_576 = arith.constant 48 : index
        %swap3A_577 = tpu.vector_load %arg15[%swap3A_575, %swap3A_576] {strides = array<i32>} : memref<40x64xf32, #tpu.memory_space<vmem>>, vector<1x16xf32>,
        %swap3A_578 = vector.shape_cast %swap3A_577 : vector<1x16xf32> to vector<16xf32>
        %swap3A_579 = vector.shape_cast %max3A_574 : vector<16xf32> to vector<1x16xf32>
        tpu.vector_store %arg15[%swap3A_575, %swap3A_576], %swap3A_579 {strides = array<i32>} : memref<40x64xf32, #tpu.memory_space<vmem>>, vector<1x16xf32>,
      }
      %scan3A_294 = arith.constant 40 : i32
      %add3A_295 = arith.constant 2 : i32
      %add3A_296 = arith.addi %mul3A_132, %add3A_295 : i32
      %mul3A_297 = arith.constant 40 : i32
      %mul3A_298 = arith.muli %add3A_296, %mul3A_297 : i32
      %add3A_299 = arith.addi %mul3A_6, %mul3A_298 : i32
      %dma_start3A_300 = arith.constant 0 : i32
      %dma_start3A_301 = tpu.memref_slice %arg4[%add3A_299, %dma_start3A_300] : memref<160000x64xf32, #tpu.memory_space<hbm>> -> memref<40x64xf32, #tpu.memory_space<hbm>>
      %dma_start3A_302 = arith.constant 0 : i32
      %dma_start3A_303 = tpu.memref_slice %arg4[%add3A_299, %dma_start3A_302] : memref<160000x64xf32, #tpu.memory_space<hbm>> -> memref<40x64xf32, #tpu.memory_space<hbm>>
      tpu.enqueue_dma source(%arg15 : memref<40x64xf32, #tpu.memory_space<vmem>>) target(%dma_start3A_303 : memref<40x64xf32, #tpu.memory_space<hbm>>) target_semaphore(%arg21 : memref<!tpu.dma_semaphore, #tpu.memory_space<semaphore_mem>>)
    }
    %scan3A_44 = arith.constant 41 : i32
    %dma_wait3A = arith.constant 0 : i32
    %dma_wait3A_45 = arith.constant 0 : i32
    %dma_wait3A_46 = tpu.memref_slice %arg7[%dma_wait3A, %dma_wait3A_45] : memref<40x128xf32, #tpu.memory_space<vmem>> -> memref<40x128xf32, #tpu.memory_space<vmem>>
    %dma_wait3A_47 = arith.constant 0 : i32
    %dma_wait3A_48 = tpu.memref_slice %arg5[%dma_wait3A_47] : memref<5000xi32, #tpu.memory_space<vmem>> -> memref<40xi32, #tpu.memory_space<vmem>>
    %dma_wait3A_49 = arith.constant 0 : i32
    %dma_wait3A_50 = arith.constant 0 : i32
    %dma_wait3A_51 = tpu.memref_slice %arg2[%dma_wait3A_49, %dma_wait3A_50] : memref<10000x128xf32, #tpu.memory_space<hbm>> -> memref<10000x128xf32, #tpu.memory_space<hbm>>
    tpu.wait_indirect_dma semaphore(%arg16 : memref<!tpu.dma_semaphore, #tpu.memory_space<semaphore_mem>>) src(%dma_wait3A_51 : memref<10000x128xf32, #tpu.memory_space<hbm>>) dst(%dma_wait3A_46 : memref<40x128xf32, #tpu.memory_space<vmem>>)
    %dma_wait3A_52 = arith.constant 0 : i32
    %dma_wait3A_53 = arith.constant 0 : i32
    %dma_wait3A_54 = tpu.memref_slice %arg8[%dma_wait3A_52, %dma_wait3A_53] : memref<40x128xf32, #tpu.memory_space<vmem>> -> memref<40x128xf32, #tpu.memory_space<vmem>>
    %dma_wait3A_55 = arith.constant 0 : i32
    %dma_wait3A_56 = tpu.memref_slice %arg6[%dma_wait3A_55] : memref<5000xi32, #tpu.memory_space<vmem>> -> memref<40xi32, #tpu.memory_space<vmem>>
    %dma_wait3A_57 = arith.constant 0 : i32
    %dma_wait3A_58 = arith.constant 0 : i32
    %dma_wait3A_59 = tpu.memref_slice %arg2[%dma_wait3A_57, %dma_wait3A_58] : memref<10000x128xf32, #tpu.memory_space<hbm>> -> memref<10000x128xf32, #tpu.memory_space<hbm>>
    tpu.wait_indirect_dma semaphore(%arg16 : memref<!tpu.dma_semaphore, #tpu.memory_space<semaphore_mem>>) src(%dma_wait3A_59 : memref<10000x128xf32, #tpu.memory_space<hbm>>) dst(%dma_wait3A_54 : memref<40x128xf32, #tpu.memory_space<vmem>>)
    %dma_wait3A_60 = arith.constant 0 : i32
    %dma_wait3A_61 = arith.constant 0 : i32
    %dma_wait3A_62 = tpu.memref_slice %arg4[%dma_wait3A_60, %dma_wait3A_61] : memref<160000x64xf32, #tpu.memory_space<hbm>> -> memref<40x64xf32, #tpu.memory_space<hbm>>
    %dma_wait3A_63 = arith.constant 0 : i32
    %dma_wait3A_64 = arith.constant 0 : i32
    %dma_wait3A_65 = tpu.memref_slice %arg4[%dma_wait3A_63, %dma_wait3A_64] : memref<160000x64xf32, #tpu.memory_space<hbm>> -> memref<40x64xf32, #tpu.memory_space<hbm>>
    tpu.wait_dma2 semaphore(%arg19 : memref<!tpu.dma_semaphore, #tpu.memory_space<semaphore_mem>>) src(%arg13 : memref<40x64xf32, #tpu.memory_space<vmem>>) dst(%dma_wait3A_65 : memref<40x64xf32, #tpu.memory_space<hbm>>)
    %scan3A_66 = arith.constant 0 : i32
    %scan3A_67 = arith.constant 0 : i32
    %scan3A_68 = arith.constant 40 : i32
    %scan3A_69 = arith.addi %scan3A_67, %scan3A_68 : i32
    %scan3A_70 = arith.constant 4 : i32
    scf.for %scan3A_130 = %scan3A_67 to %scan3A_69 step %scan3A_70  : i32 {
      %get3A = arith.index_cast %scan3A_130 : i32 to index
      %get3A_131 = arith.constant 0 : index
      %get3A_132 = tpu.vector_load %arg7[%get3A, %get3A_131] {strides = array<i32>} : memref<40x128xf32, #tpu.memory_space<vmem>>, vector<1x16xf32>,
      %get3A_133 = vector.shape_cast %get3A_132 : vector<1x16xf32> to vector<16xf32>
      %get3A_134 = arith.index_cast %scan3A_130 : i32 to index
      %get3A_135 = arith.constant 64 : index
      %get3A_136 = tpu.vector_load %arg8[%get3A_134, %get3A_135] {strides = array<i32>} : memref<40x128xf32, #tpu.memory_space<vmem>>, vector<1x16xf32>,
      %get3A_137 = vector.shape_cast %get3A_136 : vector<1x16xf32> to vector<16xf32>
      %add3A_138 = arith.addf %get3A_133, %get3A_137 : vector<16xf32>
      %max3A = arith.constant 0.000000e+00 : f32
      %max3A_139 = vector.broadcast %max3A : f32 to vector<16xf32>
      %max3A_140 = arith.maximumf %add3A_138, %max3A_139 : vector<16xf32>
      %swap3A = arith.index_cast %scan3A_130 : i32 to index
      %swap3A_141 = arith.constant 0 : index
      %swap3A_142 = tpu.vector_load %arg13[%swap3A, %swap3A_141] {strides = array<i32>} : memref<40x64xf32, #tpu.memory_space<vmem>>, vector<1x16xf32>,
      %swap3A_143 = vector.shape_cast %swap3A_142 : vector<1x16xf32> to vector<16xf32>
      %swap3A_144 = vector.shape_cast %max3A_140 : vector<16xf32> to vector<1x16xf32>
      tpu.vector_store %arg13[%swap3A, %swap3A_141], %swap3A_144 {strides = array<i32>} : memref<40x64xf32, #tpu.memory_space<vmem>>, vector<1x16xf32>,
      %get3A_145 = arith.index_cast %scan3A_130 : i32 to index
      %get3A_146 = arith.constant 16 : index
      %get3A_147 = tpu.vector_load %arg7[%get3A_145, %get3A_146] {strides = array<i32>} : memref<40x128xf32, #tpu.memory_space<vmem>>, vector<1x16xf32>,
      %get3A_148 = vector.shape_cast %get3A_147 : vector<1x16xf32> to vector<16xf32>
      %get3A_149 = arith.index_cast %scan3A_130 : i32 to index
      %get3A_150 = arith.constant 80 : index
      %get3A_151 = tpu.vector_load %arg8[%get3A_149, %get3A_150] {strides = array<i32>} : memref<40x128xf32, #tpu.memory_space<vmem>>, vector<1x16xf32>,
      %get3A_152 = vector.shape_cast %get3A_151 : vector<1x16xf32> to vector<16xf32>
      %add3A_153 = arith.addf %get3A_148, %get3A_152 : vector<16xf32>
      %max3A_154 = arith.constant 0.000000e+00 : f32
      %max3A_155 = vector.broadcast %max3A_154 : f32 to vector<16xf32>
      %max3A_156 = arith.maximumf %add3A_153, %max3A_155 : vector<16xf32>
      %swap3A_157 = arith.index_cast %scan3A_130 : i32 to index
      %swap3A_158 = arith.constant 16 : index
      %swap3A_159 = tpu.vector_load %arg13[%swap3A_157, %swap3A_158] {strides = array<i32>} : memref<40x64xf32, #tpu.memory_space<vmem>>, vector<1x16xf32>,
      %swap3A_160 = vector.shape_cast %swap3A_159 : vector<1x16xf32> to vector<16xf32>
      %swap3A_161 = vector.shape_cast %max3A_156 : vector<16xf32> to vector<1x16xf32>
      tpu.vector_store %arg13[%swap3A_157, %swap3A_158], %swap3A_161 {strides = array<i32>} : memref<40x64xf32, #tpu.memory_space<vmem>>, vector<1x16xf32>,
      %get3A_162 = arith.index_cast %scan3A_130 : i32 to index
      %get3A_163 = arith.constant 32 : index
      %get3A_164 = tpu.vector_load %arg7[%get3A_162, %get3A_163] {strides = array<i32>} : memref<40x128xf32, #tpu.memory_space<vmem>>, vector<1x16xf32>,
      %get3A_165 = vector.shape_cast %get3A_164 : vector<1x16xf32> to vector<16xf32>
      %get3A_166 = arith.index_cast %scan3A_130 : i32 to index
      %get3A_167 = arith.constant 96 : index
      %get3A_168 = tpu.vector_load %arg8[%get3A_166, %get3A_167] {strides = array<i32>} : memref<40x128xf32, #tpu.memory_space<vmem>>, vector<1x16xf32>,
      %get3A_169 = vector.shape_cast %get3A_168 : vector<1x16xf32> to vector<16xf32>
      %add3A_170 = arith.addf %get3A_165, %get3A_169 : vector<16xf32>
      %max3A_171 = arith.constant 0.000000e+00 : f32
      %max3A_172 = vector.broadcast %max3A_171 : f32 to vector<16xf32>
      %max3A_173 = arith.maximumf %add3A_170, %max3A_172 : vector<16xf32>
      %swap3A_174 = arith.index_cast %scan3A_130 : i32 to index
      %swap3A_175 = arith.constant 32 : index
      %swap3A_176 = tpu.vector_load %arg13[%swap3A_174, %swap3A_175] {strides = array<i32>} : memref<40x64xf32, #tpu.memory_space<vmem>>, vector<1x16xf32>,
      %swap3A_177 = vector.shape_cast %swap3A_176 : vector<1x16xf32> to vector<16xf32>
      %swap3A_178 = vector.shape_cast %max3A_173 : vector<16xf32> to vector<1x16xf32>
      tpu.vector_store %arg13[%swap3A_174, %swap3A_175], %swap3A_178 {strides = array<i32>} : memref<40x64xf32, #tpu.memory_space<vmem>>, vector<1x16xf32>,
      %get3A_179 = arith.index_cast %scan3A_130 : i32 to index
      %get3A_180 = arith.constant 48 : index
      %get3A_181 = tpu.vector_load %arg7[%get3A_179, %get3A_180] {strides = array<i32>} : memref<40x128xf32, #tpu.memory_space<vmem>>, vector<1x16xf32>,
      %get3A_182 = vector.shape_cast %get3A_181 : vector<1x16xf32> to vector<16xf32>
      %get3A_183 = arith.index_cast %scan3A_130 : i32 to index
      %get3A_184 = arith.constant 112 : index
      %get3A_185 = tpu.vector_load %arg8[%get3A_183, %get3A_184] {strides = array<i32>} : memref<40x128xf32, #tpu.memory_space<vmem>>, vector<1x16xf32>,
      %get3A_186 = vector.shape_cast %get3A_185 : vector<1x16xf32> to vector<16xf32>
      %add3A_187 = arith.addf %get3A_182, %get3A_186 : vector<16xf32>
      %max3A_188 = arith.constant 0.000000e+00 : f32
      %max3A_189 = vector.broadcast %max3A_188 : f32 to vector<16xf32>
      %max3A_190 = arith.maximumf %add3A_187, %max3A_189 : vector<16xf32>
      %swap3A_191 = arith.index_cast %scan3A_130 : i32 to index
      %swap3A_192 = arith.constant 48 : index
      %swap3A_193 = tpu.vector_load %arg13[%swap3A_191, %swap3A_192] {strides = array<i32>} : memref<40x64xf32, #tpu.memory_space<vmem>>, vector<1x16xf32>,
      %swap3A_194 = vector.shape_cast %swap3A_193 : vector<1x16xf32> to vector<16xf32>
      %swap3A_195 = vector.shape_cast %max3A_190 : vector<16xf32> to vector<1x16xf32>
      tpu.vector_store %arg13[%swap3A_191, %swap3A_192], %swap3A_195 {strides = array<i32>} : memref<40x64xf32, #tpu.memory_space<vmem>>, vector<1x16xf32>,
      %scan3A_196 = arith.constant 1 : i32
      %scan3A_197 = arith.addi %scan3A_130, %scan3A_196 : i32
      %get3A_198 = arith.index_cast %scan3A_197 : i32 to index
      %get3A_199 = arith.constant 0 : index
      %get3A_200 = tpu.vector_load %arg7[%get3A_198, %get3A_199] {strides = array<i32>} : memref<40x128xf32, #tpu.memory_space<vmem>>, vector<1x16xf32>,
      %get3A_201 = vector.shape_cast %get3A_200 : vector<1x16xf32> to vector<16xf32>
      %get3A_202 = arith.index_cast %scan3A_197 : i32 to index
      %get3A_203 = arith.constant 64 : index
      %get3A_204 = tpu.vector_load %arg8[%get3A_202, %get3A_203] {strides = array<i32>} : memref<40x128xf32, #tpu.memory_space<vmem>>, vector<1x16xf32>,
      %get3A_205 = vector.shape_cast %get3A_204 : vector<1x16xf32> to vector<16xf32>
      %add3A_206 = arith.addf %get3A_201, %get3A_205 : vector<16xf32>
      %max3A_207 = arith.constant 0.000000e+00 : f32
      %max3A_208 = vector.broadcast %max3A_207 : f32 to vector<16xf32>
      %max3A_209 = arith.maximumf %add3A_206, %max3A_208 : vector<16xf32>
      %swap3A_210 = arith.index_cast %scan3A_197 : i32 to index
      %swap3A_211 = arith.constant 0 : index
      %swap3A_212 = tpu.vector_load %arg13[%swap3A_210, %swap3A_211] {strides = array<i32>} : memref<40x64xf32, #tpu.memory_space<vmem>>, vector<1x16xf32>,
      %swap3A_213 = vector.shape_cast %swap3A_212 : vector<1x16xf32> to vector<16xf32>
      %swap3A_214 = vector.shape_cast %max3A_209 : vector<16xf32> to vector<1x16xf32>
      tpu.vector_store %arg13[%swap3A_210, %swap3A_211], %swap3A_214 {strides = array<i32>} : memref<40x64xf32, #tpu.memory_space<vmem>>, vector<1x16xf32>,
      %get3A_215 = arith.index_cast %scan3A_197 : i32 to index
      %get3A_216 = arith.constant 16 : index
      %get3A_217 = tpu.vector_load %arg7[%get3A_215, %get3A_216] {strides = array<i32>} : memref<40x128xf32, #tpu.memory_space<vmem>>, vector<1x16xf32>,
      %get3A_218 = vector.shape_cast %get3A_217 : vector<1x16xf32> to vector<16xf32>
      %get3A_219 = arith.index_cast %scan3A_197 : i32 to index
      %get3A_220 = arith.constant 80 : index
      %get3A_221 = tpu.vector_load %arg8[%get3A_219, %get3A_220] {strides = array<i32>} : memref<40x128xf32, #tpu.memory_space<vmem>>, vector<1x16xf32>,
      %get3A_222 = vector.shape_cast %get3A_221 : vector<1x16xf32> to vector<16xf32>
      %add3A_223 = arith.addf %get3A_218, %get3A_222 : vector<16xf32>
      %max3A_224 = arith.constant 0.000000e+00 : f32
      %max3A_225 = vector.broadcast %max3A_224 : f32 to vector<16xf32>
      %max3A_226 = arith.maximumf %add3A_223, %max3A_225 : vector<16xf32>
      %swap3A_227 = arith.index_cast %scan3A_197 : i32 to index
      %swap3A_228 = arith.constant 16 : index
      %swap3A_229 = tpu.vector_load %arg13[%swap3A_227, %swap3A_228] {strides = array<i32>} : memref<40x64xf32, #tpu.memory_space<vmem>>, vector<1x16xf32>,
      %swap3A_230 = vector.shape_cast %swap3A_229 : vector<1x16xf32> to vector<16xf32>
      %swap3A_231 = vector.shape_cast %max3A_226 : vector<16xf32> to vector<1x16xf32>
      tpu.vector_store %arg13[%swap3A_227, %swap3A_228], %swap3A_231 {strides = array<i32>} : memref<40x64xf32, #tpu.memory_space<vmem>>, vector<1x16xf32>,
      %get3A_232 = arith.index_cast %scan3A_197 : i32 to index
      %get3A_233 = arith.constant 32 : index
      %get3A_234 = tpu.vector_load %arg7[%get3A_232, %get3A_233] {strides = array<i32>} : memref<40x128xf32, #tpu.memory_space<vmem>>, vector<1x16xf32>,
      %get3A_235 = vector.shape_cast %get3A_234 : vector<1x16xf32> to vector<16xf32>
      %get3A_236 = arith.index_cast %scan3A_197 : i32 to index
      %get3A_237 = arith.constant 96 : index
      %get3A_238 = tpu.vector_load %arg8[%get3A_236, %get3A_237] {strides = array<i32>} : memref<40x128xf32, #tpu.memory_space<vmem>>, vector<1x16xf32>,
      %get3A_239 = vector.shape_cast %get3A_238 : vector<1x16xf32> to vector<16xf32>
      %add3A_240 = arith.addf %get3A_235, %get3A_239 : vector<16xf32>
      %max3A_241 = arith.constant 0.000000e+00 : f32
      %max3A_242 = vector.broadcast %max3A_241 : f32 to vector<16xf32>
      %max3A_243 = arith.maximumf %add3A_240, %max3A_242 : vector<16xf32>
      %swap3A_244 = arith.index_cast %scan3A_197 : i32 to index
      %swap3A_245 = arith.constant 32 : index
      %swap3A_246 = tpu.vector_load %arg13[%swap3A_244, %swap3A_245] {strides = array<i32>} : memref<40x64xf32, #tpu.memory_space<vmem>>, vector<1x16xf32>,
      %swap3A_247 = vector.shape_cast %swap3A_246 : vector<1x16xf32> to vector<16xf32>
      %swap3A_248 = vector.shape_cast %max3A_243 : vector<16xf32> to vector<1x16xf32>
      tpu.vector_store %arg13[%swap3A_244, %swap3A_245], %swap3A_248 {strides = array<i32>} : memref<40x64xf32, #tpu.memory_space<vmem>>, vector<1x16xf32>,
      %get3A_249 = arith.index_cast %scan3A_197 : i32 to index
      %get3A_250 = arith.constant 48 : index
      %get3A_251 = tpu.vector_load %arg7[%get3A_249, %get3A_250] {strides = array<i32>} : memref<40x128xf32, #tpu.memory_space<vmem>>, vector<1x16xf32>,
      %get3A_252 = vector.shape_cast %get3A_251 : vector<1x16xf32> to vector<16xf32>
      %get3A_253 = arith.index_cast %scan3A_197 : i32 to index
      %get3A_254 = arith.constant 112 : index
      %get3A_255 = tpu.vector_load %arg8[%get3A_253, %get3A_254] {strides = array<i32>} : memref<40x128xf32, #tpu.memory_space<vmem>>, vector<1x16xf32>,
      %get3A_256 = vector.shape_cast %get3A_255 : vector<1x16xf32> to vector<16xf32>
      %add3A_257 = arith.addf %get3A_252, %get3A_256 : vector<16xf32>
      %max3A_258 = arith.constant 0.000000e+00 : f32
      %max3A_259 = vector.broadcast %max3A_258 : f32 to vector<16xf32>
      %max3A_260 = arith.maximumf %add3A_257, %max3A_259 : vector<16xf32>
      %swap3A_261 = arith.index_cast %scan3A_197 : i32 to index
      %swap3A_262 = arith.constant 48 : index
      %swap3A_263 = tpu.vector_load %arg13[%swap3A_261, %swap3A_262] {strides = array<i32>} : memref<40x64xf32, #tpu.memory_space<vmem>>, vector<1x16xf32>,
      %swap3A_264 = vector.shape_cast %swap3A_263 : vector<1x16xf32> to vector<16xf32>
      %swap3A_265 = vector.shape_cast %max3A_260 : vector<16xf32> to vector<1x16xf32>
      tpu.vector_store %arg13[%swap3A_261, %swap3A_262], %swap3A_265 {strides = array<i32>} : memref<40x64xf32, #tpu.memory_space<vmem>>, vector<1x16xf32>,
      %scan3A_266 = arith.constant 2 : i32
      %scan3A_267 = arith.addi %scan3A_130, %scan3A_266 : i32
      %get3A_268 = arith.index_cast %scan3A_267 : i32 to index
      %get3A_269 = arith.constant 0 : index
      %get3A_270 = tpu.vector_load %arg7[%get3A_268, %get3A_269] {strides = array<i32>} : memref<40x128xf32, #tpu.memory_space<vmem>>, vector<1x16xf32>,
      %get3A_271 = vector.shape_cast %get3A_270 : vector<1x16xf32> to vector<16xf32>
      %get3A_272 = arith.index_cast %scan3A_267 : i32 to index
      %get3A_273 = arith.constant 64 : index
      %get3A_274 = tpu.vector_load %arg8[%get3A_272, %get3A_273] {strides = array<i32>} : memref<40x128xf32, #tpu.memory_space<vmem>>, vector<1x16xf32>,
      %get3A_275 = vector.shape_cast %get3A_274 : vector<1x16xf32> to vector<16xf32>
      %add3A_276 = arith.addf %get3A_271, %get3A_275 : vector<16xf32>
      %max3A_277 = arith.constant 0.000000e+00 : f32
      %max3A_278 = vector.broadcast %max3A_277 : f32 to vector<16xf32>
      %max3A_279 = arith.maximumf %add3A_276, %max3A_278 : vector<16xf32>
      %swap3A_280 = arith.index_cast %scan3A_267 : i32 to index
      %swap3A_281 = arith.constant 0 : index
      %swap3A_282 = tpu.vector_load %arg13[%swap3A_280, %swap3A_281] {strides = array<i32>} : memref<40x64xf32, #tpu.memory_space<vmem>>, vector<1x16xf32>,
      %swap3A_283 = vector.shape_cast %swap3A_282 : vector<1x16xf32> to vector<16xf32>
      %swap3A_284 = vector.shape_cast %max3A_279 : vector<16xf32> to vector<1x16xf32>
      tpu.vector_store %arg13[%swap3A_280, %swap3A_281], %swap3A_284 {strides = array<i32>} : memref<40x64xf32, #tpu.memory_space<vmem>>, vector<1x16xf32>,
      %get3A_285 = arith.index_cast %scan3A_267 : i32 to index
      %get3A_286 = arith.constant 16 : index
      %get3A_287 = tpu.vector_load %arg7[%get3A_285, %get3A_286] {strides = array<i32>} : memref<40x128xf32, #tpu.memory_space<vmem>>, vector<1x16xf32>,
      %get3A_288 = vector.shape_cast %get3A_287 : vector<1x16xf32> to vector<16xf32>
      %get3A_289 = arith.index_cast %scan3A_267 : i32 to index
      %get3A_290 = arith.constant 80 : index
      %get3A_291 = tpu.vector_load %arg8[%get3A_289, %get3A_290] {strides = array<i32>} : memref<40x128xf32, #tpu.memory_space<vmem>>, vector<1x16xf32>,
      %get3A_292 = vector.shape_cast %get3A_291 : vector<1x16xf32> to vector<16xf32>
      %add3A_293 = arith.addf %get3A_288, %get3A_292 : vector<16xf32>
      %max3A_294 = arith.constant 0.000000e+00 : f32
      %max3A_295 = vector.broadcast %max3A_294 : f32 to vector<16xf32>
      %max3A_296 = arith.maximumf %add3A_293, %max3A_295 : vector<16xf32>
      %swap3A_297 = arith.index_cast %scan3A_267 : i32 to index
      %swap3A_298 = arith.constant 16 : index
      %swap3A_299 = tpu.vector_load %arg13[%swap3A_297, %swap3A_298] {strides = array<i32>} : memref<40x64xf32, #tpu.memory_space<vmem>>, vector<1x16xf32>,
      %swap3A_300 = vector.shape_cast %swap3A_299 : vector<1x16xf32> to vector<16xf32>
      %swap3A_301 = vector.shape_cast %max3A_296 : vector<16xf32> to vector<1x16xf32>
      tpu.vector_store %arg13[%swap3A_297, %swap3A_298], %swap3A_301 {strides = array<i32>} : memref<40x64xf32, #tpu.memory_space<vmem>>, vector<1x16xf32>,
      %get3A_302 = arith.index_cast %scan3A_267 : i32 to index
      %get3A_303 = arith.constant 32 : index
      %get3A_304 = tpu.vector_load %arg7[%get3A_302, %get3A_303] {strides = array<i32>} : memref<40x128xf32, #tpu.memory_space<vmem>>, vector<1x16xf32>,
      %get3A_305 = vector.shape_cast %get3A_304 : vector<1x16xf32> to vector<16xf32>
      %get3A_306 = arith.index_cast %scan3A_267 : i32 to index
      %get3A_307 = arith.constant 96 : index
      %get3A_308 = tpu.vector_load %arg8[%get3A_306, %get3A_307] {strides = array<i32>} : memref<40x128xf32, #tpu.memory_space<vmem>>, vector<1x16xf32>,
      %get3A_309 = vector.shape_cast %get3A_308 : vector<1x16xf32> to vector<16xf32>
      %add3A_310 = arith.addf %get3A_305, %get3A_309 : vector<16xf32>
      %max3A_311 = arith.constant 0.000000e+00 : f32
      %max3A_312 = vector.broadcast %max3A_311 : f32 to vector<16xf32>
      %max3A_313 = arith.maximumf %add3A_310, %max3A_312 : vector<16xf32>
      %swap3A_314 = arith.index_cast %scan3A_267 : i32 to index
      %swap3A_315 = arith.constant 32 : index
      %swap3A_316 = tpu.vector_load %arg13[%swap3A_314, %swap3A_315] {strides = array<i32>} : memref<40x64xf32, #tpu.memory_space<vmem>>, vector<1x16xf32>,
      %swap3A_317 = vector.shape_cast %swap3A_316 : vector<1x16xf32> to vector<16xf32>
      %swap3A_318 = vector.shape_cast %max3A_313 : vector<16xf32> to vector<1x16xf32>
      tpu.vector_store %arg13[%swap3A_314, %swap3A_315], %swap3A_318 {strides = array<i32>} : memref<40x64xf32, #tpu.memory_space<vmem>>, vector<1x16xf32>,
      %get3A_319 = arith.index_cast %scan3A_267 : i32 to index
      %get3A_320 = arith.constant 48 : index
      %get3A_321 = tpu.vector_load %arg7[%get3A_319, %get3A_320] {strides = array<i32>} : memref<40x128xf32, #tpu.memory_space<vmem>>, vector<1x16xf32>,
      %get3A_322 = vector.shape_cast %get3A_321 : vector<1x16xf32> to vector<16xf32>
      %get3A_323 = arith.index_cast %scan3A_267 : i32 to index
      %get3A_324 = arith.constant 112 : index
      %get3A_325 = tpu.vector_load %arg8[%get3A_323, %get3A_324] {strides = array<i32>} : memref<40x128xf32, #tpu.memory_space<vmem>>, vector<1x16xf32>,
      %get3A_326 = vector.shape_cast %get3A_325 : vector<1x16xf32> to vector<16xf32>
      %add3A_327 = arith.addf %get3A_322, %get3A_326 : vector<16xf32>
      %max3A_328 = arith.constant 0.000000e+00 : f32
      %max3A_329 = vector.broadcast %max3A_328 : f32 to vector<16xf32>
      %max3A_330 = arith.maximumf %add3A_327, %max3A_329 : vector<16xf32>
      %swap3A_331 = arith.index_cast %scan3A_267 : i32 to index
      %swap3A_332 = arith.constant 48 : index
      %swap3A_333 = tpu.vector_load %arg13[%swap3A_331, %swap3A_332] {strides = array<i32>} : memref<40x64xf32, #tpu.memory_space<vmem>>, vector<1x16xf32>,
      %swap3A_334 = vector.shape_cast %swap3A_333 : vector<1x16xf32> to vector<16xf32>
      %swap3A_335 = vector.shape_cast %max3A_330 : vector<16xf32> to vector<1x16xf32>
      tpu.vector_store %arg13[%swap3A_331, %swap3A_332], %swap3A_335 {strides = array<i32>} : memref<40x64xf32, #tpu.memory_space<vmem>>, vector<1x16xf32>,
      %scan3A_336 = arith.constant 3 : i32
      %scan3A_337 = arith.addi %scan3A_130, %scan3A_336 : i32
      %get3A_338 = arith.index_cast %scan3A_337 : i32 to index
      %get3A_339 = arith.constant 0 : index
      %get3A_340 = tpu.vector_load %arg7[%get3A_338, %get3A_339] {strides = array<i32>} : memref<40x128xf32, #tpu.memory_space<vmem>>, vector<1x16xf32>,
      %get3A_341 = vector.shape_cast %get3A_340 : vector<1x16xf32> to vector<16xf32>
      %get3A_342 = arith.index_cast %scan3A_337 : i32 to index
      %get3A_343 = arith.constant 64 : index
      %get3A_344 = tpu.vector_load %arg8[%get3A_342, %get3A_343] {strides = array<i32>} : memref<40x128xf32, #tpu.memory_space<vmem>>, vector<1x16xf32>,
      %get3A_345 = vector.shape_cast %get3A_344 : vector<1x16xf32> to vector<16xf32>
      %add3A_346 = arith.addf %get3A_341, %get3A_345 : vector<16xf32>
      %max3A_347 = arith.constant 0.000000e+00 : f32
      %max3A_348 = vector.broadcast %max3A_347 : f32 to vector<16xf32>
      %max3A_349 = arith.maximumf %add3A_346, %max3A_348 : vector<16xf32>
      %swap3A_350 = arith.index_cast %scan3A_337 : i32 to index
      %swap3A_351 = arith.constant 0 : index
      %swap3A_352 = tpu.vector_load %arg13[%swap3A_350, %swap3A_351] {strides = array<i32>} : memref<40x64xf32, #tpu.memory_space<vmem>>, vector<1x16xf32>,
      %swap3A_353 = vector.shape_cast %swap3A_352 : vector<1x16xf32> to vector<16xf32>
      %swap3A_354 = vector.shape_cast %max3A_349 : vector<16xf32> to vector<1x16xf32>
      tpu.vector_store %arg13[%swap3A_350, %swap3A_351], %swap3A_354 {strides = array<i32>} : memref<40x64xf32, #tpu.memory_space<vmem>>, vector<1x16xf32>,
      %get3A_355 = arith.index_cast %scan3A_337 : i32 to index
      %get3A_356 = arith.constant 16 : index
      %get3A_357 = tpu.vector_load %arg7[%get3A_355, %get3A_356] {strides = array<i32>} : memref<40x128xf32, #tpu.memory_space<vmem>>, vector<1x16xf32>,
      %get3A_358 = vector.shape_cast %get3A_357 : vector<1x16xf32> to vector<16xf32>
      %get3A_359 = arith.index_cast %scan3A_337 : i32 to index
      %get3A_360 = arith.constant 80 : index
      %get3A_361 = tpu.vector_load %arg8[%get3A_359, %get3A_360] {strides = array<i32>} : memref<40x128xf32, #tpu.memory_space<vmem>>, vector<1x16xf32>,
      %get3A_362 = vector.shape_cast %get3A_361 : vector<1x16xf32> to vector<16xf32>
      %add3A_363 = arith.addf %get3A_358, %get3A_362 : vector<16xf32>
      %max3A_364 = arith.constant 0.000000e+00 : f32
      %max3A_365 = vector.broadcast %max3A_364 : f32 to vector<16xf32>
      %max3A_366 = arith.maximumf %add3A_363, %max3A_365 : vector<16xf32>
      %swap3A_367 = arith.index_cast %scan3A_337 : i32 to index
      %swap3A_368 = arith.constant 16 : index
      %swap3A_369 = tpu.vector_load %arg13[%swap3A_367, %swap3A_368] {strides = array<i32>} : memref<40x64xf32, #tpu.memory_space<vmem>>, vector<1x16xf32>,
      %swap3A_370 = vector.shape_cast %swap3A_369 : vector<1x16xf32> to vector<16xf32>
      %swap3A_371 = vector.shape_cast %max3A_366 : vector<16xf32> to vector<1x16xf32>
      tpu.vector_store %arg13[%swap3A_367, %swap3A_368], %swap3A_371 {strides = array<i32>} : memref<40x64xf32, #tpu.memory_space<vmem>>, vector<1x16xf32>,
      %get3A_372 = arith.index_cast %scan3A_337 : i32 to index
      %get3A_373 = arith.constant 32 : index
      %get3A_374 = tpu.vector_load %arg7[%get3A_372, %get3A_373] {strides = array<i32>} : memref<40x128xf32, #tpu.memory_space<vmem>>, vector<1x16xf32>,
      %get3A_375 = vector.shape_cast %get3A_374 : vector<1x16xf32> to vector<16xf32>
      %get3A_376 = arith.index_cast %scan3A_337 : i32 to index
      %get3A_377 = arith.constant 96 : index
      %get3A_378 = tpu.vector_load %arg8[%get3A_376, %get3A_377] {strides = array<i32>} : memref<40x128xf32, #tpu.memory_space<vmem>>, vector<1x16xf32>,
      %get3A_379 = vector.shape_cast %get3A_378 : vector<1x16xf32> to vector<16xf32>
      %add3A_380 = arith.addf %get3A_375, %get3A_379 : vector<16xf32>
      %max3A_381 = arith.constant 0.000000e+00 : f32
      %max3A_382 = vector.broadcast %max3A_381 : f32 to vector<16xf32>
      %max3A_383 = arith.maximumf %add3A_380, %max3A_382 : vector<16xf32>
      %swap3A_384 = arith.index_cast %scan3A_337 : i32 to index
      %swap3A_385 = arith.constant 32 : index
      %swap3A_386 = tpu.vector_load %arg13[%swap3A_384, %swap3A_385] {strides = array<i32>} : memref<40x64xf32, #tpu.memory_space<vmem>>, vector<1x16xf32>,
      %swap3A_387 = vector.shape_cast %swap3A_386 : vector<1x16xf32> to vector<16xf32>
      %swap3A_388 = vector.shape_cast %max3A_383 : vector<16xf32> to vector<1x16xf32>
      tpu.vector_store %arg13[%swap3A_384, %swap3A_385], %swap3A_388 {strides = array<i32>} : memref<40x64xf32, #tpu.memory_space<vmem>>, vector<1x16xf32>,
      %get3A_389 = arith.index_cast %scan3A_337 : i32 to index
      %get3A_390 = arith.constant 48 : index
      %get3A_391 = tpu.vector_load %arg7[%get3A_389, %get3A_390] {strides = array<i32>} : memref<40x128xf32, #tpu.memory_space<vmem>>, vector<1x16xf32>,
      %get3A_392 = vector.shape_cast %get3A_391 : vector<1x16xf32> to vector<16xf32>
      %get3A_393 = arith.index_cast %scan3A_337 : i32 to index
      %get3A_394 = arith.constant 112 : index
      %get3A_395 = tpu.vector_load %arg8[%get3A_393, %get3A_394] {strides = array<i32>} : memref<40x128xf32, #tpu.memory_space<vmem>>, vector<1x16xf32>,
      %get3A_396 = vector.shape_cast %get3A_395 : vector<1x16xf32> to vector<16xf32>
      %add3A_397 = arith.addf %get3A_392, %get3A_396 : vector<16xf32>
      %max3A_398 = arith.constant 0.000000e+00 : f32
      %max3A_399 = vector.broadcast %max3A_398 : f32 to vector<16xf32>
      %max3A_400 = arith.maximumf %add3A_397, %max3A_399 : vector<16xf32>
      %swap3A_401 = arith.index_cast %scan3A_337 : i32 to index
      %swap3A_402 = arith.constant 48 : index
      %swap3A_403 = tpu.vector_load %arg13[%swap3A_401, %swap3A_402] {strides = array<i32>} : memref<40x64xf32, #tpu.memory_space<vmem>>, vector<1x16xf32>,
      %swap3A_404 = vector.shape_cast %swap3A_403 : vector<1x16xf32> to vector<16xf32>
      %swap3A_405 = vector.shape_cast %max3A_400 : vector<16xf32> to vector<1x16xf32>
      tpu.vector_store %arg13[%swap3A_401, %swap3A_402], %swap3A_405 {strides = array<i32>} : memref<40x64xf32, #tpu.memory_space<vmem>>, vector<1x16xf32>,
    }
    %scan3A_71 = arith.constant 40 : i32
    %add3A_72 = arith.constant 4920 : i32
    %add3A_73 = arith.addi %mul3A_6, %add3A_72 : i32
    %dma_start3A_74 = arith.constant 0 : i32
    %dma_start3A_75 = tpu.memref_slice %arg4[%add3A_73, %dma_start3A_74] : memref<160000x64xf32, #tpu.memory_space<hbm>> -> memref<40x64xf32, #tpu.memory_space<hbm>>
    %dma_start3A_76 = arith.constant 0 : i32
    %dma_start3A_77 = tpu.memref_slice %arg4[%add3A_73, %dma_start3A_76] : memref<160000x64xf32, #tpu.memory_space<hbm>> -> memref<40x64xf32, #tpu.memory_space<hbm>>
    tpu.enqueue_dma source(%arg13 : memref<40x64xf32, #tpu.memory_space<vmem>>) target(%dma_start3A_77 : memref<40x64xf32, #tpu.memory_space<hbm>>) target_semaphore(%arg19 : memref<!tpu.dma_semaphore, #tpu.memory_space<semaphore_mem>>)
    %dma_wait3A_78 = arith.constant 0 : i32
    %dma_wait3A_79 = arith.constant 0 : i32
    %dma_wait3A_80 = tpu.memref_slice %arg9[%dma_wait3A_78, %dma_wait3A_79] : memref<40x128xf32, #tpu.memory_space<vmem>> -> memref<40x128xf32, #tpu.memory_space<vmem>>
    %dma_wait3A_81 = arith.constant 0 : i32
    %dma_wait3A_82 = tpu.memref_slice %arg5[%dma_wait3A_81] : memref<5000xi32, #tpu.memory_space<vmem>> -> memref<40xi32, #tpu.memory_space<vmem>>
    %dma_wait3A_83 = arith.constant 0 : i32
    %dma_wait3A_84 = arith.constant 0 : i32
    %dma_wait3A_85 = tpu.memref_slice %arg2[%dma_wait3A_83, %dma_wait3A_84] : memref<10000x128xf32, #tpu.memory_space<hbm>> -> memref<10000x128xf32, #tpu.memory_space<hbm>>
    tpu.wait_indirect_dma semaphore(%arg17 : memref<!tpu.dma_semaphore, #tpu.memory_space<semaphore_mem>>) src(%dma_wait3A_85 : memref<10000x128xf32, #tpu.memory_space<hbm>>) dst(%dma_wait3A_80 : memref<40x128xf32, #tpu.memory_space<vmem>>)
    %dma_wait3A_86 = arith.constant 0 : i32
    %dma_wait3A_87 = arith.constant 0 : i32
    %dma_wait3A_88 = tpu.memref_slice %arg10[%dma_wait3A_86, %dma_wait3A_87] : memref<40x128xf32, #tpu.memory_space<vmem>> -> memref<40x128xf32, #tpu.memory_space<vmem>>
    %dma_wait3A_89 = arith.constant 0 : i32
    %dma_wait3A_90 = tpu.memref_slice %arg6[%dma_wait3A_89] : memref<5000xi32, #tpu.memory_space<vmem>> -> memref<40xi32, #tpu.memory_space<vmem>>
    %dma_wait3A_91 = arith.constant 0 : i32
    %dma_wait3A_92 = arith.constant 0 : i32
    %dma_wait3A_93 = tpu.memref_slice %arg2[%dma_wait3A_91, %dma_wait3A_92] : memref<10000x128xf32, #tpu.memory_space<hbm>> -> memref<10000x128xf32, #tpu.memory_space<hbm>>
    tpu.wait_indirect_dma semaphore(%arg17 : memref<!tpu.dma_semaphore, #tpu.memory_space<semaphore_mem>>) src(%dma_wait3A_93 : memref<10000x128xf32, #tpu.memory_space<hbm>>) dst(%dma_wait3A_88 : memref<40x128xf32, #tpu.memory_space<vmem>>)
    %dma_wait3A_94 = arith.constant 0 : i32
    %dma_wait3A_95 = arith.constant 0 : i32
    %dma_wait3A_96 = tpu.memref_slice %arg4[%dma_wait3A_94, %dma_wait3A_95] : memref<160000x64xf32, #tpu.memory_space<hbm>> -> memref<40x64xf32, #tpu.memory_space<hbm>>
    %dma_wait3A_97 = arith.constant 0 : i32
    %dma_wait3A_98 = arith.constant 0 : i32
    %dma_wait3A_99 = tpu.memref_slice %arg4[%dma_wait3A_97, %dma_wait3A_98] : memref<160000x64xf32, #tpu.memory_space<hbm>> -> memref<40x64xf32, #tpu.memory_space<hbm>>
    tpu.wait_dma2 semaphore(%arg20 : memref<!tpu.dma_semaphore, #tpu.memory_space<semaphore_mem>>) src(%arg14 : memref<40x64xf32, #tpu.memory_space<vmem>>) dst(%dma_wait3A_99 : memref<40x64xf32, #tpu.memory_space<hbm>>)
    %scan3A_100 = arith.constant 0 : i32
    %scan3A_101 = arith.constant 0 : i32
    %scan3A_102 = arith.constant 40 : i32
    %scan3A_103 = arith.addi %scan3A_101, %scan3A_102 : i32
    %scan3A_104 = arith.constant 4 : i32
    scf.for %scan3A_130 = %scan3A_101 to %scan3A_103 step %scan3A_104  : i32 {
      %get3A = arith.index_cast %scan3A_130 : i32 to index
      %get3A_131 = arith.constant 0 : index
      %get3A_132 = tpu.vector_load %arg9[%get3A, %get3A_131] {strides = array<i32>} : memref<40x128xf32, #tpu.memory_space<vmem>>, vector<1x16xf32>,
      %get3A_133 = vector.shape_cast %get3A_132 : vector<1x16xf32> to vector<16xf32>
      %get3A_134 = arith.index_cast %scan3A_130 : i32 to index
      %get3A_135 = arith.constant 64 : index
      %get3A_136 = tpu.vector_load %arg10[%get3A_134, %get3A_135] {strides = array<i32>} : memref<40x128xf32, #tpu.memory_space<vmem>>, vector<1x16xf32>,
      %get3A_137 = vector.shape_cast %get3A_136 : vector<1x16xf32> to vector<16xf32>
      %add3A_138 = arith.addf %get3A_133, %get3A_137 : vector<16xf32>
      %max3A = arith.constant 0.000000e+00 : f32
      %max3A_139 = vector.broadcast %max3A : f32 to vector<16xf32>
      %max3A_140 = arith.maximumf %add3A_138, %max3A_139 : vector<16xf32>
      %swap3A = arith.index_cast %scan3A_130 : i32 to index
      %swap3A_141 = arith.constant 0 : index
      %swap3A_142 = tpu.vector_load %arg14[%swap3A, %swap3A_141] {strides = array<i32>} : memref<40x64xf32, #tpu.memory_space<vmem>>, vector<1x16xf32>,
      %swap3A_143 = vector.shape_cast %swap3A_142 : vector<1x16xf32> to vector<16xf32>
      %swap3A_144 = vector.shape_cast %max3A_140 : vector<16xf32> to vector<1x16xf32>
      tpu.vector_store %arg14[%swap3A, %swap3A_141], %swap3A_144 {strides = array<i32>} : memref<40x64xf32, #tpu.memory_space<vmem>>, vector<1x16xf32>,
      %get3A_145 = arith.index_cast %scan3A_130 : i32 to index
      %get3A_146 = arith.constant 16 : index
      %get3A_147 = tpu.vector_load %arg9[%get3A_145, %get3A_146] {strides = array<i32>} : memref<40x128xf32, #tpu.memory_space<vmem>>, vector<1x16xf32>,
      %get3A_148 = vector.shape_cast %get3A_147 : vector<1x16xf32> to vector<16xf32>
      %get3A_149 = arith.index_cast %scan3A_130 : i32 to index
      %get3A_150 = arith.constant 80 : index
      %get3A_151 = tpu.vector_load %arg10[%get3A_149, %get3A_150] {strides = array<i32>} : memref<40x128xf32, #tpu.memory_space<vmem>>, vector<1x16xf32>,
      %get3A_152 = vector.shape_cast %get3A_151 : vector<1x16xf32> to vector<16xf32>
      %add3A_153 = arith.addf %get3A_148, %get3A_152 : vector<16xf32>
      %max3A_154 = arith.constant 0.000000e+00 : f32
      %max3A_155 = vector.broadcast %max3A_154 : f32 to vector<16xf32>
      %max3A_156 = arith.maximumf %add3A_153, %max3A_155 : vector<16xf32>
      %swap3A_157 = arith.index_cast %scan3A_130 : i32 to index
      %swap3A_158 = arith.constant 16 : index
      %swap3A_159 = tpu.vector_load %arg14[%swap3A_157, %swap3A_158] {strides = array<i32>} : memref<40x64xf32, #tpu.memory_space<vmem>>, vector<1x16xf32>,
      %swap3A_160 = vector.shape_cast %swap3A_159 : vector<1x16xf32> to vector<16xf32>
      %swap3A_161 = vector.shape_cast %max3A_156 : vector<16xf32> to vector<1x16xf32>
      tpu.vector_store %arg14[%swap3A_157, %swap3A_158], %swap3A_161 {strides = array<i32>} : memref<40x64xf32, #tpu.memory_space<vmem>>, vector<1x16xf32>,
      %get3A_162 = arith.index_cast %scan3A_130 : i32 to index
      %get3A_163 = arith.constant 32 : index
      %get3A_164 = tpu.vector_load %arg9[%get3A_162, %get3A_163] {strides = array<i32>} : memref<40x128xf32, #tpu.memory_space<vmem>>, vector<1x16xf32>,
      %get3A_165 = vector.shape_cast %get3A_164 : vector<1x16xf32> to vector<16xf32>
      %get3A_166 = arith.index_cast %scan3A_130 : i32 to index
      %get3A_167 = arith.constant 96 : index
      %get3A_168 = tpu.vector_load %arg10[%get3A_166, %get3A_167] {strides = array<i32>} : memref<40x128xf32, #tpu.memory_space<vmem>>, vector<1x16xf32>,
      %get3A_169 = vector.shape_cast %get3A_168 : vector<1x16xf32> to vector<16xf32>
      %add3A_170 = arith.addf %get3A_165, %get3A_169 : vector<16xf32>
      %max3A_171 = arith.constant 0.000000e+00 : f32
      %max3A_172 = vector.broadcast %max3A_171 : f32 to vector<16xf32>
      %max3A_173 = arith.maximumf %add3A_170, %max3A_172 : vector<16xf32>
      %swap3A_174 = arith.index_cast %scan3A_130 : i32 to index
      %swap3A_175 = arith.constant 32 : index
      %swap3A_176 = tpu.vector_load %arg14[%swap3A_174, %swap3A_175] {strides = array<i32>} : memref<40x64xf32, #tpu.memory_space<vmem>>, vector<1x16xf32>,
      %swap3A_177 = vector.shape_cast %swap3A_176 : vector<1x16xf32> to vector<16xf32>
      %swap3A_178 = vector.shape_cast %max3A_173 : vector<16xf32> to vector<1x16xf32>
      tpu.vector_store %arg14[%swap3A_174, %swap3A_175], %swap3A_178 {strides = array<i32>} : memref<40x64xf32, #tpu.memory_space<vmem>>, vector<1x16xf32>,
      %get3A_179 = arith.index_cast %scan3A_130 : i32 to index
      %get3A_180 = arith.constant 48 : index
      %get3A_181 = tpu.vector_load %arg9[%get3A_179, %get3A_180] {strides = array<i32>} : memref<40x128xf32, #tpu.memory_space<vmem>>, vector<1x16xf32>,
      %get3A_182 = vector.shape_cast %get3A_181 : vector<1x16xf32> to vector<16xf32>
      %get3A_183 = arith.index_cast %scan3A_130 : i32 to index
      %get3A_184 = arith.constant 112 : index
      %get3A_185 = tpu.vector_load %arg10[%get3A_183, %get3A_184] {strides = array<i32>} : memref<40x128xf32, #tpu.memory_space<vmem>>, vector<1x16xf32>,
      %get3A_186 = vector.shape_cast %get3A_185 : vector<1x16xf32> to vector<16xf32>
      %add3A_187 = arith.addf %get3A_182, %get3A_186 : vector<16xf32>
      %max3A_188 = arith.constant 0.000000e+00 : f32
      %max3A_189 = vector.broadcast %max3A_188 : f32 to vector<16xf32>
      %max3A_190 = arith.maximumf %add3A_187, %max3A_189 : vector<16xf32>
      %swap3A_191 = arith.index_cast %scan3A_130 : i32 to index
      %swap3A_192 = arith.constant 48 : index
      %swap3A_193 = tpu.vector_load %arg14[%swap3A_191, %swap3A_192] {strides = array<i32>} : memref<40x64xf32, #tpu.memory_space<vmem>>, vector<1x16xf32>,
      %swap3A_194 = vector.shape_cast %swap3A_193 : vector<1x16xf32> to vector<16xf32>
      %swap3A_195 = vector.shape_cast %max3A_190 : vector<16xf32> to vector<1x16xf32>
      tpu.vector_store %arg14[%swap3A_191, %swap3A_192], %swap3A_195 {strides = array<i32>} : memref<40x64xf32, #tpu.memory_space<vmem>>, vector<1x16xf32>,
      %scan3A_196 = arith.constant 1 : i32
      %scan3A_197 = arith.addi %scan3A_130, %scan3A_196 : i32
      %get3A_198 = arith.index_cast %scan3A_197 : i32 to index
      %get3A_199 = arith.constant 0 : index
      %get3A_200 = tpu.vector_load %arg9[%get3A_198, %get3A_199] {strides = array<i32>} : memref<40x128xf32, #tpu.memory_space<vmem>>, vector<1x16xf32>,
      %get3A_201 = vector.shape_cast %get3A_200 : vector<1x16xf32> to vector<16xf32>
      %get3A_202 = arith.index_cast %scan3A_197 : i32 to index
      %get3A_203 = arith.constant 64 : index
      %get3A_204 = tpu.vector_load %arg10[%get3A_202, %get3A_203] {strides = array<i32>} : memref<40x128xf32, #tpu.memory_space<vmem>>, vector<1x16xf32>,
      %get3A_205 = vector.shape_cast %get3A_204 : vector<1x16xf32> to vector<16xf32>
      %add3A_206 = arith.addf %get3A_201, %get3A_205 : vector<16xf32>
      %max3A_207 = arith.constant 0.000000e+00 : f32
      %max3A_208 = vector.broadcast %max3A_207 : f32 to vector<16xf32>
      %max3A_209 = arith.maximumf %add3A_206, %max3A_208 : vector<16xf32>
      %swap3A_210 = arith.index_cast %scan3A_197 : i32 to index
      %swap3A_211 = arith.constant 0 : index
      %swap3A_212 = tpu.vector_load %arg14[%swap3A_210, %swap3A_211] {strides = array<i32>} : memref<40x64xf32, #tpu.memory_space<vmem>>, vector<1x16xf32>,
      %swap3A_213 = vector.shape_cast %swap3A_212 : vector<1x16xf32> to vector<16xf32>
      %swap3A_214 = vector.shape_cast %max3A_209 : vector<16xf32> to vector<1x16xf32>
      tpu.vector_store %arg14[%swap3A_210, %swap3A_211], %swap3A_214 {strides = array<i32>} : memref<40x64xf32, #tpu.memory_space<vmem>>, vector<1x16xf32>,
      %get3A_215 = arith.index_cast %scan3A_197 : i32 to index
      %get3A_216 = arith.constant 16 : index
      %get3A_217 = tpu.vector_load %arg9[%get3A_215, %get3A_216] {strides = array<i32>} : memref<40x128xf32, #tpu.memory_space<vmem>>, vector<1x16xf32>,
      %get3A_218 = vector.shape_cast %get3A_217 : vector<1x16xf32> to vector<16xf32>
      %get3A_219 = arith.index_cast %scan3A_197 : i32 to index
      %get3A_220 = arith.constant 80 : index
      %get3A_221 = tpu.vector_load %arg10[%get3A_219, %get3A_220] {strides = array<i32>} : memref<40x128xf32, #tpu.memory_space<vmem>>, vector<1x16xf32>,
      %get3A_222 = vector.shape_cast %get3A_221 : vector<1x16xf32> to vector<16xf32>
      %add3A_223 = arith.addf %get3A_218, %get3A_222 : vector<16xf32>
      %max3A_224 = arith.constant 0.000000e+00 : f32
      %max3A_225 = vector.broadcast %max3A_224 : f32 to vector<16xf32>
      %max3A_226 = arith.maximumf %add3A_223, %max3A_225 : vector<16xf32>
      %swap3A_227 = arith.index_cast %scan3A_197 : i32 to index
      %swap3A_228 = arith.constant 16 : index
      %swap3A_229 = tpu.vector_load %arg14[%swap3A_227, %swap3A_228] {strides = array<i32>} : memref<40x64xf32, #tpu.memory_space<vmem>>, vector<1x16xf32>,
      %swap3A_230 = vector.shape_cast %swap3A_229 : vector<1x16xf32> to vector<16xf32>
      %swap3A_231 = vector.shape_cast %max3A_226 : vector<16xf32> to vector<1x16xf32>
      tpu.vector_store %arg14[%swap3A_227, %swap3A_228], %swap3A_231 {strides = array<i32>} : memref<40x64xf32, #tpu.memory_space<vmem>>, vector<1x16xf32>,
      %get3A_232 = arith.index_cast %scan3A_197 : i32 to index
      %get3A_233 = arith.constant 32 : index
      %get3A_234 = tpu.vector_load %arg9[%get3A_232, %get3A_233] {strides = array<i32>} : memref<40x128xf32, #tpu.memory_space<vmem>>, vector<1x16xf32>,
      %get3A_235 = vector.shape_cast %get3A_234 : vector<1x16xf32> to vector<16xf32>
      %get3A_236 = arith.index_cast %scan3A_197 : i32 to index
      %get3A_237 = arith.constant 96 : index
      %get3A_238 = tpu.vector_load %arg10[%get3A_236, %get3A_237] {strides = array<i32>} : memref<40x128xf32, #tpu.memory_space<vmem>>, vector<1x16xf32>,
      %get3A_239 = vector.shape_cast %get3A_238 : vector<1x16xf32> to vector<16xf32>
      %add3A_240 = arith.addf %get3A_235, %get3A_239 : vector<16xf32>
      %max3A_241 = arith.constant 0.000000e+00 : f32
      %max3A_242 = vector.broadcast %max3A_241 : f32 to vector<16xf32>
      %max3A_243 = arith.maximumf %add3A_240, %max3A_242 : vector<16xf32>
      %swap3A_244 = arith.index_cast %scan3A_197 : i32 to index
      %swap3A_245 = arith.constant 32 : index
      %swap3A_246 = tpu.vector_load %arg14[%swap3A_244, %swap3A_245] {strides = array<i32>} : memref<40x64xf32, #tpu.memory_space<vmem>>, vector<1x16xf32>,
      %swap3A_247 = vector.shape_cast %swap3A_246 : vector<1x16xf32> to vector<16xf32>
      %swap3A_248 = vector.shape_cast %max3A_243 : vector<16xf32> to vector<1x16xf32>
      tpu.vector_store %arg14[%swap3A_244, %swap3A_245], %swap3A_248 {strides = array<i32>} : memref<40x64xf32, #tpu.memory_space<vmem>>, vector<1x16xf32>,
      %get3A_249 = arith.index_cast %scan3A_197 : i32 to index
      %get3A_250 = arith.constant 48 : index
      %get3A_251 = tpu.vector_load %arg9[%get3A_249, %get3A_250] {strides = array<i32>} : memref<40x128xf32, #tpu.memory_space<vmem>>, vector<1x16xf32>,
      %get3A_252 = vector.shape_cast %get3A_251 : vector<1x16xf32> to vector<16xf32>
      %get3A_253 = arith.index_cast %scan3A_197 : i32 to index
      %get3A_254 = arith.constant 112 : index
      %get3A_255 = tpu.vector_load %arg10[%get3A_253, %get3A_254] {strides = array<i32>} : memref<40x128xf32, #tpu.memory_space<vmem>>, vector<1x16xf32>,
      %get3A_256 = vector.shape_cast %get3A_255 : vector<1x16xf32> to vector<16xf32>
      %add3A_257 = arith.addf %get3A_252, %get3A_256 : vector<16xf32>
      %max3A_258 = arith.constant 0.000000e+00 : f32
      %max3A_259 = vector.broadcast %max3A_258 : f32 to vector<16xf32>
      %max3A_260 = arith.maximumf %add3A_257, %max3A_259 : vector<16xf32>
      %swap3A_261 = arith.index_cast %scan3A_197 : i32 to index
      %swap3A_262 = arith.constant 48 : index
      %swap3A_263 = tpu.vector_load %arg14[%swap3A_261, %swap3A_262] {strides = array<i32>} : memref<40x64xf32, #tpu.memory_space<vmem>>, vector<1x16xf32>,
      %swap3A_264 = vector.shape_cast %swap3A_263 : vector<1x16xf32> to vector<16xf32>
      %swap3A_265 = vector.shape_cast %max3A_260 : vector<16xf32> to vector<1x16xf32>
      tpu.vector_store %arg14[%swap3A_261, %swap3A_262], %swap3A_265 {strides = array<i32>} : memref<40x64xf32, #tpu.memory_space<vmem>>, vector<1x16xf32>,
      %scan3A_266 = arith.constant 2 : i32
      %scan3A_267 = arith.addi %scan3A_130, %scan3A_266 : i32
      %get3A_268 = arith.index_cast %scan3A_267 : i32 to index
      %get3A_269 = arith.constant 0 : index
      %get3A_270 = tpu.vector_load %arg9[%get3A_268, %get3A_269] {strides = array<i32>} : memref<40x128xf32, #tpu.memory_space<vmem>>, vector<1x16xf32>,
      %get3A_271 = vector.shape_cast %get3A_270 : vector<1x16xf32> to vector<16xf32>
      %get3A_272 = arith.index_cast %scan3A_267 : i32 to index
      %get3A_273 = arith.constant 64 : index
      %get3A_274 = tpu.vector_load %arg10[%get3A_272, %get3A_273] {strides = array<i32>} : memref<40x128xf32, #tpu.memory_space<vmem>>, vector<1x16xf32>,
      %get3A_275 = vector.shape_cast %get3A_274 : vector<1x16xf32> to vector<16xf32>
      %add3A_276 = arith.addf %get3A_271, %get3A_275 : vector<16xf32>
      %max3A_277 = arith.constant 0.000000e+00 : f32
      %max3A_278 = vector.broadcast %max3A_277 : f32 to vector<16xf32>
      %max3A_279 = arith.maximumf %add3A_276, %max3A_278 : vector<16xf32>
      %swap3A_280 = arith.index_cast %scan3A_267 : i32 to index
      %swap3A_281 = arith.constant 0 : index
      %swap3A_282 = tpu.vector_load %arg14[%swap3A_280, %swap3A_281] {strides = array<i32>} : memref<40x64xf32, #tpu.memory_space<vmem>>, vector<1x16xf32>,
      %swap3A_283 = vector.shape_cast %swap3A_282 : vector<1x16xf32> to vector<16xf32>
      %swap3A_284 = vector.shape_cast %max3A_279 : vector<16xf32> to vector<1x16xf32>
      tpu.vector_store %arg14[%swap3A_280, %swap3A_281], %swap3A_284 {strides = array<i32>} : memref<40x64xf32, #tpu.memory_space<vmem>>, vector<1x16xf32>,
      %get3A_285 = arith.index_cast %scan3A_267 : i32 to index
      %get3A_286 = arith.constant 16 : index
      %get3A_287 = tpu.vector_load %arg9[%get3A_285, %get3A_286] {strides = array<i32>} : memref<40x128xf32, #tpu.memory_space<vmem>>, vector<1x16xf32>,
      %get3A_288 = vector.shape_cast %get3A_287 : vector<1x16xf32> to vector<16xf32>
      %get3A_289 = arith.index_cast %scan3A_267 : i32 to index
      %get3A_290 = arith.constant 80 : index
      %get3A_291 = tpu.vector_load %arg10[%get3A_289, %get3A_290] {strides = array<i32>} : memref<40x128xf32, #tpu.memory_space<vmem>>, vector<1x16xf32>,
      %get3A_292 = vector.shape_cast %get3A_291 : vector<1x16xf32> to vector<16xf32>
      %add3A_293 = arith.addf %get3A_288, %get3A_292 : vector<16xf32>
      %max3A_294 = arith.constant 0.000000e+00 : f32
      %max3A_295 = vector.broadcast %max3A_294 : f32 to vector<16xf32>
      %max3A_296 = arith.maximumf %add3A_293, %max3A_295 : vector<16xf32>
      %swap3A_297 = arith.index_cast %scan3A_267 : i32 to index
      %swap3A_298 = arith.constant 16 : index
      %swap3A_299 = tpu.vector_load %arg14[%swap3A_297, %swap3A_298] {strides = array<i32>} : memref<40x64xf32, #tpu.memory_space<vmem>>, vector<1x16xf32>,
      %swap3A_300 = vector.shape_cast %swap3A_299 : vector<1x16xf32> to vector<16xf32>
      %swap3A_301 = vector.shape_cast %max3A_296 : vector<16xf32> to vector<1x16xf32>
      tpu.vector_store %arg14[%swap3A_297, %swap3A_298], %swap3A_301 {strides = array<i32>} : memref<40x64xf32, #tpu.memory_space<vmem>>, vector<1x16xf32>,
      %get3A_302 = arith.index_cast %scan3A_267 : i32 to index
      %get3A_303 = arith.constant 32 : index
      %get3A_304 = tpu.vector_load %arg9[%get3A_302, %get3A_303] {strides = array<i32>} : memref<40x128xf32, #tpu.memory_space<vmem>>, vector<1x16xf32>,
      %get3A_305 = vector.shape_cast %get3A_304 : vector<1x16xf32> to vector<16xf32>
      %get3A_306 = arith.index_cast %scan3A_267 : i32 to index
      %get3A_307 = arith.constant 96 : index
      %get3A_308 = tpu.vector_load %arg10[%get3A_306, %get3A_307] {strides = array<i32>} : memref<40x128xf32, #tpu.memory_space<vmem>>, vector<1x16xf32>,
      %get3A_309 = vector.shape_cast %get3A_308 : vector<1x16xf32> to vector<16xf32>
      %add3A_310 = arith.addf %get3A_305, %get3A_309 : vector<16xf32>
      %max3A_311 = arith.constant 0.000000e+00 : f32
      %max3A_312 = vector.broadcast %max3A_311 : f32 to vector<16xf32>
      %max3A_313 = arith.maximumf %add3A_310, %max3A_312 : vector<16xf32>
      %swap3A_314 = arith.index_cast %scan3A_267 : i32 to index
      %swap3A_315 = arith.constant 32 : index
      %swap3A_316 = tpu.vector_load %arg14[%swap3A_314, %swap3A_315] {strides = array<i32>} : memref<40x64xf32, #tpu.memory_space<vmem>>, vector<1x16xf32>,
      %swap3A_317 = vector.shape_cast %swap3A_316 : vector<1x16xf32> to vector<16xf32>
      %swap3A_318 = vector.shape_cast %max3A_313 : vector<16xf32> to vector<1x16xf32>
      tpu.vector_store %arg14[%swap3A_314, %swap3A_315], %swap3A_318 {strides = array<i32>} : memref<40x64xf32, #tpu.memory_space<vmem>>, vector<1x16xf32>,
      %get3A_319 = arith.index_cast %scan3A_267 : i32 to index
      %get3A_320 = arith.constant 48 : index
      %get3A_321 = tpu.vector_load %arg9[%get3A_319, %get3A_320] {strides = array<i32>} : memref<40x128xf32, #tpu.memory_space<vmem>>, vector<1x16xf32>,
      %get3A_322 = vector.shape_cast %get3A_321 : vector<1x16xf32> to vector<16xf32>
      %get3A_323 = arith.index_cast %scan3A_267 : i32 to index
      %get3A_324 = arith.constant 112 : index
      %get3A_325 = tpu.vector_load %arg10[%get3A_323, %get3A_324] {strides = array<i32>} : memref<40x128xf32, #tpu.memory_space<vmem>>, vector<1x16xf32>,
      %get3A_326 = vector.shape_cast %get3A_325 : vector<1x16xf32> to vector<16xf32>
      %add3A_327 = arith.addf %get3A_322, %get3A_326 : vector<16xf32>
      %max3A_328 = arith.constant 0.000000e+00 : f32
      %max3A_329 = vector.broadcast %max3A_328 : f32 to vector<16xf32>
      %max3A_330 = arith.maximumf %add3A_327, %max3A_329 : vector<16xf32>
      %swap3A_331 = arith.index_cast %scan3A_267 : i32 to index
      %swap3A_332 = arith.constant 48 : index
      %swap3A_333 = tpu.vector_load %arg14[%swap3A_331, %swap3A_332] {strides = array<i32>} : memref<40x64xf32, #tpu.memory_space<vmem>>, vector<1x16xf32>,
      %swap3A_334 = vector.shape_cast %swap3A_333 : vector<1x16xf32> to vector<16xf32>
      %swap3A_335 = vector.shape_cast %max3A_330 : vector<16xf32> to vector<1x16xf32>
      tpu.vector_store %arg14[%swap3A_331, %swap3A_332], %swap3A_335 {strides = array<i32>} : memref<40x64xf32, #tpu.memory_space<vmem>>, vector<1x16xf32>,
      %scan3A_336 = arith.constant 3 : i32
      %scan3A_337 = arith.addi %scan3A_130, %scan3A_336 : i32
      %get3A_338 = arith.index_cast %scan3A_337 : i32 to index
      %get3A_339 = arith.constant 0 : index
      %get3A_340 = tpu.vector_load %arg9[%get3A_338, %get3A_339] {strides = array<i32>} : memref<40x128xf32, #tpu.memory_space<vmem>>, vector<1x16xf32>,
      %get3A_341 = vector.shape_cast %get3A_340 : vector<1x16xf32> to vector<16xf32>
      %get3A_342 = arith.index_cast %scan3A_337 : i32 to index
      %get3A_343 = arith.constant 64 : index
      %get3A_344 = tpu.vector_load %arg10[%get3A_342, %get3A_343] {strides = array<i32>} : memref<40x128xf32, #tpu.memory_space<vmem>>, vector<1x16xf32>,
      %get3A_345 = vector.shape_cast %get3A_344 : vector<1x16xf32> to vector<16xf32>
      %add3A_346 = arith.addf %get3A_341, %get3A_345 : vector<16xf32>
      %max3A_347 = arith.constant 0.000000e+00 : f32
      %max3A_348 = vector.broadcast %max3A_347 : f32 to vector<16xf32>
      %max3A_349 = arith.maximumf %add3A_346, %max3A_348 : vector<16xf32>
      %swap3A_350 = arith.index_cast %scan3A_337 : i32 to index
      %swap3A_351 = arith.constant 0 : index
      %swap3A_352 = tpu.vector_load %arg14[%swap3A_350, %swap3A_351] {strides = array<i32>} : memref<40x64xf32, #tpu.memory_space<vmem>>, vector<1x16xf32>,
      %swap3A_353 = vector.shape_cast %swap3A_352 : vector<1x16xf32> to vector<16xf32>
      %swap3A_354 = vector.shape_cast %max3A_349 : vector<16xf32> to vector<1x16xf32>
      tpu.vector_store %arg14[%swap3A_350, %swap3A_351], %swap3A_354 {strides = array<i32>} : memref<40x64xf32, #tpu.memory_space<vmem>>, vector<1x16xf32>,
      %get3A_355 = arith.index_cast %scan3A_337 : i32 to index
      %get3A_356 = arith.constant 16 : index
      %get3A_357 = tpu.vector_load %arg9[%get3A_355, %get3A_356] {strides = array<i32>} : memref<40x128xf32, #tpu.memory_space<vmem>>, vector<1x16xf32>,
      %get3A_358 = vector.shape_cast %get3A_357 : vector<1x16xf32> to vector<16xf32>
      %get3A_359 = arith.index_cast %scan3A_337 : i32 to index
      %get3A_360 = arith.constant 80 : index
      %get3A_361 = tpu.vector_load %arg10[%get3A_359, %get3A_360] {strides = array<i32>} : memref<40x128xf32, #tpu.memory_space<vmem>>, vector<1x16xf32>,
      %get3A_362 = vector.shape_cast %get3A_361 : vector<1x16xf32> to vector<16xf32>
      %add3A_363 = arith.addf %get3A_358, %get3A_362 : vector<16xf32>
      %max3A_364 = arith.constant 0.000000e+00 : f32
      %max3A_365 = vector.broadcast %max3A_364 : f32 to vector<16xf32>
      %max3A_366 = arith.maximumf %add3A_363, %max3A_365 : vector<16xf32>
      %swap3A_367 = arith.index_cast %scan3A_337 : i32 to index
      %swap3A_368 = arith.constant 16 : index
      %swap3A_369 = tpu.vector_load %arg14[%swap3A_367, %swap3A_368] {strides = array<i32>} : memref<40x64xf32, #tpu.memory_space<vmem>>, vector<1x16xf32>,
      %swap3A_370 = vector.shape_cast %swap3A_369 : vector<1x16xf32> to vector<16xf32>
      %swap3A_371 = vector.shape_cast %max3A_366 : vector<16xf32> to vector<1x16xf32>
      tpu.vector_store %arg14[%swap3A_367, %swap3A_368], %swap3A_371 {strides = array<i32>} : memref<40x64xf32, #tpu.memory_space<vmem>>, vector<1x16xf32>,
      %get3A_372 = arith.index_cast %scan3A_337 : i32 to index
      %get3A_373 = arith.constant 32 : index
      %get3A_374 = tpu.vector_load %arg9[%get3A_372, %get3A_373] {strides = array<i32>} : memref<40x128xf32, #tpu.memory_space<vmem>>, vector<1x16xf32>,
      %get3A_375 = vector.shape_cast %get3A_374 : vector<1x16xf32> to vector<16xf32>
      %get3A_376 = arith.index_cast %scan3A_337 : i32 to index
      %get3A_377 = arith.constant 96 : index
      %get3A_378 = tpu.vector_load %arg10[%get3A_376, %get3A_377] {strides = array<i32>} : memref<40x128xf32, #tpu.memory_space<vmem>>, vector<1x16xf32>,
      %get3A_379 = vector.shape_cast %get3A_378 : vector<1x16xf32> to vector<16xf32>
      %add3A_380 = arith.addf %get3A_375, %get3A_379 : vector<16xf32>
      %max3A_381 = arith.constant 0.000000e+00 : f32
      %max3A_382 = vector.broadcast %max3A_381 : f32 to vector<16xf32>
      %max3A_383 = arith.maximumf %add3A_380, %max3A_382 : vector<16xf32>
      %swap3A_384 = arith.index_cast %scan3A_337 : i32 to index
      %swap3A_385 = arith.constant 32 : index
      %swap3A_386 = tpu.vector_load %arg14[%swap3A_384, %swap3A_385] {strides = array<i32>} : memref<40x64xf32, #tpu.memory_space<vmem>>, vector<1x16xf32>,
      %swap3A_387 = vector.shape_cast %swap3A_386 : vector<1x16xf32> to vector<16xf32>
      %swap3A_388 = vector.shape_cast %max3A_383 : vector<16xf32> to vector<1x16xf32>
      tpu.vector_store %arg14[%swap3A_384, %swap3A_385], %swap3A_388 {strides = array<i32>} : memref<40x64xf32, #tpu.memory_space<vmem>>, vector<1x16xf32>,
      %get3A_389 = arith.index_cast %scan3A_337 : i32 to index
      %get3A_390 = arith.constant 48 : index
      %get3A_391 = tpu.vector_load %arg9[%get3A_389, %get3A_390] {strides = array<i32>} : memref<40x128xf32, #tpu.memory_space<vmem>>, vector<1x16xf32>,
      %get3A_392 = vector.shape_cast %get3A_391 : vector<1x16xf32> to vector<16xf32>
      %get3A_393 = arith.index_cast %scan3A_337 : i32 to index
      %get3A_394 = arith.constant 112 : index
      %get3A_395 = tpu.vector_load %arg10[%get3A_393, %get3A_394] {strides = array<i32>} : memref<40x128xf32, #tpu.memory_space<vmem>>, vector<1x16xf32>,
      %get3A_396 = vector.shape_cast %get3A_395 : vector<1x16xf32> to vector<16xf32>
      %add3A_397 = arith.addf %get3A_392, %get3A_396 : vector<16xf32>
      %max3A_398 = arith.constant 0.000000e+00 : f32
      %max3A_399 = vector.broadcast %max3A_398 : f32 to vector<16xf32>
      %max3A_400 = arith.maximumf %add3A_397, %max3A_399 : vector<16xf32>
      %swap3A_401 = arith.index_cast %scan3A_337 : i32 to index
      %swap3A_402 = arith.constant 48 : index
      %swap3A_403 = tpu.vector_load %arg14[%swap3A_401, %swap3A_402] {strides = array<i32>} : memref<40x64xf32, #tpu.memory_space<vmem>>, vector<1x16xf32>,
      %swap3A_404 = vector.shape_cast %swap3A_403 : vector<1x16xf32> to vector<16xf32>
      %swap3A_405 = vector.shape_cast %max3A_400 : vector<16xf32> to vector<1x16xf32>
      tpu.vector_store %arg14[%swap3A_401, %swap3A_402], %swap3A_405 {strides = array<i32>} : memref<40x64xf32, #tpu.memory_space<vmem>>, vector<1x16xf32>,
    }
    %scan3A_105 = arith.constant 40 : i32
    %add3A_106 = arith.constant 4960 : i32
    %add3A_107 = arith.addi %mul3A_6, %add3A_106 : i32
    %dma_start3A_108 = arith.constant 0 : i32
    %dma_start3A_109 = tpu.memref_slice %arg4[%add3A_107, %dma_start3A_108] : memref<160000x64xf32, #tpu.memory_space<hbm>> -> memref<40x64xf32, #tpu.memory_space<hbm>>
    %dma_start3A_110 = arith.constant 0 : i32
    %dma_start3A_111 = tpu.memref_slice %arg4[%add3A_107, %dma_start3A_110] : memref<160000x64xf32, #tpu.memory_space<hbm>> -> memref<40x64xf32, #tpu.memory_space<hbm>>
    tpu.enqueue_dma source(%arg14 : memref<40x64xf32, #tpu.memory_space<vmem>>) target(%dma_start3A_111 : memref<40x64xf32, #tpu.memory_space<hbm>>) target_semaphore(%arg20 : memref<!tpu.dma_semaphore, #tpu.memory_space<semaphore_mem>>)
    %dma_wait3A_112 = arith.constant 0 : i32
    %dma_wait3A_113 = arith.constant 0 : i32
    %dma_wait3A_114 = tpu.memref_slice %arg4[%dma_wait3A_112, %dma_wait3A_113] : memref<160000x64xf32, #tpu.memory_space<hbm>> -> memref<40x64xf32, #tpu.memory_space<hbm>>
    %dma_wait3A_115 = arith.constant 0 : i32
    %dma_wait3A_116 = arith.constant 0 : i32
    %dma_wait3A_117 = tpu.memref_slice %arg4[%dma_wait3A_115, %dma_wait3A_116] : memref<160000x64xf32, #tpu.memory_space<hbm>> -> memref<40x64xf32, #tpu.memory_space<hbm>>
    tpu.wait_dma2 semaphore(%arg19 : memref<!tpu.dma_semaphore, #tpu.memory_space<semaphore_mem>>) src(%arg13 : memref<40x64xf32, #tpu.memory_space<vmem>>) dst(%dma_wait3A_117 : memref<40x64xf32, #tpu.memory_space<hbm>>)
    %dma_wait3A_118 = arith.constant 0 : i32
    %dma_wait3A_119 = arith.constant 0 : i32
    %dma_wait3A_120 = tpu.memref_slice %arg4[%dma_wait3A_118, %dma_wait3A_119] : memref<160000x64xf32, #tpu.memory_space<hbm>> -> memref<40x64xf32, #tpu.memory_space<hbm>>
    %dma_wait3A_121 = arith.constant 0 : i32
    %dma_wait3A_122 = arith.constant 0 : i32
    %dma_wait3A_123 = tpu.memref_slice %arg4[%dma_wait3A_121, %dma_wait3A_122] : memref<160000x64xf32, #tpu.memory_space<hbm>> -> memref<40x64xf32, #tpu.memory_space<hbm>>
    tpu.wait_dma2 semaphore(%arg20 : memref<!tpu.dma_semaphore, #tpu.memory_space<semaphore_mem>>) src(%arg14 : memref<40x64xf32, #tpu.memory_space<vmem>>) dst(%dma_wait3A_123 : memref<40x64xf32, #tpu.memory_space<hbm>>)
    %dma_wait3A_124 = arith.constant 0 : i32
    %dma_wait3A_125 = arith.constant 0 : i32
    %dma_wait3A_126 = tpu.memref_slice %arg4[%dma_wait3A_124, %dma_wait3A_125] : memref<160000x64xf32, #tpu.memory_space<hbm>> -> memref<40x64xf32, #tpu.memory_space<hbm>>
    %dma_wait3A_127 = arith.constant 0 : i32
    %dma_wait3A_128 = arith.constant 0 : i32
    %dma_wait3A_129 = tpu.memref_slice %arg4[%dma_wait3A_127, %dma_wait3A_128] : memref<160000x64xf32, #tpu.memory_space<hbm>> -> memref<40x64xf32, #tpu.memory_space<hbm>>
    tpu.wait_dma2 semaphore(%arg21 : memref<!tpu.dma_semaphore, #tpu.memory_space<semaphore_mem>>) src(%arg15 : memref<40x64xf32, #tpu.memory_space<vmem>>) dst(%dma_wait3A_129 : memref<40x64xf32, #tpu.memory_space<hbm>>)
    return
  }
}

module attributes {stable_mosaic.version = 14 : i64} {
  func.func @_k1_body(%arg0: i32, %arg1: memref<1000x128xf32, #tpu.memory_space<vmem>>, %arg2: memref<384x64xf32, #tpu.memory_space<vmem>>, %arg3: memref<1x128xf32, #tpu.memory_space<vmem>>, %arg4: memref<1x64xf32, #tpu.memory_space<vmem>>, %arg5: memref<1000x128xf32, #tpu.memory_space<vmem>>) attributes {dimension_semantics = [#tpu.dimension_semantics<arbitrary>], iteration_bounds = array<i64: 10>, scalar_prefetch = 0 : i64, scratch_operands = 0 : i64, tpu.core_type = #tpu.core_type<tc>, window_params = [{transform_indices = @transform_0, window_bounds = array<i64: 1000, 128>}, {pipeline_mode = #tpu.pipeline_mode<synchronous>, transform_indices = @transform_1, window_bounds = array<i64: 384, 64>}, {pipeline_mode = #tpu.pipeline_mode<synchronous>, transform_indices = @transform_2, window_bounds = array<i64: 1, 128>}, {pipeline_mode = #tpu.pipeline_mode<synchronous>, transform_indices = @transform_3, window_bounds = array<i64: 1, 64>}, {transform_indices = @transform_4, window_bounds = array<i64: 1000, 128>}]} {
    %get3A = arith.constant 0 : index
    %get3A_0 = arith.constant 0 : index
    %get3A_1 = vector.load %arg1[%get3A, %get3A_0] : memref<1000x128xf32, #tpu.memory_space<vmem>>, vector<1000x128xf32>
    %get3A_2 = arith.constant 0 : index
    %get3A_3 = arith.constant 0 : index
    %get3A_4 = vector.load %arg3[%get3A_2, %get3A_3] : memref<1x128xf32, #tpu.memory_space<vmem>>, vector<1x128xf32>
    %get3A_5 = arith.constant 256 : index
    %get3A_6 = arith.constant 0 : index
    %get3A_7 = vector.load %arg2[%get3A_5, %get3A_6] : memref<384x64xf32, #tpu.memory_space<vmem>>, vector<128x64xf32>
    %dot_general3A = arith.constant dense<0.000000e+00> : vector<1x64xf32>
    %dot_general3A_8 = tpu.matmul %get3A_4, %get3A_7, %dot_general3A {dimension_numbers = #tpu.dot_dimension_numbers<[1], [0], [0], [1], [0, 0, 1, 1], [], []>, transpose_lhs_hint = false} : vector<1x128xf32>, vector<128x64xf32>, vector<1x64xf32> -> vector<1x64xf32>
    %get3A_9 = arith.constant 0 : index
    %get3A_10 = arith.constant 0 : index
    %get3A_11 = vector.load %arg4[%get3A_9, %get3A_10] : memref<1x64xf32, #tpu.memory_space<vmem>>, vector<1x64xf32>
    %add3A = arith.addf %dot_general3A_8, %get3A_11 : vector<1x64xf32>
    %get3A_12 = arith.constant 0 : index
    %get3A_13 = arith.constant 0 : index
    %get3A_14 = vector.load %arg2[%get3A_12, %get3A_13] : memref<384x64xf32, #tpu.memory_space<vmem>>, vector<128x64xf32>
    %dot_general3A_15 = arith.constant dense<0.000000e+00> : vector<1000x64xf32>
    %dot_general3A_16 = tpu.matmul %get3A_1, %get3A_14, %dot_general3A_15 {dimension_numbers = #tpu.dot_dimension_numbers<[1], [0], [0], [1], [0, 0, 1, 1], [], []>, transpose_lhs_hint = false} : vector<1000x128xf32>, vector<128x64xf32>, vector<1000x64xf32> -> vector<1000x64xf32>
    %add3A_17 = vector.broadcast %add3A : vector<1x64xf32> to vector<1000x64xf32>
    %add3A_18 = arith.addf %dot_general3A_16, %add3A_17 : vector<1000x64xf32>
    %get3A_19 = arith.constant 128 : index
    %get3A_20 = arith.constant 0 : index
    %get3A_21 = vector.load %arg2[%get3A_19, %get3A_20] : memref<384x64xf32, #tpu.memory_space<vmem>>, vector<128x64xf32>
    %dot_general3A_22 = arith.constant dense<0.000000e+00> : vector<1000x64xf32>
    %dot_general3A_23 = tpu.matmul %get3A_1, %get3A_21, %dot_general3A_22 {dimension_numbers = #tpu.dot_dimension_numbers<[1], [0], [0], [1], [0, 0, 1, 1], [], []>, transpose_lhs_hint = false} : vector<1000x128xf32>, vector<128x64xf32>, vector<1000x64xf32> -> vector<1000x64xf32>
    %concatenate3A = tpu.concatenate %add3A_18, %dot_general3A_23 in 1 : vector<1000x64xf32>, vector<1000x64xf32> -> vector<1000x128xf32>
    %swap3A = arith.constant 0 : index
    %swap3A_24 = arith.constant 0 : index
    %swap3A_25 = vector.load %arg5[%swap3A, %swap3A_24] : memref<1000x128xf32, #tpu.memory_space<vmem>>, vector<1000x128xf32>
    tpu.vector_store %arg5[%swap3A, %swap3A_24], %concatenate3A {strides = array<i32>} : memref<1000x128xf32, #tpu.memory_space<vmem>>, vector<1000x128xf32>,
    return
  }
  func.func @transform_0(%arg0: i32) -> (i32, i32) {
    %c0_i32 = arith.constant 0 : i32
    %c0_i32_0 = arith.constant 0 : i32
    return %arg0, %c0_i32 : i32, i32
  }
  func.func @transform_1(%arg0: i32) -> (i32, i32) {
    %c0_i32 = arith.constant 0 : i32
    %c0_i32_0 = arith.constant 0 : i32
    %c0_i32_1 = arith.constant 0 : i32
    return %c0_i32, %c0_i32_0 : i32, i32
  }
  func.func @transform_2(%arg0: i32) -> (i32, i32) {
    %c0_i32 = arith.constant 0 : i32
    %c0_i32_0 = arith.constant 0 : i32
    %c0_i32_1 = arith.constant 0 : i32
    return %c0_i32, %c0_i32_0 : i32, i32
  }
  func.func @transform_3(%arg0: i32) -> (i32, i32) {
    %c0_i32 = arith.constant 0 : i32
    %c0_i32_0 = arith.constant 0 : i32
    %c0_i32_1 = arith.constant 0 : i32
    return %c0_i32, %c0_i32_0 : i32, i32
  }
  func.func @transform_4(%arg0: i32) -> (i32, i32) {
    %c0_i32 = arith.constant 0 : i32
    %c0_i32_0 = arith.constant 0 : i32
    return %arg0, %c0_i32 : i32, i32
  }
}

module attributes {stable_mosaic.version = 14 : i64} {
  func.func @_k3_body(%arg0: i32, %arg1: memref<16000x64xf32, #tpu.memory_space<vmem>>, %arg2: memref<64x20xf32, #tpu.memory_space<vmem>>, %arg3: memref<20x1xf32, #tpu.memory_space<vmem>>, %arg4: memref<20x1xf32, #tpu.memory_space<vmem>>, %arg5: memref<1xf32, #tpu.memory_space<smem>>, %arg6: memref<1x16000xf32, #tpu.memory_space<vmem>>) attributes {dimension_semantics = [#tpu.dimension_semantics<arbitrary>], iteration_bounds = array<i64: 10>, scalar_prefetch = 0 : i64, scratch_operands = 0 : i64, tpu.core_type = #tpu.core_type<tc>, window_params = [{transform_indices = @transform_0, window_bounds = array<i64: 16000, 64>}, {pipeline_mode = #tpu.pipeline_mode<synchronous>, transform_indices = @transform_1, window_bounds = array<i64: 64, 20>}, {pipeline_mode = #tpu.pipeline_mode<synchronous>, transform_indices = @transform_2, window_bounds = array<i64: 20, 1>}, {pipeline_mode = #tpu.pipeline_mode<synchronous>, transform_indices = @transform_3, window_bounds = array<i64: 20, 1>}, {transform_indices = @transform_4, window_bounds = array<i64: 1>}, {transform_indices = @transform_5, window_bounds = array<i64: 1, 16000>}]} {
    %get3A = arith.constant 0 : index
    %get3A_0 = arith.constant 0 : index
    %get3A_1 = vector.load %arg2[%get3A, %get3A_0] : memref<64x20xf32, #tpu.memory_space<vmem>>, vector<64x20xf32>
    %get3A_2 = arith.constant 0 : index
    %get3A_3 = arith.constant 0 : index
    %get3A_4 = vector.load %arg1[%get3A_2, %get3A_3] : memref<16000x64xf32, #tpu.memory_space<vmem>>, vector<16000x64xf32>
    %dot_general3A = arith.constant dense<0.000000e+00> : vector<20x16000xf32>
    %dot_general3A_5 = tpu.matmul %get3A_1, %get3A_4, %dot_general3A {dimension_numbers = #tpu.dot_dimension_numbers<[0], [1], [1], [0], [0, 1, 1, 0], [], []>, transpose_lhs_hint = false} : vector<64x20xf32>, vector<16000x64xf32>, vector<20x16000xf32> -> vector<20x16000xf32>
    %get3A_6 = arith.constant 0 : index
    %get3A_7 = arith.constant 0 : index
    %get3A_8 = vector.load %arg3[%get3A_6, %get3A_7] : memref<20x1xf32, #tpu.memory_space<vmem>>, vector<20x1xf32>
    %add3A = vector.broadcast %get3A_8 : vector<20x1xf32> to vector<20x16000xf32>
    %add3A_9 = arith.addf %dot_general3A_5, %add3A : vector<20x16000xf32>
    %max3A = arith.constant 0.000000e+00 : f32
    %max3A_10 = vector.broadcast %max3A : f32 to vector<20x16000xf32>
    %max3A_11 = arith.maximumf %add3A_9, %max3A_10 : vector<20x16000xf32>
    %get3A_12 = arith.constant 0 : index
    %get3A_13 = arith.constant 0 : index
    %get3A_14 = vector.load %arg4[%get3A_12, %get3A_13] : memref<20x1xf32, #tpu.memory_space<vmem>>, vector<20x1xf32>
    %dot_general3A_15 = arith.constant dense<0.000000e+00> : vector<1x16000xf32>
    %dot_general3A_16 = tpu.matmul %get3A_14, %max3A_11, %dot_general3A_15 {dimension_numbers = #tpu.dot_dimension_numbers<[0], [0], [1], [1], [0, 1, 1, 1], [], []>, transpose_lhs_hint = false} : vector<20x1xf32>, vector<20x16000xf32>, vector<1x16000xf32> -> vector<1x16000xf32>
    %get3A_17 = arith.constant 0 : index
    %get3A_18 = memref.load %arg5[%get3A_17] : memref<1xf32, #tpu.memory_space<smem>>
    %add3A_19 = vector.broadcast %get3A_18 : f32 to vector<1x16000xf32>
    %add3A_20 = arith.addf %dot_general3A_16, %add3A_19 : vector<1x16000xf32>
    %swap3A = arith.constant 0 : index
    %swap3A_21 = arith.constant 0 : index
    %swap3A_22 = vector.load %arg6[%swap3A, %swap3A_21] : memref<1x16000xf32, #tpu.memory_space<vmem>>, vector<1x16000xf32>
    tpu.vector_store %arg6[%swap3A, %swap3A_21], %add3A_20 {strides = array<i32>} : memref<1x16000xf32, #tpu.memory_space<vmem>>, vector<1x16000xf32>,
    return
  }
  func.func @transform_0(%arg0: i32) -> (i32, i32) {
    %c0_i32 = arith.constant 0 : i32
    %c0_i32_0 = arith.constant 0 : i32
    return %arg0, %c0_i32 : i32, i32
  }
  func.func @transform_1(%arg0: i32) -> (i32, i32) {
    %c0_i32 = arith.constant 0 : i32
    %c0_i32_0 = arith.constant 0 : i32
    %c0_i32_1 = arith.constant 0 : i32
    return %c0_i32, %c0_i32_0 : i32, i32
  }
  func.func @transform_2(%arg0: i32) -> (i32, i32) {
    %c0_i32 = arith.constant 0 : i32
    %c0_i32_0 = arith.constant 0 : i32
    %c0_i32_1 = arith.constant 0 : i32
    return %c0_i32, %c0_i32_0 : i32, i32
  }
  func.func @transform_3(%arg0: i32) -> (i32, i32) {
    %c0_i32 = arith.constant 0 : i32
    %c0_i32_0 = arith.constant 0 : i32
    %c0_i32_1 = arith.constant 0 : i32
    return %c0_i32, %c0_i32_0 : i32, i32
  }
  func.func @transform_4(%arg0: i32) -> i32 {
    %c0_i32 = arith.constant 0 : i32
    %c0_i32_0 = arith.constant 0 : i32
    return %c0_i32 : i32
  }
  func.func @transform_5(%arg0: i32) -> (i32, i32) {
    %add3A = arith.constant 0 : i32
    %add3A_0 = arith.addi %add3A, %arg0 : i32
    %c0_i32 = arith.constant 0 : i32
    %c0_i32_1 = arith.constant 0 : i32
    return %c0_i32, %add3A_0 : i32, i32
  }
}

module attributes {stable_mosaic.version = 14 : i64} {
  func.func @_k3_body_seg(%arg0: i32, %arg1: memref<16000x64xf32, #tpu.memory_space<vmem>>, %arg2: memref<64x20xf32, #tpu.memory_space<vmem>>, %arg3: memref<20x1xf32, #tpu.memory_space<vmem>>, %arg4: memref<20x1xf32, #tpu.memory_space<vmem>>, %arg5: memref<1xf32, #tpu.memory_space<smem>>, %arg6: memref<1x320000xf32, #tpu.memory_space<any>>, %arg7: memref<1x16000xf32, #tpu.memory_space<vmem>>) attributes {dimension_semantics = [#tpu.dimension_semantics<arbitrary>], iteration_bounds = array<i64: 10>, scalar_prefetch = 0 : i64, scratch_operands = 0 : i64, tpu.core_type = #tpu.core_type<tc>, window_params = [{transform_indices = @transform_0, window_bounds = array<i64: 16000, 64>}, {pipeline_mode = #tpu.pipeline_mode<synchronous>, transform_indices = @transform_1, window_bounds = array<i64: 64, 20>}, {pipeline_mode = #tpu.pipeline_mode<synchronous>, transform_indices = @transform_2, window_bounds = array<i64: 20, 1>}, {pipeline_mode = #tpu.pipeline_mode<synchronous>, transform_indices = @transform_3, window_bounds = array<i64: 20, 1>}, {transform_indices = @transform_4, window_bounds = array<i64: 1>}, {}, {transform_indices = @transform_6, window_bounds = array<i64: 1, 16000>}]} {
    %get3A = arith.constant 0 : index
    %get3A_0 = arith.constant 0 : index
    %get3A_1 = vector.load %arg2[%get3A, %get3A_0] : memref<64x20xf32, #tpu.memory_space<vmem>>, vector<64x20xf32>
    %get3A_2 = arith.constant 0 : index
    %get3A_3 = arith.constant 0 : index
    %get3A_4 = vector.load %arg1[%get3A_2, %get3A_3] : memref<16000x64xf32, #tpu.memory_space<vmem>>, vector<16000x64xf32>
    %dot_general3A = arith.constant dense<0.000000e+00> : vector<20x16000xf32>
    %dot_general3A_5 = tpu.matmul %get3A_1, %get3A_4, %dot_general3A {dimension_numbers = #tpu.dot_dimension_numbers<[0], [1], [1], [0], [0, 1, 1, 0], [], []>, transpose_lhs_hint = false} : vector<64x20xf32>, vector<16000x64xf32>, vector<20x16000xf32> -> vector<20x16000xf32>
    %get3A_6 = arith.constant 0 : index
    %get3A_7 = arith.constant 0 : index
    %get3A_8 = vector.load %arg3[%get3A_6, %get3A_7] : memref<20x1xf32, #tpu.memory_space<vmem>>, vector<20x1xf32>
    %add3A = vector.broadcast %get3A_8 : vector<20x1xf32> to vector<20x16000xf32>
    %add3A_9 = arith.addf %dot_general3A_5, %add3A : vector<20x16000xf32>
    %max3A = arith.constant 0.000000e+00 : f32
    %max3A_10 = vector.broadcast %max3A : f32 to vector<20x16000xf32>
    %max3A_11 = arith.maximumf %add3A_9, %max3A_10 : vector<20x16000xf32>
    %get3A_12 = arith.constant 0 : index
    %get3A_13 = arith.constant 0 : index
    %get3A_14 = vector.load %arg4[%get3A_12, %get3A_13] : memref<20x1xf32, #tpu.memory_space<vmem>>, vector<20x1xf32>
    %dot_general3A_15 = arith.constant dense<0.000000e+00> : vector<1x16000xf32>
    %dot_general3A_16 = tpu.matmul %get3A_14, %max3A_11, %dot_general3A_15 {dimension_numbers = #tpu.dot_dimension_numbers<[0], [0], [1], [1], [0, 1, 1, 1], [], []>, transpose_lhs_hint = false} : vector<20x1xf32>, vector<20x16000xf32>, vector<1x16000xf32> -> vector<1x16000xf32>
    %get3A_17 = arith.constant 0 : index
    %get3A_18 = memref.load %arg5[%get3A_17] : memref<1xf32, #tpu.memory_space<smem>>
    %add3A_19 = vector.broadcast %get3A_18 : f32 to vector<1x16000xf32>
    %add3A_20 = arith.addf %dot_general3A_16, %add3A_19 : vector<1x16000xf32>
    %swap3A = arith.constant 0 : index
    %swap3A_21 = arith.constant 0 : index
    %swap3A_22 = vector.load %arg7[%swap3A, %swap3A_21] : memref<1x16000xf32, #tpu.memory_space<vmem>>, vector<1x16000xf32>
    tpu.vector_store %arg7[%swap3A, %swap3A_21], %add3A_20 {strides = array<i32>} : memref<1x16000xf32, #tpu.memory_space<vmem>>, vector<1x16000xf32>,
    return
  }
  func.func @transform_0(%arg0: i32) -> (i32, i32) {
    %c0_i32 = arith.constant 0 : i32
    %c0_i32_0 = arith.constant 0 : i32
    return %arg0, %c0_i32 : i32, i32
  }
  func.func @transform_1(%arg0: i32) -> (i32, i32) {
    %c0_i32 = arith.constant 0 : i32
    %c0_i32_0 = arith.constant 0 : i32
    %c0_i32_1 = arith.constant 0 : i32
    return %c0_i32, %c0_i32_0 : i32, i32
  }
  func.func @transform_2(%arg0: i32) -> (i32, i32) {
    %c0_i32 = arith.constant 0 : i32
    %c0_i32_0 = arith.constant 0 : i32
    %c0_i32_1 = arith.constant 0 : i32
    return %c0_i32, %c0_i32_0 : i32, i32
  }
  func.func @transform_3(%arg0: i32) -> (i32, i32) {
    %c0_i32 = arith.constant 0 : i32
    %c0_i32_0 = arith.constant 0 : i32
    %c0_i32_1 = arith.constant 0 : i32
    return %c0_i32, %c0_i32_0 : i32, i32
  }
  func.func @transform_4(%arg0: i32) -> i32 {
    %c0_i32 = arith.constant 0 : i32
    %c0_i32_0 = arith.constant 0 : i32
    return %c0_i32 : i32
  }
  func.func @transform_6(%arg0: i32) -> (i32, i32) {
    %add3A = arith.constant 10 : i32
    %add3A_0 = arith.addi %add3A, %arg0 : i32
    %c0_i32 = arith.constant 0 : i32
    %c0_i32_1 = arith.constant 0 : i32
    return %c0_i32, %add3A_0 : i32, i32
  }
}

</mosaic_0001>

<sc_bundles>
// kernel: kernel.10.cloned.1.call-start
scs
__scs_entry_jumppad:
0x0: {  	(pc) =	sbr.rel $0x88, $3  }
0x1: {  	(tag) =	ssettag $0x0;
	lr =	simm.s32 $0x1  }
0x2: {  	[smem:$0x3F98] =	sst lr;
	_ =	strace $0xD0000000  }
0x3: {  	_ = 	snop  }
0x4: {  	_ = 	snop  }
0x5: {  	_ = 	snop  }
0x6: {  	_ = 	snop  }
0x7: {  	_ = 	snop  }
__scs_overlays_trampoline_lowered:
0x8: {  	[smem:$0x3FA7] =	sst s0  }
0x9: {  	[smem:$0x3FA8] =	sst s1  }
0xa: {  	[smem:$0x3FA9] =	sst s2  }
0xb: {  	[smem:$0x3FAA] =	sst s3  }
0xc: {  	[smem:$0x3FAB] =	sst s4  }
0xd: {  	[smem:$0x3FAC] =	sst s5  }
0xe: {  	[smem:$0x3FAD] =	sst s6  }
0xf: {  	[smem:$0x3FAE] =	sst s7  }
0x10: {  	[smem:$0x3FAF] =	sst s8  }
0x11: {  	[smem:$0x3FB0] =	sst s9;
	s0 =	simm.s32 @!p0 $0x0  }
0x12: {  	s1 =	sld [smem:$0x3F96];
	s0 =	simm.s32 @p0 $0x1  }
0x13: {  	[smem:$0x3FB1] =	sst s0;
	s0 =	simm.s32 @!p1 $0x0  }
0x14: {  	s2 =	sld [smem:$0x3F95];
	s0 =	simm.s32 @p1 $0x1  }
0x15: {  	[smem:$0x3FB2] =	sst s0;
	s0 =	simm.s32 @!p2 $0x0  }
0x16: {  	s3 =	sld [smem:$0x3FDB];
	s0 =	simm.s32 @p2 $0x1  }
0x17: {  	s4 =	simm.s32 $0x1BF5;
	[smem:$0x3FB4] =	sst s0  }
0x18: {  	s0 =	sld [smem:$0x3F97];
	_ =	swait.ge [sflag:s4], $0x0  }
0x19: {  	s7 =	sld [smem:$0x3F98]  }
0x1a: {  	s8 =	sadd.s32 $0xFFFFE003, lr  }
0x1b: {  	s9 =	sadd.s32 $0xFFFFFEF7, lr;
	s5 =	simm.s32 $0xFFFFFFFF;
	p2 =	slt.u32 s8, $0xFFFFF086  }
0x1c: {  	p1 =	slt.u32 s9, $0xF7A;
	s5 =	simm.s32 @!p2 $0x0  }
0x1d: {  	s5 =	simm.s32 @p1 $0x1;
	p0 =	seq.s32 s7, s2  }
0x1e: {  	s7 =	smul.u32 @!p0 $0xF7A, s2;
	p2 =	seq.s32 @!p0 s5, $0x0  }
0x1f: {  	s9 =	smul.u32 $0xF7A, s1;
	s8 =	simm.s32 @!p0 $0x1BF5;
	p2 =	por !p2, p0  }
0x20: {  	[sflag:s8] =	ssyncset.s32 @!p0 $0xFFFFF086;
	s6 =	sadd.s32 @!p0 s3, s7;
	s7 =	simm.s32 @!p0 $0x108  }
0x21: {  	s3 =	sadd.s32 s3, s9;
	s6 =	sadd.s32 @!p0 $0x88, s6;
	s7 =	simm.s32 @p2 $0x1082  }
0x22: {  	[simem:s7], [sflag:s8] =	dma.local @!p0 [hbm:s6], $0xF7A  }
0x23: {  	s9 =	sor.u32 $0xD0000000, s2;
	s6 =	simm.s32 $0x108;
	_ =	swait.ge @!p0 [sflag:s8], $0x0  }
0x24: {  	s3 =	sadd.s32 $0x88, s3;
	s6 =	simm.s32 @!p1 $0x1082;
	[sflag:s4] =	ssyncset.s32 $0xFFFFF086  }
0x25: {  	[simem:s6], [sflag:s4] =	dma.local [hbm:s3], $0xF7A  }
0x26: {  	[smem:$0x3F98] =	sst s1;
	(tag) =	ssettag s2;
	_ =	strace s9  }
0x27: {  	s1 =	sld [smem:$0x3FA8]  }
0x28: {  	s2 =	sld [smem:$0x3FA9]  }
0x29: {  	s4 =	sld [smem:$0x3FAB]  }
0x2a: {  	p0 =	seq.s32 s5, $0x0;
	s5 =	sld [smem:$0x3FAC]  }
0x2b: {  	s6 =	sld [smem:$0x3FAD]  }
0x2c: {  	s7 =	sld [smem:$0x3FAE]  }
0x2d: {  	s3 =	simm.s32 $0x108;
	s8 =	sld [smem:$0x3FAF]  }
0x2e: {  	s3 =	simm.s32 @!p0 $0x1082;
	s9 =	sld [smem:$0x3FB0]  }
0x2f: {  	lr =	sadd.s32 s0, s3;
	s0 =	sld [smem:$0x3FA7]  }
0x30: {  	s3 =	sld [smem:$0x3FAA]  }
0x31: {  	[smem:$0x3FB3] =	sst s10  }
0x32: {  	s10 =	sld [smem:$0x3FB1];
	_ =	sdelay $0x3  }
0x33: {  	p0 =	seq.s32 s10, $0x1;
	s10 =	sld [smem:$0x3FB3];
	_ =	sdelay $0x3  }
0x34: {  	[smem:$0x3FB3] =	sst s10  }
0x35: {  	s10 =	sld [smem:$0x3FB2];
	_ =	sdelay $0x3  }
0x36: {  	p1 =	seq.s32 s10, $0x1;
	s10 =	sld [smem:$0x3FB3];
	_ =	sdelay $0x3  }
0x37: {  	[smem:$0x3FB3] =	sst s10  }
0x38: {  	s10 =	sld [smem:$0x3FB4]  }
0x39: {  	_ = 	snop;
	(pc) =	sbr.ind lr, $3  }
0x3a: {  	_ = 	snop  }
0x3b: {  	_ = 	snop  }
0x3c: {  	p2 =	seq.s32 s10, $0x1;
	s10 =	sld [smem:$0x3FB3]  }
0x3d: {  	_ =	shalt  }
0x3e: {  	_ =	shalt  }
0x3f: {  	_ =	shalt  }
0x40: {  	_ =	shalt  }
0x41: {  	_ =	shalt  }
0x42: {  	_ =	shalt  }
0x43: {  	_ =	shalt  }
0x44: {  	_ =	shalt  }
0x45: {  	_ =	shalt  }
0x46: {  	_ =	shalt  }
0x47: {  	_ =	shalt  }
0x48: {  	_ =	shalt  }
0x49: {  	_ =	shalt  }
0x4a: {  	_ =	shalt  }
0x4b: {  	_ =	shalt  }
0x4c: {  	_ =	shalt  }
0x4d: {  	_ =	shalt  }
0x4e: {  	_ =	shalt  }
0x4f: {  	_ =	shalt  }
0x50: {  	_ =	shalt  }
0x51: {  	_ =	shalt  }
0x52: {  	_ =	shalt  }
0x53: {  	_ =	shalt  }
0x54: {  	_ =	shalt  }
0x55: {  	_ =	shalt  }
0x56: {  	_ =	shalt  }
0x57: {  	_ =	shalt  }
0x58: {  	_ =	shalt  }
0x59: {  	_ =	shalt  }
0x5a: {  	_ =	shalt  }
0x5b: {  	_ =	shalt  }
0x5c: {  	_ =	shalt  }
0x5d: {  	_ =	shalt  }
0x5e: {  	_ =	shalt  }
0x5f: {  	_ =	shalt  }
0x60: {  	_ =	shalt  }
0x61: {  	_ =	shalt  }
0x62: {  	_ =	shalt  }
0x63: {  	_ =	shalt  }
0x64: {  	_ =	shalt  }
0x65: {  	_ =	shalt  }
0x66: {  	_ =	shalt  }
0x67: {  	_ =	shalt  }
0x68: {  	_ =	shalt  }
0x69: {  	_ =	shalt  }
0x6a: {  	_ =	shalt  }
0x6b: {  	_ =	shalt  }
0x6c: {  	_ =	shalt  }
0x6d: {  	_ =	shalt  }
0x6e: {  	_ =	shalt  }
0x6f: {  	_ =	shalt  }
0x70: {  	_ =	shalt  }
0x71: {  	_ =	shalt  }
0x72: {  	_ =	shalt  }
0x73: {  	_ =	shalt  }
0x74: {  	_ =	shalt  }
0x75: {  	_ =	shalt  }
0x76: {  	_ =	shalt  }
0x77: {  	_ =	shalt  }
0x78: {  	_ =	shalt  }
0x79: {  	_ =	shalt  }
0x7a: {  	_ =	shalt  }
0x7b: {  	_ =	shalt  }
0x7c: {  	_ =	shalt  }
0x7d: {  	_ =	shalt  }
0x7e: {  	_ =	shalt  }
0x7f: {  	_ =	shalt  }
0x80: {  	_ =	shalt  }
0x81: {  	_ =	shalt  }
0x82: {  	_ =	shalt  }
0x83: {  	_ =	shalt  }
0x84: {  	_ =	shalt  }
0x85: {  	_ =	shalt  }
0x86: {  	_ =	shalt  }
0x87: {  	_ =	shalt  }
.Lfunc_end0:
.L_simem_size_0:
called_computation.1_lowered:
.L_overlay_start_0:
0x88: {  	s2 =	sld [smem:$0x3FD9]  }
0x89: {  	s3 =	sld [smem:$0x3FFE];
	_ =	sdelay $0x1  }
0x8a: {  	s1 =	srdreg.scid  }
0x8b: {  	s0 =	sand.u32 $0x1, s1  }
0x8c: {  	s17 =	sshll.u32 s0, $0xA;
	s2 =	sadd.s32 s3, s2  }
0x8d: {  	s2 =	sadd.s32 s2, s17  }
0x8e: {  	[smem:$0x3FBF] =	sst s2  }
0x8f: {  	_ = 	snop  }
0x90: {  	(tm) =	ssettm $0x1  }
0x91: {  	s18 =	sld [smem:$0x3FFB];
	_ =	sdelay $0x3  }
0x92: {  	_ =	strace s18  }
0x93: {  	s2 =	sld [smem:$0x3FFC];
	_ =	sdelay $0x3  }
0x94: {  	_ =	strace s2  }
0x95: {  	s2 =	sld [smem:$0x3FFD];
	_ =	sdelay $0x3  }
0x96: {  	_ =	strace s2  }
0x97: {  	_ =	strace $0x8FFFFFFF  }
0x98: {  	s19 =	sld [smem:$0x3FDB];
	_ =	sdelay $0x1  }
0x99: {  	s20 =	simm.s32 $_scs_section_size  }
0x9a: {  	s4 =	simm.s32 $_size__tile_overlayer_lowered;
	s5 =	simm.s32 $_tile_overlayer_lowered  }
0x9b: {  	s6 =	simm.s32 $0x1BFF;
	s21 =	sshll.u32 s5, $0x1;
	s3 =	sadd.s32 s20, s19  }
0x9c: {  	s22 =	simm.s32 $0x0;
	s4 =	sshll.u32 s4, $0x1;
	s5 =	sadd.s32 s21, s3  }
0x9d: {  	[timem:s22], [sflag:s6] =	dma.local [hbm:s5], s4  }
0x9e: {  	_ =	swait.ge [sflag:s6], s4  }
0x9f: {  	s4 =	ssub.s32 $0x0, s4;
	[sflag:s6] =	ssyncset.done $0x0  }
0xa0: {  	[sflag:s6] =	ssyncadd.s32 s4;
	_ =	sdelay $0x1  }
0xa1: {  	s23 =	simm.s32 $0x1B8B  }
0xa2: {  	_ =	swait.ge [sflag:s23], $0x1  }
0xa3: {  	[sflag:s23] =	ssyncset.done $0x0  }
0xa4: {  	[sflag:s23] =	ssyncadd.s32 $0xFFFFFFFF  }
0xa5: {  	s4 =	sld [smem:$0x0]  }
0xa6: {  	s5 =	sand.u32 $0xFFFFFFFE, s1  }
0xa7: {  	p0 =	sne.s32 s1, s5  }
0xa8: {  	s5 =	sshll.u32 @p0 s5, $0xE  }
0xa9: {  	s5 =	sadd.s32 @p0 $0x11B8D, s5;
	s6 =	sshll.u32 @p0 s4, $0x11  }
0xaa: {  	s5 =	sor.u32 @p0 s6, s5  }
0xab: {  	[sflag:s5] =	ssyncadd.remote.s32 @p0 $0x1;
	_ =	sdelay $0x1  }
0xac: {  	s5 =	simm.s32 @p0 $0x1B8D  }
0xad: {  	_ =	swait.eq @p0 [sflag:s5], $0x1  }
0xae: {  	[sflag:s5] =	ssyncadd.s32 @p0 $0xFFFFFFFF  }
0xaf: {  	s6 =	sshll.u32 @!p0 s1, $0xE  }
0xb0: {  	s6 =	sor.u32 @!p0 $0x4000, s6;
	s5 =	simm.s32 @!p0 $0x1B8D  }
0xb1: {  	s4 =	sshll.u32 @!p0 s4, $0x11;
	s6 =	sadd.s32 @!p0 $0x11B8D, s6;
	_ =	swait.eq @!p0 [sflag:s5], $0x1  }
0xb2: {  	s4 =	sor.u32 @!p0 s4, s6;
	[sflag:s5] =	ssyncadd.s32 @!p0 $0xFFFFFFFF  }
0xb3: {  	s25 =	simm.s32 $0x1B8E;
	s24 =	sld [smem:$0x3FFE];
	[sflag:s4] =	ssyncadd.remote.s32 @!p0 $0x1  }
0xb4: {  	s26 =	simm.s32 $execute0_lowered;
	[smem:$0x3FD2] =	sst s25  }
0xb5: {  	s5 =	sshll.u32 s26, $0x1;
	_ =	strace $0x80000049;
	[dreg:$0x1] =	wrdreg $0xFFFFFFFF  }
0xb6: {  	s28 =	simm.s32 $_size_execute0_lowered;
	s3 =	sadd.s32 s3, s5;
	[dreg:$0x0] =	wrdreg $0x0  }
0xb7: {  	s5 =	sshll.u32 s28, $0x1;
	[dreg:$0x2] =	wrdreg s3  }
0xb8: {  	[dreg:$0x3] =	wrdreg s5  }
0xb9: {  	[dreg:$0x4] =	wrdreg $0xC0  }
0xba: {  	_ =	task [dreg:s22], $0x5FFFF  }
0xbb: {  	[dreg:$0x1] =	wrdreg $0xFFFFFFFF  }
0xbc: {  	[dreg:$0x0] =	wrdreg $0x60  }
0xbd: {  	[dreg:$0x2] =	wrdreg s24  }
0xbe: {  	[dreg:$0x3] =	wrdreg $0xA  }
0xbf: {  	_ =	task.clear_ibuf [dreg:s22], $0x4FFFF;
	_ =	strace $0x90000049  }
0xc0: {  	s29 =	simm.s32 $0xA;
	_ =	strace $0x8000004B  }
0xc1: {  	_ =	swait.ge [sflag:s29], $0x1  }
0xc2: {  	[sflag:s29] =	ssyncadd.s32 $0xFFFFFFFF  }
0xc3: {  	_ =	strace $0x9000004B  }
0xc4: {  	_ =	sfence  }
0xc5: {  	s30 =	sld [smem:$0x0];
	_ =	sdelay $0x2  }
0xc6: {  	s31 =	sshll.u32 s1, $0xD;
	s1 =	sshrl.u32 s1, $0x2  }
0xc7: {  	s4 =	sand.u32 $0x4000, s31;
	s1 =	sadd.s32 s1, s30  }
0xc8: {  	s0 =	sor.u32 s4, s0;
	s1 =	sshll.u32 s1, $0x11  }
0xc9: {  	s0 =	sor.u32 s1, s0  }
0xca: {  	s0 =	sadd.s32 $0x8F2B, s0  }
0xcb: {  	[sflag:s0] =	ssyncadd.remote.s32 $0x1  }
0xcc: {  	_ =	sfence.sel $0xFFFF  }
0xcd: {  	[dreg:$0x0] =	wrdreg $0xFFFFFFFF;
	(pc) =	sbr.abs _section_cstart, $3  }
0xce: {  	[dreg:$0x1] =	wrdreg $0xFFFFFFFF  }
0xcf: {  	_ =	task.clear_ibuf [dreg:s22], $0x2FFFF;
	_ =	strace $0x9FFFFFFF  }
0xd0: {  	(tm) =	ssettm $0x7FFFFFFF  }
0xd1: {  	_ =	shalt  }
tec
execute0_lowered:
.L_overlay_start_1:
0x0: {  	(tag) =	ssettag $0x1  }
0x1: {  	s0 =	srdreg.scid;
	s2 =	stileid.u32  }
0x2: {  	s1 =	rddreg [dreg:$0x0];
	s14 =	simm.s32 $0x28;
	s15 =	simm.s32 $0x2800  }
0x3: {  	s16 =	simm.s32 $0x3C00;
	s17 =	simm.s32 $0x5000;
	s19 =	simm.s32 $0x6400  }
0x4: {  	s20 =	simm.s32 $0x7800;
	s21 =	simm.s32 $0x8C00;
	s22 =	simm.s32 $0x1  }
0x5: {  	s23 =	simm.s32 $0xA000;
	s0 =	sand.u32 $0x1, s0;
	s3 =	sshll.u32 s2, $0x1  }
0x6: {  	s28 =	simm.s32 $0xC800;
	s29 =	simm.s32 $0x4;
	s4 =	sor.u32 s0, s3  }
0x7: {  	s30 =	simm.s32 $0x5;
	s2 =	simm.s32 $0x0;
	s3 =	smul.u32 $0x1388, s4  }
0x8: {  	[smem:$0x7FF] =	sst s2;
	s0 =	ssub.s32 $0x2, s0;
	s6 =	smul.u32 $0x9C400, s4  }
0x9: {  	_ =	strace $0x8000004A;
	s4 =	sadd.s32 $0x14A00, s1;
	s8 =	sshrl.u32 s0, $0x1  }
0xa: {  	s0 =	ssub.s32 s0, s8;
	s5 =	sshrl.u32 s3, $0x3;
	s24 =	sshrl.u32 s6, $0x3  }
0xb: {  	s8 =	sadd.s32 $0x28, s3;
	s0 =	smax.u32 s0, $0x1;
	s7 =	sadd.s32 s5, s1  }
0xc: {  	s5 =	sadd.s32 $0x2ACC00, s1;
	[dreg:$0x6] =	wrdreg s0;
	s25 =	sadd.s32 $0x5E20, s7  }
0xd: {  	s26 =	sadd.s32 $0xFA60, s7;
	s1 =	sadd.s32 s5, s24;
	[dreg:$0x2] =	wrdreg s25  }
0xe: {  	s24 =	simm.s32 $0x2;
	[dreg:$0x3] =	wrdreg s26;
	s31 =	sadd.s32 $0x13380, s1  }
0xf: {  	s1 =	sadd.s32 $0x13600, s1;
	s25 =	simm.s32 $0xB400;
	[dreg:$0x4] =	wrdreg s31  }
0x10: {  	s26 =	simm.s32 $0x3;
	[dreg:$0x5] =	wrdreg s1;
	s1 =	simm.s32 $0x0  }
.LBB2_1:
0x11: {  	s0 =	rddreg [dreg:$0x2];
	s6 =	simm.s32 $0x7  }
0x12: {  	[tilespmem:s2], [sflag:$0x7] =	stream.linear.gather [hbm4b:s0+s2], $0x1388, $0x38;
	[tilespmem:$0xDC00] =	vst v63  }
0x13: {  	_ =	swait.ge [sflag:s6], $0x1388  }
0x14: {  	[sflag:s6] =	ssyncset.done $0x0  }
0x15: {  	s7 =	simm.s32 $0x1400;
	s18 =	rddreg [dreg:$0x3];
	[sflag:s6] =	ssyncadd.s32 $0xFFFFEC78  }
0x16: {  	[tilespmem:s7], [sflag:$0x7] =	stream.linear.gather [hbm4b:s18+s2], $0x1388, $0x38;
	[tilespmem:$0xDC00] =	vst v63  }
0x17: {  	_ =	swait.ge [sflag:s6], $0x1388  }
0x18: {  	[sflag:s6] =	ssyncset.done $0x0  }
0x19: {  	[sflag:s6] =	ssyncadd.s32 $0xFFFFEC78  }
0x1a: {  	[tilespmem:s15], [sflag:$0x1] =	stream.indirect.gather [hbm4b:s4+s14], $0x80, s2, s14, $0xb8;
	[tilespmem:$0xDC00] =	vst v63  }
0x1b: {  	_ = 	snop  }
0x1c: {  	[tilespmem:s16], [sflag:$0x1] =	stream.indirect.gather [hbm4b:s4+s14], $0x80, s7, s14, $0xb8;
	[tilespmem:$0xDC00] =	vst v63  }
0x1d: {  	_ = 	snop  }
0x1e: {  	[tilespmem:s17], [sflag:$0x2] =	stream.indirect.gather [hbm4b:s4+s14], $0x80, s14, s14, $0xb8;
	[tilespmem:$0xDC00] =	vst v63  }
0x1f: {  	s31 =	simm.s32 $0x1428;
	s0 =	simm.s32 $0x0  }
0x20: {  	[tilespmem:s19], [sflag:$0x2] =	stream.indirect.gather [hbm4b:s4+s14], $0x80, s31, s14, $0xb8;
	[tilespmem:$0xDC00] =	vst v63  }
.LBB2_2:
0x21: {  	s13 =	smul.u32 $0x78, s0;
	_ =	sdelay $0x1  }
0x22: {  	s18 =	sadd.s32 $0x50, s13  }
0x23: {  	[tilespmem:s20], [sflag:$0x3] =	stream.indirect.gather [hbm4b:s4+s14], $0x80, s18, s14, $0xb8;
	[tilespmem:$0xDC00] =	vst v63  }
0x24: {  	s6 =	sadd.s32 $0x1450, s13  }
0x25: {  	[tilespmem:s21], [sflag:$0x3] =	stream.indirect.gather [hbm4b:s4+s14], $0x80, s6, s14, $0xb8;
	[tilespmem:$0xDC00] =	vst v63  }
0x26: {  	_ =	swait.ge [sflag:s22], $0x1400  }
0x27: {  	[sflag:s22] =	ssyncset.done $0x0  }
0x28: {  	[sflag:s22] =	ssyncadd.s32 $0xFFFFEC00  }
0x29: {  	_ =	swait.ge [sflag:s22], $0x1400  }
0x2a: {  	p0 =	seq.s32 s0, $0x0;
	[sflag:s22] =	ssyncset.done $0x0  }
0x2b: {  	s6 =	simm.s32 @!p0 $0x4;
	[sflag:s22] =	ssyncadd.s32 $0xFFFFEC00  }
0x2c: {  	_ =	swait.ge @!p0 [sflag:s6], $0x1400  }
0x2d: {  	[sflag:s6] =	ssyncset.done @!p0 $0x0  }
0x2e: {  	s7 =	simm.s32 $0x2900;
	[sflag:s6] =	ssyncadd.s32 @!p0 $0xFFFFEC00  }
0x2f: {  	s9 =	simm.s32 $0x3D40;
	v0 =	vld [tilespmem:s7+$0xFFFFFF00]  }
0x30: {  	v1 =	vld [tilespmem:s9+$0xFFFFFF00];
	_ =	sdelay $0x4  }
0x31: {  	v0 =	vadd.f32 v1, v0;
	_ =	sdelay $0x1  }
0x32: {  	s6 =	simm.s32 $0xA100;
	v0 =	vmax.f32 v0, $0.0e+00  }
0x33: {  	[tilespmem:s6+$0xFFFFFF00] =	vst v0  }
0x34: {  	v0 =	vld [tilespmem:s7+$0xFFFFFF10]  }
0x35: {  	v1 =	vld [tilespmem:s9+$0xFFFFFF10];
	_ =	sdelay $0x4  }
0x36: {  	v0 =	vadd.f32 v1, v0;
	_ =	sdelay $0x1  }
0x37: {  	v0 =	vmax.f32 v0, $0.0e+00  }
0x38: {  	[tilespmem:s6+$0xFFFFFF10] =	vst v0  }
0x39: {  	v0 =	vld [tilespmem:s7+$0xFFFFFF20]  }
0x3a: {  	v1 =	vld [tilespmem:s9+$0xFFFFFF20];
	_ =	sdelay $0x4  }
0x3b: {  	v0 =	vadd.f32 v1, v0;
	_ =	sdelay $0x1  }
0x3c: {  	v0 =	vmax.f32 v0, $0.0e+00  }
0x3d: {  	[tilespmem:s6+$0xFFFFFF20] =	vst v0  }
0x3e: {  	v0 =	vld [tilespmem:s7+$0xFFFFFF30]  }
0x3f: {  	v1 =	vld [tilespmem:s9+$0xFFFFFF30];
	_ =	sdelay $0x4  }
0x40: {  	v0 =	vadd.f32 v1, v0;
	_ =	sdelay $0x1  }
0x41: {  	v0 =	vmax.f32 v0, $0.0e+00  }
0x42: {  	[tilespmem:s6+$0xFFFFFF30] =	vst v0  }
0x43: {  	v0 =	vld [tilespmem:s7+$0xFFFFFF80]  }
0x44: {  	v1 =	vld [tilespmem:s9+$0xFFFFFF80];
	_ =	sdelay $0x4  }
0x45: {  	v0 =	vadd.f32 v1, v0;
	_ =	sdelay $0x1  }
0x46: {  	v0 =	vmax.f32 v0, $0.0e+00  }
0x47: {  	[tilespmem:s6+$0xFFFFFF80] =	vst v0  }
0x48: {  	v0 =	vld [tilespmem:s7+$0xFFFFFF90]  }
0x49: {  	v1 =	vld [tilespmem:s9+$0xFFFFFF90];
	_ =	sdelay $0x4  }
0x4a: {  	v0 =	vadd.f32 v1, v0;
	_ =	sdelay $0x1  }
0x4b: {  	v0 =	vmax.f32 v0, $0.0e+00  }
0x4c: {  	[tilespmem:s6+$0xFFFFFF90] =	vst v0  }
0x4d: {  	v0 =	vld [tilespmem:s7+$0xFFFFFFA0]  }
0x4e: {  	v1 =	vld [tilespmem:s9+$0xFFFFFFA0];
	_ =	sdelay $0x4  }
0x4f: {  	v0 =	vadd.f32 v1, v0;
	_ =	sdelay $0x1  }
0x50: {  	v0 =	vmax.f32 v0, $0.0e+00  }
0x51: {  	[tilespmem:s6+$0xFFFFFFA0] =	vst v0  }
0x52: {  	v0 =	vld [tilespmem:s7+$0xFFFFFFB0]  }
0x53: {  	v1 =	vld [tilespmem:s9+$0xFFFFFFB0];
	_ =	sdelay $0x4  }
0x54: {  	v0 =	vadd.f32 v1, v0;
	_ =	sdelay $0x1  }
0x55: {  	v0 =	vmax.f32 v0, $0.0e+00  }
0x56: {  	[tilespmem:s6+$0xFFFFFFB0] =	vst v0  }
0x57: {  	v0 =	vld [tilespmem:s7+$0x0]  }
0x58: {  	v1 =	vld [tilespmem:s9+$0x0];
	_ =	sdelay $0x4  }
0x59: {  	v0 =	vadd.f32 v1, v0;
	_ =	sdelay $0x1  }
0x5a: {  	v0 =	vmax.f32 v0, $0.0e+00  }
0x5b: {  	[tilespmem:s6+$0x0] =	vst v0  }
0x5c: {  	v0 =	vld [tilespmem:s7+$0x10]  }
0x5d: {  	v1 =	vld [tilespmem:s9+$0x10];
	_ =	sdelay $0x4  }
0x5e: {  	v0 =	vadd.f32 v1, v0;
	_ =	sdelay $0x1  }
0x5f: {  	v0 =	vmax.f32 v0, $0.0e+00  }
0x60: {  	[tilespmem:s6+$0x10] =	vst v0  }
0x61: {  	v0 =	vld [tilespmem:s7+$0x20]  }
0x62: {  	v1 =	vld [tilespmem:s9+$0x20];
	_ =	sdelay $0x4  }
0x63: {  	v0 =	vadd.f32 v1, v0;
	_ =	sdelay $0x1  }
0x64: {  	v0 =	vmax.f32 v0, $0.0e+00  }
0x65: {  	[tilespmem:s6+$0x20] =	vst v0  }
0x66: {  	v0 =	vld [tilespmem:s7+$0x30]  }
0x67: {  	v1 =	vld [tilespmem:s9+$0x30];
	_ =	sdelay $0x4  }
0x68: {  	v0 =	vadd.f32 v1, v0;
	_ =	sdelay $0x1  }
0x69: {  	v0 =	vmax.f32 v0, $0.0e+00  }
0x6a: {  	[tilespmem:s6+$0x30] =	vst v0  }
0x6b: {  	v0 =	vld [tilespmem:s7+$0x80]  }
0x6c: {  	v1 =	vld [tilespmem:s9+$0x80];
	_ =	sdelay $0x4  }
0x6d: {  	v0 =	vadd.f32 v1, v0;
	_ =	sdelay $0x1  }
0x6e: {  	v0 =	vmax.f32 v0, $0.0e+00  }
0x6f: {  	[tilespmem:s6+$0x80] =	vst v0  }
0x70: {  	v0 =	vld [tilespmem:s7+$0x90]  }
0x71: {  	v1 =	vld [tilespmem:s9+$0x90];
	_ =	sdelay $0x4  }
0x72: {  	v0 =	vadd.f32 v1, v0;
	_ =	sdelay $0x1  }
0x73: {  	v0 =	vmax.f32 v0, $0.0e+00  }
0x74: {  	[tilespmem:s6+$0x90] =	vst v0  }
0x75: {  	v0 =	vld [tilespmem:s7+$0xA0]  }
0x76: {  	v1 =	vld [tilespmem:s9+$0xA0]  }
0x77: {  	s10 =	simm.s32 $0x0  }
0x78: {  	s12 =	simm.s32 $0xA300;
	s11 =	simm.s32 $0x2900;
	s31 =	simm.s32 $0x3D40  }
.LBB2_3:
0x79: {  	s10 =	sadd.s32 $0x4, s10;
	s9 =	sadd.s32 $0x200, s9;
	s7 =	sadd.s32 $0x200, s7  }
0x7a: {  	p1 =	slt.u32 s10, $0x24  }
0x7b: {  	v0 =	vadd.f32 v1, v0;
	_ =	sdelay $0x1  }
0x7c: {  	v0 =	vmax.f32 v0, $0.0e+00  }
0x7d: {  	[tilespmem:s6+$0xA0] =	vst v0  }
0x7e: {  	v0 =	vld [tilespmem:s11+$0xB0];
	s11 =	smov.u32 s7  }
0x7f: {  	v1 =	vld [tilespmem:s31+$0xB0];
	s31 =	smov.u32 s9;
	_ =	sdelay $0x4  }
0x80: {  	v0 =	vadd.f32 v1, v0;
	_ =	sdelay $0x1  }
0x81: {  	v0 =	vmax.f32 v0, $0.0e+00  }
0x82: {  	[tilespmem:s6+$0xB0] =	vst v0;
	s6 =	smov.u32 s12  }
0x83: {  	v0 =	vld [tilespmem:s7+$0xFFFFFF00]  }
0x84: {  	v1 =	vld [tilespmem:s9+$0xFFFFFF00];
	_ =	sdelay $0x4  }
0x85: {  	v0 =	vadd.f32 v1, v0;
	_ =	sdelay $0x1  }
0x86: {  	v0 =	vmax.f32 v0, $0.0e+00  }
0x87: {  	[tilespmem:s12+$0xFFFFFF00] =	vst v0  }
0x88: {  	v0 =	vld [tilespmem:s7+$0xFFFFFF10]  }
0x89: {  	v1 =	vld [tilespmem:s9+$0xFFFFFF10];
	_ =	sdelay $0x4  }
0x8a: {  	v0 =	vadd.f32 v1, v0;
	_ =	sdelay $0x1  }
0x8b: {  	v0 =	vmax.f32 v0, $0.0e+00  }
0x8c: {  	[tilespmem:s12+$0xFFFFFF10] =	vst v0  }
0x8d: {  	v0 =	vld [tilespmem:s7+$0xFFFFFF20]  }
0x8e: {  	v1 =	vld [tilespmem:s9+$0xFFFFFF20];
	_ =	sdelay $0x4  }
0x8f: {  	v0 =	vadd.f32 v1, v0;
	_ =	sdelay $0x1  }
0x90: {  	v0 =	vmax.f32 v0, $0.0e+00  }
0x91: {  	[tilespmem:s12+$0xFFFFFF20] =	vst v0  }
0x92: {  	v0 =	vld [tilespmem:s7+$0xFFFFFF30]  }
0x93: {  	v1 =	vld [tilespmem:s9+$0xFFFFFF30];
	_ =	sdelay $0x4  }
0x94: {  	v0 =	vadd.f32 v1, v0;
	_ =	sdelay $0x1  }
0x95: {  	v0 =	vmax.f32 v0, $0.0e+00  }
0x96: {  	[tilespmem:s12+$0xFFFFFF30] =	vst v0  }
0x97: {  	v0 =	vld [tilespmem:s7+$0xFFFFFF80]  }
0x98: {  	v1 =	vld [tilespmem:s9+$0xFFFFFF80];
	_ =	sdelay $0x4  }
0x99: {  	v0 =	vadd.f32 v1, v0;
	_ =	sdelay $0x1  }
0x9a: {  	v0 =	vmax.f32 v0, $0.0e+00  }
0x9b: {  	[tilespmem:s12+$0xFFFFFF80] =	vst v0  }
0x9c: {  	v0 =	vld [tilespmem:s7+$0xFFFFFF90]  }
0x9d: {  	v1 =	vld [tilespmem:s9+$0xFFFFFF90];
	_ =	sdelay $0x4  }
0x9e: {  	v0 =	vadd.f32 v1, v0;
	_ =	sdelay $0x1  }
0x9f: {  	v0 =	vmax.f32 v0, $0.0e+00  }
0xa0: {  	[tilespmem:s12+$0xFFFFFF90] =	vst v0  }
0xa1: {  	v0 =	vld [tilespmem:s7+$0xFFFFFFA0]  }
0xa2: {  	v1 =	vld [tilespmem:s9+$0xFFFFFFA0];
	_ =	sdelay $0x4  }
0xa3: {  	v0 =	vadd.f32 v1, v0;
	_ =	sdelay $0x1  }
0xa4: {  	v0 =	vmax.f32 v0, $0.0e+00  }
0xa5: {  	[tilespmem:s12+$0xFFFFFFA0] =	vst v0  }
0xa6: {  	v0 =	vld [tilespmem:s7+$0xFFFFFFB0]  }
0xa7: {  	v1 =	vld [tilespmem:s9+$0xFFFFFFB0];
	_ =	sdelay $0x4  }
0xa8: {  	v0 =	vadd.f32 v1, v0;
	_ =	sdelay $0x1  }
0xa9: {  	v0 =	vmax.f32 v0, $0.0e+00  }
0xaa: {  	[tilespmem:s12+$0xFFFFFFB0] =	vst v0  }
0xab: {  	v0 =	vld [tilespmem:s7+$0x0]  }
0xac: {  	v1 =	vld [tilespmem:s9+$0x0];
	_ =	sdelay $0x4  }
0xad: {  	v0 =	vadd.f32 v1, v0;
	_ =	sdelay $0x1  }
0xae: {  	v0 =	vmax.f32 v0, $0.0e+00  }
0xaf: {  	[tilespmem:s12+$0x0] =	vst v0  }
0xb0: {  	v0 =	vld [tilespmem:s7+$0x10]  }
0xb1: {  	v1 =	vld [tilespmem:s9+$0x10];
	_ =	sdelay $0x4  }
0xb2: {  	v0 =	vadd.f32 v1, v0;
	_ =	sdelay $0x1  }
0xb3: {  	v0 =	vmax.f32 v0, $0.0e+00  }
0xb4: {  	[tilespmem:s12+$0x10] =	vst v0  }
0xb5: {  	v0 =	vld [tilespmem:s7+$0x20]  }
0xb6: {  	v1 =	vld [tilespmem:s9+$0x20];
	_ =	sdelay $0x4  }
0xb7: {  	v0 =	vadd.f32 v1, v0;
	_ =	sdelay $0x1  }
0xb8: {  	v0 =	vmax.f32 v0, $0.0e+00  }
0xb9: {  	[tilespmem:s12+$0x20] =	vst v0  }
0xba: {  	v0 =	vld [tilespmem:s7+$0x30]  }
0xbb: {  	v1 =	vld [tilespmem:s9+$0x30];
	_ =	sdelay $0x4  }
0xbc: {  	v0 =	vadd.f32 v1, v0;
	_ =	sdelay $0x1  }
0xbd: {  	v0 =	vmax.f32 v0, $0.0e+00  }
0xbe: {  	[tilespmem:s12+$0x30] =	vst v0  }
0xbf: {  	v0 =	vld [tilespmem:s7+$0x80]  }
0xc0: {  	v1 =	vld [tilespmem:s9+$0x80];
	_ =	sdelay $0x4  }
0xc1: {  	v0 =	vadd.f32 v1, v0;
	_ =	sdelay $0x1  }
0xc2: {  	v0 =	vmax.f32 v0, $0.0e+00  }
0xc3: {  	[tilespmem:s12+$0x80] =	vst v0  }
0xc4: {  	v0 =	vld [tilespmem:s7+$0x90]  }
0xc5: {  	v1 =	vld [tilespmem:s9+$0x90];
	_ =	sdelay $0x4  }
0xc6: {  	v0 =	vadd.f32 v1, v0;
	_ =	sdelay $0x1  }
0xc7: {  	v0 =	vmax.f32 v0, $0.0e+00  }
.Ltmp0:
0xc8: {  	[tilespmem:s12+$0x90] =	vst v0;
	(pc) =	sbr.rel @p1 .LBB2_3-.Ltmp0, $3  }
0xc9: {  	v0 =	vld [tilespmem:s7+$0xA0]  }
0xca: {  	v1 =	vld [tilespmem:s9+$0xA0];
	_ =	sdelay $0x1  }
0xcb: {  	s12 =	sadd.s32 $0x200, s12  }
0xcc: {  	_ =	sdelay $0x1  }
0xcd: {  	v0 =	vadd.f32 v1, v0;
	_ =	sdelay $0x1  }
0xce: {  	v0 =	vmax.f32 v0, $0.0e+00  }
0xcf: {  	[tilespmem:s6+$0xA0] =	vst v0  }
0xd0: {  	v0 =	vld [tilespmem:s11+$0xB0]  }
0xd1: {  	v1 =	vld [tilespmem:s31+$0xB0];
	_ =	sdelay $0x4  }
0xd2: {  	v0 =	vadd.f32 v1, v0  }
0xd3: {  	s7 =	sadd.s32 s3, s13  }
0xd4: {  	s7 =	sshll.u32 s7, $0x4;
	v0 =	vmax.f32 v0, $0.0e+00  }
0xd5: {  	s10 =	sadd.s32 s5, s7;
	[tilespmem:s6+$0xB0] =	vst v0  }
0xd6: {  	[hbm4b:s10+s2] =	stream.linear.scatter [tilespmem:s23], [sflag:$0x4], $0x1400, $0x38;
	[tilespmem:$0xDC00] =	vst v63  }
0xd7: {  	s11 =	sadd.s32 $0x78, s13  }
0xd8: {  	[tilespmem:s15], [sflag:$0x1] =	stream.indirect.gather [hbm4b:s4+s14], $0x80, s11, s14, $0xb8;
	[tilespmem:$0xDC00] =	vst v63  }
0xd9: {  	s12 =	sadd.s32 $0x1478, s13  }
0xda: {  	[tilespmem:s16], [sflag:$0x1] =	stream.indirect.gather [hbm4b:s4+s14], $0x80, s12, s14, $0xb8;
	[tilespmem:$0xDC00] =	vst v63  }
0xdb: {  	_ =	swait.ge [sflag:s24], $0x1400  }
0xdc: {  	[sflag:s24] =	ssyncset.done $0x0  }
0xdd: {  	[sflag:s24] =	ssyncadd.s32 $0xFFFFEC00  }
0xde: {  	_ =	swait.ge [sflag:s24], $0x1400  }
0xdf: {  	[sflag:s24] =	ssyncset.done $0x0  }
0xe0: {  	s6 =	simm.s32 @!p0 $0x5;
	[sflag:s24] =	ssyncadd.s32 $0xFFFFEC00  }
0xe1: {  	_ =	swait.ge @!p0 [sflag:s6], $0x1400  }
0xe2: {  	[sflag:s6] =	ssyncset.done @!p0 $0x0  }
0xe3: {  	s7 =	simm.s32 $0x5100;
	[sflag:s6] =	ssyncadd.s32 @!p0 $0xFFFFEC00  }
0xe4: {  	s9 =	simm.s32 $0x6540;
	v0 =	vld [tilespmem:s7+$0xFFFFFF00]  }
0xe5: {  	v1 =	vld [tilespmem:s9+$0xFFFFFF00];
	_ =	sdelay $0x4  }
0xe6: {  	v0 =	vadd.f32 v1, v0;
	_ =	sdelay $0x1  }
0xe7: {  	s6 =	simm.s32 $0xB500;
	v0 =	vmax.f32 v0, $0.0e+00  }
0xe8: {  	[tilespmem:s6+$0xFFFFFF00] =	vst v0  }
0xe9: {  	v0 =	vld [tilespmem:s7+$0xFFFFFF10]  }
0xea: {  	v1 =	vld [tilespmem:s9+$0xFFFFFF10];
	_ =	sdelay $0x4  }
0xeb: {  	v0 =	vadd.f32 v1, v0;
	_ =	sdelay $0x1  }
0xec: {  	v0 =	vmax.f32 v0, $0.0e+00  }
0xed: {  	[tilespmem:s6+$0xFFFFFF10] =	vst v0  }
0xee: {  	v0 =	vld [tilespmem:s7+$0xFFFFFF20]  }
0xef: {  	v1 =	vld [tilespmem:s9+$0xFFFFFF20];
	_ =	sdelay $0x4  }
0xf0: {  	v0 =	vadd.f32 v1, v0;
	_ =	sdelay $0x1  }
0xf1: {  	v0 =	vmax.f32 v0, $0.0e+00  }
0xf2: {  	[tilespmem:s6+$0xFFFFFF20] =	vst v0  }
0xf3: {  	v0 =	vld [tilespmem:s7+$0xFFFFFF30]  }
0xf4: {  	v1 =	vld [tilespmem:s9+$0xFFFFFF30];
	_ =	sdelay $0x4  }
0xf5: {  	v0 =	vadd.f32 v1, v0;
	_ =	sdelay $0x1  }
0xf6: {  	v0 =	vmax.f32 v0, $0.0e+00  }
0xf7: {  	[tilespmem:s6+$0xFFFFFF30] =	vst v0  }
0xf8: {  	v0 =	vld [tilespmem:s7+$0xFFFFFF80]  }
0xf9: {  	v1 =	vld [tilespmem:s9+$0xFFFFFF80];
	_ =	sdelay $0x4  }
0xfa: {  	v0 =	vadd.f32 v1, v0;
	_ =	sdelay $0x1  }
0xfb: {  	v0 =	vmax.f32 v0, $0.0e+00  }
0xfc: {  	[tilespmem:s6+$0xFFFFFF80] =	vst v0  }
0xfd: {  	v0 =	vld [tilespmem:s7+$0xFFFFFF90]  }
0xfe: {  	v1 =	vld [tilespmem:s9+$0xFFFFFF90];
	_ =	sdelay $0x4  }
0xff: {  	v0 =	vadd.f32 v1, v0;
	_ =	sdelay $0x1  }
0x100: {  	v0 =	vmax.f32 v0, $0.0e+00  }
0x101: {  	[tilespmem:s6+$0xFFFFFF90] =	vst v0  }
0x102: {  	v0 =	vld [tilespmem:s7+$0xFFFFFFA0]  }
0x103: {  	v1 =	vld [tilespmem:s9+$0xFFFFFFA0];
	_ =	sdelay $0x4  }
0x104: {  	v0 =	vadd.f32 v1, v0;
	_ =	sdelay $0x1  }
0x105: {  	v0 =	vmax.f32 v0, $0.0e+00  }
0x106: {  	[tilespmem:s6+$0xFFFFFFA0] =	vst v0  }
0x107: {  	v0 =	vld [tilespmem:s7+$0xFFFFFFB0]  }
0x108: {  	v1 =	vld [tilespmem:s9+$0xFFFFFFB0];
	_ =	sdelay $0x4  }
0x109: {  	v0 =	vadd.f32 v1, v0;
	_ =	sdelay $0x1  }
0x10a: {  	v0 =	vmax.f32 v0, $0.0e+00  }
0x10b: {  	[tilespmem:s6+$0xFFFFFFB0] =	vst v0  }
0x10c: {  	v0 =	vld [tilespmem:s7+$0x0]  }
0x10d: {  	v1 =	vld [tilespmem:s9+$0x0];
	_ =	sdelay $0x4  }
0x10e: {  	v0 =	vadd.f32 v1, v0;
	_ =	sdelay $0x1  }
0x10f: {  	v0 =	vmax.f32 v0, $0.0e+00  }
0x110: {  	[tilespmem:s6+$0x0] =	vst v0  }
0x111: {  	v0 =	vld [tilespmem:s7+$0x10]  }
0x112: {  	v1 =	vld [tilespmem:s9+$0x10];
	_ =	sdelay $0x4  }
0x113: {  	v0 =	vadd.f32 v1, v0;
	_ =	sdelay $0x1  }
0x114: {  	v0 =	vmax.f32 v0, $0.0e+00  }
0x115: {  	[tilespmem:s6+$0x10] =	vst v0  }
0x116: {  	v0 =	vld [tilespmem:s7+$0x20]  }
0x117: {  	v1 =	vld [tilespmem:s9+$0x20];
	_ =	sdelay $0x4  }
0x118: {  	v0 =	vadd.f32 v1, v0;
	_ =	sdelay $0x1  }
0x119: {  	v0 =	vmax.f32 v0, $0.0e+00  }
0x11a: {  	[tilespmem:s6+$0x20] =	vst v0  }
0x11b: {  	v0 =	vld [tilespmem:s7+$0x30]  }
0x11c: {  	v1 =	vld [tilespmem:s9+$0x30];
	_ =	sdelay $0x4  }
0x11d: {  	v0 =	vadd.f32 v1, v0;
	_ =	sdelay $0x1  }
0x11e: {  	v0 =	vmax.f32 v0, $0.0e+00  }
0x11f: {  	[tilespmem:s6+$0x30] =	vst v0  }
0x120: {  	v0 =	vld [tilespmem:s7+$0x80]  }
0x121: {  	v1 =	vld [tilespmem:s9+$0x80];
	_ =	sdelay $0x4  }
0x122: {  	v0 =	vadd.f32 v1, v0;
	_ =	sdelay $0x1  }
0x123: {  	v0 =	vmax.f32 v0, $0.0e+00  }
0x124: {  	[tilespmem:s6+$0x80] =	vst v0  }
0x125: {  	v0 =	vld [tilespmem:s7+$0x90]  }
0x126: {  	v1 =	vld [tilespmem:s9+$0x90];
	_ =	sdelay $0x4  }
0x127: {  	v0 =	vadd.f32 v1, v0;
	_ =	sdelay $0x1  }
0x128: {  	v0 =	vmax.f32 v0, $0.0e+00  }
0x129: {  	[tilespmem:s6+$0x90] =	vst v0  }
0x12a: {  	v0 =	vld [tilespmem:s7+$0xA0]  }
0x12b: {  	v1 =	vld [tilespmem:s9+$0xA0]  }
0x12c: {  	s31 =	simm.s32 $0x6540  }
0x12d: {  	s10 =	simm.s32 $0x0;
	s11 =	simm.s32 $0x5100;
	s12 =	simm.s32 $0xB700  }
.LBB2_5:
0x12e: {  	s10 =	sadd.s32 $0x4, s10;
	s9 =	sadd.s32 $0x200, s9;
	s7 =	sadd.s32 $0x200, s7  }
0x12f: {  	p1 =	slt.u32 s10, $0x24  }
0x130: {  	v0 =	vadd.f32 v1, v0;
	_ =	sdelay $0x1  }
0x131: {  	v0 =	vmax.f32 v0, $0.0e+00  }
0x132: {  	[tilespmem:s6+$0xA0] =	vst v0  }
0x133: {  	v0 =	vld [tilespmem:s11+$0xB0];
	s11 =	smov.u32 s7  }
0x134: {  	v1 =	vld [tilespmem:s31+$0xB0];
	s31 =	smov.u32 s9;
	_ =	sdelay $0x4  }
0x135: {  	v0 =	vadd.f32 v1, v0;
	_ =	sdelay $0x1  }
0x136: {  	v0 =	vmax.f32 v0, $0.0e+00  }
0x137: {  	[tilespmem:s6+$0xB0] =	vst v0;
	s6 =	smov.u32 s12  }
0x138: {  	v0 =	vld [tilespmem:s7+$0xFFFFFF00]  }
0x139: {  	v1 =	vld [tilespmem:s9+$0xFFFFFF00];
	_ =	sdelay $0x4  }
0x13a: {  	v0 =	vadd.f32 v1, v0;
	_ =	sdelay $0x1  }
0x13b: {  	v0 =	vmax.f32 v0, $0.0e+00  }
0x13c: {  	[tilespmem:s12+$0xFFFFFF00] =	vst v0  }
0x13d: {  	v0 =	vld [tilespmem:s7+$0xFFFFFF10]  }
0x13e: {  	v1 =	vld [tilespmem:s9+$0xFFFFFF10];
	_ =	sdelay $0x4  }
0x13f: {  	v0 =	vadd.f32 v1, v0;
	_ =	sdelay $0x1  }
0x140: {  	v0 =	vmax.f32 v0, $0.0e+00  }
0x141: {  	[tilespmem:s12+$0xFFFFFF10] =	vst v0  }
0x142: {  	v0 =	vld [tilespmem:s7+$0xFFFFFF20]  }
0x143: {  	v1 =	vld [tilespmem:s9+$0xFFFFFF20];
	_ =	sdelay $0x4  }
0x144: {  	v0 =	vadd.f32 v1, v0;
	_ =	sdelay $0x1  }
0x145: {  	v0 =	vmax.f32 v0, $0.0e+00  }
0x146: {  	[tilespmem:s12+$0xFFFFFF20] =	vst v0  }
0x147: {  	v0 =	vld [tilespmem:s7+$0xFFFFFF30]  }
0x148: {  	v1 =	vld [tilespmem:s9+$0xFFFFFF30];
	_ =	sdelay $0x4  }
0x149: {  	v0 =	vadd.f32 v1, v0;
	_ =	sdelay $0x1  }
0x14a: {  	v0 =	vmax.f32 v0, $0.0e+00  }
0x14b: {  	[tilespmem:s12+$0xFFFFFF30] =	vst v0  }
0x14c: {  	v0 =	vld [tilespmem:s7+$0xFFFFFF80]  }
0x14d: {  	v1 =	vld [tilespmem:s9+$0xFFFFFF80];
	_ =	sdelay $0x4  }
0x14e: {  	v0 =	vadd.f32 v1, v0;
	_ =	sdelay $0x1  }
0x14f: {  	v0 =	vmax.f32 v0, $0.0e+00  }
0x150: {  	[tilespmem:s12+$0xFFFFFF80] =	vst v0  }
0x151: {  	v0 =	vld [tilespmem:s7+$0xFFFFFF90]  }
0x152: {  	v1 =	vld [tilespmem:s9+$0xFFFFFF90];
	_ =	sdelay $0x4  }
0x153: {  	v0 =	vadd.f32 v1, v0;
	_ =	sdelay $0x1  }
0x154: {  	v0 =	vmax.f32 v0, $0.0e+00  }
0x155: {  	[tilespmem:s12+$0xFFFFFF90] =	vst v0  }
0x156: {  	v0 =	vld [tilespmem:s7+$0xFFFFFFA0]  }
0x157: {  	v1 =	vld [tilespmem:s9+$0xFFFFFFA0];
	_ =	sdelay $0x4  }
0x158: {  	v0 =	vadd.f32 v1, v0;
	_ =	sdelay $0x1  }
0x159: {  	v0 =	vmax.f32 v0, $0.0e+00  }
0x15a: {  	[tilespmem:s12+$0xFFFFFFA0] =	vst v0  }
0x15b: {  	v0 =	vld [tilespmem:s7+$0xFFFFFFB0]  }
0x15c: {  	v1 =	vld [tilespmem:s9+$0xFFFFFFB0];
	_ =	sdelay $0x4  }
0x15d: {  	v0 =	vadd.f32 v1, v0;
	_ =	sdelay $0x1  }
0x15e: {  	v0 =	vmax.f32 v0, $0.0e+00  }
0x15f: {  	[tilespmem:s12+$0xFFFFFFB0] =	vst v0  }
0x160: {  	v0 =	vld [tilespmem:s7+$0x0]  }
0x161: {  	v1 =	vld [tilespmem:s9+$0x0];
	_ =	sdelay $0x4  }
0x162: {  	v0 =	vadd.f32 v1, v0;
	_ =	sdelay $0x1  }
0x163: {  	v0 =	vmax.f32 v0, $0.0e+00  }
0x164: {  	[tilespmem:s12+$0x0] =	vst v0  }
0x165: {  	v0 =	vld [tilespmem:s7+$0x10]  }
0x166: {  	v1 =	vld [tilespmem:s9+$0x10];
	_ =	sdelay $0x4  }
0x167: {  	v0 =	vadd.f32 v1, v0;
	_ =	sdelay $0x1  }
0x168: {  	v0 =	vmax.f32 v0, $0.0e+00  }
0x169: {  	[tilespmem:s12+$0x10] =	vst v0  }
0x16a: {  	v0 =	vld [tilespmem:s7+$0x20]  }
0x16b: {  	v1 =	vld [tilespmem:s9+$0x20];
	_ =	sdelay $0x4  }
0x16c: {  	v0 =	vadd.f32 v1, v0;
	_ =	sdelay $0x1  }
0x16d: {  	v0 =	vmax.f32 v0, $0.0e+00  }
0x16e: {  	[tilespmem:s12+$0x20] =	vst v0  }
0x16f: {  	v0 =	vld [tilespmem:s7+$0x30]  }
0x170: {  	v1 =	vld [tilespmem:s9+$0x30];
	_ =	sdelay $0x4  }
0x171: {  	v0 =	vadd.f32 v1, v0;
	_ =	sdelay $0x1  }
0x172: {  	v0 =	vmax.f32 v0, $0.0e+00  }
0x173: {  	[tilespmem:s12+$0x30] =	vst v0  }
0x174: {  	v0 =	vld [tilespmem:s7+$0x80]  }
0x175: {  	v1 =	vld [tilespmem:s9+$0x80];
	_ =	sdelay $0x4  }
0x176: {  	v0 =	vadd.f32 v1, v0;
	_ =	sdelay $0x1  }
0x177: {  	v0 =	vmax.f32 v0, $0.0e+00  }
0x178: {  	[tilespmem:s12+$0x80] =	vst v0  }
0x179: {  	v0 =	vld [tilespmem:s7+$0x90]  }
0x17a: {  	v1 =	vld [tilespmem:s9+$0x90];
	_ =	sdelay $0x4  }
0x17b: {  	v0 =	vadd.f32 v1, v0;
	_ =	sdelay $0x1  }
0x17c: {  	v0 =	vmax.f32 v0, $0.0e+00  }
.Ltmp1:
0x17d: {  	[tilespmem:s12+$0x90] =	vst v0;
	(pc) =	sbr.rel @p1 .LBB2_5-.Ltmp1, $3  }
0x17e: {  	v0 =	vld [tilespmem:s7+$0xA0]  }
0x17f: {  	v1 =	vld [tilespmem:s9+$0xA0];
	_ =	sdelay $0x1  }
0x180: {  	s12 =	sadd.s32 $0x200, s12  }
0x181: {  	_ =	sdelay $0x1  }
0x182: {  	v0 =	vadd.f32 v1, v0;
	_ =	sdelay $0x1  }
0x183: {  	v0 =	vmax.f32 v0, $0.0e+00  }
0x184: {  	[tilespmem:s6+$0xA0] =	vst v0  }
0x185: {  	v0 =	vld [tilespmem:s11+$0xB0]  }
0x186: {  	v1 =	vld [tilespmem:s31+$0xB0];
	_ =	sdelay $0x4  }
0x187: {  	v0 =	vadd.f32 v1, v0  }
0x188: {  	s7 =	sadd.s32 s13, s8  }
0x189: {  	s7 =	sshll.u32 s7, $0x4;
	v0 =	vmax.f32 v0, $0.0e+00  }
0x18a: {  	s11 =	sadd.s32 s5, s7;
	[tilespmem:s6+$0xB0] =	vst v0  }
0x18b: {  	[hbm4b:s11+s2] =	stream.linear.scatter [tilespmem:s25], [sflag:$0x5], $0x1400, $0x38;
	[tilespmem:$0xDC00] =	vst v63  }
0x18c: {  	s12 =	sadd.s32 $0xA0, s13  }
0x18d: {  	[tilespmem:s17], [sflag:$0x2] =	stream.indirect.gather [hbm4b:s4+s14], $0x80, s12, s14, $0xb8;
	[tilespmem:$0xDC00] =	vst v63  }
0x18e: {  	s31 =	sadd.s32 $0x14A0, s13  }
0x18f: {  	[tilespmem:s19], [sflag:$0x2] =	stream.indirect.gather [hbm4b:s4+s14], $0x80, s31, s14, $0xb8;
	[tilespmem:$0xDC00] =	vst v63  }
0x190: {  	_ =	swait.ge [sflag:s26], $0x1400  }
0x191: {  	[sflag:s26] =	ssyncset.done $0x0  }
0x192: {  	[sflag:s26] =	ssyncadd.s32 $0xFFFFEC00  }
0x193: {  	_ =	swait.ge [sflag:s26], $0x1400  }
0x194: {  	[sflag:s26] =	ssyncset.done $0x0  }
0x195: {  	s6 =	simm.s32 @!p0 $0x6;
	[sflag:s26] =	ssyncadd.s32 $0xFFFFEC00  }
0x196: {  	_ =	swait.ge @!p0 [sflag:s6], $0x1400  }
0x197: {  	[sflag:s6] =	ssyncset.done @!p0 $0x0  }
0x198: {  	s7 =	simm.s32 $0x7900;
	[sflag:s6] =	ssyncadd.s32 @!p0 $0xFFFFEC00  }
0x199: {  	s9 =	simm.s32 $0x8D40;
	v0 =	vld [tilespmem:s7+$0xFFFFFF00]  }
0x19a: {  	v1 =	vld [tilespmem:s9+$0xFFFFFF00];
	_ =	sdelay $0x4  }
0x19b: {  	v0 =	vadd.f32 v1, v0;
	_ =	sdelay $0x1  }
0x19c: {  	s6 =	simm.s32 $0xC900;
	v0 =	vmax.f32 v0, $0.0e+00  }
0x19d: {  	[tilespmem:s6+$0xFFFFFF00] =	vst v0  }
0x19e: {  	v0 =	vld [tilespmem:s7+$0xFFFFFF10]  }
0x19f: {  	v1 =	vld [tilespmem:s9+$0xFFFFFF10];
	_ =	sdelay $0x4  }
0x1a0: {  	v0 =	vadd.f32 v1, v0;
	_ =	sdelay $0x1  }
0x1a1: {  	v0 =	vmax.f32 v0, $0.0e+00  }
0x1a2: {  	[tilespmem:s6+$0xFFFFFF10] =	vst v0  }
0x1a3: {  	v0 =	vld [tilespmem:s7+$0xFFFFFF20]  }
0x1a4: {  	v1 =	vld [tilespmem:s9+$0xFFFFFF20];
	_ =	sdelay $0x4  }
0x1a5: {  	v0 =	vadd.f32 v1, v0;
	_ =	sdelay $0x1  }
0x1a6: {  	v0 =	vmax.f32 v0, $0.0e+00  }
0x1a7: {  	[tilespmem:s6+$0xFFFFFF20] =	vst v0  }
0x1a8: {  	v0 =	vld [tilespmem:s7+$0xFFFFFF30]  }
0x1a9: {  	v1 =	vld [tilespmem:s9+$0xFFFFFF30];
	_ =	sdelay $0x4  }
0x1aa: {  	v0 =	vadd.f32 v1, v0;
	_ =	sdelay $0x1  }
0x1ab: {  	v0 =	vmax.f32 v0, $0.0e+00  }
0x1ac: {  	[tilespmem:s6+$0xFFFFFF30] =	vst v0  }
0x1ad: {  	v0 =	vld [tilespmem:s7+$0xFFFFFF80]  }
0x1ae: {  	v1 =	vld [tilespmem:s9+$0xFFFFFF80];
	_ =	sdelay $0x4  }
0x1af: {  	v0 =	vadd.f32 v1, v0;
	_ =	sdelay $0x1  }
0x1b0: {  	v0 =	vmax.f32 v0, $0.0e+00  }
0x1b1: {  	[tilespmem:s6+$0xFFFFFF80] =	vst v0  }
0x1b2: {  	v0 =	vld [tilespmem:s7+$0xFFFFFF90]  }
0x1b3: {  	v1 =	vld [tilespmem:s9+$0xFFFFFF90];
	_ =	sdelay $0x4  }
0x1b4: {  	v0 =	vadd.f32 v1, v0;
	_ =	sdelay $0x1  }
0x1b5: {  	v0 =	vmax.f32 v0, $0.0e+00  }
0x1b6: {  	[tilespmem:s6+$0xFFFFFF90] =	vst v0  }
0x1b7: {  	v0 =	vld [tilespmem:s7+$0xFFFFFFA0]  }
0x1b8: {  	v1 =	vld [tilespmem:s9+$0xFFFFFFA0];
	_ =	sdelay $0x4  }
0x1b9: {  	v0 =	vadd.f32 v1, v0;
	_ =	sdelay $0x1  }
0x1ba: {  	v0 =	vmax.f32 v0, $0.0e+00  }
0x1bb: {  	[tilespmem:s6+$0xFFFFFFA0] =	vst v0  }
0x1bc: {  	v0 =	vld [tilespmem:s7+$0xFFFFFFB0]  }
0x1bd: {  	v1 =	vld [tilespmem:s9+$0xFFFFFFB0];
	_ =	sdelay $0x4  }
0x1be: {  	v0 =	vadd.f32 v1, v0;
	_ =	sdelay $0x1  }
0x1bf: {  	v0 =	vmax.f32 v0, $0.0e+00  }
0x1c0: {  	[tilespmem:s6+$0xFFFFFFB0] =	vst v0  }
0x1c1: {  	v0 =	vld [tilespmem:s7+$0x0]  }
0x1c2: {  	v1 =	vld [tilespmem:s9+$0x0];
	_ =	sdelay $0x4  }
0x1c3: {  	v0 =	vadd.f32 v1, v0;
	_ =	sdelay $0x1  }
0x1c4: {  	v0 =	vmax.f32 v0, $0.0e+00  }
0x1c5: {  	[tilespmem:s6+$0x0] =	vst v0  }
0x1c6: {  	v0 =	vld [tilespmem:s7+$0x10]  }
0x1c7: {  	v1 =	vld [tilespmem:s9+$0x10];
	_ =	sdelay $0x4  }
0x1c8: {  	v0 =	vadd.f32 v1, v0;
	_ =	sdelay $0x1  }
0x1c9: {  	v0 =	vmax.f32 v0, $0.0e+00  }
0x1ca: {  	[tilespmem:s6+$0x10] =	vst v0  }
0x1cb: {  	v0 =	vld [tilespmem:s7+$0x20]  }
0x1cc: {  	v1 =	vld [tilespmem:s9+$0x20];
	_ =	sdelay $0x4  }
0x1cd: {  	v0 =	vadd.f32 v1, v0;
	_ =	sdelay $0x1  }
0x1ce: {  	v0 =	vmax.f32 v0, $0.0e+00  }
0x1cf: {  	[tilespmem:s6+$0x20] =	vst v0  }
0x1d0: {  	v0 =	vld [tilespmem:s7+$0x30]  }
0x1d1: {  	v1 =	vld [tilespmem:s9+$0x30];
	_ =	sdelay $0x4  }
0x1d2: {  	v0 =	vadd.f32 v1, v0;
	_ =	sdelay $0x1  }
0x1d3: {  	v0 =	vmax.f32 v0, $0.0e+00  }
0x1d4: {  	[tilespmem:s6+$0x30] =	vst v0  }
0x1d5: {  	v0 =	vld [tilespmem:s7+$0x80]  }
0x1d6: {  	v1 =	vld [tilespmem:s9+$0x80];
	_ =	sdelay $0x4  }
0x1d7: {  	v0 =	vadd.f32 v1, v0;
	_ =	sdelay $0x1  }
0x1d8: {  	v0 =	vmax.f32 v0, $0.0e+00  }
0x1d9: {  	[tilespmem:s6+$0x80] =	vst v0  }
0x1da: {  	v0 =	vld [tilespmem:s7+$0x90]  }
0x1db: {  	v1 =	vld [tilespmem:s9+$0x90];
	_ =	sdelay $0x4  }
0x1dc: {  	v0 =	vadd.f32 v1, v0;
	_ =	sdelay $0x1  }
0x1dd: {  	v0 =	vmax.f32 v0, $0.0e+00  }
0x1de: {  	[tilespmem:s6+$0x90] =	vst v0  }
0x1df: {  	v0 =	vld [tilespmem:s7+$0xA0]  }
0x1e0: {  	v1 =	vld [tilespmem:s9+$0xA0]  }
0x1e1: {  	s10 =	simm.s32 $0x0  }
0x1e2: {  	s13 =	simm.s32 $0x8D40;
	s11 =	simm.s32 $0x7900;
	s12 =	simm.s32 $0xCB00  }
.LBB2_7:
0x1e3: {  	s10 =	sadd.s32 $0x4, s10;
	s9 =	sadd.s32 $0x200, s9;
	s7 =	sadd.s32 $0x200, s7  }
0x1e4: {  	p0 =	slt.u32 s10, $0x24  }
0x1e5: {  	v0 =	vadd.f32 v1, v0;
	_ =	sdelay $0x1  }
0x1e6: {  	v0 =	vmax.f32 v0, $0.0e+00  }
0x1e7: {  	[tilespmem:s6+$0xA0] =	vst v0  }
0x1e8: {  	v0 =	vld [tilespmem:s11+$0xB0];
	s11 =	smov.u32 s7  }
0x1e9: {  	v1 =	vld [tilespmem:s13+$0xB0];
	s13 =	smov.u32 s9;
	_ =	sdelay $0x4  }
0x1ea: {  	v0 =	vadd.f32 v1, v0;
	_ =	sdelay $0x1  }
0x1eb: {  	v0 =	vmax.f32 v0, $0.0e+00  }
0x1ec: {  	[tilespmem:s6+$0xB0] =	vst v0;
	s6 =	smov.u32 s12  }
0x1ed: {  	v0 =	vld [tilespmem:s7+$0xFFFFFF00]  }
0x1ee: {  	v1 =	vld [tilespmem:s9+$0xFFFFFF00];
	_ =	sdelay $0x4  }
0x1ef: {  	v0 =	vadd.f32 v1, v0;
	_ =	sdelay $0x1  }
0x1f0: {  	v0 =	vmax.f32 v0, $0.0e+00  }
0x1f1: {  	[tilespmem:s12+$0xFFFFFF00] =	vst v0  }
0x1f2: {  	v0 =	vld [tilespmem:s7+$0xFFFFFF10]  }
0x1f3: {  	v1 =	vld [tilespmem:s9+$0xFFFFFF10];
	_ =	sdelay $0x4  }
0x1f4: {  	v0 =	vadd.f32 v1, v0;
	_ =	sdelay $0x1  }
0x1f5: {  	v0 =	vmax.f32 v0, $0.0e+00  }
0x1f6: {  	[tilespmem:s12+$0xFFFFFF10] =	vst v0  }
0x1f7: {  	v0 =	vld [tilespmem:s7+$0xFFFFFF20]  }
0x1f8: {  	v1 =	vld [tilespmem:s9+$0xFFFFFF20];
	_ =	sdelay $0x4  }
0x1f9: {  	v0 =	vadd.f32 v1, v0;
	_ =	sdelay $0x1  }
0x1fa: {  	v0 =	vmax.f32 v0, $0.0e+00  }
0x1fb: {  	[tilespmem:s12+$0xFFFFFF20] =	vst v0  }
0x1fc: {  	v0 =	vld [tilespmem:s7+$0xFFFFFF30]  }
0x1fd: {  	v1 =	vld [tilespmem:s9+$0xFFFFFF30];
	_ =	sdelay $0x4  }
0x1fe: {  	v0 =	vadd.f32 v1, v0;
	_ =	sdelay $0x1  }
0x1ff: {  	v0 =	vmax.f32 v0, $0.0e+00  }
0x200: {  	[tilespmem:s12+$0xFFFFFF30] =	vst v0  }
0x201: {  	v0 =	vld [tilespmem:s7+$0xFFFFFF80]  }
0x202: {  	v1 =	vld [tilespmem:s9+$0xFFFFFF80];
	_ =	sdelay $0x4  }
0x203: {  	v0 =	vadd.f32 v1, v0;
	_ =	sdelay $0x1  }
0x204: {  	v0 =	vmax.f32 v0, $0.0e+00  }
0x205: {  	[tilespmem:s12+$0xFFFFFF80] =	vst v0  }
0x206: {  	v0 =	vld [tilespmem:s7+$0xFFFFFF90]  }
0x207: {  	v1 =	vld [tilespmem:s9+$0xFFFFFF90];
	_ =	sdelay $0x4  }
0x208: {  	v0 =	vadd.f32 v1, v0;
	_ =	sdelay $0x1  }
0x209: {  	v0 =	vmax.f32 v0, $0.0e+00  }
0x20a: {  	[tilespmem:s12+$0xFFFFFF90] =	vst v0  }
0x20b: {  	v0 =	vld [tilespmem:s7+$0xFFFFFFA0]  }
0x20c: {  	v1 =	vld [tilespmem:s9+$0xFFFFFFA0];
	_ =	sdelay $0x4  }
0x20d: {  	v0 =	vadd.f32 v1, v0;
	_ =	sdelay $0x1  }
0x20e: {  	v0 =	vmax.f32 v0, $0.0e+00  }
0x20f: {  	[tilespmem:s12+$0xFFFFFFA0] =	vst v0  }
0x210: {  	v0 =	vld [tilespmem:s7+$0xFFFFFFB0]  }
0x211: {  	v1 =	vld [tilespmem:s9+$0xFFFFFFB0];
	_ =	sdelay $0x4  }
0x212: {  	v0 =	vadd.f32 v1, v0;
	_ =	sdelay $0x1  }
0x213: {  	v0 =	vmax.f32 v0, $0.0e+00  }
0x214: {  	[tilespmem:s12+$0xFFFFFFB0] =	vst v0  }
0x215: {  	v0 =	vld [tilespmem:s7+$0x0]  }
0x216: {  	v1 =	vld [tilespmem:s9+$0x0];
	_ =	sdelay $0x4  }
0x217: {  	v0 =	vadd.f32 v1, v0;
	_ =	sdelay $0x1  }
0x218: {  	v0 =	vmax.f32 v0, $0.0e+00  }
0x219: {  	[tilespmem:s12+$0x0] =	vst v0  }
0x21a: {  	v0 =	vld [tilespmem:s7+$0x10]  }
0x21b: {  	v1 =	vld [tilespmem:s9+$0x10];
	_ =	sdelay $0x4  }
0x21c: {  	v0 =	vadd.f32 v1, v0;
	_ =	sdelay $0x1  }
0x21d: {  	v0 =	vmax.f32 v0, $0.0e+00  }
0x21e: {  	[tilespmem:s12+$0x10] =	vst v0  }
0x21f: {  	v0 =	vld [tilespmem:s7+$0x20]  }
0x220: {  	v1 =	vld [tilespmem:s9+$0x20];
	_ =	sdelay $0x4  }
0x221: {  	v0 =	vadd.f32 v1, v0;
	_ =	sdelay $0x1  }
0x222: {  	v0 =	vmax.f32 v0, $0.0e+00  }
0x223: {  	[tilespmem:s12+$0x20] =	vst v0  }
0x224: {  	v0 =	vld [tilespmem:s7+$0x30]  }
0x225: {  	v1 =	vld [tilespmem:s9+$0x30];
	_ =	sdelay $0x4  }
0x226: {  	v0 =	vadd.f32 v1, v0;
	_ =	sdelay $0x1  }
0x227: {  	v0 =	vmax.f32 v0, $0.0e+00  }
0x228: {  	[tilespmem:s12+$0x30] =	vst v0  }
0x229: {  	v0 =	vld [tilespmem:s7+$0x80]  }
0x22a: {  	v1 =	vld [tilespmem:s9+$0x80];
	_ =	sdelay $0x4  }
0x22b: {  	v0 =	vadd.f32 v1, v0;
	_ =	sdelay $0x1  }
0x22c: {  	v0 =	vmax.f32 v0, $0.0e+00  }
0x22d: {  	[tilespmem:s12+$0x80] =	vst v0  }
0x22e: {  	v0 =	vld [tilespmem:s7+$0x90]  }
0x22f: {  	v1 =	vld [tilespmem:s9+$0x90];
	_ =	sdelay $0x4  }
0x230: {  	v0 =	vadd.f32 v1, v0;
	_ =	sdelay $0x1  }
0x231: {  	v0 =	vmax.f32 v0, $0.0e+00  }
.Ltmp2:
0x232: {  	[tilespmem:s12+$0x90] =	vst v0;
	(pc) =	sbr.rel @p0 .LBB2_7-.Ltmp2, $3  }
0x233: {  	v0 =	vld [tilespmem:s7+$0xA0]  }
0x234: {  	v1 =	vld [tilespmem:s9+$0xA0];
	_ =	sdelay $0x1  }
0x235: {  	s12 =	sadd.s32 $0x200, s12  }
0x236: {  	_ =	sdelay $0x1  }
0x237: {  	v0 =	vadd.f32 v1, v0;
	_ =	sdelay $0x1  }
0x238: {  	v0 =	vmax.f32 v0, $0.0e+00  }
0x239: {  	[tilespmem:s6+$0xA0] =	vst v0  }
0x23a: {  	v0 =	vld [tilespmem:s11+$0xB0]  }
0x23b: {  	v63 =	vld [tilespmem:s13+$0xB0];
	_ =	sdelay $0x2  }
0x23c: {  	s0 =	sadd.s32 $0x1, s0  }
0x23d: {  	p0 =	sne.s32 s0, $0x29  }
.Ltmp3:
0x23e: {  	v0 =	vadd.f32 v63, v0;
	(pc) =	sbr.rel @p0 .LBB2_2-.Ltmp3, $4  }
0x23f: {  	s7 =	sadd.s32 s3, s18  }
0x240: {  	s7 =	sshll.u32 s7, $0x4;
	v0 =	vmax.f32 v0, $0.0e+00  }
0x241: {  	s31 =	sadd.s32 s5, s7;
	[tilespmem:s6+$0xB0] =	vst v0  }
0x242: {  	[hbm4b:s31+s2] =	stream.linear.scatter [tilespmem:s28], [sflag:$0x6], $0x1400, $0x38;
	[tilespmem:$0xDC00] =	vst v63  }
0x243: {  	_ =	swait.ge [sflag:s22], $0x1400  }
0x244: {  	[sflag:s22] =	ssyncset.done $0x0  }
0x245: {  	[sflag:s22] =	ssyncadd.s32 $0xFFFFEC00  }
0x246: {  	_ =	swait.ge [sflag:s22], $0x1400  }
0x247: {  	[sflag:s22] =	ssyncset.done $0x0  }
0x248: {  	[sflag:s22] =	ssyncadd.s32 $0xFFFFEC00  }
0x249: {  	_ =	swait.ge [sflag:s29], $0x1400  }
0x24a: {  	[sflag:s29] =	ssyncset.done $0x0  }
0x24b: {  	s6 =	simm.s32 $0x2900;
	[sflag:s29] =	ssyncadd.s32 $0xFFFFEC00  }
0x24c: {  	s7 =	simm.s32 $0x3D40;
	v0 =	vld [tilespmem:s6+$0xFFFFFF00]  }
0x24d: {  	v1 =	vld [tilespmem:s7+$0xFFFFFF00];
	_ =	sdelay $0x4  }
0x24e: {  	v0 =	vadd.f32 v1, v0;
	_ =	sdelay $0x1  }
0x24f: {  	s0 =	simm.s32 $0xA100;
	v0 =	vmax.f32 v0, $0.0e+00  }
0x250: {  	[tilespmem:s0+$0xFFFFFF00] =	vst v0  }
0x251: {  	v0 =	vld [tilespmem:s6+$0xFFFFFF10]  }
0x252: {  	v1 =	vld [tilespmem:s7+$0xFFFFFF10];
	_ =	sdelay $0x4  }
0x253: {  	v0 =	vadd.f32 v1, v0;
	_ =	sdelay $0x1  }
0x254: {  	v0 =	vmax.f32 v0, $0.0e+00  }
0x255: {  	[tilespmem:s0+$0xFFFFFF10] =	vst v0  }
0x256: {  	v0 =	vld [tilespmem:s6+$0xFFFFFF20]  }
0x257: {  	v1 =	vld [tilespmem:s7+$0xFFFFFF20];
	_ =	sdelay $0x4  }
0x258: {  	v0 =	vadd.f32 v1, v0;
	_ =	sdelay $0x1  }
0x259: {  	v0 =	vmax.f32 v0, $0.0e+00  }
0x25a: {  	[tilespmem:s0+$0xFFFFFF20] =	vst v0  }
0x25b: {  	v0 =	vld [tilespmem:s6+$0xFFFFFF30]  }
0x25c: {  	v1 =	vld [tilespmem:s7+$0xFFFFFF30];
	_ =	sdelay $0x4  }
0x25d: {  	v0 =	vadd.f32 v1, v0;
	_ =	sdelay $0x1  }
0x25e: {  	v0 =	vmax.f32 v0, $0.0e+00  }
0x25f: {  	[tilespmem:s0+$0xFFFFFF30] =	vst v0  }
0x260: {  	v0 =	vld [tilespmem:s6+$0xFFFFFF80]  }
0x261: {  	v1 =	vld [tilespmem:s7+$0xFFFFFF80];
	_ =	sdelay $0x4  }
0x262: {  	v0 =	vadd.f32 v1, v0;
	_ =	sdelay $0x1  }
0x263: {  	v0 =	vmax.f32 v0, $0.0e+00  }
0x264: {  	[tilespmem:s0+$0xFFFFFF80] =	vst v0  }
0x265: {  	v0 =	vld [tilespmem:s6+$0xFFFFFF90]  }
0x266: {  	v1 =	vld [tilespmem:s7+$0xFFFFFF90];
	_ =	sdelay $0x4  }
0x267: {  	v0 =	vadd.f32 v1, v0;
	_ =	sdelay $0x1  }
0x268: {  	v0 =	vmax.f32 v0, $0.0e+00  }
0x269: {  	[tilespmem:s0+$0xFFFFFF90] =	vst v0  }
0x26a: {  	v0 =	vld [tilespmem:s6+$0xFFFFFFA0]  }
0x26b: {  	v1 =	vld [tilespmem:s7+$0xFFFFFFA0];
	_ =	sdelay $0x4  }
0x26c: {  	v0 =	vadd.f32 v1, v0;
	_ =	sdelay $0x1  }
0x26d: {  	v0 =	vmax.f32 v0, $0.0e+00  }
0x26e: {  	[tilespmem:s0+$0xFFFFFFA0] =	vst v0  }
0x26f: {  	v0 =	vld [tilespmem:s6+$0xFFFFFFB0]  }
0x270: {  	v1 =	vld [tilespmem:s7+$0xFFFFFFB0];
	_ =	sdelay $0x4  }
0x271: {  	v0 =	vadd.f32 v1, v0;
	_ =	sdelay $0x1  }
0x272: {  	v0 =	vmax.f32 v0, $0.0e+00  }
0x273: {  	[tilespmem:s0+$0xFFFFFFB0] =	vst v0  }
0x274: {  	v0 =	vld [tilespmem:s6+$0x0]  }
0x275: {  	v1 =	vld [tilespmem:s7+$0x0];
	_ =	sdelay $0x4  }
0x276: {  	v0 =	vadd.f32 v1, v0;
	_ =	sdelay $0x1  }
0x277: {  	v0 =	vmax.f32 v0, $0.0e+00  }
0x278: {  	[tilespmem:s0+$0x0] =	vst v0  }
0x279: {  	v0 =	vld [tilespmem:s6+$0x10]  }
0x27a: {  	v1 =	vld [tilespmem:s7+$0x10];
	_ =	sdelay $0x4  }
0x27b: {  	v0 =	vadd.f32 v1, v0;
	_ =	sdelay $0x1  }
0x27c: {  	v0 =	vmax.f32 v0, $0.0e+00  }
0x27d: {  	[tilespmem:s0+$0x10] =	vst v0  }
0x27e: {  	v0 =	vld [tilespmem:s6+$0x20]  }
0x27f: {  	v1 =	vld [tilespmem:s7+$0x20];
	_ =	sdelay $0x4  }
0x280: {  	v0 =	vadd.f32 v1, v0;
	_ =	sdelay $0x1  }
0x281: {  	v0 =	vmax.f32 v0, $0.0e+00  }
0x282: {  	[tilespmem:s0+$0x20] =	vst v0  }
0x283: {  	v0 =	vld [tilespmem:s6+$0x30]  }
0x284: {  	v1 =	vld [tilespmem:s7+$0x30];
	_ =	sdelay $0x4  }
0x285: {  	v0 =	vadd.f32 v1, v0;
	_ =	sdelay $0x1  }
0x286: {  	v0 =	vmax.f32 v0, $0.0e+00  }
0x287: {  	[tilespmem:s0+$0x30] =	vst v0  }
0x288: {  	v0 =	vld [tilespmem:s6+$0x80]  }
0x289: {  	v1 =	vld [tilespmem:s7+$0x80];
	_ =	sdelay $0x4  }
0x28a: {  	v0 =	vadd.f32 v1, v0;
	_ =	sdelay $0x1  }
0x28b: {  	v0 =	vmax.f32 v0, $0.0e+00  }
0x28c: {  	[tilespmem:s0+$0x80] =	vst v0  }
0x28d: {  	v0 =	vld [tilespmem:s6+$0x90]  }
0x28e: {  	v1 =	vld [tilespmem:s7+$0x90];
	_ =	sdelay $0x4  }
0x28f: {  	v0 =	vadd.f32 v1, v0;
	_ =	sdelay $0x1  }
0x290: {  	v0 =	vmax.f32 v0, $0.0e+00  }
0x291: {  	[tilespmem:s0+$0x90] =	vst v0  }
0x292: {  	v0 =	vld [tilespmem:s6+$0xA0]  }
0x293: {  	v1 =	vld [tilespmem:s7+$0xA0]  }
0x294: {  	s9 =	simm.s32 $0x0  }
0x295: {  	s12 =	simm.s32 $0xA300;
	s10 =	simm.s32 $0x2900;
	s11 =	simm.s32 $0x3D40  }
.LBB2_10:
0x296: {  	s9 =	sadd.s32 $0x4, s9;
	s7 =	sadd.s32 $0x200, s7;
	s6 =	sadd.s32 $0x200, s6  }
0x297: {  	p0 =	slt.u32 s9, $0x24  }
0x298: {  	v0 =	vadd.f32 v1, v0;
	_ =	sdelay $0x1  }
0x299: {  	v0 =	vmax.f32 v0, $0.0e+00  }
0x29a: {  	[tilespmem:s0+$0xA0] =	vst v0  }
0x29b: {  	v0 =	vld [tilespmem:s10+$0xB0];
	s10 =	smov.u32 s6  }
0x29c: {  	v1 =	vld [tilespmem:s11+$0xB0];
	s11 =	smov.u32 s7;
	_ =	sdelay $0x4  }
0x29d: {  	v0 =	vadd.f32 v1, v0;
	_ =	sdelay $0x1  }
0x29e: {  	v0 =	vmax.f32 v0, $0.0e+00  }
0x29f: {  	[tilespmem:s0+$0xB0] =	vst v0;
	s0 =	smov.u32 s12  }
0x2a0: {  	v0 =	vld [tilespmem:s6+$0xFFFFFF00]  }
0x2a1: {  	v1 =	vld [tilespmem:s7+$0xFFFFFF00];
	_ =	sdelay $0x4  }
0x2a2: {  	v0 =	vadd.f32 v1, v0;
	_ =	sdelay $0x1  }
0x2a3: {  	v0 =	vmax.f32 v0, $0.0e+00  }
0x2a4: {  	[tilespmem:s12+$0xFFFFFF00] =	vst v0  }
0x2a5: {  	v0 =	vld [tilespmem:s6+$0xFFFFFF10]  }
0x2a6: {  	v1 =	vld [tilespmem:s7+$0xFFFFFF10];
	_ =	sdelay $0x4  }
0x2a7: {  	v0 =	vadd.f32 v1, v0;
	_ =	sdelay $0x1  }
0x2a8: {  	v0 =	vmax.f32 v0, $0.0e+00  }
0x2a9: {  	[tilespmem:s12+$0xFFFFFF10] =	vst v0  }
0x2aa: {  	v0 =	vld [tilespmem:s6+$0xFFFFFF20]  }
0x2ab: {  	v1 =	vld [tilespmem:s7+$0xFFFFFF20];
	_ =	sdelay $0x4  }
0x2ac: {  	v0 =	vadd.f32 v1, v0;
	_ =	sdelay $0x1  }
0x2ad: {  	v0 =	vmax.f32 v0, $0.0e+00  }
0x2ae: {  	[tilespmem:s12+$0xFFFFFF20] =	vst v0  }
0x2af: {  	v0 =	vld [tilespmem:s6+$0xFFFFFF30]  }
0x2b0: {  	v1 =	vld [tilespmem:s7+$0xFFFFFF30];
	_ =	sdelay $0x4  }
0x2b1: {  	v0 =	vadd.f32 v1, v0;
	_ =	sdelay $0x1  }
0x2b2: {  	v0 =	vmax.f32 v0, $0.0e+00  }
0x2b3: {  	[tilespmem:s12+$0xFFFFFF30] =	vst v0  }
0x2b4: {  	v0 =	vld [tilespmem:s6+$0xFFFFFF80]  }
0x2b5: {  	v1 =	vld [tilespmem:s7+$0xFFFFFF80];
	_ =	sdelay $0x4  }
0x2b6: {  	v0 =	vadd.f32 v1, v0;
	_ =	sdelay $0x1  }
0x2b7: {  	v0 =	vmax.f32 v0, $0.0e+00  }
0x2b8: {  	[tilespmem:s12+$0xFFFFFF80] =	vst v0  }
0x2b9: {  	v0 =	vld [tilespmem:s6+$0xFFFFFF90]  }
0x2ba: {  	v1 =	vld [tilespmem:s7+$0xFFFFFF90];
	_ =	sdelay $0x4  }
0x2bb: {  	v0 =	vadd.f32 v1, v0;
	_ =	sdelay $0x1  }
0x2bc: {  	v0 =	vmax.f32 v0, $0.0e+00  }
0x2bd: {  	[tilespmem:s12+$0xFFFFFF90] =	vst v0  }
0x2be: {  	v0 =	vld [tilespmem:s6+$0xFFFFFFA0]  }
0x2bf: {  	v1 =	vld [tilespmem:s7+$0xFFFFFFA0];
	_ =	sdelay $0x4  }
0x2c0: {  	v0 =	vadd.f32 v1, v0;
	_ =	sdelay $0x1  }
0x2c1: {  	v0 =	vmax.f32 v0, $0.0e+00  }
0x2c2: {  	[tilespmem:s12+$0xFFFFFFA0] =	vst v0  }
0x2c3: {  	v0 =	vld [tilespmem:s6+$0xFFFFFFB0]  }
0x2c4: {  	v1 =	vld [tilespmem:s7+$0xFFFFFFB0];
	_ =	sdelay $0x4  }
0x2c5: {  	v0 =	vadd.f32 v1, v0;
	_ =	sdelay $0x1  }
0x2c6: {  	v0 =	vmax.f32 v0, $0.0e+00  }
0x2c7: {  	[tilespmem:s12+$0xFFFFFFB0] =	vst v0  }
0x2c8: {  	v0 =	vld [tilespmem:s6+$0x0]  }
0x2c9: {  	v1 =	vld [tilespmem:s7+$0x0];
	_ =	sdelay $0x4  }
0x2ca: {  	v0 =	vadd.f32 v1, v0;
	_ =	sdelay $0x1  }
0x2cb: {  	v0 =	vmax.f32 v0, $0.0e+00  }
0x2cc: {  	[tilespmem:s12+$0x0] =	vst v0  }
0x2cd: {  	v0 =	vld [tilespmem:s6+$0x10]  }
0x2ce: {  	v1 =	vld [tilespmem:s7+$0x10];
	_ =	sdelay $0x4  }
0x2cf: {  	v0 =	vadd.f32 v1, v0;
	_ =	sdelay $0x1  }
0x2d0: {  	v0 =	vmax.f32 v0, $0.0e+00  }
0x2d1: {  	[tilespmem:s12+$0x10] =	vst v0  }
0x2d2: {  	v0 =	vld [tilespmem:s6+$0x20]  }
0x2d3: {  	v1 =	vld [tilespmem:s7+$0x20];
	_ =	sdelay $0x4  }
0x2d4: {  	v0 =	vadd.f32 v1, v0;
	_ =	sdelay $0x1  }
0x2d5: {  	v0 =	vmax.f32 v0, $0.0e+00  }
0x2d6: {  	[tilespmem:s12+$0x20] =	vst v0  }
0x2d7: {  	v0 =	vld [tilespmem:s6+$0x30]  }
0x2d8: {  	v1 =	vld [tilespmem:s7+$0x30];
	_ =	sdelay $0x4  }
0x2d9: {  	v0 =	vadd.f32 v1, v0;
	_ =	sdelay $0x1  }
0x2da: {  	v0 =	vmax.f32 v0, $0.0e+00  }
0x2db: {  	[tilespmem:s12+$0x30] =	vst v0  }
0x2dc: {  	v0 =	vld [tilespmem:s6+$0x80]  }
0x2dd: {  	v1 =	vld [tilespmem:s7+$0x80];
	_ =	sdelay $0x4  }
0x2de: {  	v0 =	vadd.f32 v1, v0;
	_ =	sdelay $0x1  }
0x2df: {  	v0 =	vmax.f32 v0, $0.0e+00  }
0x2e0: {  	[tilespmem:s12+$0x80] =	vst v0  }
0x2e1: {  	v0 =	vld [tilespmem:s6+$0x90]  }
0x2e2: {  	v1 =	vld [tilespmem:s7+$0x90];
	_ =	sdelay $0x4  }
0x2e3: {  	v0 =	vadd.f32 v1, v0;
	_ =	sdelay $0x1  }
0x2e4: {  	v0 =	vmax.f32 v0, $0.0e+00  }
.Ltmp4:
0x2e5: {  	[tilespmem:s12+$0x90] =	vst v0;
	(pc) =	sbr.rel @p0 .LBB2_10-.Ltmp4, $3  }
0x2e6: {  	v0 =	vld [tilespmem:s6+$0xA0]  }
0x2e7: {  	v1 =	vld [tilespmem:s7+$0xA0];
	_ =	sdelay $0x1  }
0x2e8: {  	s12 =	sadd.s32 $0x200, s12  }
0x2e9: {  	_ =	sdelay $0x1  }
0x2ea: {  	v0 =	vadd.f32 v1, v0;
	_ =	sdelay $0x1  }
0x2eb: {  	v0 =	vmax.f32 v0, $0.0e+00  }
0x2ec: {  	[tilespmem:s0+$0xA0] =	vst v0  }
0x2ed: {  	v0 =	vld [tilespmem:s10+$0xB0]  }
0x2ee: {  	v1 =	vld [tilespmem:s11+$0xB0];
	_ =	sdelay $0x4  }
0x2ef: {  	v0 =	vadd.f32 v1, v0;
	_ =	sdelay $0x1  }
0x2f0: {  	v0 =	vmax.f32 v0, $0.0e+00  }
0x2f1: {  	s31 =	rddreg [dreg:$0x4];
	[tilespmem:s0+$0xB0] =	vst v0  }
0x2f2: {  	[hbm4b:s31+s2] =	stream.linear.scatter [tilespmem:s23], [sflag:$0x4], $0x1400, $0x38;
	[tilespmem:$0xDC00] =	vst v63  }
0x2f3: {  	_ =	swait.ge [sflag:s24], $0x1400  }
0x2f4: {  	[sflag:s24] =	ssyncset.done $0x0  }
0x2f5: {  	[sflag:s24] =	ssyncadd.s32 $0xFFFFEC00  }
0x2f6: {  	_ =	swait.ge [sflag:s24], $0x1400  }
0x2f7: {  	[sflag:s24] =	ssyncset.done $0x0  }
0x2f8: {  	[sflag:s24] =	ssyncadd.s32 $0xFFFFEC00  }
0x2f9: {  	_ =	swait.ge [sflag:s30], $0x1400  }
0x2fa: {  	[sflag:s30] =	ssyncset.done $0x0  }
0x2fb: {  	s6 =	simm.s32 $0x5100;
	[sflag:s30] =	ssyncadd.s32 $0xFFFFEC00  }
0x2fc: {  	s7 =	simm.s32 $0x6540;
	v0 =	vld [tilespmem:s6+$0xFFFFFF00]  }
0x2fd: {  	v1 =	vld [tilespmem:s7+$0xFFFFFF00];
	_ =	sdelay $0x4  }
0x2fe: {  	v0 =	vadd.f32 v1, v0;
	_ =	sdelay $0x1  }
0x2ff: {  	s0 =	simm.s32 $0xB500;
	v0 =	vmax.f32 v0, $0.0e+00  }
0x300: {  	[tilespmem:s0+$0xFFFFFF00] =	vst v0  }
0x301: {  	v0 =	vld [tilespmem:s6+$0xFFFFFF10]  }
0x302: {  	v1 =	vld [tilespmem:s7+$0xFFFFFF10];
	_ =	sdelay $0x4  }
0x303: {  	v0 =	vadd.f32 v1, v0;
	_ =	sdelay $0x1  }
0x304: {  	v0 =	vmax.f32 v0, $0.0e+00  }
0x305: {  	[tilespmem:s0+$0xFFFFFF10] =	vst v0  }
0x306: {  	v0 =	vld [tilespmem:s6+$0xFFFFFF20]  }
0x307: {  	v1 =	vld [tilespmem:s7+$0xFFFFFF20];
	_ =	sdelay $0x4  }
0x308: {  	v0 =	vadd.f32 v1, v0;
	_ =	sdelay $0x1  }
0x309: {  	v0 =	vmax.f32 v0, $0.0e+00  }
0x30a: {  	[tilespmem:s0+$0xFFFFFF20] =	vst v0  }
0x30b: {  	v0 =	vld [tilespmem:s6+$0xFFFFFF30]  }
0x30c: {  	v1 =	vld [tilespmem:s7+$0xFFFFFF30];
	_ =	sdelay $0x4  }
0x30d: {  	v0 =	vadd.f32 v1, v0;
	_ =	sdelay $0x1  }
0x30e: {  	v0 =	vmax.f32 v0, $0.0e+00  }
0x30f: {  	[tilespmem:s0+$0xFFFFFF30] =	vst v0  }
0x310: {  	v0 =	vld [tilespmem:s6+$0xFFFFFF80]  }
0x311: {  	v1 =	vld [tilespmem:s7+$0xFFFFFF80];
	_ =	sdelay $0x4  }
0x312: {  	v0 =	vadd.f32 v1, v0;
	_ =	sdelay $0x1  }
0x313: {  	v0 =	vmax.f32 v0, $0.0e+00  }
0x314: {  	[tilespmem:s0+$0xFFFFFF80] =	vst v0  }
0x315: {  	v0 =	vld [tilespmem:s6+$0xFFFFFF90]  }
0x316: {  	v1 =	vld [tilespmem:s7+$0xFFFFFF90];
	_ =	sdelay $0x4  }
0x317: {  	v0 =	vadd.f32 v1, v0;
	_ =	sdelay $0x1  }
0x318: {  	v0 =	vmax.f32 v0, $0.0e+00  }
0x319: {  	[tilespmem:s0+$0xFFFFFF90] =	vst v0  }
0x31a: {  	v0 =	vld [tilespmem:s6+$0xFFFFFFA0]  }
0x31b: {  	v1 =	vld [tilespmem:s7+$0xFFFFFFA0];
	_ =	sdelay $0x4  }
0x31c: {  	v0 =	vadd.f32 v1, v0;
	_ =	sdelay $0x1  }
0x31d: {  	v0 =	vmax.f32 v0, $0.0e+00  }
0x31e: {  	[tilespmem:s0+$0xFFFFFFA0] =	vst v0  }
0x31f: {  	v0 =	vld [tilespmem:s6+$0xFFFFFFB0]  }
0x320: {  	v1 =	vld [tilespmem:s7+$0xFFFFFFB0];
	_ =	sdelay $0x4  }
0x321: {  	v0 =	vadd.f32 v1, v0;
	_ =	sdelay $0x1  }
0x322: {  	v0 =	vmax.f32 v0, $0.0e+00  }
0x323: {  	[tilespmem:s0+$0xFFFFFFB0] =	vst v0  }
0x324: {  	v0 =	vld [tilespmem:s6+$0x0]  }
0x325: {  	v1 =	vld [tilespmem:s7+$0x0];
	_ =	sdelay $0x4  }
0x326: {  	v0 =	vadd.f32 v1, v0;
	_ =	sdelay $0x1  }
0x327: {  	v0 =	vmax.f32 v0, $0.0e+00  }
0x328: {  	[tilespmem:s0+$0x0] =	vst v0  }
0x329: {  	v0 =	vld [tilespmem:s6+$0x10]  }
0x32a: {  	v1 =	vld [tilespmem:s7+$0x10];
	_ =	sdelay $0x4  }
0x32b: {  	v0 =	vadd.f32 v1, v0;
	_ =	sdelay $0x1  }
0x32c: {  	v0 =	vmax.f32 v0, $0.0e+00  }
0x32d: {  	[tilespmem:s0+$0x10] =	vst v0  }
0x32e: {  	v0 =	vld [tilespmem:s6+$0x20]  }
0x32f: {  	v1 =	vld [tilespmem:s7+$0x20];
	_ =	sdelay $0x4  }
0x330: {  	v0 =	vadd.f32 v1, v0;
	_ =	sdelay $0x1  }
0x331: {  	v0 =	vmax.f32 v0, $0.0e+00  }
0x332: {  	[tilespmem:s0+$0x20] =	vst v0  }
0x333: {  	v0 =	vld [tilespmem:s6+$0x30]  }
0x334: {  	v1 =	vld [tilespmem:s7+$0x30];
	_ =	sdelay $0x4  }
0x335: {  	v0 =	vadd.f32 v1, v0;
	_ =	sdelay $0x1  }
0x336: {  	v0 =	vmax.f32 v0, $0.0e+00  }
0x337: {  	[tilespmem:s0+$0x30] =	vst v0  }
0x338: {  	v0 =	vld [tilespmem:s6+$0x80]  }
0x339: {  	v1 =	vld [tilespmem:s7+$0x80];
	_ =	sdelay $0x4  }
0x33a: {  	v0 =	vadd.f32 v1, v0;
	_ =	sdelay $0x1  }
0x33b: {  	v0 =	vmax.f32 v0, $0.0e+00  }
0x33c: {  	[tilespmem:s0+$0x80] =	vst v0  }
0x33d: {  	v0 =	vld [tilespmem:s6+$0x90]  }
0x33e: {  	v1 =	vld [tilespmem:s7+$0x90];
	_ =	sdelay $0x4  }
0x33f: {  	v0 =	vadd.f32 v1, v0;
	_ =	sdelay $0x1  }
0x340: {  	v0 =	vmax.f32 v0, $0.0e+00  }
0x341: {  	[tilespmem:s0+$0x90] =	vst v0  }
0x342: {  	v0 =	vld [tilespmem:s6+$0xA0]  }
0x343: {  	v1 =	vld [tilespmem:s7+$0xA0]  }
0x344: {  	s9 =	simm.s32 $0x0  }
0x345: {  	s12 =	simm.s32 $0xB700;
	s10 =	simm.s32 $0x5100;
	s11 =	simm.s32 $0x6540  }
.LBB2_12:
0x346: {  	s9 =	sadd.s32 $0x4, s9;
	s7 =	sadd.s32 $0x200, s7;
	s6 =	sadd.s32 $0x200, s6  }
0x347: {  	p0 =	slt.u32 s9, $0x24  }
0x348: {  	v0 =	vadd.f32 v1, v0;
	_ =	sdelay $0x1  }
0x349: {  	v0 =	vmax.f32 v0, $0.0e+00  }
0x34a: {  	[tilespmem:s0+$0xA0] =	vst v0  }
0x34b: {  	v0 =	vld [tilespmem:s10+$0xB0];
	s10 =	smov.u32 s6  }
0x34c: {  	v1 =	vld [tilespmem:s11+$0xB0];
	s11 =	smov.u32 s7;
	_ =	sdelay $0x4  }
0x34d: {  	v0 =	vadd.f32 v1, v0;
	_ =	sdelay $0x1  }
0x34e: {  	v0 =	vmax.f32 v0, $0.0e+00  }
0x34f: {  	[tilespmem:s0+$0xB0] =	vst v0;
	s0 =	smov.u32 s12  }
0x350: {  	v0 =	vld [tilespmem:s6+$0xFFFFFF00]  }
0x351: {  	v1 =	vld [tilespmem:s7+$0xFFFFFF00];
	_ =	sdelay $0x4  }
0x352: {  	v0 =	vadd.f32 v1, v0;
	_ =	sdelay $0x1  }
0x353: {  	v0 =	vmax.f32 v0, $0.0e+00  }
0x354: {  	[tilespmem:s12+$0xFFFFFF00] =	vst v0  }
0x355: {  	v0 =	vld [tilespmem:s6+$0xFFFFFF10]  }
0x356: {  	v1 =	vld [tilespmem:s7+$0xFFFFFF10];
	_ =	sdelay $0x4  }
0x357: {  	v0 =	vadd.f32 v1, v0;
	_ =	sdelay $0x1  }
0x358: {  	v0 =	vmax.f32 v0, $0.0e+00  }
0x359: {  	[tilespmem:s12+$0xFFFFFF10] =	vst v0  }
0x35a: {  	v0 =	vld [tilespmem:s6+$0xFFFFFF20]  }
0x35b: {  	v1 =	vld [tilespmem:s7+$0xFFFFFF20];
	_ =	sdelay $0x4  }
0x35c: {  	v0 =	vadd.f32 v1, v0;
	_ =	sdelay $0x1  }
0x35d: {  	v0 =	vmax.f32 v0, $0.0e+00  }
0x35e: {  	[tilespmem:s12+$0xFFFFFF20] =	vst v0  }
0x35f: {  	v0 =	vld [tilespmem:s6+$0xFFFFFF30]  }
0x360: {  	v1 =	vld [tilespmem:s7+$0xFFFFFF30];
	_ =	sdelay $0x4  }
0x361: {  	v0 =	vadd.f32 v1, v0;
	_ =	sdelay $0x1  }
0x362: {  	v0 =	vmax.f32 v0, $0.0e+00  }
0x363: {  	[tilespmem:s12+$0xFFFFFF30] =	vst v0  }
0x364: {  	v0 =	vld [tilespmem:s6+$0xFFFFFF80]  }
0x365: {  	v1 =	vld [tilespmem:s7+$0xFFFFFF80];
	_ =	sdelay $0x4  }
0x366: {  	v0 =	vadd.f32 v1, v0;
	_ =	sdelay $0x1  }
0x367: {  	v0 =	vmax.f32 v0, $0.0e+00  }
0x368: {  	[tilespmem:s12+$0xFFFFFF80] =	vst v0  }
0x369: {  	v0 =	vld [tilespmem:s6+$0xFFFFFF90]  }
0x36a: {  	v1 =	vld [tilespmem:s7+$0xFFFFFF90];
	_ =	sdelay $0x4  }
0x36b: {  	v0 =	vadd.f32 v1, v0;
	_ =	sdelay $0x1  }
0x36c: {  	v0 =	vmax.f32 v0, $0.0e+00  }
0x36d: {  	[tilespmem:s12+$0xFFFFFF90] =	vst v0  }
0x36e: {  	v0 =	vld [tilespmem:s6+$0xFFFFFFA0]  }
0x36f: {  	v1 =	vld [tilespmem:s7+$0xFFFFFFA0];
	_ =	sdelay $0x4  }
0x370: {  	v0 =	vadd.f32 v1, v0;
	_ =	sdelay $0x1  }
0x371: {  	v0 =	vmax.f32 v0, $0.0e+00  }
0x372: {  	[tilespmem:s12+$0xFFFFFFA0] =	vst v0  }
0x373: {  	v0 =	vld [tilespmem:s6+$0xFFFFFFB0]  }
0x374: {  	v1 =	vld [tilespmem:s7+$0xFFFFFFB0];
	_ =	sdelay $0x4  }
0x375: {  	v0 =	vadd.f32 v1, v0;
	_ =	sdelay $0x1  }
0x376: {  	v0 =	vmax.f32 v0, $0.0e+00  }
0x377: {  	[tilespmem:s12+$0xFFFFFFB0] =	vst v0  }
0x378: {  	v0 =	vld [tilespmem:s6+$0x0]  }
0x379: {  	v1 =	vld [tilespmem:s7+$0x0];
	_ =	sdelay $0x4  }
0x37a: {  	v0 =	vadd.f32 v1, v0;
	_ =	sdelay $0x1  }
0x37b: {  	v0 =	vmax.f32 v0, $0.0e+00  }
0x37c: {  	[tilespmem:s12+$0x0] =	vst v0  }
0x37d: {  	v0 =	vld [tilespmem:s6+$0x10]  }
0x37e: {  	v1 =	vld [tilespmem:s7+$0x10];
	_ =	sdelay $0x4  }
0x37f: {  	v0 =	vadd.f32 v1, v0;
	_ =	sdelay $0x1  }
0x380: {  	v0 =	vmax.f32 v0, $0.0e+00  }
0x381: {  	[tilespmem:s12+$0x10] =	vst v0  }
0x382: {  	v0 =	vld [tilespmem:s6+$0x20]  }
0x383: {  	v1 =	vld [tilespmem:s7+$0x20];
	_ =	sdelay $0x4  }
0x384: {  	v0 =	vadd.f32 v1, v0;
	_ =	sdelay $0x1  }
0x385: {  	v0 =	vmax.f32 v0, $0.0e+00  }
0x386: {  	[tilespmem:s12+$0x20] =	vst v0  }
0x387: {  	v0 =	vld [tilespmem:s6+$0x30]  }
0x388: {  	v1 =	vld [tilespmem:s7+$0x30];
	_ =	sdelay $0x4  }
0x389: {  	v0 =	vadd.f32 v1, v0;
	_ =	sdelay $0x1  }
0x38a: {  	v0 =	vmax.f32 v0, $0.0e+00  }
0x38b: {  	[tilespmem:s12+$0x30] =	vst v0  }
0x38c: {  	v0 =	vld [tilespmem:s6+$0x80]  }
0x38d: {  	v1 =	vld [tilespmem:s7+$0x80];
	_ =	sdelay $0x4  }
0x38e: {  	v0 =	vadd.f32 v1, v0;
	_ =	sdelay $0x1  }
0x38f: {  	v0 =	vmax.f32 v0, $0.0e+00  }
0x390: {  	[tilespmem:s12+$0x80] =	vst v0  }
0x391: {  	v0 =	vld [tilespmem:s6+$0x90]  }
0x392: {  	v1 =	vld [tilespmem:s7+$0x90];
	_ =	sdelay $0x4  }
0x393: {  	v0 =	vadd.f32 v1, v0;
	_ =	sdelay $0x1  }
0x394: {  	v0 =	vmax.f32 v0, $0.0e+00  }
.Ltmp5:
0x395: {  	[tilespmem:s12+$0x90] =	vst v0;
	(pc) =	sbr.rel @p0 .LBB2_12-.Ltmp5, $3  }
0x396: {  	v0 =	vld [tilespmem:s6+$0xA0]  }
0x397: {  	v1 =	vld [tilespmem:s7+$0xA0];
	_ =	sdelay $0x1  }
0x398: {  	s12 =	sadd.s32 $0x200, s12  }
0x399: {  	_ =	sdelay $0x1  }
0x39a: {  	v0 =	vadd.f32 v1, v0;
	_ =	sdelay $0x1  }
0x39b: {  	v0 =	vmax.f32 v0, $0.0e+00  }
0x39c: {  	[tilespmem:s0+$0xA0] =	vst v0  }
0x39d: {  	v0 =	vld [tilespmem:s10+$0xB0]  }
0x39e: {  	v63 =	vld [tilespmem:s11+$0xB0];
	_ =	sdelay $0x4  }
0x39f: {  	v0 =	vadd.f32 v63, v0;
	_ =	sdelay $0x1  }
0x3a0: {  	v0 =	vmax.f32 v0, $0.0e+00  }
0x3a1: {  	s18 =	rddreg [dreg:$0x5];
	[tilespmem:s0+$0xB0] =	vst v0  }
0x3a2: {  	[hbm4b:s18+s2] =	stream.linear.scatter [tilespmem:s25], [sflag:$0x5], $0x1400, $0x38;
	[tilespmem:$0xDC00] =	vst v63  }
0x3a3: {  	_ =	swait.ge [sflag:s29], $0x1400  }
0x3a4: {  	[sflag:s29] =	ssyncset.done $0x0  }
0x3a5: {  	[sflag:s29] =	ssyncadd.s32 $0xFFFFEC00  }
0x3a6: {  	_ =	swait.ge [sflag:s30], $0x1400  }
0x3a7: {  	[sflag:s30] =	ssyncset.done $0x0  }
0x3a8: {  	s6 =	simm.s32 $0x6;
	[sflag:s30] =	ssyncadd.s32 $0xFFFFEC00  }
0x3a9: {  	_ =	swait.ge [sflag:s6], $0x1400  }
0x3aa: {  	s1 =	sadd.s32 $0x1, s1;
	s31 =	rddreg [dreg:$0x6]  }
0x3ab: {  	p0 =	sne.s32 s1, s31  }
.Ltmp6:
0x3ac: {  	_ = 	snop;
	(pc) =	sbr.rel @p0 .LBB2_1-.Ltmp6, $3  }
0x3ad: {  	_ =	sdelay $0x1  }
0x3ae: {  	[sflag:s6] =	ssyncset.done $0x0  }
0x3af: {  	[sflag:s6] =	ssyncadd.s32 $0xFFFFEC00  }
0x3b0: {  	_ =	sfence.sel $0x180000  }
0x3b1: {  	[bflag:$0x0] =	sbarrier.arrive $0xFFFF  }
0x3b2: {  	_ =	strace $0x9000004A  }
0x3b3: {  	s0 =	stileid.u32;
	[bflag:$0x2] =	sbarrier.arrive $0xFFFF  }
0x3b4: {  	p0 =	sne.s32 s0, $0x0;
	s0 =	rddreg [dreg:$0x1]  }
0x3b5: {  	s0 =	sadd.s32 @!p0 $0x100000, s0  }
0x3b6: {  	[sflag:s0] =	ssyncadd.tile.s32 @!p0 $0x1;
	_ =	shalt  }
.Lfunc_end2:
_tile_overlayer_lowered:
.L_overlay_start_2:
0x3b7: {  	(tag) =	ssettag $0x2  }
0x3b8: {  	s0 =	rddreg [dreg:$0x0];
	s2 =	stileid.u32  }
0x3b9: {  	s1 =	rddreg [dreg:$0x1];
	p0 =	sne.s32 s2, $0x0  }
0x3ba: {  	s3 =	rddreg [dreg:$0x2];
	[bflag:$0x3] =	sbarrier.arrive $0xFFFF;
	s2 =	simm.s32 @!p0 $0x1C07  }
0x3bb: {  	[timem:s3], [sflag:s2] =	dma.local @!p0 [hbm:s0], s1  }
0x3bc: {  	s0 =	simm.s32 @!p0 $0x7  }
0x3bd: {  	_ =	swait.ge @!p0 [sflag:s0], s1  }
0x3be: {  	s1 =	ssub.s32 @!p0 $0x0, s1;
	[sflag:s0] =	ssyncset.done @!p0 $0x0  }
0x3bf: {  	[sflag:s0] =	ssyncadd.s32 @!p0 s1  }
0x3c0: {  	[bflag:$0x3] =	sbarrier.arrive $0xFFFF  }
0x3c1: {  	_ =	shalt  }

// kernel: kernel.7.cloned.1.call-start
scs
__scs_entry_jumppad:
0x0: {  	(pc) =	sbr.rel $0x88, $3  }
0x1: {  	(tag) =	ssettag $0x0;
	lr =	simm.s32 $0x1  }
0x2: {  	[smem:$0x3F98] =	sst lr;
	_ =	strace $0xD0000000  }
0x3: {  	_ = 	snop  }
0x4: {  	_ = 	snop  }
0x5: {  	_ = 	snop  }
0x6: {  	_ = 	snop  }
0x7: {  	_ = 	snop  }
__scs_overlays_trampoline_lowered:
0x8: {  	[smem:$0x3FA7] =	sst s0  }
0x9: {  	[smem:$0x3FA8] =	sst s1  }
0xa: {  	[smem:$0x3FA9] =	sst s2  }
0xb: {  	[smem:$0x3FAA] =	sst s3  }
0xc: {  	[smem:$0x3FAB] =	sst s4  }
0xd: {  	[smem:$0x3FAC] =	sst s5  }
0xe: {  	[smem:$0x3FAD] =	sst s6  }
0xf: {  	[smem:$0x3FAE] =	sst s7  }
0x10: {  	[smem:$0x3FAF] =	sst s8  }
0x11: {  	[smem:$0x3FB0] =	sst s9;
	s0 =	simm.s32 @!p0 $0x0  }
0x12: {  	s1 =	sld [smem:$0x3F96];
	s0 =	simm.s32 @p0 $0x1  }
0x13: {  	[smem:$0x3FB1] =	sst s0;
	s0 =	simm.s32 @!p1 $0x0  }
0x14: {  	s2 =	sld [smem:$0x3F95];
	s0 =	simm.s32 @p1 $0x1  }
0x15: {  	[smem:$0x3FB2] =	sst s0;
	s0 =	simm.s32 @!p2 $0x0  }
0x16: {  	s3 =	sld [smem:$0x3FDB];
	s0 =	simm.s32 @p2 $0x1  }
0x17: {  	s4 =	simm.s32 $0x1BF5;
	[smem:$0x3FB4] =	sst s0  }
0x18: {  	s0 =	sld [smem:$0x3F97];
	_ =	swait.ge [sflag:s4], $0x0  }
0x19: {  	s7 =	sld [smem:$0x3F98]  }
0x1a: {  	s8 =	sadd.s32 $0xFFFFE003, lr  }
0x1b: {  	s9 =	sadd.s32 $0xFFFFFEF7, lr;
	s5 =	simm.s32 $0xFFFFFFFF;
	p2 =	slt.u32 s8, $0xFFFFF086  }
0x1c: {  	p1 =	slt.u32 s9, $0xF7A;
	s5 =	simm.s32 @!p2 $0x0  }
0x1d: {  	s5 =	simm.s32 @p1 $0x1;
	p0 =	seq.s32 s7, s2  }
0x1e: {  	s7 =	smul.u32 @!p0 $0xF7A, s2;
	p2 =	seq.s32 @!p0 s5, $0x0  }
0x1f: {  	s9 =	smul.u32 $0xF7A, s1;
	s8 =	simm.s32 @!p0 $0x1BF5;
	p2 =	por !p2, p0  }
0x20: {  	[sflag:s8] =	ssyncset.s32 @!p0 $0xFFFFF086;
	s6 =	sadd.s32 @!p0 s3, s7;
	s7 =	simm.s32 @!p0 $0x108  }
0x21: {  	s3 =	sadd.s32 s3, s9;
	s6 =	sadd.s32 @!p0 $0x88, s6;
	s7 =	simm.s32 @p2 $0x1082  }
0x22: {  	[simem:s7], [sflag:s8] =	dma.local @!p0 [hbm:s6], $0xF7A  }
0x23: {  	s9 =	sor.u32 $0xD0000000, s2;
	s6 =	simm.s32 $0x108;
	_ =	swait.ge @!p0 [sflag:s8], $0x0  }
0x24: {  	s3 =	sadd.s32 $0x88, s3;
	s6 =	simm.s32 @!p1 $0x1082;
	[sflag:s4] =	ssyncset.s32 $0xFFFFF086  }
0x25: {  	[simem:s6], [sflag:s4] =	dma.local [hbm:s3], $0xF7A  }
0x26: {  	[smem:$0x3F98] =	sst s1;
	(tag) =	ssettag s2;
	_ =	strace s9  }
0x27: {  	s1 =	sld [smem:$0x3FA8]  }
0x28: {  	s2 =	sld [smem:$0x3FA9]  }
0x29: {  	s4 =	sld [smem:$0x3FAB]  }
0x2a: {  	p0 =	seq.s32 s5, $0x0;
	s5 =	sld [smem:$0x3FAC]  }
0x2b: {  	s6 =	sld [smem:$0x3FAD]  }
0x2c: {  	s7 =	sld [smem:$0x3FAE]  }
0x2d: {  	s3 =	simm.s32 $0x108;
	s8 =	sld [smem:$0x3FAF]  }
0x2e: {  	s3 =	simm.s32 @!p0 $0x1082;
	s9 =	sld [smem:$0x3FB0]  }
0x2f: {  	lr =	sadd.s32 s0, s3;
	s0 =	sld [smem:$0x3FA7]  }
0x30: {  	s3 =	sld [smem:$0x3FAA]  }
0x31: {  	[smem:$0x3FB3] =	sst s10  }
0x32: {  	s10 =	sld [smem:$0x3FB1];
	_ =	sdelay $0x3  }
0x33: {  	p0 =	seq.s32 s10, $0x1;
	s10 =	sld [smem:$0x3FB3];
	_ =	sdelay $0x3  }
0x34: {  	[smem:$0x3FB3] =	sst s10  }
0x35: {  	s10 =	sld [smem:$0x3FB2];
	_ =	sdelay $0x3  }
0x36: {  	p1 =	seq.s32 s10, $0x1;
	s10 =	sld [smem:$0x3FB3];
	_ =	sdelay $0x3  }
0x37: {  	[smem:$0x3FB3] =	sst s10  }
0x38: {  	s10 =	sld [smem:$0x3FB4]  }
0x39: {  	_ = 	snop;
	(pc) =	sbr.ind lr, $3  }
0x3a: {  	_ = 	snop  }
0x3b: {  	_ = 	snop  }
0x3c: {  	p2 =	seq.s32 s10, $0x1;
	s10 =	sld [smem:$0x3FB3]  }
0x3d: {  	_ =	shalt  }
0x3e: {  	_ =	shalt  }
0x3f: {  	_ =	shalt  }
0x40: {  	_ =	shalt  }
0x41: {  	_ =	shalt  }
0x42: {  	_ =	shalt  }
0x43: {  	_ =	shalt  }
0x44: {  	_ =	shalt  }
0x45: {  	_ =	shalt  }
0x46: {  	_ =	shalt  }
0x47: {  	_ =	shalt  }
0x48: {  	_ =	shalt  }
0x49: {  	_ =	shalt  }
0x4a: {  	_ =	shalt  }
0x4b: {  	_ =	shalt  }
0x4c: {  	_ =	shalt  }
0x4d: {  	_ =	shalt  }
0x4e: {  	_ =	shalt  }
0x4f: {  	_ =	shalt  }
0x50: {  	_ =	shalt  }
0x51: {  	_ =	shalt  }
0x52: {  	_ =	shalt  }
0x53: {  	_ =	shalt  }
0x54: {  	_ =	shalt  }
0x55: {  	_ =	shalt  }
0x56: {  	_ =	shalt  }
0x57: {  	_ =	shalt  }
0x58: {  	_ =	shalt  }
0x59: {  	_ =	shalt  }
0x5a: {  	_ =	shalt  }
0x5b: {  	_ =	shalt  }
0x5c: {  	_ =	shalt  }
0x5d: {  	_ =	shalt  }
0x5e: {  	_ =	shalt  }
0x5f: {  	_ =	shalt  }
0x60: {  	_ =	shalt  }
0x61: {  	_ =	shalt  }
0x62: {  	_ =	shalt  }
0x63: {  	_ =	shalt  }
0x64: {  	_ =	shalt  }
0x65: {  	_ =	shalt  }
0x66: {  	_ =	shalt  }
0x67: {  	_ =	shalt  }
0x68: {  	_ =	shalt  }
0x69: {  	_ =	shalt  }
0x6a: {  	_ =	shalt  }
0x6b: {  	_ =	shalt  }
0x6c: {  	_ =	shalt  }
0x6d: {  	_ =	shalt  }
0x6e: {  	_ =	shalt  }
0x6f: {  	_ =	shalt  }
0x70: {  	_ =	shalt  }
0x71: {  	_ =	shalt  }
0x72: {  	_ =	shalt  }
0x73: {  	_ =	shalt  }
0x74: {  	_ =	shalt  }
0x75: {  	_ =	shalt  }
0x76: {  	_ =	shalt  }
0x77: {  	_ =	shalt  }
0x78: {  	_ =	shalt  }
0x79: {  	_ =	shalt  }
0x7a: {  	_ =	shalt  }
0x7b: {  	_ =	shalt  }
0x7c: {  	_ =	shalt  }
0x7d: {  	_ =	shalt  }
0x7e: {  	_ =	shalt  }
0x7f: {  	_ =	shalt  }
0x80: {  	_ =	shalt  }
0x81: {  	_ =	shalt  }
0x82: {  	_ =	shalt  }
0x83: {  	_ =	shalt  }
0x84: {  	_ =	shalt  }
0x85: {  	_ =	shalt  }
0x86: {  	_ =	shalt  }
0x87: {  	_ =	shalt  }
.Lfunc_end0:
.L_simem_size_0:
called_computation_lowered:
.L_overlay_start_0:
0x88: {  	s2 =	sld [smem:$0x3FD9]  }
0x89: {  	s3 =	sld [smem:$0x3FFE];
	_ =	sdelay $0x1  }
0x8a: {  	s1 =	srdreg.scid  }
0x8b: {  	s0 =	sand.u32 $0x1, s1  }
0x8c: {  	s16 =	sshll.u32 s0, $0xA;
	s2 =	sadd.s32 s3, s2  }
0x8d: {  	s2 =	sadd.s32 s2, s16  }
0x8e: {  	[smem:$0x3FBF] =	sst s2  }
0x8f: {  	_ = 	snop  }
0x90: {  	(tm) =	ssettm $0x1  }
0x91: {  	s17 =	sld [smem:$0x3FFB];
	_ =	sdelay $0x3  }
0x92: {  	_ =	strace s17  }
0x93: {  	s2 =	sld [smem:$0x3FFC];
	_ =	sdelay $0x3  }
0x94: {  	_ =	strace s2  }
0x95: {  	s2 =	sld [smem:$0x3FFD];
	_ =	sdelay $0x3  }
0x96: {  	_ =	strace s2  }
0x97: {  	_ =	strace $0x8FFFFFFF  }
0x98: {  	s18 =	sld [smem:$0x3FDB];
	_ =	sdelay $0x1  }
0x99: {  	s19 =	simm.s32 $_scs_section_size  }
0x9a: {  	s4 =	simm.s32 $_size__tile_overlayer_lowered;
	s5 =	simm.s32 $_tile_overlayer_lowered  }
0x9b: {  	s22 =	simm.s32 $0x1BFF;
	s21 =	sshll.u32 s5, $0x1;
	s2 =	sadd.s32 s19, s18  }
0x9c: {  	s6 =	simm.s32 $0x0;
	s20 =	sshll.u32 s4, $0x1;
	s4 =	sadd.s32 s21, s2  }
0x9d: {  	[timem:s6], [sflag:s22] =	dma.local [hbm:s4], s20  }
0x9e: {  	_ =	swait.ge [sflag:s22], s20  }
0x9f: {  	s3 =	ssub.s32 $0x0, s20;
	[sflag:s22] =	ssyncset.done $0x0  }
0xa0: {  	[sflag:s22] =	ssyncadd.s32 s3;
	_ =	sdelay $0x1  }
0xa1: {  	s23 =	simm.s32 $0x1B8B  }
0xa2: {  	_ =	swait.ge [sflag:s23], $0x1  }
0xa3: {  	[sflag:s23] =	ssyncset.done $0x0  }
0xa4: {  	s25 =	simm.s32 $0x1B8E;
	s24 =	sld [smem:$0x3FFE];
	[sflag:s23] =	ssyncadd.s32 $0xFFFFFFFF  }
0xa5: {  	s26 =	simm.s32 $execute0_lowered;
	[smem:$0x3FD2] =	sst s25  }
0xa6: {  	s4 =	sshll.u32 s26, $0x1;
	_ =	strace $0x80000046;
	[dreg:$0x1] =	wrdreg $0xFFFFFFFF  }
0xa7: {  	s28 =	simm.s32 $_size_execute0_lowered;
	s2 =	sadd.s32 s2, s4;
	[dreg:$0x0] =	wrdreg $0x0  }
0xa8: {  	s4 =	sshll.u32 s28, $0x1;
	[dreg:$0x2] =	wrdreg s2  }
0xa9: {  	[dreg:$0x3] =	wrdreg s4  }
0xaa: {  	[dreg:$0x4] =	wrdreg $0xC0  }
0xab: {  	_ =	task [dreg:s6], $0x5FFFF  }
0xac: {  	[dreg:$0x1] =	wrdreg $0xFFFFFFFF  }
0xad: {  	[dreg:$0x0] =	wrdreg $0x60  }
0xae: {  	[dreg:$0x2] =	wrdreg s24  }
0xaf: {  	[dreg:$0x3] =	wrdreg $0x9  }
0xb0: {  	_ =	task.clear_ibuf [dreg:s6], $0x4FFFF;
	_ =	strace $0x90000046  }
0xb1: {  	s29 =	simm.s32 $0x9;
	_ =	strace $0x80000048  }
0xb2: {  	_ =	swait.ge [sflag:s29], $0x1  }
0xb3: {  	[sflag:s29] =	ssyncadd.s32 $0xFFFFFFFF  }
0xb4: {  	_ =	strace $0x90000048  }
0xb5: {  	_ =	sfence  }
0xb6: {  	s30 =	sld [smem:$0x0];
	_ =	sdelay $0x2  }
0xb7: {  	s31 =	sshll.u32 s1, $0xD;
	s1 =	sshrl.u32 s1, $0x2  }
0xb8: {  	s3 =	sand.u32 $0x4000, s31;
	s1 =	sadd.s32 s1, s30  }
0xb9: {  	s0 =	sor.u32 s3, s0;
	s1 =	sshll.u32 s1, $0x11  }
0xba: {  	s0 =	sor.u32 s1, s0  }
0xbb: {  	s0 =	sadd.s32 $0x8F2B, s0  }
0xbc: {  	[sflag:s0] =	ssyncadd.remote.s32 $0x1  }
0xbd: {  	_ =	sfence.sel $0xFFFF  }
0xbe: {  	[dreg:$0x0] =	wrdreg $0xFFFFFFFF;
	(pc) =	sbr.abs _section_cstart, $3  }
0xbf: {  	[dreg:$0x1] =	wrdreg $0xFFFFFFFF  }
0xc0: {  	_ =	task.clear_ibuf [dreg:s6], $0x2FFFF;
	_ =	strace $0x9FFFFFFF  }
0xc1: {  	(tm) =	ssettm $0x7FFFFFFF  }
tec
execute0_lowered:
.L_overlay_start_1:
0x0: {  	(tag) =	ssettag $0x1  }
0x1: {  	s0 =	srdreg.scid;
	s2 =	stileid.u32  }
0x2: {  	s1 =	rddreg [dreg:$0x0];
	s14 =	simm.s32 $0x28;
	s15 =	simm.s32 $0x2800  }
0x3: {  	s16 =	simm.s32 $0x3C00;
	s17 =	simm.s32 $0x5000;
	s19 =	simm.s32 $0x6400  }
0x4: {  	s20 =	simm.s32 $0x7800;
	s21 =	simm.s32 $0x8C00;
	s22 =	simm.s32 $0x1  }
0x5: {  	s23 =	simm.s32 $0xA000;
	s0 =	sand.u32 $0x1, s0;
	s3 =	sshll.u32 s2, $0x1  }
0x6: {  	s28 =	simm.s32 $0xC800;
	s29 =	simm.s32 $0x4;
	s4 =	sor.u32 s0, s3  }
0x7: {  	s30 =	simm.s32 $0x5;
	s2 =	simm.s32 $0x0;
	s3 =	smul.u32 $0x1388, s4  }
0x8: {  	[smem:$0x7FF] =	sst s2;
	s0 =	ssub.s32 $0x2, s0;
	s6 =	smul.u32 $0x9C400, s4  }
0x9: {  	_ =	strace $0x80000047;
	s4 =	sadd.s32 $0x14A00, s1;
	s8 =	sshrl.u32 s0, $0x1  }
0xa: {  	s0 =	ssub.s32 s0, s8;
	s5 =	sshrl.u32 s3, $0x3;
	s24 =	sshrl.u32 s6, $0x3  }
0xb: {  	s8 =	sadd.s32 $0x28, s3;
	s0 =	smax.u32 s0, $0x1;
	s7 =	sadd.s32 s5, s1  }
0xc: {  	s5 =	sadd.s32 $0x3BC00, s1;
	[dreg:$0x6] =	wrdreg s0;
	s25 =	sadd.s32 $0x1000, s7  }
0xd: {  	s26 =	sadd.s32 $0xAC40, s7;
	s1 =	sadd.s32 s5, s24;
	[dreg:$0x2] =	wrdreg s25  }
0xe: {  	s24 =	simm.s32 $0x2;
	[dreg:$0x3] =	wrdreg s26;
	s31 =	sadd.s32 $0x13380, s1  }
0xf: {  	s1 =	sadd.s32 $0x13600, s1;
	s25 =	simm.s32 $0xB400;
	[dreg:$0x4] =	wrdreg s31  }
0x10: {  	s26 =	simm.s32 $0x3;
	[dreg:$0x5] =	wrdreg s1;
	s1 =	simm.s32 $0x0  }
.LBB2_1:
0x11: {  	s0 =	rddreg [dreg:$0x2];
	s6 =	simm.s32 $0x7  }
0x12: {  	[tilespmem:s2], [sflag:$0x7] =	stream.linear.gather [hbm4b:s0+s2], $0x1388, $0x38;
	[tilespmem:$0xDC00] =	vst v63  }
0x13: {  	_ =	swait.ge [sflag:s6], $0x1388  }
0x14: {  	[sflag:s6] =	ssyncset.done $0x0  }
0x15: {  	s7 =	simm.s32 $0x1400;
	s18 =	rddreg [dreg:$0x3];
	[sflag:s6] =	ssyncadd.s32 $0xFFFFEC78  }
0x16: {  	[tilespmem:s7], [sflag:$0x7] =	stream.linear.gather [hbm4b:s18+s2], $0x1388, $0x38;
	[tilespmem:$0xDC00] =	vst v63  }
0x17: {  	_ =	swait.ge [sflag:s6], $0x1388  }
0x18: {  	[sflag:s6] =	ssyncset.done $0x0  }
0x19: {  	[sflag:s6] =	ssyncadd.s32 $0xFFFFEC78  }
0x1a: {  	[tilespmem:s15], [sflag:$0x1] =	stream.indirect.gather [hbm4b:s4+s14], $0x80, s2, s14, $0xb8;
	[tilespmem:$0xDC00] =	vst v63  }
0x1b: {  	_ = 	snop  }
0x1c: {  	[tilespmem:s16], [sflag:$0x1] =	stream.indirect.gather [hbm4b:s4+s14], $0x80, s7, s14, $0xb8;
	[tilespmem:$0xDC00] =	vst v63  }
0x1d: {  	_ = 	snop  }
0x1e: {  	[tilespmem:s17], [sflag:$0x2] =	stream.indirect.gather [hbm4b:s4+s14], $0x80, s14, s14, $0xb8;
	[tilespmem:$0xDC00] =	vst v63  }
0x1f: {  	s31 =	simm.s32 $0x1428;
	s0 =	simm.s32 $0x0  }
0x20: {  	[tilespmem:s19], [sflag:$0x2] =	stream.indirect.gather [hbm4b:s4+s14], $0x80, s31, s14, $0xb8;
	[tilespmem:$0xDC00] =	vst v63  }
.LBB2_2:
0x21: {  	s13 =	smul.u32 $0x78, s0;
	_ =	sdelay $0x1  }
0x22: {  	s18 =	sadd.s32 $0x50, s13  }
0x23: {  	[tilespmem:s20], [sflag:$0x3] =	stream.indirect.gather [hbm4b:s4+s14], $0x80, s18, s14, $0xb8;
	[tilespmem:$0xDC00] =	vst v63  }
0x24: {  	s6 =	sadd.s32 $0x1450, s13  }
0x25: {  	[tilespmem:s21], [sflag:$0x3] =	stream.indirect.gather [hbm4b:s4+s14], $0x80, s6, s14, $0xb8;
	[tilespmem:$0xDC00] =	vst v63  }
0x26: {  	_ =	swait.ge [sflag:s22], $0x1400  }
0x27: {  	[sflag:s22] =	ssyncset.done $0x0  }
0x28: {  	[sflag:s22] =	ssyncadd.s32 $0xFFFFEC00  }
0x29: {  	_ =	swait.ge [sflag:s22], $0x1400  }
0x2a: {  	p0 =	seq.s32 s0, $0x0;
	[sflag:s22] =	ssyncset.done $0x0  }
0x2b: {  	s6 =	simm.s32 @!p0 $0x4;
	[sflag:s22] =	ssyncadd.s32 $0xFFFFEC00  }
0x2c: {  	_ =	swait.ge @!p0 [sflag:s6], $0x1400  }
0x2d: {  	[sflag:s6] =	ssyncset.done @!p0 $0x0  }
0x2e: {  	s7 =	simm.s32 $0x2900;
	[sflag:s6] =	ssyncadd.s32 @!p0 $0xFFFFEC00  }
0x2f: {  	s9 =	simm.s32 $0x3D40;
	v0 =	vld [tilespmem:s7+$0xFFFFFF00]  }
0x30: {  	v1 =	vld [tilespmem:s9+$0xFFFFFF00];
	_ =	sdelay $0x4  }
0x31: {  	v0 =	vadd.f32 v1, v0;
	_ =	sdelay $0x1  }
0x32: {  	s6 =	simm.s32 $0xA100;
	v0 =	vmax.f32 v0, $0.0e+00  }
0x33: {  	[tilespmem:s6+$0xFFFFFF00] =	vst v0  }
0x34: {  	v0 =	vld [tilespmem:s7+$0xFFFFFF10]  }
0x35: {  	v1 =	vld [tilespmem:s9+$0xFFFFFF10];
	_ =	sdelay $0x4  }
0x36: {  	v0 =	vadd.f32 v1, v0;
	_ =	sdelay $0x1  }
0x37: {  	v0 =	vmax.f32 v0, $0.0e+00  }
0x38: {  	[tilespmem:s6+$0xFFFFFF10] =	vst v0  }
0x39: {  	v0 =	vld [tilespmem:s7+$0xFFFFFF20]  }
0x3a: {  	v1 =	vld [tilespmem:s9+$0xFFFFFF20];
	_ =	sdelay $0x4  }
0x3b: {  	v0 =	vadd.f32 v1, v0;
	_ =	sdelay $0x1  }
0x3c: {  	v0 =	vmax.f32 v0, $0.0e+00  }
0x3d: {  	[tilespmem:s6+$0xFFFFFF20] =	vst v0  }
0x3e: {  	v0 =	vld [tilespmem:s7+$0xFFFFFF30]  }
0x3f: {  	v1 =	vld [tilespmem:s9+$0xFFFFFF30];
	_ =	sdelay $0x4  }
0x40: {  	v0 =	vadd.f32 v1, v0;
	_ =	sdelay $0x1  }
0x41: {  	v0 =	vmax.f32 v0, $0.0e+00  }
0x42: {  	[tilespmem:s6+$0xFFFFFF30] =	vst v0  }
0x43: {  	v0 =	vld [tilespmem:s7+$0xFFFFFF80]  }
0x44: {  	v1 =	vld [tilespmem:s9+$0xFFFFFF80];
	_ =	sdelay $0x4  }
0x45: {  	v0 =	vadd.f32 v1, v0;
	_ =	sdelay $0x1  }
0x46: {  	v0 =	vmax.f32 v0, $0.0e+00  }
0x47: {  	[tilespmem:s6+$0xFFFFFF80] =	vst v0  }
0x48: {  	v0 =	vld [tilespmem:s7+$0xFFFFFF90]  }
0x49: {  	v1 =	vld [tilespmem:s9+$0xFFFFFF90];
	_ =	sdelay $0x4  }
0x4a: {  	v0 =	vadd.f32 v1, v0;
	_ =	sdelay $0x1  }
0x4b: {  	v0 =	vmax.f32 v0, $0.0e+00  }
0x4c: {  	[tilespmem:s6+$0xFFFFFF90] =	vst v0  }
0x4d: {  	v0 =	vld [tilespmem:s7+$0xFFFFFFA0]  }
0x4e: {  	v1 =	vld [tilespmem:s9+$0xFFFFFFA0];
	_ =	sdelay $0x4  }
0x4f: {  	v0 =	vadd.f32 v1, v0;
	_ =	sdelay $0x1  }
0x50: {  	v0 =	vmax.f32 v0, $0.0e+00  }
0x51: {  	[tilespmem:s6+$0xFFFFFFA0] =	vst v0  }
0x52: {  	v0 =	vld [tilespmem:s7+$0xFFFFFFB0]  }
0x53: {  	v1 =	vld [tilespmem:s9+$0xFFFFFFB0];
	_ =	sdelay $0x4  }
0x54: {  	v0 =	vadd.f32 v1, v0;
	_ =	sdelay $0x1  }
0x55: {  	v0 =	vmax.f32 v0, $0.0e+00  }
0x56: {  	[tilespmem:s6+$0xFFFFFFB0] =	vst v0  }
0x57: {  	v0 =	vld [tilespmem:s7+$0x0]  }
0x58: {  	v1 =	vld [tilespmem:s9+$0x0];
	_ =	sdelay $0x4  }
0x59: {  	v0 =	vadd.f32 v1, v0;
	_ =	sdelay $0x1  }
0x5a: {  	v0 =	vmax.f32 v0, $0.0e+00  }
0x5b: {  	[tilespmem:s6+$0x0] =	vst v0  }
0x5c: {  	v0 =	vld [tilespmem:s7+$0x10]  }
0x5d: {  	v1 =	vld [tilespmem:s9+$0x10];
	_ =	sdelay $0x4  }
0x5e: {  	v0 =	vadd.f32 v1, v0;
	_ =	sdelay $0x1  }
0x5f: {  	v0 =	vmax.f32 v0, $0.0e+00  }
0x60: {  	[tilespmem:s6+$0x10] =	vst v0  }
0x61: {  	v0 =	vld [tilespmem:s7+$0x20]  }
0x62: {  	v1 =	vld [tilespmem:s9+$0x20];
	_ =	sdelay $0x4  }
0x63: {  	v0 =	vadd.f32 v1, v0;
	_ =	sdelay $0x1  }
0x64: {  	v0 =	vmax.f32 v0, $0.0e+00  }
0x65: {  	[tilespmem:s6+$0x20] =	vst v0  }
0x66: {  	v0 =	vld [tilespmem:s7+$0x30]  }
0x67: {  	v1 =	vld [tilespmem:s9+$0x30];
	_ =	sdelay $0x4  }
0x68: {  	v0 =	vadd.f32 v1, v0;
	_ =	sdelay $0x1  }
0x69: {  	v0 =	vmax.f32 v0, $0.0e+00  }
0x6a: {  	[tilespmem:s6+$0x30] =	vst v0  }
0x6b: {  	v0 =	vld [tilespmem:s7+$0x80]  }
0x6c: {  	v1 =	vld [tilespmem:s9+$0x80];
	_ =	sdelay $0x4  }
0x6d: {  	v0 =	vadd.f32 v1, v0;
	_ =	sdelay $0x1  }
0x6e: {  	v0 =	vmax.f32 v0, $0.0e+00  }
0x6f: {  	[tilespmem:s6+$0x80] =	vst v0  }
0x70: {  	v0 =	vld [tilespmem:s7+$0x90]  }
0x71: {  	v1 =	vld [tilespmem:s9+$0x90];
	_ =	sdelay $0x4  }
0x72: {  	v0 =	vadd.f32 v1, v0;
	_ =	sdelay $0x1  }
0x73: {  	v0 =	vmax.f32 v0, $0.0e+00  }
0x74: {  	[tilespmem:s6+$0x90] =	vst v0  }
0x75: {  	v0 =	vld [tilespmem:s7+$0xA0]  }
0x76: {  	v1 =	vld [tilespmem:s9+$0xA0]  }
0x77: {  	s10 =	simm.s32 $0x0  }
0x78: {  	s12 =	simm.s32 $0xA300;
	s11 =	simm.s32 $0x2900;
	s31 =	simm.s32 $0x3D40  }
.LBB2_3:
0x79: {  	s10 =	sadd.s32 $0x4, s10;
	s9 =	sadd.s32 $0x200, s9;
	s7 =	sadd.s32 $0x200, s7  }
0x7a: {  	p1 =	slt.u32 s10, $0x24  }
0x7b: {  	v0 =	vadd.f32 v1, v0;
	_ =	sdelay $0x1  }
0x7c: {  	v0 =	vmax.f32 v0, $0.0e+00  }
0x7d: {  	[tilespmem:s6+$0xA0] =	vst v0  }
0x7e: {  	v0 =	vld [tilespmem:s11+$0xB0];
	s11 =	smov.u32 s7  }
0x7f: {  	v1 =	vld [tilespmem:s31+$0xB0];
	s31 =	smov.u32 s9;
	_ =	sdelay $0x4  }
0x80: {  	v0 =	vadd.f32 v1, v0;
	_ =	sdelay $0x1  }
0x81: {  	v0 =	vmax.f32 v0, $0.0e+00  }
0x82: {  	[tilespmem:s6+$0xB0] =	vst v0;
	s6 =	smov.u32 s12  }
0x83: {  	v0 =	vld [tilespmem:s7+$0xFFFFFF00]  }
0x84: {  	v1 =	vld [tilespmem:s9+$0xFFFFFF00];
	_ =	sdelay $0x4  }
0x85: {  	v0 =	vadd.f32 v1, v0;
	_ =	sdelay $0x1  }
0x86: {  	v0 =	vmax.f32 v0, $0.0e+00  }
0x87: {  	[tilespmem:s12+$0xFFFFFF00] =	vst v0  }
0x88: {  	v0 =	vld [tilespmem:s7+$0xFFFFFF10]  }
0x89: {  	v1 =	vld [tilespmem:s9+$0xFFFFFF10];
	_ =	sdelay $0x4  }
0x8a: {  	v0 =	vadd.f32 v1, v0;
	_ =	sdelay $0x1  }
0x8b: {  	v0 =	vmax.f32 v0, $0.0e+00  }
0x8c: {  	[tilespmem:s12+$0xFFFFFF10] =	vst v0  }
0x8d: {  	v0 =	vld [tilespmem:s7+$0xFFFFFF20]  }
0x8e: {  	v1 =	vld [tilespmem:s9+$0xFFFFFF20];
	_ =	sdelay $0x4  }
0x8f: {  	v0 =	vadd.f32 v1, v0;
	_ =	sdelay $0x1  }
0x90: {  	v0 =	vmax.f32 v0, $0.0e+00  }
0x91: {  	[tilespmem:s12+$0xFFFFFF20] =	vst v0  }
0x92: {  	v0 =	vld [tilespmem:s7+$0xFFFFFF30]  }
0x93: {  	v1 =	vld [tilespmem:s9+$0xFFFFFF30];
	_ =	sdelay $0x4  }
0x94: {  	v0 =	vadd.f32 v1, v0;
	_ =	sdelay $0x1  }
0x95: {  	v0 =	vmax.f32 v0, $0.0e+00  }
0x96: {  	[tilespmem:s12+$0xFFFFFF30] =	vst v0  }
0x97: {  	v0 =	vld [tilespmem:s7+$0xFFFFFF80]  }
0x98: {  	v1 =	vld [tilespmem:s9+$0xFFFFFF80];
	_ =	sdelay $0x4  }
0x99: {  	v0 =	vadd.f32 v1, v0;
	_ =	sdelay $0x1  }
0x9a: {  	v0 =	vmax.f32 v0, $0.0e+00  }
0x9b: {  	[tilespmem:s12+$0xFFFFFF80] =	vst v0  }
0x9c: {  	v0 =	vld [tilespmem:s7+$0xFFFFFF90]  }
0x9d: {  	v1 =	vld [tilespmem:s9+$0xFFFFFF90];
	_ =	sdelay $0x4  }
0x9e: {  	v0 =	vadd.f32 v1, v0;
	_ =	sdelay $0x1  }
0x9f: {  	v0 =	vmax.f32 v0, $0.0e+00  }
0xa0: {  	[tilespmem:s12+$0xFFFFFF90] =	vst v0  }
0xa1: {  	v0 =	vld [tilespmem:s7+$0xFFFFFFA0]  }
0xa2: {  	v1 =	vld [tilespmem:s9+$0xFFFFFFA0];
	_ =	sdelay $0x4  }
0xa3: {  	v0 =	vadd.f32 v1, v0;
	_ =	sdelay $0x1  }
0xa4: {  	v0 =	vmax.f32 v0, $0.0e+00  }
0xa5: {  	[tilespmem:s12+$0xFFFFFFA0] =	vst v0  }
0xa6: {  	v0 =	vld [tilespmem:s7+$0xFFFFFFB0]  }
0xa7: {  	v1 =	vld [tilespmem:s9+$0xFFFFFFB0];
	_ =	sdelay $0x4  }
0xa8: {  	v0 =	vadd.f32 v1, v0;
	_ =	sdelay $0x1  }
0xa9: {  	v0 =	vmax.f32 v0, $0.0e+00  }
0xaa: {  	[tilespmem:s12+$0xFFFFFFB0] =	vst v0  }
0xab: {  	v0 =	vld [tilespmem:s7+$0x0]  }
0xac: {  	v1 =	vld [tilespmem:s9+$0x0];
	_ =	sdelay $0x4  }
0xad: {  	v0 =	vadd.f32 v1, v0;
	_ =	sdelay $0x1  }
0xae: {  	v0 =	vmax.f32 v0, $0.0e+00  }
0xaf: {  	[tilespmem:s12+$0x0] =	vst v0  }
0xb0: {  	v0 =	vld [tilespmem:s7+$0x10]  }
0xb1: {  	v1 =	vld [tilespmem:s9+$0x10];
	_ =	sdelay $0x4  }
0xb2: {  	v0 =	vadd.f32 v1, v0;
	_ =	sdelay $0x1  }
0xb3: {  	v0 =	vmax.f32 v0, $0.0e+00  }
0xb4: {  	[tilespmem:s12+$0x10] =	vst v0  }
0xb5: {  	v0 =	vld [tilespmem:s7+$0x20]  }
0xb6: {  	v1 =	vld [tilespmem:s9+$0x20];
	_ =	sdelay $0x4  }
0xb7: {  	v0 =	vadd.f32 v1, v0;
	_ =	sdelay $0x1  }
0xb8: {  	v0 =	vmax.f32 v0, $0.0e+00  }
0xb9: {  	[tilespmem:s12+$0x20] =	vst v0  }
0xba: {  	v0 =	vld [tilespmem:s7+$0x30]  }
0xbb: {  	v1 =	vld [tilespmem:s9+$0x30];
	_ =	sdelay $0x4  }
0xbc: {  	v0 =	vadd.f32 v1, v0;
	_ =	sdelay $0x1  }
0xbd: {  	v0 =	vmax.f32 v0, $0.0e+00  }
0xbe: {  	[tilespmem:s12+$0x30] =	vst v0  }
0xbf: {  	v0 =	vld [tilespmem:s7+$0x80]  }
0xc0: {  	v1 =	vld [tilespmem:s9+$0x80];
	_ =	sdelay $0x4  }
0xc1: {  	v0 =	vadd.f32 v1, v0;
	_ =	sdelay $0x1  }
0xc2: {  	v0 =	vmax.f32 v0, $0.0e+00  }
0xc3: {  	[tilespmem:s12+$0x80] =	vst v0  }
0xc4: {  	v0 =	vld [tilespmem:s7+$0x90]  }
0xc5: {  	v1 =	vld [tilespmem:s9+$0x90];
	_ =	sdelay $0x4  }
0xc6: {  	v0 =	vadd.f32 v1, v0;
	_ =	sdelay $0x1  }
0xc7: {  	v0 =	vmax.f32 v0, $0.0e+00  }
.Ltmp0:
0xc8: {  	[tilespmem:s12+$0x90] =	vst v0;
	(pc) =	sbr.rel @p1 .LBB2_3-.Ltmp0, $3  }
0xc9: {  	v0 =	vld [tilespmem:s7+$0xA0]  }
0xca: {  	v1 =	vld [tilespmem:s9+$0xA0];
	_ =	sdelay $0x1  }
0xcb: {  	s12 =	sadd.s32 $0x200, s12  }
0xcc: {  	_ =	sdelay $0x1  }
0xcd: {  	v0 =	vadd.f32 v1, v0;
	_ =	sdelay $0x1  }
0xce: {  	v0 =	vmax.f32 v0, $0.0e+00  }
0xcf: {  	[tilespmem:s6+$0xA0] =	vst v0  }
0xd0: {  	v0 =	vld [tilespmem:s11+$0xB0]  }
0xd1: {  	v1 =	vld [tilespmem:s31+$0xB0];
	_ =	sdelay $0x4  }
0xd2: {  	v0 =	vadd.f32 v1, v0  }
0xd3: {  	s7 =	sadd.s32 s3, s13  }
0xd4: {  	s7 =	sshll.u32 s7, $0x4;
	v0 =	vmax.f32 v0, $0.0e+00  }
0xd5: {  	s10 =	sadd.s32 s5, s7;
	[tilespmem:s6+$0xB0] =	vst v0  }
0xd6: {  	[hbm4b:s10+s2] =	stream.linear.scatter [tilespmem:s23], [sflag:$0x4], $0x1400, $0x38;
	[tilespmem:$0xDC00] =	vst v63  }
0xd7: {  	s11 =	sadd.s32 $0x78, s13  }
0xd8: {  	[tilespmem:s15], [sflag:$0x1] =	stream.indirect.gather [hbm4b:s4+s14], $0x80, s11, s14, $0xb8;
	[tilespmem:$0xDC00] =	vst v63  }
0xd9: {  	s12 =	sadd.s32 $0x1478, s13  }
0xda: {  	[tilespmem:s16], [sflag:$0x1] =	stream.indirect.gather [hbm4b:s4+s14], $0x80, s12, s14, $0xb8;
	[tilespmem:$0xDC00] =	vst v63  }
0xdb: {  	_ =	swait.ge [sflag:s24], $0x1400  }
0xdc: {  	[sflag:s24] =	ssyncset.done $0x0  }
0xdd: {  	[sflag:s24] =	ssyncadd.s32 $0xFFFFEC00  }
0xde: {  	_ =	swait.ge [sflag:s24], $0x1400  }
0xdf: {  	[sflag:s24] =	ssyncset.done $0x0  }
0xe0: {  	s6 =	simm.s32 @!p0 $0x5;
	[sflag:s24] =	ssyncadd.s32 $0xFFFFEC00  }
0xe1: {  	_ =	swait.ge @!p0 [sflag:s6], $0x1400  }
0xe2: {  	[sflag:s6] =	ssyncset.done @!p0 $0x0  }
0xe3: {  	s7 =	simm.s32 $0x5100;
	[sflag:s6] =	ssyncadd.s32 @!p0 $0xFFFFEC00  }
0xe4: {  	s9 =	simm.s32 $0x6540;
	v0 =	vld [tilespmem:s7+$0xFFFFFF00]  }
0xe5: {  	v1 =	vld [tilespmem:s9+$0xFFFFFF00];
	_ =	sdelay $0x4  }
0xe6: {  	v0 =	vadd.f32 v1, v0;
	_ =	sdelay $0x1  }
0xe7: {  	s6 =	simm.s32 $0xB500;
	v0 =	vmax.f32 v0, $0.0e+00  }
0xe8: {  	[tilespmem:s6+$0xFFFFFF00] =	vst v0  }
0xe9: {  	v0 =	vld [tilespmem:s7+$0xFFFFFF10]  }
0xea: {  	v1 =	vld [tilespmem:s9+$0xFFFFFF10];
	_ =	sdelay $0x4  }
0xeb: {  	v0 =	vadd.f32 v1, v0;
	_ =	sdelay $0x1  }
0xec: {  	v0 =	vmax.f32 v0, $0.0e+00  }
0xed: {  	[tilespmem:s6+$0xFFFFFF10] =	vst v0  }
0xee: {  	v0 =	vld [tilespmem:s7+$0xFFFFFF20]  }
0xef: {  	v1 =	vld [tilespmem:s9+$0xFFFFFF20];
	_ =	sdelay $0x4  }
0xf0: {  	v0 =	vadd.f32 v1, v0;
	_ =	sdelay $0x1  }
0xf1: {  	v0 =	vmax.f32 v0, $0.0e+00  }
0xf2: {  	[tilespmem:s6+$0xFFFFFF20] =	vst v0  }
0xf3: {  	v0 =	vld [tilespmem:s7+$0xFFFFFF30]  }
0xf4: {  	v1 =	vld [tilespmem:s9+$0xFFFFFF30];
	_ =	sdelay $0x4  }
0xf5: {  	v0 =	vadd.f32 v1, v0;
	_ =	sdelay $0x1  }
0xf6: {  	v0 =	vmax.f32 v0, $0.0e+00  }
0xf7: {  	[tilespmem:s6+$0xFFFFFF30] =	vst v0  }
0xf8: {  	v0 =	vld [tilespmem:s7+$0xFFFFFF80]  }
0xf9: {  	v1 =	vld [tilespmem:s9+$0xFFFFFF80];
	_ =	sdelay $0x4  }
0xfa: {  	v0 =	vadd.f32 v1, v0;
	_ =	sdelay $0x1  }
0xfb: {  	v0 =	vmax.f32 v0, $0.0e+00  }
0xfc: {  	[tilespmem:s6+$0xFFFFFF80] =	vst v0  }
0xfd: {  	v0 =	vld [tilespmem:s7+$0xFFFFFF90]  }
0xfe: {  	v1 =	vld [tilespmem:s9+$0xFFFFFF90];
	_ =	sdelay $0x4  }
0xff: {  	v0 =	vadd.f32 v1, v0;
	_ =	sdelay $0x1  }
0x100: {  	v0 =	vmax.f32 v0, $0.0e+00  }
0x101: {  	[tilespmem:s6+$0xFFFFFF90] =	vst v0  }
0x102: {  	v0 =	vld [tilespmem:s7+$0xFFFFFFA0]  }
0x103: {  	v1 =	vld [tilespmem:s9+$0xFFFFFFA0];
	_ =	sdelay $0x4  }
0x104: {  	v0 =	vadd.f32 v1, v0;
	_ =	sdelay $0x1  }
0x105: {  	v0 =	vmax.f32 v0, $0.0e+00  }
0x106: {  	[tilespmem:s6+$0xFFFFFFA0] =	vst v0  }
0x107: {  	v0 =	vld [tilespmem:s7+$0xFFFFFFB0]  }
0x108: {  	v1 =	vld [tilespmem:s9+$0xFFFFFFB0];
	_ =	sdelay $0x4  }
0x109: {  	v0 =	vadd.f32 v1, v0;
	_ =	sdelay $0x1  }
0x10a: {  	v0 =	vmax.f32 v0, $0.0e+00  }
0x10b: {  	[tilespmem:s6+$0xFFFFFFB0] =	vst v0  }
0x10c: {  	v0 =	vld [tilespmem:s7+$0x0]  }
0x10d: {  	v1 =	vld [tilespmem:s9+$0x0];
	_ =	sdelay $0x4  }
0x10e: {  	v0 =	vadd.f32 v1, v0;
	_ =	sdelay $0x1  }
0x10f: {  	v0 =	vmax.f32 v0, $0.0e+00  }
0x110: {  	[tilespmem:s6+$0x0] =	vst v0  }
0x111: {  	v0 =	vld [tilespmem:s7+$0x10]  }
0x112: {  	v1 =	vld [tilespmem:s9+$0x10];
	_ =	sdelay $0x4  }
0x113: {  	v0 =	vadd.f32 v1, v0;
	_ =	sdelay $0x1  }
0x114: {  	v0 =	vmax.f32 v0, $0.0e+00  }
0x115: {  	[tilespmem:s6+$0x10] =	vst v0  }
0x116: {  	v0 =	vld [tilespmem:s7+$0x20]  }
0x117: {  	v1 =	vld [tilespmem:s9+$0x20];
	_ =	sdelay $0x4  }
0x118: {  	v0 =	vadd.f32 v1, v0;
	_ =	sdelay $0x1  }
0x119: {  	v0 =	vmax.f32 v0, $0.0e+00  }
0x11a: {  	[tilespmem:s6+$0x20] =	vst v0  }
0x11b: {  	v0 =	vld [tilespmem:s7+$0x30]  }
0x11c: {  	v1 =	vld [tilespmem:s9+$0x30];
	_ =	sdelay $0x4  }
0x11d: {  	v0 =	vadd.f32 v1, v0;
	_ =	sdelay $0x1  }
0x11e: {  	v0 =	vmax.f32 v0, $0.0e+00  }
0x11f: {  	[tilespmem:s6+$0x30] =	vst v0  }
0x120: {  	v0 =	vld [tilespmem:s7+$0x80]  }
0x121: {  	v1 =	vld [tilespmem:s9+$0x80];
	_ =	sdelay $0x4  }
0x122: {  	v0 =	vadd.f32 v1, v0;
	_ =	sdelay $0x1  }
0x123: {  	v0 =	vmax.f32 v0, $0.0e+00  }
0x124: {  	[tilespmem:s6+$0x80] =	vst v0  }
0x125: {  	v0 =	vld [tilespmem:s7+$0x90]  }
0x126: {  	v1 =	vld [tilespmem:s9+$0x90];
	_ =	sdelay $0x4  }
0x127: {  	v0 =	vadd.f32 v1, v0;
	_ =	sdelay $0x1  }
0x128: {  	v0 =	vmax.f32 v0, $0.0e+00  }
0x129: {  	[tilespmem:s6+$0x90] =	vst v0  }
0x12a: {  	v0 =	vld [tilespmem:s7+$0xA0]  }
0x12b: {  	v1 =	vld [tilespmem:s9+$0xA0]  }
0x12c: {  	s31 =	simm.s32 $0x6540  }
0x12d: {  	s10 =	simm.s32 $0x0;
	s11 =	simm.s32 $0x5100;
	s12 =	simm.s32 $0xB700  }
.LBB2_5:
0x12e: {  	s10 =	sadd.s32 $0x4, s10;
	s9 =	sadd.s32 $0x200, s9;
	s7 =	sadd.s32 $0x200, s7  }
0x12f: {  	p1 =	slt.u32 s10, $0x24  }
0x130: {  	v0 =	vadd.f32 v1, v0;
	_ =	sdelay $0x1  }
0x131: {  	v0 =	vmax.f32 v0, $0.0e+00  }
0x132: {  	[tilespmem:s6+$0xA0] =	vst v0  }
0x133: {  	v0 =	vld [tilespmem:s11+$0xB0];
	s11 =	smov.u32 s7  }
0x134: {  	v1 =	vld [tilespmem:s31+$0xB0];
	s31 =	smov.u32 s9;
	_ =	sdelay $0x4  }
0x135: {  	v0 =	vadd.f32 v1, v0;
	_ =	sdelay $0x1  }
0x136: {  	v0 =	vmax.f32 v0, $0.0e+00  }
0x137: {  	[tilespmem:s6+$0xB0] =	vst v0;
	s6 =	smov.u32 s12  }
0x138: {  	v0 =	vld [tilespmem:s7+$0xFFFFFF00]  }
0x139: {  	v1 =	vld [tilespmem:s9+$0xFFFFFF00];
	_ =	sdelay $0x4  }
0x13a: {  	v0 =	vadd.f32 v1, v0;
	_ =	sdelay $0x1  }
0x13b: {  	v0 =	vmax.f32 v0, $0.0e+00  }
0x13c: {  	[tilespmem:s12+$0xFFFFFF00] =	vst v0  }
0x13d: {  	v0 =	vld [tilespmem:s7+$0xFFFFFF10]  }
0x13e: {  	v1 =	vld [tilespmem:s9+$0xFFFFFF10];
	_ =	sdelay $0x4  }
0x13f: {  	v0 =	vadd.f32 v1, v0;
	_ =	sdelay $0x1  }
0x140: {  	v0 =	vmax.f32 v0, $0.0e+00  }
0x141: {  	[tilespmem:s12+$0xFFFFFF10] =	vst v0  }
0x142: {  	v0 =	vld [tilespmem:s7+$0xFFFFFF20]  }
0x143: {  	v1 =	vld [tilespmem:s9+$0xFFFFFF20];
	_ =	sdelay $0x4  }
0x144: {  	v0 =	vadd.f32 v1, v0;
	_ =	sdelay $0x1  }
0x145: {  	v0 =	vmax.f32 v0, $0.0e+00  }
0x146: {  	[tilespmem:s12+$0xFFFFFF20] =	vst v0  }
0x147: {  	v0 =	vld [tilespmem:s7+$0xFFFFFF30]  }
0x148: {  	v1 =	vld [tilespmem:s9+$0xFFFFFF30];
	_ =	sdelay $0x4  }
0x149: {  	v0 =	vadd.f32 v1, v0;
	_ =	sdelay $0x1  }
0x14a: {  	v0 =	vmax.f32 v0, $0.0e+00  }
0x14b: {  	[tilespmem:s12+$0xFFFFFF30] =	vst v0  }
0x14c: {  	v0 =	vld [tilespmem:s7+$0xFFFFFF80]  }
0x14d: {  	v1 =	vld [tilespmem:s9+$0xFFFFFF80];
	_ =	sdelay $0x4  }
0x14e: {  	v0 =	vadd.f32 v1, v0;
	_ =	sdelay $0x1  }
0x14f: {  	v0 =	vmax.f32 v0, $0.0e+00  }
0x150: {  	[tilespmem:s12+$0xFFFFFF80] =	vst v0  }
0x151: {  	v0 =	vld [tilespmem:s7+$0xFFFFFF90]  }
0x152: {  	v1 =	vld [tilespmem:s9+$0xFFFFFF90];
	_ =	sdelay $0x4  }
0x153: {  	v0 =	vadd.f32 v1, v0;
	_ =	sdelay $0x1  }
0x154: {  	v0 =	vmax.f32 v0, $0.0e+00  }
0x155: {  	[tilespmem:s12+$0xFFFFFF90] =	vst v0  }
0x156: {  	v0 =	vld [tilespmem:s7+$0xFFFFFFA0]  }
0x157: {  	v1 =	vld [tilespmem:s9+$0xFFFFFFA0];
	_ =	sdelay $0x4  }
0x158: {  	v0 =	vadd.f32 v1, v0;
	_ =	sdelay $0x1  }
0x159: {  	v0 =	vmax.f32 v0, $0.0e+00  }
0x15a: {  	[tilespmem:s12+$0xFFFFFFA0] =	vst v0  }
0x15b: {  	v0 =	vld [tilespmem:s7+$0xFFFFFFB0]  }
0x15c: {  	v1 =	vld [tilespmem:s9+$0xFFFFFFB0];
	_ =	sdelay $0x4  }
0x15d: {  	v0 =	vadd.f32 v1, v0;
	_ =	sdelay $0x1  }
0x15e: {  	v0 =	vmax.f32 v0, $0.0e+00  }
0x15f: {  	[tilespmem:s12+$0xFFFFFFB0] =	vst v0  }
0x160: {  	v0 =	vld [tilespmem:s7+$0x0]  }
0x161: {  	v1 =	vld [tilespmem:s9+$0x0];
	_ =	sdelay $0x4  }
0x162: {  	v0 =	vadd.f32 v1, v0;
	_ =	sdelay $0x1  }
0x163: {  	v0 =	vmax.f32 v0, $0.0e+00  }
0x164: {  	[tilespmem:s12+$0x0] =	vst v0  }
0x165: {  	v0 =	vld [tilespmem:s7+$0x10]  }
0x166: {  	v1 =	vld [tilespmem:s9+$0x10];
	_ =	sdelay $0x4  }
0x167: {  	v0 =	vadd.f32 v1, v0;
	_ =	sdelay $0x1  }
0x168: {  	v0 =	vmax.f32 v0, $0.0e+00  }
0x169: {  	[tilespmem:s12+$0x10] =	vst v0  }
0x16a: {  	v0 =	vld [tilespmem:s7+$0x20]  }
0x16b: {  	v1 =	vld [tilespmem:s9+$0x20];
	_ =	sdelay $0x4  }
0x16c: {  	v0 =	vadd.f32 v1, v0;
	_ =	sdelay $0x1  }
0x16d: {  	v0 =	vmax.f32 v0, $0.0e+00  }
0x16e: {  	[tilespmem:s12+$0x20] =	vst v0  }
0x16f: {  	v0 =	vld [tilespmem:s7+$0x30]  }
0x170: {  	v1 =	vld [tilespmem:s9+$0x30];
	_ =	sdelay $0x4  }
0x171: {  	v0 =	vadd.f32 v1, v0;
	_ =	sdelay $0x1  }
0x172: {  	v0 =	vmax.f32 v0, $0.0e+00  }
0x173: {  	[tilespmem:s12+$0x30] =	vst v0  }
0x174: {  	v0 =	vld [tilespmem:s7+$0x80]  }
0x175: {  	v1 =	vld [tilespmem:s9+$0x80];
	_ =	sdelay $0x4  }
0x176: {  	v0 =	vadd.f32 v1, v0;
	_ =	sdelay $0x1  }
0x177: {  	v0 =	vmax.f32 v0, $0.0e+00  }
0x178: {  	[tilespmem:s12+$0x80] =	vst v0  }
0x179: {  	v0 =	vld [tilespmem:s7+$0x90]  }
0x17a: {  	v1 =	vld [tilespmem:s9+$0x90];
	_ =	sdelay $0x4  }
0x17b: {  	v0 =	vadd.f32 v1, v0;
	_ =	sdelay $0x1  }
0x17c: {  	v0 =	vmax.f32 v0, $0.0e+00  }
.Ltmp1:
0x17d: {  	[tilespmem:s12+$0x90] =	vst v0;
	(pc) =	sbr.rel @p1 .LBB2_5-.Ltmp1, $3  }
0x17e: {  	v0 =	vld [tilespmem:s7+$0xA0]  }
0x17f: {  	v1 =	vld [tilespmem:s9+$0xA0];
	_ =	sdelay $0x1  }
0x180: {  	s12 =	sadd.s32 $0x200, s12  }
0x181: {  	_ =	sdelay $0x1  }
0x182: {  	v0 =	vadd.f32 v1, v0;
	_ =	sdelay $0x1  }
0x183: {  	v0 =	vmax.f32 v0, $0.0e+00  }
0x184: {  	[tilespmem:s6+$0xA0] =	vst v0  }
0x185: {  	v0 =	vld [tilespmem:s11+$0xB0]  }
0x186: {  	v1 =	vld [tilespmem:s31+$0xB0];
	_ =	sdelay $0x4  }
0x187: {  	v0 =	vadd.f32 v1, v0  }
0x188: {  	s7 =	sadd.s32 s13, s8  }
0x189: {  	s7 =	sshll.u32 s7, $0x4;
	v0 =	vmax.f32 v0, $0.0e+00  }
0x18a: {  	s11 =	sadd.s32 s5, s7;
	[tilespmem:s6+$0xB0] =	vst v0  }
0x18b: {  	[hbm4b:s11+s2] =	stream.linear.scatter [tilespmem:s25], [sflag:$0x5], $0x1400, $0x38;
	[tilespmem:$0xDC00] =	vst v63  }
0x18c: {  	s12 =	sadd.s32 $0xA0, s13  }
0x18d: {  	[tilespmem:s17], [sflag:$0x2] =	stream.indirect.gather [hbm4b:s4+s14], $0x80, s12, s14, $0xb8;
	[tilespmem:$0xDC00] =	vst v63  }
0x18e: {  	s31 =	sadd.s32 $0x14A0, s13  }
0x18f: {  	[tilespmem:s19], [sflag:$0x2] =	stream.indirect.gather [hbm4b:s4+s14], $0x80, s31, s14, $0xb8;
	[tilespmem:$0xDC00] =	vst v63  }
0x190: {  	_ =	swait.ge [sflag:s26], $0x1400  }
0x191: {  	[sflag:s26] =	ssyncset.done $0x0  }
0x192: {  	[sflag:s26] =	ssyncadd.s32 $0xFFFFEC00  }
0x193: {  	_ =	swait.ge [sflag:s26], $0x1400  }
0x194: {  	[sflag:s26] =	ssyncset.done $0x0  }
0x195: {  	s6 =	simm.s32 @!p0 $0x6;
	[sflag:s26] =	ssyncadd.s32 $0xFFFFEC00  }
0x196: {  	_ =	swait.ge @!p0 [sflag:s6], $0x1400  }
0x197: {  	[sflag:s6] =	ssyncset.done @!p0 $0x0  }
0x198: {  	s7 =	simm.s32 $0x7900;
	[sflag:s6] =	ssyncadd.s32 @!p0 $0xFFFFEC00  }
0x199: {  	s9 =	simm.s32 $0x8D40;
	v0 =	vld [tilespmem:s7+$0xFFFFFF00]  }
0x19a: {  	v1 =	vld [tilespmem:s9+$0xFFFFFF00];
	_ =	sdelay $0x4  }
0x19b: {  	v0 =	vadd.f32 v1, v0;
	_ =	sdelay $0x1  }
0x19c: {  	s6 =	simm.s32 $0xC900;
	v0 =	vmax.f32 v0, $0.0e+00  }
0x19d: {  	[tilespmem:s6+$0xFFFFFF00] =	vst v0  }
0x19e: {  	v0 =	vld [tilespmem:s7+$0xFFFFFF10]  }
0x19f: {  	v1 =	vld [tilespmem:s9+$0xFFFFFF10];
	_ =	sdelay $0x4  }
0x1a0: {  	v0 =	vadd.f32 v1, v0;
	_ =	sdelay $0x1  }
0x1a1: {  	v0 =	vmax.f32 v0, $0.0e+00  }
0x1a2: {  	[tilespmem:s6+$0xFFFFFF10] =	vst v0  }
0x1a3: {  	v0 =	vld [tilespmem:s7+$0xFFFFFF20]  }
0x1a4: {  	v1 =	vld [tilespmem:s9+$0xFFFFFF20];
	_ =	sdelay $0x4  }
0x1a5: {  	v0 =	vadd.f32 v1, v0;
	_ =	sdelay $0x1  }
0x1a6: {  	v0 =	vmax.f32 v0, $0.0e+00  }
0x1a7: {  	[tilespmem:s6+$0xFFFFFF20] =	vst v0  }
0x1a8: {  	v0 =	vld [tilespmem:s7+$0xFFFFFF30]  }
0x1a9: {  	v1 =	vld [tilespmem:s9+$0xFFFFFF30];
	_ =	sdelay $0x4  }
0x1aa: {  	v0 =	vadd.f32 v1, v0;
	_ =	sdelay $0x1  }
0x1ab: {  	v0 =	vmax.f32 v0, $0.0e+00  }
0x1ac: {  	[tilespmem:s6+$0xFFFFFF30] =	vst v0  }
0x1ad: {  	v0 =	vld [tilespmem:s7+$0xFFFFFF80]  }
0x1ae: {  	v1 =	vld [tilespmem:s9+$0xFFFFFF80];
	_ =	sdelay $0x4  }
0x1af: {  	v0 =	vadd.f32 v1, v0;
	_ =	sdelay $0x1  }
0x1b0: {  	v0 =	vmax.f32 v0, $0.0e+00  }
0x1b1: {  	[tilespmem:s6+$0xFFFFFF80] =	vst v0  }
0x1b2: {  	v0 =	vld [tilespmem:s7+$0xFFFFFF90]  }
0x1b3: {  	v1 =	vld [tilespmem:s9+$0xFFFFFF90];
	_ =	sdelay $0x4  }
0x1b4: {  	v0 =	vadd.f32 v1, v0;
	_ =	sdelay $0x1  }
0x1b5: {  	v0 =	vmax.f32 v0, $0.0e+00  }
0x1b6: {  	[tilespmem:s6+$0xFFFFFF90] =	vst v0  }
0x1b7: {  	v0 =	vld [tilespmem:s7+$0xFFFFFFA0]  }
0x1b8: {  	v1 =	vld [tilespmem:s9+$0xFFFFFFA0];
	_ =	sdelay $0x4  }
0x1b9: {  	v0 =	vadd.f32 v1, v0;
	_ =	sdelay $0x1  }
0x1ba: {  	v0 =	vmax.f32 v0, $0.0e+00  }
0x1bb: {  	[tilespmem:s6+$0xFFFFFFA0] =	vst v0  }
0x1bc: {  	v0 =	vld [tilespmem:s7+$0xFFFFFFB0]  }
0x1bd: {  	v1 =	vld [tilespmem:s9+$0xFFFFFFB0];
	_ =	sdelay $0x4  }
0x1be: {  	v0 =	vadd.f32 v1, v0;
	_ =	sdelay $0x1  }
0x1bf: {  	v0 =	vmax.f32 v0, $0.0e+00  }
0x1c0: {  	[tilespmem:s6+$0xFFFFFFB0] =	vst v0  }
0x1c1: {  	v0 =	vld [tilespmem:s7+$0x0]  }
0x1c2: {  	v1 =	vld [tilespmem:s9+$0x0];
	_ =	sdelay $0x4  }
0x1c3: {  	v0 =	vadd.f32 v1, v0;
	_ =	sdelay $0x1  }
0x1c4: {  	v0 =	vmax.f32 v0, $0.0e+00  }
0x1c5: {  	[tilespmem:s6+$0x0] =	vst v0  }
0x1c6: {  	v0 =	vld [tilespmem:s7+$0x10]  }
0x1c7: {  	v1 =	vld [tilespmem:s9+$0x10];
	_ =	sdelay $0x4  }
0x1c8: {  	v0 =	vadd.f32 v1, v0;
	_ =	sdelay $0x1  }
0x1c9: {  	v0 =	vmax.f32 v0, $0.0e+00  }
0x1ca: {  	[tilespmem:s6+$0x10] =	vst v0  }
0x1cb: {  	v0 =	vld [tilespmem:s7+$0x20]  }
0x1cc: {  	v1 =	vld [tilespmem:s9+$0x20];
	_ =	sdelay $0x4  }
0x1cd: {  	v0 =	vadd.f32 v1, v0;
	_ =	sdelay $0x1  }
0x1ce: {  	v0 =	vmax.f32 v0, $0.0e+00  }
0x1cf: {  	[tilespmem:s6+$0x20] =	vst v0  }
0x1d0: {  	v0 =	vld [tilespmem:s7+$0x30]  }
0x1d1: {  	v1 =	vld [tilespmem:s9+$0x30];
	_ =	sdelay $0x4  }
0x1d2: {  	v0 =	vadd.f32 v1, v0;
	_ =	sdelay $0x1  }
0x1d3: {  	v0 =	vmax.f32 v0, $0.0e+00  }
0x1d4: {  	[tilespmem:s6+$0x30] =	vst v0  }
0x1d5: {  	v0 =	vld [tilespmem:s7+$0x80]  }
0x1d6: {  	v1 =	vld [tilespmem:s9+$0x80];
	_ =	sdelay $0x4  }
0x1d7: {  	v0 =	vadd.f32 v1, v0;
	_ =	sdelay $0x1  }
0x1d8: {  	v0 =	vmax.f32 v0, $0.0e+00  }
0x1d9: {  	[tilespmem:s6+$0x80] =	vst v0  }
0x1da: {  	v0 =	vld [tilespmem:s7+$0x90]  }
0x1db: {  	v1 =	vld [tilespmem:s9+$0x90];
	_ =	sdelay $0x4  }
0x1dc: {  	v0 =	vadd.f32 v1, v0;
	_ =	sdelay $0x1  }
0x1dd: {  	v0 =	vmax.f32 v0, $0.0e+00  }
0x1de: {  	[tilespmem:s6+$0x90] =	vst v0  }
0x1df: {  	v0 =	vld [tilespmem:s7+$0xA0]  }
0x1e0: {  	v1 =	vld [tilespmem:s9+$0xA0]  }
0x1e1: {  	s10 =	simm.s32 $0x0  }
0x1e2: {  	s13 =	simm.s32 $0x8D40;
	s11 =	simm.s32 $0x7900;
	s12 =	simm.s32 $0xCB00  }
.LBB2_7:
0x1e3: {  	s10 =	sadd.s32 $0x4, s10;
	s9 =	sadd.s32 $0x200, s9;
	s7 =	sadd.s32 $0x200, s7  }
0x1e4: {  	p0 =	slt.u32 s10, $0x24  }
0x1e5: {  	v0 =	vadd.f32 v1, v0;
	_ =	sdelay $0x1  }
0x1e6: {  	v0 =	vmax.f32 v0, $0.0e+00  }
0x1e7: {  	[tilespmem:s6+$0xA0] =	vst v0  }
0x1e8: {  	v0 =	vld [tilespmem:s11+$0xB0];
	s11 =	smov.u32 s7  }
0x1e9: {  	v1 =	vld [tilespmem:s13+$0xB0];
	s13 =	smov.u32 s9;
	_ =	sdelay $0x4  }
0x1ea: {  	v0 =	vadd.f32 v1, v0;
	_ =	sdelay $0x1  }
0x1eb: {  	v0 =	vmax.f32 v0, $0.0e+00  }
0x1ec: {  	[tilespmem:s6+$0xB0] =	vst v0;
	s6 =	smov.u32 s12  }
0x1ed: {  	v0 =	vld [tilespmem:s7+$0xFFFFFF00]  }
0x1ee: {  	v1 =	vld [tilespmem:s9+$0xFFFFFF00];
	_ =	sdelay $0x4  }
0x1ef: {  	v0 =	vadd.f32 v1, v0;
	_ =	sdelay $0x1  }
0x1f0: {  	v0 =	vmax.f32 v0, $0.0e+00  }
0x1f1: {  	[tilespmem:s12+$0xFFFFFF00] =	vst v0  }
0x1f2: {  	v0 =	vld [tilespmem:s7+$0xFFFFFF10]  }
0x1f3: {  	v1 =	vld [tilespmem:s9+$0xFFFFFF10];
	_ =	sdelay $0x4  }
0x1f4: {  	v0 =	vadd.f32 v1, v0;
	_ =	sdelay $0x1  }
0x1f5: {  	v0 =	vmax.f32 v0, $0.0e+00  }
0x1f6: {  	[tilespmem:s12+$0xFFFFFF10] =	vst v0  }
0x1f7: {  	v0 =	vld [tilespmem:s7+$0xFFFFFF20]  }
0x1f8: {  	v1 =	vld [tilespmem:s9+$0xFFFFFF20];
	_ =	sdelay $0x4  }
0x1f9: {  	v0 =	vadd.f32 v1, v0;
	_ =	sdelay $0x1  }
0x1fa: {  	v0 =	vmax.f32 v0, $0.0e+00  }
0x1fb: {  	[tilespmem:s12+$0xFFFFFF20] =	vst v0  }
0x1fc: {  	v0 =	vld [tilespmem:s7+$0xFFFFFF30]  }
0x1fd: {  	v1 =	vld [tilespmem:s9+$0xFFFFFF30];
	_ =	sdelay $0x4  }
0x1fe: {  	v0 =	vadd.f32 v1, v0;
	_ =	sdelay $0x1  }
0x1ff: {  	v0 =	vmax.f32 v0, $0.0e+00  }
0x200: {  	[tilespmem:s12+$0xFFFFFF30] =	vst v0  }
0x201: {  	v0 =	vld [tilespmem:s7+$0xFFFFFF80]  }
0x202: {  	v1 =	vld [tilespmem:s9+$0xFFFFFF80];
	_ =	sdelay $0x4  }
0x203: {  	v0 =	vadd.f32 v1, v0;
	_ =	sdelay $0x1  }
0x204: {  	v0 =	vmax.f32 v0, $0.0e+00  }
0x205: {  	[tilespmem:s12+$0xFFFFFF80] =	vst v0  }
0x206: {  	v0 =	vld [tilespmem:s7+$0xFFFFFF90]  }
0x207: {  	v1 =	vld [tilespmem:s9+$0xFFFFFF90];
	_ =	sdelay $0x4  }
0x208: {  	v0 =	vadd.f32 v1, v0;
	_ =	sdelay $0x1  }
0x209: {  	v0 =	vmax.f32 v0, $0.0e+00  }
0x20a: {  	[tilespmem:s12+$0xFFFFFF90] =	vst v0  }
0x20b: {  	v0 =	vld [tilespmem:s7+$0xFFFFFFA0]  }
0x20c: {  	v1 =	vld [tilespmem:s9+$0xFFFFFFA0];
	_ =	sdelay $0x4  }
0x20d: {  	v0 =	vadd.f32 v1, v0;
	_ =	sdelay $0x1  }
0x20e: {  	v0 =	vmax.f32 v0, $0.0e+00  }
0x20f: {  	[tilespmem:s12+$0xFFFFFFA0] =	vst v0  }
0x210: {  	v0 =	vld [tilespmem:s7+$0xFFFFFFB0]  }
0x211: {  	v1 =	vld [tilespmem:s9+$0xFFFFFFB0];
	_ =	sdelay $0x4  }
0x212: {  	v0 =	vadd.f32 v1, v0;
	_ =	sdelay $0x1  }
0x213: {  	v0 =	vmax.f32 v0, $0.0e+00  }
0x214: {  	[tilespmem:s12+$0xFFFFFFB0] =	vst v0  }
0x215: {  	v0 =	vld [tilespmem:s7+$0x0]  }
0x216: {  	v1 =	vld [tilespmem:s9+$0x0];
	_ =	sdelay $0x4  }
0x217: {  	v0 =	vadd.f32 v1, v0;
	_ =	sdelay $0x1  }
0x218: {  	v0 =	vmax.f32 v0, $0.0e+00  }
0x219: {  	[tilespmem:s12+$0x0] =	vst v0  }
0x21a: {  	v0 =	vld [tilespmem:s7+$0x10]  }
0x21b: {  	v1 =	vld [tilespmem:s9+$0x10];
	_ =	sdelay $0x4  }
0x21c: {  	v0 =	vadd.f32 v1, v0;
	_ =	sdelay $0x1  }
0x21d: {  	v0 =	vmax.f32 v0, $0.0e+00  }
0x21e: {  	[tilespmem:s12+$0x10] =	vst v0  }
0x21f: {  	v0 =	vld [tilespmem:s7+$0x20]  }
0x220: {  	v1 =	vld [tilespmem:s9+$0x20];
	_ =	sdelay $0x4  }
0x221: {  	v0 =	vadd.f32 v1, v0;
	_ =	sdelay $0x1  }
0x222: {  	v0 =	vmax.f32 v0, $0.0e+00  }
0x223: {  	[tilespmem:s12+$0x20] =	vst v0  }
0x224: {  	v0 =	vld [tilespmem:s7+$0x30]  }
0x225: {  	v1 =	vld [tilespmem:s9+$0x30];
	_ =	sdelay $0x4  }
0x226: {  	v0 =	vadd.f32 v1, v0;
	_ =	sdelay $0x1  }
0x227: {  	v0 =	vmax.f32 v0, $0.0e+00  }
0x228: {  	[tilespmem:s12+$0x30] =	vst v0  }
0x229: {  	v0 =	vld [tilespmem:s7+$0x80]  }
0x22a: {  	v1 =	vld [tilespmem:s9+$0x80];
	_ =	sdelay $0x4  }
0x22b: {  	v0 =	vadd.f32 v1, v0;
	_ =	sdelay $0x1  }
0x22c: {  	v0 =	vmax.f32 v0, $0.0e+00  }
0x22d: {  	[tilespmem:s12+$0x80] =	vst v0  }
0x22e: {  	v0 =	vld [tilespmem:s7+$0x90]  }
0x22f: {  	v1 =	vld [tilespmem:s9+$0x90];
	_ =	sdelay $0x4  }
0x230: {  	v0 =	vadd.f32 v1, v0;
	_ =	sdelay $0x1  }
0x231: {  	v0 =	vmax.f32 v0, $0.0e+00  }
.Ltmp2:
0x232: {  	[tilespmem:s12+$0x90] =	vst v0;
	(pc) =	sbr.rel @p0 .LBB2_7-.Ltmp2, $3  }
0x233: {  	v0 =	vld [tilespmem:s7+$0xA0]  }
0x234: {  	v1 =	vld [tilespmem:s9+$0xA0];
	_ =	sdelay $0x1  }
0x235: {  	s12 =	sadd.s32 $0x200, s12  }
0x236: {  	_ =	sdelay $0x1  }
0x237: {  	v0 =	vadd.f32 v1, v0;
	_ =	sdelay $0x1  }
0x238: {  	v0 =	vmax.f32 v0, $0.0e+00  }
0x239: {  	[tilespmem:s6+$0xA0] =	vst v0  }
0x23a: {  	v0 =	vld [tilespmem:s11+$0xB0]  }
0x23b: {  	v63 =	vld [tilespmem:s13+$0xB0];
	_ =	sdelay $0x2  }
0x23c: {  	s0 =	sadd.s32 $0x1, s0  }
0x23d: {  	p0 =	sne.s32 s0, $0x29  }
.Ltmp3:
0x23e: {  	v0 =	vadd.f32 v63, v0;
	(pc) =	sbr.rel @p0 .LBB2_2-.Ltmp3, $4  }
0x23f: {  	s7 =	sadd.s32 s3, s18  }
0x240: {  	s7 =	sshll.u32 s7, $0x4;
	v0 =	vmax.f32 v0, $0.0e+00  }
0x241: {  	s31 =	sadd.s32 s5, s7;
	[tilespmem:s6+$0xB0] =	vst v0  }
0x242: {  	[hbm4b:s31+s2] =	stream.linear.scatter [tilespmem:s28], [sflag:$0x6], $0x1400, $0x38;
	[tilespmem:$0xDC00] =	vst v63  }
0x243: {  	_ =	swait.ge [sflag:s22], $0x1400  }
0x244: {  	[sflag:s22] =	ssyncset.done $0x0  }
0x245: {  	[sflag:s22] =	ssyncadd.s32 $0xFFFFEC00  }
0x246: {  	_ =	swait.ge [sflag:s22], $0x1400  }
0x247: {  	[sflag:s22] =	ssyncset.done $0x0  }
0x248: {  	[sflag:s22] =	ssyncadd.s32 $0xFFFFEC00  }
0x249: {  	_ =	swait.ge [sflag:s29], $0x1400  }
0x24a: {  	[sflag:s29] =	ssyncset.done $0x0  }
0x24b: {  	s6 =	simm.s32 $0x2900;
	[sflag:s29] =	ssyncadd.s32 $0xFFFFEC00  }
0x24c: {  	s7 =	simm.s32 $0x3D40;
	v0 =	vld [tilespmem:s6+$0xFFFFFF00]  }
0x24d: {  	v1 =	vld [tilespmem:s7+$0xFFFFFF00];
	_ =	sdelay $0x4  }
0x24e: {  	v0 =	vadd.f32 v1, v0;
	_ =	sdelay $0x1  }
0x24f: {  	s0 =	simm.s32 $0xA100;
	v0 =	vmax.f32 v0, $0.0e+00  }
0x250: {  	[tilespmem:s0+$0xFFFFFF00] =	vst v0  }
0x251: {  	v0 =	vld [tilespmem:s6+$0xFFFFFF10]  }
0x252: {  	v1 =	vld [tilespmem:s7+$0xFFFFFF10];
	_ =	sdelay $0x4  }
0x253: {  	v0 =	vadd.f32 v1, v0;
	_ =	sdelay $0x1  }
0x254: {  	v0 =	vmax.f32 v0, $0.0e+00  }
0x255: {  	[tilespmem:s0+$0xFFFFFF10] =	vst v0  }
0x256: {  	v0 =	vld [tilespmem:s6+$0xFFFFFF20]  }
0x257: {  	v1 =	vld [tilespmem:s7+$0xFFFFFF20];
	_ =	sdelay $0x4  }
0x258: {  	v0 =	vadd.f32 v1, v0;
	_ =	sdelay $0x1  }
0x259: {  	v0 =	vmax.f32 v0, $0.0e+00  }
0x25a: {  	[tilespmem:s0+$0xFFFFFF20] =	vst v0  }
0x25b: {  	v0 =	vld [tilespmem:s6+$0xFFFFFF30]  }
0x25c: {  	v1 =	vld [tilespmem:s7+$0xFFFFFF30];
	_ =	sdelay $0x4  }
0x25d: {  	v0 =	vadd.f32 v1, v0;
	_ =	sdelay $0x1  }
0x25e: {  	v0 =	vmax.f32 v0, $0.0e+00  }
0x25f: {  	[tilespmem:s0+$0xFFFFFF30] =	vst v0  }
0x260: {  	v0 =	vld [tilespmem:s6+$0xFFFFFF80]  }
0x261: {  	v1 =	vld [tilespmem:s7+$0xFFFFFF80];
	_ =	sdelay $0x4  }
0x262: {  	v0 =	vadd.f32 v1, v0;
	_ =	sdelay $0x1  }
0x263: {  	v0 =	vmax.f32 v0, $0.0e+00  }
0x264: {  	[tilespmem:s0+$0xFFFFFF80] =	vst v0  }
0x265: {  	v0 =	vld [tilespmem:s6+$0xFFFFFF90]  }
0x266: {  	v1 =	vld [tilespmem:s7+$0xFFFFFF90];
	_ =	sdelay $0x4  }
0x267: {  	v0 =	vadd.f32 v1, v0;
	_ =	sdelay $0x1  }
0x268: {  	v0 =	vmax.f32 v0, $0.0e+00  }
0x269: {  	[tilespmem:s0+$0xFFFFFF90] =	vst v0  }
0x26a: {  	v0 =	vld [tilespmem:s6+$0xFFFFFFA0]  }
0x26b: {  	v1 =	vld [tilespmem:s7+$0xFFFFFFA0];
	_ =	sdelay $0x4  }
0x26c: {  	v0 =	vadd.f32 v1, v0;
	_ =	sdelay $0x1  }
0x26d: {  	v0 =	vmax.f32 v0, $0.0e+00  }
0x26e: {  	[tilespmem:s0+$0xFFFFFFA0] =	vst v0  }
0x26f: {  	v0 =	vld [tilespmem:s6+$0xFFFFFFB0]  }
0x270: {  	v1 =	vld [tilespmem:s7+$0xFFFFFFB0];
	_ =	sdelay $0x4  }
0x271: {  	v0 =	vadd.f32 v1, v0;
	_ =	sdelay $0x1  }
0x272: {  	v0 =	vmax.f32 v0, $0.0e+00  }
0x273: {  	[tilespmem:s0+$0xFFFFFFB0] =	vst v0  }
0x274: {  	v0 =	vld [tilespmem:s6+$0x0]  }
0x275: {  	v1 =	vld [tilespmem:s7+$0x0];
	_ =	sdelay $0x4  }
0x276: {  	v0 =	vadd.f32 v1, v0;
	_ =	sdelay $0x1  }
0x277: {  	v0 =	vmax.f32 v0, $0.0e+00  }
0x278: {  	[tilespmem:s0+$0x0] =	vst v0  }
0x279: {  	v0 =	vld [tilespmem:s6+$0x10]  }
0x27a: {  	v1 =	vld [tilespmem:s7+$0x10];
	_ =	sdelay $0x4  }
0x27b: {  	v0 =	vadd.f32 v1, v0;
	_ =	sdelay $0x1  }
0x27c: {  	v0 =	vmax.f32 v0, $0.0e+00  }
0x27d: {  	[tilespmem:s0+$0x10] =	vst v0  }
0x27e: {  	v0 =	vld [tilespmem:s6+$0x20]  }
0x27f: {  	v1 =	vld [tilespmem:s7+$0x20];
	_ =	sdelay $0x4  }
0x280: {  	v0 =	vadd.f32 v1, v0;
	_ =	sdelay $0x1  }
0x281: {  	v0 =	vmax.f32 v0, $0.0e+00  }
0x282: {  	[tilespmem:s0+$0x20] =	vst v0  }
0x283: {  	v0 =	vld [tilespmem:s6+$0x30]  }
0x284: {  	v1 =	vld [tilespmem:s7+$0x30];
	_ =	sdelay $0x4  }
0x285: {  	v0 =	vadd.f32 v1, v0;
	_ =	sdelay $0x1  }
0x286: {  	v0 =	vmax.f32 v0, $0.0e+00  }
0x287: {  	[tilespmem:s0+$0x30] =	vst v0  }
0x288: {  	v0 =	vld [tilespmem:s6+$0x80]  }
0x289: {  	v1 =	vld [tilespmem:s7+$0x80];
	_ =	sdelay $0x4  }
0x28a: {  	v0 =	vadd.f32 v1, v0;
	_ =	sdelay $0x1  }
0x28b: {  	v0 =	vmax.f32 v0, $0.0e+00  }
0x28c: {  	[tilespmem:s0+$0x80] =	vst v0  }
0x28d: {  	v0 =	vld [tilespmem:s6+$0x90]  }
0x28e: {  	v1 =	vld [tilespmem:s7+$0x90];
	_ =	sdelay $0x4  }
0x28f: {  	v0 =	vadd.f32 v1, v0;
	_ =	sdelay $0x1  }
0x290: {  	v0 =	vmax.f32 v0, $0.0e+00  }
0x291: {  	[tilespmem:s0+$0x90] =	vst v0  }
0x292: {  	v0 =	vld [tilespmem:s6+$0xA0]  }
0x293: {  	v1 =	vld [tilespmem:s7+$0xA0]  }
0x294: {  	s9 =	simm.s32 $0x0  }
0x295: {  	s12 =	simm.s32 $0xA300;
	s10 =	simm.s32 $0x2900;
	s11 =	simm.s32 $0x3D40  }
.LBB2_10:
0x296: {  	s9 =	sadd.s32 $0x4, s9;
	s7 =	sadd.s32 $0x200, s7;
	s6 =	sadd.s32 $0x200, s6  }
0x297: {  	p0 =	slt.u32 s9, $0x24  }
0x298: {  	v0 =	vadd.f32 v1, v0;
	_ =	sdelay $0x1  }
0x299: {  	v0 =	vmax.f32 v0, $0.0e+00  }
0x29a: {  	[tilespmem:s0+$0xA0] =	vst v0  }
0x29b: {  	v0 =	vld [tilespmem:s10+$0xB0];
	s10 =	smov.u32 s6  }
0x29c: {  	v1 =	vld [tilespmem:s11+$0xB0];
	s11 =	smov.u32 s7;
	_ =	sdelay $0x4  }
0x29d: {  	v0 =	vadd.f32 v1, v0;
	_ =	sdelay $0x1  }
0x29e: {  	v0 =	vmax.f32 v0, $0.0e+00  }
0x29f: {  	[tilespmem:s0+$0xB0] =	vst v0;
	s0 =	smov.u32 s12  }
0x2a0: {  	v0 =	vld [tilespmem:s6+$0xFFFFFF00]  }
0x2a1: {  	v1 =	vld [tilespmem:s7+$0xFFFFFF00];
	_ =	sdelay $0x4  }
0x2a2: {  	v0 =	vadd.f32 v1, v0;
	_ =	sdelay $0x1  }
0x2a3: {  	v0 =	vmax.f32 v0, $0.0e+00  }
0x2a4: {  	[tilespmem:s12+$0xFFFFFF00] =	vst v0  }
0x2a5: {  	v0 =	vld [tilespmem:s6+$0xFFFFFF10]  }
0x2a6: {  	v1 =	vld [tilespmem:s7+$0xFFFFFF10];
	_ =	sdelay $0x4  }
0x2a7: {  	v0 =	vadd.f32 v1, v0;
	_ =	sdelay $0x1  }
0x2a8: {  	v0 =	vmax.f32 v0, $0.0e+00  }
0x2a9: {  	[tilespmem:s12+$0xFFFFFF10] =	vst v0  }
0x2aa: {  	v0 =	vld [tilespmem:s6+$0xFFFFFF20]  }
0x2ab: {  	v1 =	vld [tilespmem:s7+$0xFFFFFF20];
	_ =	sdelay $0x4  }
0x2ac: {  	v0 =	vadd.f32 v1, v0;
	_ =	sdelay $0x1  }
0x2ad: {  	v0 =	vmax.f32 v0, $0.0e+00  }
0x2ae: {  	[tilespmem:s12+$0xFFFFFF20] =	vst v0  }
0x2af: {  	v0 =	vld [tilespmem:s6+$0xFFFFFF30]  }
0x2b0: {  	v1 =	vld [tilespmem:s7+$0xFFFFFF30];
	_ =	sdelay $0x4  }
0x2b1: {  	v0 =	vadd.f32 v1, v0;
	_ =	sdelay $0x1  }
0x2b2: {  	v0 =	vmax.f32 v0, $0.0e+00  }
0x2b3: {  	[tilespmem:s12+$0xFFFFFF30] =	vst v0  }
0x2b4: {  	v0 =	vld [tilespmem:s6+$0xFFFFFF80]  }
0x2b5: {  	v1 =	vld [tilespmem:s7+$0xFFFFFF80];
	_ =	sdelay $0x4  }
0x2b6: {  	v0 =	vadd.f32 v1, v0;
	_ =	sdelay $0x1  }
0x2b7: {  	v0 =	vmax.f32 v0, $0.0e+00  }
0x2b8: {  	[tilespmem:s12+$0xFFFFFF80] =	vst v0  }
0x2b9: {  	v0 =	vld [tilespmem:s6+$0xFFFFFF90]  }
0x2ba: {  	v1 =	vld [tilespmem:s7+$0xFFFFFF90];
	_ =	sdelay $0x4  }
0x2bb: {  	v0 =	vadd.f32 v1, v0;
	_ =	sdelay $0x1  }
0x2bc: {  	v0 =	vmax.f32 v0, $0.0e+00  }
0x2bd: {  	[tilespmem:s12+$0xFFFFFF90] =	vst v0  }
0x2be: {  	v0 =	vld [tilespmem:s6+$0xFFFFFFA0]  }
0x2bf: {  	v1 =	vld [tilespmem:s7+$0xFFFFFFA0];
	_ =	sdelay $0x4  }
0x2c0: {  	v0 =	vadd.f32 v1, v0;
	_ =	sdelay $0x1  }
0x2c1: {  	v0 =	vmax.f32 v0, $0.0e+00  }
0x2c2: {  	[tilespmem:s12+$0xFFFFFFA0] =	vst v0  }
0x2c3: {  	v0 =	vld [tilespmem:s6+$0xFFFFFFB0]  }
0x2c4: {  	v1 =	vld [tilespmem:s7+$0xFFFFFFB0];
	_ =	sdelay $0x4  }
0x2c5: {  	v0 =	vadd.f32 v1, v0;
	_ =	sdelay $0x1  }
0x2c6: {  	v0 =	vmax.f32 v0, $0.0e+00  }
0x2c7: {  	[tilespmem:s12+$0xFFFFFFB0] =	vst v0  }
0x2c8: {  	v0 =	vld [tilespmem:s6+$0x0]  }
0x2c9: {  	v1 =	vld [tilespmem:s7+$0x0];
	_ =	sdelay $0x4  }
0x2ca: {  	v0 =	vadd.f32 v1, v0;
	_ =	sdelay $0x1  }
0x2cb: {  	v0 =	vmax.f32 v0, $0.0e+00  }
0x2cc: {  	[tilespmem:s12+$0x0] =	vst v0  }
0x2cd: {  	v0 =	vld [tilespmem:s6+$0x10]  }
0x2ce: {  	v1 =	vld [tilespmem:s7+$0x10];
	_ =	sdelay $0x4  }
0x2cf: {  	v0 =	vadd.f32 v1, v0;
	_ =	sdelay $0x1  }
0x2d0: {  	v0 =	vmax.f32 v0, $0.0e+00  }
0x2d1: {  	[tilespmem:s12+$0x10] =	vst v0  }
0x2d2: {  	v0 =	vld [tilespmem:s6+$0x20]  }
0x2d3: {  	v1 =	vld [tilespmem:s7+$0x20];
	_ =	sdelay $0x4  }
0x2d4: {  	v0 =	vadd.f32 v1, v0;
	_ =	sdelay $0x1  }
0x2d5: {  	v0 =	vmax.f32 v0, $0.0e+00  }
0x2d6: {  	[tilespmem:s12+$0x20] =	vst v0  }
0x2d7: {  	v0 =	vld [tilespmem:s6+$0x30]  }
0x2d8: {  	v1 =	vld [tilespmem:s7+$0x30];
	_ =	sdelay $0x4  }
0x2d9: {  	v0 =	vadd.f32 v1, v0;
	_ =	sdelay $0x1  }
0x2da: {  	v0 =	vmax.f32 v0, $0.0e+00  }
0x2db: {  	[tilespmem:s12+$0x30] =	vst v0  }
0x2dc: {  	v0 =	vld [tilespmem:s6+$0x80]  }
0x2dd: {  	v1 =	vld [tilespmem:s7+$0x80];
	_ =	sdelay $0x4  }
0x2de: {  	v0 =	vadd.f32 v1, v0;
	_ =	sdelay $0x1  }
0x2df: {  	v0 =	vmax.f32 v0, $0.0e+00  }
0x2e0: {  	[tilespmem:s12+$0x80] =	vst v0  }
0x2e1: {  	v0 =	vld [tilespmem:s6+$0x90]  }
0x2e2: {  	v1 =	vld [tilespmem:s7+$0x90];
	_ =	sdelay $0x4  }
0x2e3: {  	v0 =	vadd.f32 v1, v0;
	_ =	sdelay $0x1  }
0x2e4: {  	v0 =	vmax.f32 v0, $0.0e+00  }
.Ltmp4:
0x2e5: {  	[tilespmem:s12+$0x90] =	vst v0;
	(pc) =	sbr.rel @p0 .LBB2_10-.Ltmp4, $3  }
0x2e6: {  	v0 =	vld [tilespmem:s6+$0xA0]  }
0x2e7: {  	v1 =	vld [tilespmem:s7+$0xA0];
	_ =	sdelay $0x1  }
0x2e8: {  	s12 =	sadd.s32 $0x200, s12  }
0x2e9: {  	_ =	sdelay $0x1  }
0x2ea: {  	v0 =	vadd.f32 v1, v0;
	_ =	sdelay $0x1  }
0x2eb: {  	v0 =	vmax.f32 v0, $0.0e+00  }
0x2ec: {  	[tilespmem:s0+$0xA0] =	vst v0  }
0x2ed: {  	v0 =	vld [tilespmem:s10+$0xB0]  }
0x2ee: {  	v1 =	vld [tilespmem:s11+$0xB0];
	_ =	sdelay $0x4  }
0x2ef: {  	v0 =	vadd.f32 v1, v0;
	_ =	sdelay $0x1  }
0x2f0: {  	v0 =	vmax.f32 v0, $0.0e+00  }
0x2f1: {  	s31 =	rddreg [dreg:$0x4];
	[tilespmem:s0+$0xB0] =	vst v0  }
0x2f2: {  	[hbm4b:s31+s2] =	stream.linear.scatter [tilespmem:s23], [sflag:$0x4], $0x1400, $0x38;
	[tilespmem:$0xDC00] =	vst v63  }
0x2f3: {  	_ =	swait.ge [sflag:s24], $0x1400  }
0x2f4: {  	[sflag:s24] =	ssyncset.done $0x0  }
0x2f5: {  	[sflag:s24] =	ssyncadd.s32 $0xFFFFEC00  }
0x2f6: {  	_ =	swait.ge [sflag:s24], $0x1400  }
0x2f7: {  	[sflag:s24] =	ssyncset.done $0x0  }
0x2f8: {  	[sflag:s24] =	ssyncadd.s32 $0xFFFFEC00  }
0x2f9: {  	_ =	swait.ge [sflag:s30], $0x1400  }
0x2fa: {  	[sflag:s30] =	ssyncset.done $0x0  }
0x2fb: {  	s6 =	simm.s32 $0x5100;
	[sflag:s30] =	ssyncadd.s32 $0xFFFFEC00  }
0x2fc: {  	s7 =	simm.s32 $0x6540;
	v0 =	vld [tilespmem:s6+$0xFFFFFF00]  }
0x2fd: {  	v1 =	vld [tilespmem:s7+$0xFFFFFF00];
	_ =	sdelay $0x4  }
0x2fe: {  	v0 =	vadd.f32 v1, v0;
	_ =	sdelay $0x1  }
0x2ff: {  	s0 =	simm.s32 $0xB500;
	v0 =	vmax.f32 v0, $0.0e+00  }
0x300: {  	[tilespmem:s0+$0xFFFFFF00] =	vst v0  }
0x301: {  	v0 =	vld [tilespmem:s6+$0xFFFFFF10]  }
0x302: {  	v1 =	vld [tilespmem:s7+$0xFFFFFF10];
	_ =	sdelay $0x4  }
0x303: {  	v0 =	vadd.f32 v1, v0;
	_ =	sdelay $0x1  }
0x304: {  	v0 =	vmax.f32 v0, $0.0e+00  }
0x305: {  	[tilespmem:s0+$0xFFFFFF10] =	vst v0  }
0x306: {  	v0 =	vld [tilespmem:s6+$0xFFFFFF20]  }
0x307: {  	v1 =	vld [tilespmem:s7+$0xFFFFFF20];
	_ =	sdelay $0x4  }
0x308: {  	v0 =	vadd.f32 v1, v0;
	_ =	sdelay $0x1  }
0x309: {  	v0 =	vmax.f32 v0, $0.0e+00  }
0x30a: {  	[tilespmem:s0+$0xFFFFFF20] =	vst v0  }
0x30b: {  	v0 =	vld [tilespmem:s6+$0xFFFFFF30]  }
0x30c: {  	v1 =	vld [tilespmem:s7+$0xFFFFFF30];
	_ =	sdelay $0x4  }
0x30d: {  	v0 =	vadd.f32 v1, v0;
	_ =	sdelay $0x1  }
0x30e: {  	v0 =	vmax.f32 v0, $0.0e+00  }
0x30f: {  	[tilespmem:s0+$0xFFFFFF30] =	vst v0  }
0x310: {  	v0 =	vld [tilespmem:s6+$0xFFFFFF80]  }
0x311: {  	v1 =	vld [tilespmem:s7+$0xFFFFFF80];
	_ =	sdelay $0x4  }
0x312: {  	v0 =	vadd.f32 v1, v0;
	_ =	sdelay $0x1  }
0x313: {  	v0 =	vmax.f32 v0, $0.0e+00  }
0x314: {  	[tilespmem:s0+$0xFFFFFF80] =	vst v0  }
0x315: {  	v0 =	vld [tilespmem:s6+$0xFFFFFF90]  }
0x316: {  	v1 =	vld [tilespmem:s7+$0xFFFFFF90];
	_ =	sdelay $0x4  }
0x317: {  	v0 =	vadd.f32 v1, v0;
	_ =	sdelay $0x1  }
0x318: {  	v0 =	vmax.f32 v0, $0.0e+00  }
0x319: {  	[tilespmem:s0+$0xFFFFFF90] =	vst v0  }
0x31a: {  	v0 =	vld [tilespmem:s6+$0xFFFFFFA0]  }
0x31b: {  	v1 =	vld [tilespmem:s7+$0xFFFFFFA0];
	_ =	sdelay $0x4  }
0x31c: {  	v0 =	vadd.f32 v1, v0;
	_ =	sdelay $0x1  }
0x31d: {  	v0 =	vmax.f32 v0, $0.0e+00  }
0x31e: {  	[tilespmem:s0+$0xFFFFFFA0] =	vst v0  }
0x31f: {  	v0 =	vld [tilespmem:s6+$0xFFFFFFB0]  }
0x320: {  	v1 =	vld [tilespmem:s7+$0xFFFFFFB0];
	_ =	sdelay $0x4  }
0x321: {  	v0 =	vadd.f32 v1, v0;
	_ =	sdelay $0x1  }
0x322: {  	v0 =	vmax.f32 v0, $0.0e+00  }
0x323: {  	[tilespmem:s0+$0xFFFFFFB0] =	vst v0  }
0x324: {  	v0 =	vld [tilespmem:s6+$0x0]  }
0x325: {  	v1 =	vld [tilespmem:s7+$0x0];
	_ =	sdelay $0x4  }
0x326: {  	v0 =	vadd.f32 v1, v0;
	_ =	sdelay $0x1  }
0x327: {  	v0 =	vmax.f32 v0, $0.0e+00  }
0x328: {  	[tilespmem:s0+$0x0] =	vst v0  }
0x329: {  	v0 =	vld [tilespmem:s6+$0x10]  }
0x32a: {  	v1 =	vld [tilespmem:s7+$0x10];
	_ =	sdelay $0x4  }
0x32b: {  	v0 =	vadd.f32 v1, v0;
	_ =	sdelay $0x1  }
0x32c: {  	v0 =	vmax.f32 v0, $0.0e+00  }
0x32d: {  	[tilespmem:s0+$0x10] =	vst v0  }
0x32e: {  	v0 =	vld [tilespmem:s6+$0x20]  }
0x32f: {  	v1 =	vld [tilespmem:s7+$0x20];
	_ =	sdelay $0x4  }
0x330: {  	v0 =	vadd.f32 v1, v0;
	_ =	sdelay $0x1  }
0x331: {  	v0 =	vmax.f32 v0, $0.0e+00  }
0x332: {  	[tilespmem:s0+$0x20] =	vst v0  }
0x333: {  	v0 =	vld [tilespmem:s6+$0x30]  }
0x334: {  	v1 =	vld [tilespmem:s7+$0x30];
	_ =	sdelay $0x4  }
0x335: {  	v0 =	vadd.f32 v1, v0;
	_ =	sdelay $0x1  }
0x336: {  	v0 =	vmax.f32 v0, $0.0e+00  }
0x337: {  	[tilespmem:s0+$0x30] =	vst v0  }
0x338: {  	v0 =	vld [tilespmem:s6+$0x80]  }
0x339: {  	v1 =	vld [tilespmem:s7+$0x80];
	_ =	sdelay $0x4  }
0x33a: {  	v0 =	vadd.f32 v1, v0;
	_ =	sdelay $0x1  }
0x33b: {  	v0 =	vmax.f32 v0, $0.0e+00  }
0x33c: {  	[tilespmem:s0+$0x80] =	vst v0  }
0x33d: {  	v0 =	vld [tilespmem:s6+$0x90]  }
0x33e: {  	v1 =	vld [tilespmem:s7+$0x90];
	_ =	sdelay $0x4  }
0x33f: {  	v0 =	vadd.f32 v1, v0;
	_ =	sdelay $0x1  }
0x340: {  	v0 =	vmax.f32 v0, $0.0e+00  }
0x341: {  	[tilespmem:s0+$0x90] =	vst v0  }
0x342: {  	v0 =	vld [tilespmem:s6+$0xA0]  }
0x343: {  	v1 =	vld [tilespmem:s7+$0xA0]  }
0x344: {  	s9 =	simm.s32 $0x0  }
0x345: {  	s12 =	simm.s32 $0xB700;
	s10 =	simm.s32 $0x5100;
	s11 =	simm.s32 $0x6540  }
.LBB2_12:
0x346: {  	s9 =	sadd.s32 $0x4, s9;
	s7 =	sadd.s32 $0x200, s7;
	s6 =	sadd.s32 $0x200, s6  }
0x347: {  	p0 =	slt.u32 s9, $0x24  }
0x348: {  	v0 =	vadd.f32 v1, v0;
	_ =	sdelay $0x1  }
0x349: {  	v0 =	vmax.f32 v0, $0.0e+00  }
0x34a: {  	[tilespmem:s0+$0xA0] =	vst v0  }
0x34b: {  	v0 =	vld [tilespmem:s10+$0xB0];
	s10 =	smov.u32 s6  }
0x34c: {  	v1 =	vld [tilespmem:s11+$0xB0];
	s11 =	smov.u32 s7;
	_ =	sdelay $0x4  }
0x34d: {  	v0 =	vadd.f32 v1, v0;
	_ =	sdelay $0x1  }
0x34e: {  	v0 =	vmax.f32 v0, $0.0e+00  }
0x34f: {  	[tilespmem:s0+$0xB0] =	vst v0;
	s0 =	smov.u32 s12  }
0x350: {  	v0 =	vld [tilespmem:s6+$0xFFFFFF00]  }
0x351: {  	v1 =	vld [tilespmem:s7+$0xFFFFFF00];
	_ =	sdelay $0x4  }
0x352: {  	v0 =	vadd.f32 v1, v0;
	_ =	sdelay $0x1  }
0x353: {  	v0 =	vmax.f32 v0, $0.0e+00  }
0x354: {  	[tilespmem:s12+$0xFFFFFF00] =	vst v0  }
0x355: {  	v0 =	vld [tilespmem:s6+$0xFFFFFF10]  }
0x356: {  	v1 =	vld [tilespmem:s7+$0xFFFFFF10];
	_ =	sdelay $0x4  }
0x357: {  	v0 =	vadd.f32 v1, v0;
	_ =	sdelay $0x1  }
0x358: {  	v0 =	vmax.f32 v0, $0.0e+00  }
0x359: {  	[tilespmem:s12+$0xFFFFFF10] =	vst v0  }
0x35a: {  	v0 =	vld [tilespmem:s6+$0xFFFFFF20]  }
0x35b: {  	v1 =	vld [tilespmem:s7+$0xFFFFFF20];
	_ =	sdelay $0x4  }
0x35c: {  	v0 =	vadd.f32 v1, v0;
	_ =	sdelay $0x1  }
0x35d: {  	v0 =	vmax.f32 v0, $0.0e+00  }
0x35e: {  	[tilespmem:s12+$0xFFFFFF20] =	vst v0  }
0x35f: {  	v0 =	vld [tilespmem:s6+$0xFFFFFF30]  }
0x360: {  	v1 =	vld [tilespmem:s7+$0xFFFFFF30];
	_ =	sdelay $0x4  }
0x361: {  	v0 =	vadd.f32 v1, v0;
	_ =	sdelay $0x1  }
0x362: {  	v0 =	vmax.f32 v0, $0.0e+00  }
0x363: {  	[tilespmem:s12+$0xFFFFFF30] =	vst v0  }
0x364: {  	v0 =	vld [tilespmem:s6+$0xFFFFFF80]  }
0x365: {  	v1 =	vld [tilespmem:s7+$0xFFFFFF80];
	_ =	sdelay $0x4  }
0x366: {  	v0 =	vadd.f32 v1, v0;
	_ =	sdelay $0x1  }
0x367: {  	v0 =	vmax.f32 v0, $0.0e+00  }
0x368: {  	[tilespmem:s12+$0xFFFFFF80] =	vst v0  }
0x369: {  	v0 =	vld [tilespmem:s6+$0xFFFFFF90]  }
0x36a: {  	v1 =	vld [tilespmem:s7+$0xFFFFFF90];
	_ =	sdelay $0x4  }
0x36b: {  	v0 =	vadd.f32 v1, v0;
	_ =	sdelay $0x1  }
0x36c: {  	v0 =	vmax.f32 v0, $0.0e+00  }
0x36d: {  	[tilespmem:s12+$0xFFFFFF90] =	vst v0  }
0x36e: {  	v0 =	vld [tilespmem:s6+$0xFFFFFFA0]  }
0x36f: {  	v1 =	vld [tilespmem:s7+$0xFFFFFFA0];
	_ =	sdelay $0x4  }
0x370: {  	v0 =	vadd.f32 v1, v0;
	_ =	sdelay $0x1  }
0x371: {  	v0 =	vmax.f32 v0, $0.0e+00  }
0x372: {  	[tilespmem:s12+$0xFFFFFFA0] =	vst v0  }
0x373: {  	v0 =	vld [tilespmem:s6+$0xFFFFFFB0]  }
0x374: {  	v1 =	vld [tilespmem:s7+$0xFFFFFFB0];
	_ =	sdelay $0x4  }
0x375: {  	v0 =	vadd.f32 v1, v0;
	_ =	sdelay $0x1  }
0x376: {  	v0 =	vmax.f32 v0, $0.0e+00  }
0x377: {  	[tilespmem:s12+$0xFFFFFFB0] =	vst v0  }
0x378: {  	v0 =	vld [tilespmem:s6+$0x0]  }
0x379: {  	v1 =	vld [tilespmem:s7+$0x0];
	_ =	sdelay $0x4  }
0x37a: {  	v0 =	vadd.f32 v1, v0;
	_ =	sdelay $0x1  }
0x37b: {  	v0 =	vmax.f32 v0, $0.0e+00  }
0x37c: {  	[tilespmem:s12+$0x0] =	vst v0  }
0x37d: {  	v0 =	vld [tilespmem:s6+$0x10]  }
0x37e: {  	v1 =	vld [tilespmem:s7+$0x10];
	_ =	sdelay $0x4  }
0x37f: {  	v0 =	vadd.f32 v1, v0;
	_ =	sdelay $0x1  }
0x380: {  	v0 =	vmax.f32 v0, $0.0e+00  }
0x381: {  	[tilespmem:s12+$0x10] =	vst v0  }
0x382: {  	v0 =	vld [tilespmem:s6+$0x20]  }
0x383: {  	v1 =	vld [tilespmem:s7+$0x20];
	_ =	sdelay $0x4  }
0x384: {  	v0 =	vadd.f32 v1, v0;
	_ =	sdelay $0x1  }
0x385: {  	v0 =	vmax.f32 v0, $0.0e+00  }
0x386: {  	[tilespmem:s12+$0x20] =	vst v0  }
0x387: {  	v0 =	vld [tilespmem:s6+$0x30]  }
0x388: {  	v1 =	vld [tilespmem:s7+$0x30];
	_ =	sdelay $0x4  }
0x389: {  	v0 =	vadd.f32 v1, v0;
	_ =	sdelay $0x1  }
0x38a: {  	v0 =	vmax.f32 v0, $0.0e+00  }
0x38b: {  	[tilespmem:s12+$0x30] =	vst v0  }
0x38c: {  	v0 =	vld [tilespmem:s6+$0x80]  }
0x38d: {  	v1 =	vld [tilespmem:s7+$0x80];
	_ =	sdelay $0x4  }
0x38e: {  	v0 =	vadd.f32 v1, v0;
	_ =	sdelay $0x1  }
0x38f: {  	v0 =	vmax.f32 v0, $0.0e+00  }
0x390: {  	[tilespmem:s12+$0x80] =	vst v0  }
0x391: {  	v0 =	vld [tilespmem:s6+$0x90]  }
0x392: {  	v1 =	vld [tilespmem:s7+$0x90];
	_ =	sdelay $0x4  }
0x393: {  	v0 =	vadd.f32 v1, v0;
	_ =	sdelay $0x1  }
0x394: {  	v0 =	vmax.f32 v0, $0.0e+00  }
.Ltmp5:
0x395: {  	[tilespmem:s12+$0x90] =	vst v0;
	(pc) =	sbr.rel @p0 .LBB2_12-.Ltmp5, $3  }
0x396: {  	v0 =	vld [tilespmem:s6+$0xA0]  }
0x397: {  	v1 =	vld [tilespmem:s7+$0xA0];
	_ =	sdelay $0x1  }
0x398: {  	s12 =	sadd.s32 $0x200, s12  }
0x399: {  	_ =	sdelay $0x1  }
0x39a: {  	v0 =	vadd.f32 v1, v0;
	_ =	sdelay $0x1  }
0x39b: {  	v0 =	vmax.f32 v0, $0.0e+00  }
0x39c: {  	[tilespmem:s0+$0xA0] =	vst v0  }
0x39d: {  	v0 =	vld [tilespmem:s10+$0xB0]  }
0x39e: {  	v63 =	vld [tilespmem:s11+$0xB0];
	_ =	sdelay $0x4  }
0x39f: {  	v0 =	vadd.f32 v63, v0;
	_ =	sdelay $0x1  }
0x3a0: {  	v0 =	vmax.f32 v0, $0.0e+00  }
0x3a1: {  	s18 =	rddreg [dreg:$0x5];
	[tilespmem:s0+$0xB0] =	vst v0  }
0x3a2: {  	[hbm4b:s18+s2] =	stream.linear.scatter [tilespmem:s25], [sflag:$0x5], $0x1400, $0x38;
	[tilespmem:$0xDC00] =	vst v63  }
0x3a3: {  	_ =	swait.ge [sflag:s29], $0x1400  }
0x3a4: {  	[sflag:s29] =	ssyncset.done $0x0  }
0x3a5: {  	[sflag:s29] =	ssyncadd.s32 $0xFFFFEC00  }
0x3a6: {  	_ =	swait.ge [sflag:s30], $0x1400  }
0x3a7: {  	[sflag:s30] =	ssyncset.done $0x0  }
0x3a8: {  	s6 =	simm.s32 $0x6;
	[sflag:s30] =	ssyncadd.s32 $0xFFFFEC00  }
0x3a9: {  	_ =	swait.ge [sflag:s6], $0x1400  }
0x3aa: {  	s1 =	sadd.s32 $0x1, s1;
	s31 =	rddreg [dreg:$0x6]  }
0x3ab: {  	p0 =	sne.s32 s1, s31  }
.Ltmp6:
0x3ac: {  	_ = 	snop;
	(pc) =	sbr.rel @p0 .LBB2_1-.Ltmp6, $3  }
0x3ad: {  	_ =	sdelay $0x1  }
0x3ae: {  	[sflag:s6] =	ssyncset.done $0x0  }
0x3af: {  	[sflag:s6] =	ssyncadd.s32 $0xFFFFEC00  }
0x3b0: {  	_ =	sfence.sel $0x180000  }
0x3b1: {  	[bflag:$0x0] =	sbarrier.arrive $0xFFFF  }
0x3b2: {  	_ =	strace $0x90000047  }
0x3b3: {  	s0 =	stileid.u32;
	[bflag:$0x2] =	sbarrier.arrive $0xFFFF  }
0x3b4: {  	p0 =	sne.s32 s0, $0x0;
	s0 =	rddreg [dreg:$0x1]  }
0x3b5: {  	s0 =	sadd.s32 @!p0 $0x100000, s0  }
0x3b6: {  	[sflag:s0] =	ssyncadd.tile.s32 @!p0 $0x1;
	_ =	shalt  }
.Lfunc_end2:
_tile_overlayer_lowered:
.L_overlay_start_2:
0x3b7: {  	(tag) =	ssettag $0x2  }
0x3b8: {  	s0 =	rddreg [dreg:$0x0];
	s2 =	stileid.u32  }
0x3b9: {  	s1 =	rddreg [dreg:$0x1];
	p0 =	sne.s32 s2, $0x0  }
0x3ba: {  	s3 =	rddreg [dreg:$0x2];
	[bflag:$0x3] =	sbarrier.arrive $0xFFFF;
	s2 =	simm.s32 @!p0 $0x1C07  }
0x3bb: {  	[timem:s3], [sflag:s2] =	dma.local @!p0 [hbm:s0], s1  }
0x3bc: {  	s0 =	simm.s32 @!p0 $0x7  }
0x3bd: {  	_ =	swait.ge @!p0 [sflag:s0], s1  }
0x3be: {  	s1 =	ssub.s32 @!p0 $0x0, s1;
	[sflag:s0] =	ssyncset.done @!p0 $0x0  }
0x3bf: {  	[sflag:s0] =	ssyncadd.s32 @!p0 s1  }
0x3c0: {  	[bflag:$0x3] =	sbarrier.arrive $0xFFFF  }
0x3c1: {  	_ =	shalt  }

</sc_bundles>
